<compile_context>
chip_gen: v7x
topology: tpu7x:2x2x1
jax: 0.10.2.dev20260603
libtpu: 0.0.44.dev20260713+nightly
codegen_flags: <defaults>
</compile_context>

<pallas_src>
import functools

import jax
import jax.numpy as jnp
from jax import lax
from jax.experimental import pallas as pl
from jax.experimental.pallas import tpu as pltpu
from jax.experimental.pallas import tpu_sc as plsc

N_EMBED = 8192
EMBED_DIM = 64
M_TOTAL = 8192
BLOCK_M = 1024
GRID_M = M_TOTAL // BLOCK_M


def _normalize(x):
    n = jnp.sqrt(jnp.sum(x * x, axis=-1, keepdims=True))
    return x / jnp.maximum(n, 1e-12)


def _tc_body(z_ref, e_ref, idx_ref, en_ref, loss_ref, en_vmem, acc_ref):
    i = pl.program_id(0)

    @pl.when(i == 0)
    def _():
        en0 = _normalize(e_ref[...].T)
        en_vmem[...] = en0
        en_ref[...] = jnp.concatenate(
            [en0, jnp.zeros((N_EMBED, 128 - EMBED_DIM), jnp.float32)], axis=1)
        acc_ref[...] = jnp.zeros_like(acc_ref)

    zt = z_ref[...].reshape(EMBED_DIM, BLOCK_M)
    n = jnp.sqrt(jnp.sum(zt * zt, axis=0, keepdims=True))
    znt = zt / jnp.maximum(n, 1e-12)
    sim = lax.dot_general(
        znt, en_vmem[...],
        dimension_numbers=(((0,), (1,)), ((), ())),
        preferred_element_type=jnp.float32,
    )
    n_grp = N_EMBED // 128
    STRIPE = 128
    lane = lax.broadcasted_iota(jnp.int32, (STRIPE, 128), 1)
    for r in range(BLOCK_M // STRIPE):
        rs = r * STRIPE
        runmax = sim[rs:rs + STRIPE, 0:128]
        runidx = jnp.zeros((STRIPE, 128), jnp.int32)
        for c in range(1, n_grp):
            v = sim[rs:rs + STRIPE, c * 128:(c + 1) * 128]
            m = v > runmax
            runidx = jnp.where(m, c, runidx)
            runmax = jnp.where(m, v, runmax)
        maxv = jnp.max(runmax, axis=1)
        cand = jnp.where(runmax == maxv[:, None], runidx * 128 + lane, N_EMBED)
        idx = jnp.min(cand, axis=1)
        idx_ref[0, 0, rs:rs + STRIPE] = idx
        acc_ref[r, :] += maxv

    @pl.when(i == GRID_M - 1)
    def _():
        loss_ref[0] = 2.5 * (1.0 - jnp.sum(acc_ref[...]) / M_TOTAL)


def _tc_search(z_flat, e):
    return pl.pallas_call(
        _tc_body,
        grid=(GRID_M,),
        in_specs=[
            pl.BlockSpec((1, EMBED_DIM, BLOCK_M), lambda i: (i, 0, 0)),
            pl.BlockSpec((EMBED_DIM, N_EMBED), lambda i: (0, 0)),
        ],
        out_specs=[
            pl.BlockSpec((1, 1, BLOCK_M), lambda i: (i, 0, 0)),
            pl.BlockSpec((N_EMBED, 128), lambda i: (0, 0)),
            pl.BlockSpec(memory_space=pltpu.SMEM),
        ],
        out_shape=[
            jax.ShapeDtypeStruct((GRID_M, 1, BLOCK_M), jnp.int32),
            jax.ShapeDtypeStruct((N_EMBED, 128), jnp.float32),
            jax.ShapeDtypeStruct((1,), jnp.float32),
        ],
        scratch_shapes=[
            pltpu.VMEM((N_EMBED, EMBED_DIM), jnp.float32),
            pltpu.VMEM((BLOCK_M // 128, 128), jnp.float32),
        ],
    )(z_flat, e)


_SC_INFO = plsc.get_sparse_core_info()
_NC, _NS = _SC_INFO.num_cores, _SC_INFO.num_subcores
_NW = _NC * _NS
_B_PER_W = M_TOTAL // _NW
_W_PER_G = _NW // GRID_M


@functools.partial(
    pl.kernel,
    mesh=plsc.VectorSubcoreMesh(core_axis_name="c", subcore_axis_name="s"),
    out_type=jax.ShapeDtypeStruct((M_TOTAL, 128), jnp.float32),
    scratch_types=[
        pltpu.VMEM((_B_PER_W,), jnp.int32),
        pltpu.VMEM((_B_PER_W, 128), jnp.float32),
        pltpu.SemaphoreType.DMA,
    ],
)
def _sc_gather(table_hbm, idx_hbm, out_hbm, idx_v, rows_v, sem):
    wid = lax.axis_index("s") * _NC + lax.axis_index("c")
    g = wid // _W_PER_G
    off = (wid % _W_PER_G) * _B_PER_W
    pltpu.sync_copy(idx_hbm.at[g, 0, pl.ds(off, _B_PER_W)], idx_v)
    pltpu.async_copy(table_hbm.at[idx_v], rows_v, sem).wait()
    pltpu.sync_copy(rows_v, out_hbm.at[pl.ds(g * BLOCK_M + off, _B_PER_W)])


def kernel(z, embedding_weight):
    zt = jnp.transpose(z, (0, 2, 1))
    et = embedding_weight.T
    idx3, en, loss = _tc_search(zt, et)
    zq_pad = _sc_gather(en, idx3)
    return zq_pad[:, :EMBED_DIM].reshape(z.shape), loss.reshape(())

# --- scband reference (transcript-rebuilt; emitter-appended) ---
"""Pipeline reference for scband-vector-quantizer-14929306320905 (READ-ONLY COPY).

The authoritative reference and input builder live on the scoring server;
editing this copy changes nothing except your own understanding.
"""

import jax, jax.numpy as jnp
import numpy as np

N_EMBED = 8192
EMBED_DIM = 64
BETA = 0.25

def _l2norm(x, eps=1e-12):
    n = jnp.linalg.norm(x, axis=-1, keepdims=True)
    return x / jnp.maximum(n, eps)

def setup_inputs(seed: int = 0):
    key = jax.random.key(seed)
    k1, k2 = jax.random.split(key)
    z = jax.random.normal(k1, (8, 1024, EMBED_DIM), dtype=jnp.float32)
    embedding_weight = jax.random.uniform(k2, (N_EMBED, EMBED_DIM), minval=-1.0 / N_EMBED, maxval=1.0 / N_EMBED, dtype=jnp.float32)
    return {"z": z, "embedding_weight": embedding_weight}

def reference(z, embedding_weight):
    # input_format='blc', l2_norm=True, training mode (used_codes branch skipped)
    z = _l2norm(z)
    z_flatten = z.reshape(-1, EMBED_DIM)
    e_norm = _l2norm(embedding_weight)
    d = -z_flatten @ e_norm.T
    min_encoding_indices = jnp.argmin(jax.lax.stop_gradient(d), axis=1)
    cb_usage = jnp.bincount(min_encoding_indices, minlength=N_EMBED, length=N_EMBED).astype(jnp.float32)
    eps = 1e-4
    probs = (cb_usage + eps) / (cb_usage + eps).sum()
    cb_entropy = -(probs * jnp.log(probs)).sum()  # computed in original forward, not returned
    z_q = jnp.take(embedding_weight, min_encoding_indices, axis=0).reshape(z.shape)
    z_q = _l2norm(z_q)
    loss = BETA * jnp.mean(jnp.sum((jax.lax.stop_gradient(z_q) - z) ** 2, axis=-1)) + jnp.mean(jnp.sum((z_q - jax.lax.stop_gradient(z)) ** 2, axis=-1))
    z_q = z + jax.lax.stop_gradient(z_q - z)
    return z_q, loss

if __name__ == "__main__":
    import jax
    _d = setup_inputs()
    print(jax.jit(kernel)(*tuple(_d.values())))

</pallas_src>

<mosaic_0001>
#map = affine_map<(d0, d1) -> (0, 0)>
#map1 = affine_map<(d0, d1) -> (0, 0, 0)>
module attributes {stable_mosaic.version = 14 : i64} {
  func.func @_sc_gather(%arg0: i32, %arg1: i32, %arg2: memref<8192x128xf32, #tpu.memory_space<hbm>>, %arg3: memref<8x1x1024xi32, #tpu.memory_space<hbm>>, %arg4: memref<8192x128xf32, #tpu.memory_space<hbm>>, %arg5: memref<256xi32, #tpu.memory_space<vmem>>, %arg6: memref<256x128xf32, #tpu.memory_space<vmem>>, %arg7: memref<!tpu.dma_semaphore, #tpu.memory_space<semaphore_mem>>) attributes {dimension_semantics = [#tpu.dimension_semantics<core_parallel>, #tpu.dimension_semantics<subcore_parallel>], iteration_bounds = array<i64: 2, 16>, scalar_prefetch = 0 : i64, scratch_operands = 3 : i64, tpu.core_type = #tpu.core_type<sc_vector_subcore>, window_params = [{transform_indices = #map}, {transform_indices = #map1}, {transform_indices = #map}]} {
    %mul3A = arith.constant 2 : i32
    %mul3A_0 = arith.muli %arg1, %mul3A : i32
    %add3A = arith.addi %mul3A_0, %arg0 : i32
    %jit3A = arith.constant 4 : i32
    %div3A = arith.divsi %add3A, %jit3A : i32
    %sign3A = arith.constant 0 : i32
    %sign3A_1 = arith.cmpi sgt, %add3A, %sign3A : i32
    %sign3A_2 = arith.extui %sign3A_1 : i1 to i32
    %sign3A_3 = arith.constant 0 : i32
    %sign3A_4 = arith.cmpi slt, %add3A, %sign3A_3 : i32
    %sign3A_5 = arith.extui %sign3A_4 : i1 to i32
    %sign3A_6 = arith.subi %sign3A_2, %sign3A_5 : i32
    %sign3A_7 = arith.constant 0 : i32
    %sign3A_8 = arith.cmpi sgt, %jit3A, %sign3A_7 : i32
    %sign3A_9 = arith.extui %sign3A_8 : i1 to i32
    %sign3A_10 = arith.constant 0 : i32
    %sign3A_11 = arith.cmpi slt, %jit3A, %sign3A_10 : i32
    %sign3A_12 = arith.extui %sign3A_11 : i1 to i32
    %sign3A_13 = arith.subi %sign3A_9, %sign3A_12 : i32
    %ne3A = arith.cmpi ne, %sign3A_6, %sign3A_13 : i32
    %rem3A = arith.remsi %add3A, %jit3A : i32
    %ne3A_14 = arith.constant 0 : i32
    %ne3A_15 = arith.cmpi ne, %rem3A, %ne3A_14 : i32
    %and3A = arith.andi %ne3A, %ne3A_15 : i1
    %sub3A = arith.constant 1 : i32
    %sub3A_16 = arith.subi %div3A, %sub3A : i32
    %select_n3A = arith.select %and3A, %sub3A_16, %div3A : i32
    %jit3A_17 = arith.constant 4 : i32
    %eq3A = arith.constant 0 : i32
    %eq3A_18 = arith.cmpi eq, %jit3A_17, %eq3A : i32
    %jit3A_19 = arith.constant 1 : i32
    %select_n3A_20 = arith.select %eq3A_18, %jit3A_19, %jit3A_17 : i32
    %rem3A_21 = arith.remsi %add3A, %select_n3A_20 : i32
    %ne3A_22 = arith.constant 0 : i32
    %ne3A_23 = arith.cmpi ne, %rem3A_21, %ne3A_22 : i32
    %lt3A = arith.constant 0 : i32
    %lt3A_24 = arith.cmpi slt, %rem3A_21, %lt3A : i32
    %lt3A_25 = arith.constant 0 : i32
    %lt3A_26 = arith.cmpi slt, %select_n3A_20, %lt3A_25 : i32
    %ne3A_27 = arith.xori %lt3A_24, %lt3A_26 : i1
    %and3A_28 = arith.andi %ne3A_27, %ne3A_23 : i1
    %add3A_29 = arith.addi %rem3A_21, %select_n3A_20 : i32
    %select_n3A_30 = arith.select %and3A_28, %add3A_29, %rem3A_21 : i32
    %mul3A_31 = arith.constant 256 : i32
    %mul3A_32 = arith.muli %select_n3A_30, %mul3A_31 : i32
    %run_scoped3A = arith.constant 0 : i32
    "tpu.region"() ({
      %run_scoped3A_40 = tpu.sem_alloc : memref<!tpu.dma_semaphore, #tpu.memory_space<semaphore_mem>>
      %dma_start3A_41 = tpu.memref_slice %arg3[%select_n3A, %run_scoped3A, %mul3A_32] : memref<8x1x1024xi32, #tpu.memory_space<hbm>> -> memref<1x1x256xi32, #tpu.memory_space<hbm>>
      %dma_start3A_42 = tpu.memref_squeeze %dma_start3A_41 : memref<1x1x256xi32, #tpu.memory_space<hbm>> -> memref<256xi32, #tpu.memory_space<hbm>>
      %dma_start3A_43 = tpu.memref_slice %arg3[%select_n3A, %run_scoped3A, %mul3A_32] : memref<8x1x1024xi32, #tpu.memory_space<hbm>> -> memref<1x1x256xi32, #tpu.memory_space<hbm>>
      %dma_start3A_44 = tpu.memref_squeeze %dma_start3A_43 : memref<1x1x256xi32, #tpu.memory_space<hbm>> -> memref<256xi32, #tpu.memory_space<hbm>>
      tpu.enqueue_dma source(%dma_start3A_44 : memref<256xi32, #tpu.memory_space<hbm>>) target(%arg5 : memref<256xi32, #tpu.memory_space<vmem>>) target_semaphore(%run_scoped3A_40 : memref<!tpu.dma_semaphore, #tpu.memory_space<semaphore_mem>>)
      %dma_wait3A_45 = tpu.memref_slice %arg3[%select_n3A, %run_scoped3A, %mul3A_32] : memref<8x1x1024xi32, #tpu.memory_space<hbm>> -> memref<1x1x256xi32, #tpu.memory_space<hbm>>
      %dma_wait3A_46 = tpu.memref_squeeze %dma_wait3A_45 : memref<1x1x256xi32, #tpu.memory_space<hbm>> -> memref<256xi32, #tpu.memory_space<hbm>>
      %dma_wait3A_47 = tpu.memref_slice %arg3[%select_n3A, %run_scoped3A, %mul3A_32] : memref<8x1x1024xi32, #tpu.memory_space<hbm>> -> memref<1x1x256xi32, #tpu.memory_space<hbm>>
      %dma_wait3A_48 = tpu.memref_squeeze %dma_wait3A_47 : memref<1x1x256xi32, #tpu.memory_space<hbm>> -> memref<256xi32, #tpu.memory_space<hbm>>
      tpu.wait_dma2 semaphore(%run_scoped3A_40 : memref<!tpu.dma_semaphore, #tpu.memory_space<semaphore_mem>>) src(%dma_wait3A_48 : memref<256xi32, #tpu.memory_space<hbm>>) dst(%arg5 : memref<256xi32, #tpu.memory_space<vmem>>)
      tpu.yield
    }) : () -> ()
    %dma_start3A = arith.constant 0 : i32
    %dma_start3A_33 = arith.constant 0 : i32
    %dma_start3A_34 = tpu.memref_slice %arg2[%dma_start3A, %dma_start3A_33] : memref<8192x128xf32, #tpu.memory_space<hbm>> -> memref<8192x128xf32, #tpu.memory_space<hbm>>
    tpu.enqueue_indirect_dma source(%dma_start3A_34 : memref<8192x128xf32, #tpu.memory_space<hbm>>) target(%arg6 : memref<256x128xf32, #tpu.memory_space<vmem>>) offsets(%arg5 : memref<256xi32, #tpu.memory_space<vmem>>) semaphore(%arg7 : memref<!tpu.dma_semaphore, #tpu.memory_space<semaphore_mem>>)
    %dma_wait3A = arith.constant 0 : i32
    %dma_wait3A_35 = arith.constant 0 : i32
    %dma_wait3A_36 = tpu.memref_slice %arg2[%dma_wait3A, %dma_wait3A_35] : memref<8192x128xf32, #tpu.memory_space<hbm>> -> memref<8192x128xf32, #tpu.memory_space<hbm>>
    tpu.wait_indirect_dma semaphore(%arg7 : memref<!tpu.dma_semaphore, #tpu.memory_space<semaphore_mem>>) src(%dma_wait3A_36 : memref<8192x128xf32, #tpu.memory_space<hbm>>) dst(%arg6 : memref<256x128xf32, #tpu.memory_space<vmem>>)
    %mul3A_37 = arith.constant 1024 : i32
    %mul3A_38 = arith.muli %select_n3A, %mul3A_37 : i32
    %add3A_39 = arith.addi %mul3A_38, %mul3A_32 : i32
    "tpu.region"() ({
      %run_scoped3A_40 = tpu.sem_alloc : memref<!tpu.dma_semaphore, #tpu.memory_space<semaphore_mem>>
      %dma_start3A_41 = arith.constant 0 : i32
      %dma_start3A_42 = tpu.memref_slice %arg4[%add3A_39, %dma_start3A_41] : memref<8192x128xf32, #tpu.memory_space<hbm>> -> memref<256x128xf32, #tpu.memory_space<hbm>>
      %dma_start3A_43 = arith.constant 0 : i32
      %dma_start3A_44 = tpu.memref_slice %arg4[%add3A_39, %dma_start3A_43] : memref<8192x128xf32, #tpu.memory_space<hbm>> -> memref<256x128xf32, #tpu.memory_space<hbm>>
      tpu.enqueue_dma source(%arg6 : memref<256x128xf32, #tpu.memory_space<vmem>>) target(%dma_start3A_44 : memref<256x128xf32, #tpu.memory_space<hbm>>) target_semaphore(%run_scoped3A_40 : memref<!tpu.dma_semaphore, #tpu.memory_space<semaphore_mem>>)
      %dma_wait3A_45 = arith.constant 0 : i32
      %dma_wait3A_46 = tpu.memref_slice %arg4[%add3A_39, %dma_wait3A_45] : memref<8192x128xf32, #tpu.memory_space<hbm>> -> memref<256x128xf32, #tpu.memory_space<hbm>>
      %dma_wait3A_47 = arith.constant 0 : i32
      %dma_wait3A_48 = tpu.memref_slice %arg4[%add3A_39, %dma_wait3A_47] : memref<8192x128xf32, #tpu.memory_space<hbm>> -> memref<256x128xf32, #tpu.memory_space<hbm>>
      tpu.wait_dma2 semaphore(%run_scoped3A_40 : memref<!tpu.dma_semaphore, #tpu.memory_space<semaphore_mem>>) src(%arg6 : memref<256x128xf32, #tpu.memory_space<vmem>>) dst(%dma_wait3A_48 : memref<256x128xf32, #tpu.memory_space<hbm>>)
      tpu.yield
    }) : () -> ()
    return
  }
}

module attributes {stable_mosaic.version = 14 : i64} {
  func.func @_tc_body(%arg0: i32, %arg1: memref<1x64x1024xf32, #tpu.memory_space<vmem>>, %arg2: memref<64x8192xf32, #tpu.memory_space<vmem>>, %arg3: memref<1x1x1024xi32, #tpu.memory_space<vmem>>, %arg4: memref<8192x128xf32, #tpu.memory_space<vmem>>, %arg5: memref<1xf32, #tpu.memory_space<smem>>, %arg6: memref<8192x64xf32, #tpu.memory_space<vmem>>, %arg7: memref<8x128xf32, #tpu.memory_space<vmem>>) attributes {dimension_semantics = [#tpu.dimension_semantics<arbitrary>], iteration_bounds = array<i64: 8>, scalar_prefetch = 0 : i64, scratch_operands = 2 : i64, tpu.core_type = #tpu.core_type<tc>, window_params = [{transform_indices = @transform_0, window_bounds = array<i64: 1, 64, 1024>}, {pipeline_mode = #tpu.pipeline_mode<synchronous>, transform_indices = @transform_1, window_bounds = array<i64: 64, 8192>}, {transform_indices = @transform_2, window_bounds = array<i64: 1, 1, 1024>}, {pipeline_mode = #tpu.pipeline_mode<synchronous>, transform_indices = @transform_3, window_bounds = array<i64: 8192, 128>}, {transform_indices = @transform_4, window_bounds = array<i64: 1>}]} {
    %eq3A = arith.constant 0 : i32
    %eq3A_0 = arith.cmpi eq, %arg0, %eq3A : i32
    %convert_element_type3A = arith.extui %eq3A_0 : i1 to i32
    %cond3A = arith.constant 0 : i32
    %cond3A_1 = arith.cmpi ne, %convert_element_type3A, %cond3A : i32
    scf.if %cond3A_1 {
      %get3A_3298 = arith.constant 0 : index
      %get3A_3299 = arith.constant 0 : index
      %get3A_3300 = vector.load %arg2[%get3A_3298, %get3A_3299] : memref<64x8192xf32, #tpu.memory_space<vmem>>, vector<64x8192xf32>
      %transpose3A = tpu.transpose %get3A_3300, [1, 0] : vector<64x8192xf32> -> vector<8192x64xf32>
      %mul3A_3301 = arith.mulf %transpose3A, %transpose3A : vector<8192x64xf32>
      %reduce_sum3A_3302 = arith.constant dense<0.000000e+00> : vector<8192xf32>
      %reduce_sum3A_3303 = vector.multi_reduction <add>, %mul3A_3301, %reduce_sum3A_3302 [1] : vector<8192x64xf32> to vector<8192xf32>
      %broadcast_in_dim3A_3304 = vector.shape_cast %reduce_sum3A_3303 : vector<8192xf32> to vector<8192x1xf32>
      %sqrt3A_3305 = math.sqrt %broadcast_in_dim3A_3304 : vector<8192x1xf32>
      %max3A_3306 = arith.constant 9.99999996E-13 : f32
      %max3A_3307 = vector.broadcast %max3A_3306 : f32 to vector<8192x1xf32>
      %max3A_3308 = arith.maximumf %sqrt3A_3305, %max3A_3307 : vector<8192x1xf32>
      %div3A_3309 = vector.broadcast %max3A_3308 : vector<8192x1xf32> to vector<8192x64xf32>
      %div3A_3310 = arith.divf %transpose3A, %div3A_3309 : vector<8192x64xf32>
      %swap3A_3311 = arith.constant 0 : index
      %swap3A_3312 = arith.constant 0 : index
      %swap3A_3313 = vector.load %arg6[%swap3A_3311, %swap3A_3312] : memref<8192x64xf32, #tpu.memory_space<vmem>>, vector<8192x64xf32>
      tpu.vector_store %arg6[%swap3A_3311, %swap3A_3312], %div3A_3310 {strides = array<i32>} : memref<8192x64xf32, #tpu.memory_space<vmem>>, vector<8192x64xf32>,
      %broadcast_in_dim3A_3314 = arith.constant 0.000000e+00 : f32
      %broadcast_in_dim3A_3315 = vector.broadcast %broadcast_in_dim3A_3314 : f32 to vector<8192x64xf32>
      %concatenate3A = tpu.concatenate %div3A_3310, %broadcast_in_dim3A_3315 in 1 : vector<8192x64xf32>, vector<8192x64xf32> -> vector<8192x128xf32>
      %swap3A_3316 = arith.constant 0 : index
      %swap3A_3317 = arith.constant 0 : index
      %swap3A_3318 = vector.load %arg4[%swap3A_3316, %swap3A_3317] : memref<8192x128xf32, #tpu.memory_space<vmem>>, vector<8192x128xf32>
      tpu.vector_store %arg4[%swap3A_3316, %swap3A_3317], %concatenate3A {strides = array<i32>} : memref<8192x128xf32, #tpu.memory_space<vmem>>, vector<8192x128xf32>,
      %broadcast_in_dim3A_3319 = arith.constant 0.000000e+00 : f32
      %broadcast_in_dim3A_3320 = vector.broadcast %broadcast_in_dim3A_3319 : f32 to vector<8x128xf32>
      %swap3A_3321 = arith.constant 0 : index
      %swap3A_3322 = arith.constant 0 : index
      %swap3A_3323 = vector.load %arg7[%swap3A_3321, %swap3A_3322] : memref<8x128xf32, #tpu.memory_space<vmem>>, vector<8x128xf32>
      tpu.vector_store %arg7[%swap3A_3321, %swap3A_3322], %broadcast_in_dim3A_3320 {strides = array<i32>} : memref<8x128xf32, #tpu.memory_space<vmem>>, vector<8x128xf32>,
    } else {
    }
    %get3A = arith.constant 0 : index
    %get3A_2 = arith.constant 0 : index
    %get3A_3 = arith.constant 0 : index
    %get3A_4 = vector.load %arg1[%get3A, %get3A_2, %get3A_3] : memref<1x64x1024xf32, #tpu.memory_space<vmem>>, vector<1x64x1024xf32>
    %reshape3A = vector.shape_cast %get3A_4 : vector<1x64x1024xf32> to vector<64x1024xf32>
    %mul3A = arith.mulf %reshape3A, %reshape3A : vector<64x1024xf32>
    %reduce_sum3A = arith.constant dense<0.000000e+00> : vector<1024xf32>
    %reduce_sum3A_5 = vector.multi_reduction <add>, %mul3A, %reduce_sum3A [0] : vector<64x1024xf32> to vector<1024xf32>
    %broadcast_in_dim3A = vector.shape_cast %reduce_sum3A_5 : vector<1024xf32> to vector<1x1024xf32>
    %sqrt3A = math.sqrt %broadcast_in_dim3A : vector<1x1024xf32>
    %max3A = arith.constant 9.99999996E-13 : f32
    %max3A_6 = vector.broadcast %max3A : f32 to vector<1x1024xf32>
    %max3A_7 = arith.maximumf %sqrt3A, %max3A_6 : vector<1x1024xf32>
    %div3A = vector.broadcast %max3A_7 : vector<1x1024xf32> to vector<64x1024xf32>
    %div3A_8 = arith.divf %reshape3A, %div3A : vector<64x1024xf32>
    %get3A_9 = arith.constant 0 : index
    %get3A_10 = arith.constant 0 : index
    %get3A_11 = vector.load %arg6[%get3A_9, %get3A_10] : memref<8192x64xf32, #tpu.memory_space<vmem>>, vector<8192x64xf32>
    %dot_general3A = arith.constant dense<0.000000e+00> : vector<1024x8192xf32>
    %dot_general3A_12 = tpu.matmul %div3A_8, %get3A_11, %dot_general3A {dimension_numbers = #tpu.dot_dimension_numbers<[0], [1], [1], [0], [0, 1, 1, 0], [], []>, transpose_lhs_hint = false} : vector<64x1024xf32>, vector<8192x64xf32>, vector<1024x8192xf32> -> vector<1024x8192xf32>
    %iota3A = tpu.iota {dimensions = array<i32: 1>} : vector<128x128xi32>
    %slice3A = vector.extract_strided_slice %dot_general3A_12 {offsets = [0, 0], sizes = [128, 128], strides = [1, 1]} : vector<1024x8192xf32> to vector<128x128xf32>
    %broadcast_in_dim3A_13 = arith.constant 0 : i32
    %broadcast_in_dim3A_14 = vector.broadcast %broadcast_in_dim3A_13 : i32 to vector<128x128xi32>
    %slice3A_15 = vector.extract_strided_slice %dot_general3A_12 {offsets = [0, 128], sizes = [128, 128], strides = [1, 1]} : vector<1024x8192xf32> to vector<128x128xf32>
    %gt3A = arith.cmpf ogt, %slice3A_15, %slice3A : vector<128x128xf32>
    %jit3A = arith.constant 1 : i32
    %broadcast_in_dim3A_16 = vector.broadcast %jit3A : i32 to vector<128x128xi32>
    %select_n3A = arith.select %gt3A, %broadcast_in_dim3A_16, %broadcast_in_dim3A_14 : vector<128x128xi1>, vector<128x128xi32>
    %select_n3A_17 = arith.select %gt3A, %slice3A_15, %slice3A : vector<128x128xi1>, vector<128x128xf32>
    %slice3A_18 = vector.extract_strided_slice %dot_general3A_12 {offsets = [0, 256], sizes = [128, 128], strides = [1, 1]} : vector<1024x8192xf32> to vector<128x128xf32>
    %gt3A_19 = arith.cmpf ogt, %slice3A_18, %select_n3A_17 : vector<128x128xf32>
    %jit3A_20 = arith.constant 2 : i32
    %broadcast_in_dim3A_21 = vector.broadcast %jit3A_20 : i32 to vector<128x128xi32>
    %select_n3A_22 = arith.select %gt3A_19, %broadcast_in_dim3A_21, %select_n3A : vector<128x128xi1>, vector<128x128xi32>
    %select_n3A_23 = arith.select %gt3A_19, %slice3A_18, %select_n3A_17 : vector<128x128xi1>, vector<128x128xf32>
    %slice3A_24 = vector.extract_strided_slice %dot_general3A_12 {offsets = [0, 384], sizes = [128, 128], strides = [1, 1]} : vector<1024x8192xf32> to vector<128x128xf32>
    %gt3A_25 = arith.cmpf ogt, %slice3A_24, %select_n3A_23 : vector<128x128xf32>
    %jit3A_26 = arith.constant 3 : i32
    %broadcast_in_dim3A_27 = vector.broadcast %jit3A_26 : i32 to vector<128x128xi32>
    %select_n3A_28 = arith.select %gt3A_25, %broadcast_in_dim3A_27, %select_n3A_22 : vector<128x128xi1>, vector<128x128xi32>
    %select_n3A_29 = arith.select %gt3A_25, %slice3A_24, %select_n3A_23 : vector<128x128xi1>, vector<128x128xf32>
    %slice3A_30 = vector.extract_strided_slice %dot_general3A_12 {offsets = [0, 512], sizes = [128, 128], strides = [1, 1]} : vector<1024x8192xf32> to vector<128x128xf32>
    %gt3A_31 = arith.cmpf ogt, %slice3A_30, %select_n3A_29 : vector<128x128xf32>
    %jit3A_32 = arith.constant 4 : i32
    %broadcast_in_dim3A_33 = vector.broadcast %jit3A_32 : i32 to vector<128x128xi32>
    %select_n3A_34 = arith.select %gt3A_31, %broadcast_in_dim3A_33, %select_n3A_28 : vector<128x128xi1>, vector<128x128xi32>
    %select_n3A_35 = arith.select %gt3A_31, %slice3A_30, %select_n3A_29 : vector<128x128xi1>, vector<128x128xf32>
    %slice3A_36 = vector.extract_strided_slice %dot_general3A_12 {offsets = [0, 640], sizes = [128, 128], strides = [1, 1]} : vector<1024x8192xf32> to vector<128x128xf32>
    %gt3A_37 = arith.cmpf ogt, %slice3A_36, %select_n3A_35 : vector<128x128xf32>
    %jit3A_38 = arith.constant 5 : i32
    %broadcast_in_dim3A_39 = vector.broadcast %jit3A_38 : i32 to vector<128x128xi32>
    %select_n3A_40 = arith.select %gt3A_37, %broadcast_in_dim3A_39, %select_n3A_34 : vector<128x128xi1>, vector<128x128xi32>
    %select_n3A_41 = arith.select %gt3A_37, %slice3A_36, %select_n3A_35 : vector<128x128xi1>, vector<128x128xf32>
    %slice3A_42 = vector.extract_strided_slice %dot_general3A_12 {offsets = [0, 768], sizes = [128, 128], strides = [1, 1]} : vector<1024x8192xf32> to vector<128x128xf32>
    %gt3A_43 = arith.cmpf ogt, %slice3A_42, %select_n3A_41 : vector<128x128xf32>
    %jit3A_44 = arith.constant 6 : i32
    %broadcast_in_dim3A_45 = vector.broadcast %jit3A_44 : i32 to vector<128x128xi32>
    %select_n3A_46 = arith.select %gt3A_43, %broadcast_in_dim3A_45, %select_n3A_40 : vector<128x128xi1>, vector<128x128xi32>
    %select_n3A_47 = arith.select %gt3A_43, %slice3A_42, %select_n3A_41 : vector<128x128xi1>, vector<128x128xf32>
    %slice3A_48 = vector.extract_strided_slice %dot_general3A_12 {offsets = [0, 896], sizes = [128, 128], strides = [1, 1]} : vector<1024x8192xf32> to vector<128x128xf32>
    %gt3A_49 = arith.cmpf ogt, %slice3A_48, %select_n3A_47 : vector<128x128xf32>
    %jit3A_50 = arith.constant 7 : i32
    %broadcast_in_dim3A_51 = vector.broadcast %jit3A_50 : i32 to vector<128x128xi32>
    %select_n3A_52 = arith.select %gt3A_49, %broadcast_in_dim3A_51, %select_n3A_46 : vector<128x128xi1>, vector<128x128xi32>
    %select_n3A_53 = arith.select %gt3A_49, %slice3A_48, %select_n3A_47 : vector<128x128xi1>, vector<128x128xf32>
    %slice3A_54 = vector.extract_strided_slice %dot_general3A_12 {offsets = [0, 1024], sizes = [128, 128], strides = [1, 1]} : vector<1024x8192xf32> to vector<128x128xf32>
    %gt3A_55 = arith.cmpf ogt, %slice3A_54, %select_n3A_53 : vector<128x128xf32>
    %jit3A_56 = arith.constant 8 : i32
    %broadcast_in_dim3A_57 = vector.broadcast %jit3A_56 : i32 to vector<128x128xi32>
    %select_n3A_58 = arith.select %gt3A_55, %broadcast_in_dim3A_57, %select_n3A_52 : vector<128x128xi1>, vector<128x128xi32>
    %select_n3A_59 = arith.select %gt3A_55, %slice3A_54, %select_n3A_53 : vector<128x128xi1>, vector<128x128xf32>
    %slice3A_60 = vector.extract_strided_slice %dot_general3A_12 {offsets = [0, 1152], sizes = [128, 128], strides = [1, 1]} : vector<1024x8192xf32> to vector<128x128xf32>
    %gt3A_61 = arith.cmpf ogt, %slice3A_60, %select_n3A_59 : vector<128x128xf32>
    %jit3A_62 = arith.constant 9 : i32
    %broadcast_in_dim3A_63 = vector.broadcast %jit3A_62 : i32 to vector<128x128xi32>
    %select_n3A_64 = arith.select %gt3A_61, %broadcast_in_dim3A_63, %select_n3A_58 : vector<128x128xi1>, vector<128x128xi32>
    %select_n3A_65 = arith.select %gt3A_61, %slice3A_60, %select_n3A_59 : vector<128x128xi1>, vector<128x128xf32>
    %slice3A_66 = vector.extract_strided_slice %dot_general3A_12 {offsets = [0, 1280], sizes = [128, 128], strides = [1, 1]} : vector<1024x8192xf32> to vector<128x128xf32>
    %gt3A_67 = arith.cmpf ogt, %slice3A_66, %select_n3A_65 : vector<128x128xf32>
    %jit3A_68 = arith.constant 10 : i32
    %broadcast_in_dim3A_69 = vector.broadcast %jit3A_68 : i32 to vector<128x128xi32>
    %select_n3A_70 = arith.select %gt3A_67, %broadcast_in_dim3A_69, %select_n3A_64 : vector<128x128xi1>, vector<128x128xi32>
    %select_n3A_71 = arith.select %gt3A_67, %slice3A_66, %select_n3A_65 : vector<128x128xi1>, vector<128x128xf32>
    %slice3A_72 = vector.extract_strided_slice %dot_general3A_12 {offsets = [0, 1408], sizes = [128, 128], strides = [1, 1]} : vector<1024x8192xf32> to vector<128x128xf32>
    %gt3A_73 = arith.cmpf ogt, %slice3A_72, %select_n3A_71 : vector<128x128xf32>
    %jit3A_74 = arith.constant 11 : i32
    %broadcast_in_dim3A_75 = vector.broadcast %jit3A_74 : i32 to vector<128x128xi32>
    %select_n3A_76 = arith.select %gt3A_73, %broadcast_in_dim3A_75, %select_n3A_70 : vector<128x128xi1>, vector<128x128xi32>
    %select_n3A_77 = arith.select %gt3A_73, %slice3A_72, %select_n3A_71 : vector<128x128xi1>, vector<128x128xf32>
    %slice3A_78 = vector.extract_strided_slice %dot_general3A_12 {offsets = [0, 1536], sizes = [128, 128], strides = [1, 1]} : vector<1024x8192xf32> to vector<128x128xf32>
    %gt3A_79 = arith.cmpf ogt, %slice3A_78, %select_n3A_77 : vector<128x128xf32>
    %jit3A_80 = arith.constant 12 : i32
    %broadcast_in_dim3A_81 = vector.broadcast %jit3A_80 : i32 to vector<128x128xi32>
    %select_n3A_82 = arith.select %gt3A_79, %broadcast_in_dim3A_81, %select_n3A_76 : vector<128x128xi1>, vector<128x128xi32>
    %select_n3A_83 = arith.select %gt3A_79, %slice3A_78, %select_n3A_77 : vector<128x128xi1>, vector<128x128xf32>
    %slice3A_84 = vector.extract_strided_slice %dot_general3A_12 {offsets = [0, 1664], sizes = [128, 128], strides = [1, 1]} : vector<1024x8192xf32> to vector<128x128xf32>
    %gt3A_85 = arith.cmpf ogt, %slice3A_84, %select_n3A_83 : vector<128x128xf32>
    %jit3A_86 = arith.constant 13 : i32
    %broadcast_in_dim3A_87 = vector.broadcast %jit3A_86 : i32 to vector<128x128xi32>
    %select_n3A_88 = arith.select %gt3A_85, %broadcast_in_dim3A_87, %select_n3A_82 : vector<128x128xi1>, vector<128x128xi32>
    %select_n3A_89 = arith.select %gt3A_85, %slice3A_84, %select_n3A_83 : vector<128x128xi1>, vector<128x128xf32>
    %slice3A_90 = vector.extract_strided_slice %dot_general3A_12 {offsets = [0, 1792], sizes = [128, 128], strides = [1, 1]} : vector<1024x8192xf32> to vector<128x128xf32>
    %gt3A_91 = arith.cmpf ogt, %slice3A_90, %select_n3A_89 : vector<128x128xf32>
    %jit3A_92 = arith.constant 14 : i32
    %broadcast_in_dim3A_93 = vector.broadcast %jit3A_92 : i32 to vector<128x128xi32>
    %select_n3A_94 = arith.select %gt3A_91, %broadcast_in_dim3A_93, %select_n3A_88 : vector<128x128xi1>, vector<128x128xi32>
    %select_n3A_95 = arith.select %gt3A_91, %slice3A_90, %select_n3A_89 : vector<128x128xi1>, vector<128x128xf32>
    %slice3A_96 = vector.extract_strided_slice %dot_general3A_12 {offsets = [0, 1920], sizes = [128, 128], strides = [1, 1]} : vector<1024x8192xf32> to vector<128x128xf32>
    %gt3A_97 = arith.cmpf ogt, %slice3A_96, %select_n3A_95 : vector<128x128xf32>
    %jit3A_98 = arith.constant 15 : i32
    %broadcast_in_dim3A_99 = vector.broadcast %jit3A_98 : i32 to vector<128x128xi32>
    %select_n3A_100 = arith.select %gt3A_97, %broadcast_in_dim3A_99, %select_n3A_94 : vector<128x128xi1>, vector<128x128xi32>
    %select_n3A_101 = arith.select %gt3A_97, %slice3A_96, %select_n3A_95 : vector<128x128xi1>, vector<128x128xf32>
    %slice3A_102 = vector.extract_strided_slice %dot_general3A_12 {offsets = [0, 2048], sizes = [128, 128], strides = [1, 1]} : vector<1024x8192xf32> to vector<128x128xf32>
    %gt3A_103 = arith.cmpf ogt, %slice3A_102, %select_n3A_101 : vector<128x128xf32>
    %jit3A_104 = arith.constant 16 : i32
    %broadcast_in_dim3A_105 = vector.broadcast %jit3A_104 : i32 to vector<128x128xi32>
    %select_n3A_106 = arith.select %gt3A_103, %broadcast_in_dim3A_105, %select_n3A_100 : vector<128x128xi1>, vector<128x128xi32>
    %select_n3A_107 = arith.select %gt3A_103, %slice3A_102, %select_n3A_101 : vector<128x128xi1>, vector<128x128xf32>
    %slice3A_108 = vector.extract_strided_slice %dot_general3A_12 {offsets = [0, 2176], sizes = [128, 128], strides = [1, 1]} : vector<1024x8192xf32> to vector<128x128xf32>
    %gt3A_109 = arith.cmpf ogt, %slice3A_108, %select_n3A_107 : vector<128x128xf32>
    %jit3A_110 = arith.constant 17 : i32
    %broadcast_in_dim3A_111 = vector.broadcast %jit3A_110 : i32 to vector<128x128xi32>
    %select_n3A_112 = arith.select %gt3A_109, %broadcast_in_dim3A_111, %select_n3A_106 : vector<128x128xi1>, vector<128x128xi32>
    %select_n3A_113 = arith.select %gt3A_109, %slice3A_108, %select_n3A_107 : vector<128x128xi1>, vector<128x128xf32>
    %slice3A_114 = vector.extract_strided_slice %dot_general3A_12 {offsets = [0, 2304], sizes = [128, 128], strides = [1, 1]} : vector<1024x8192xf32> to vector<128x128xf32>
    %gt3A_115 = arith.cmpf ogt, %slice3A_114, %select_n3A_113 : vector<128x128xf32>
    %jit3A_116 = arith.constant 18 : i32
    %broadcast_in_dim3A_117 = vector.broadcast %jit3A_116 : i32 to vector<128x128xi32>
    %select_n3A_118 = arith.select %gt3A_115, %broadcast_in_dim3A_117, %select_n3A_112 : vector<128x128xi1>, vector<128x128xi32>
    %select_n3A_119 = arith.select %gt3A_115, %slice3A_114, %select_n3A_113 : vector<128x128xi1>, vector<128x128xf32>
    %slice3A_120 = vector.extract_strided_slice %dot_general3A_12 {offsets = [0, 2432], sizes = [128, 128], strides = [1, 1]} : vector<1024x8192xf32> to vector<128x128xf32>
    %gt3A_121 = arith.cmpf ogt, %slice3A_120, %select_n3A_119 : vector<128x128xf32>
    %jit3A_122 = arith.constant 19 : i32
    %broadcast_in_dim3A_123 = vector.broadcast %jit3A_122 : i32 to vector<128x128xi32>
    %select_n3A_124 = arith.select %gt3A_121, %broadcast_in_dim3A_123, %select_n3A_118 : vector<128x128xi1>, vector<128x128xi32>
    %select_n3A_125 = arith.select %gt3A_121, %slice3A_120, %select_n3A_119 : vector<128x128xi1>, vector<128x128xf32>
    %slice3A_126 = vector.extract_strided_slice %dot_general3A_12 {offsets = [0, 2560], sizes = [128, 128], strides = [1, 1]} : vector<1024x8192xf32> to vector<128x128xf32>
    %gt3A_127 = arith.cmpf ogt, %slice3A_126, %select_n3A_125 : vector<128x128xf32>
    %jit3A_128 = arith.constant 20 : i32
    %broadcast_in_dim3A_129 = vector.broadcast %jit3A_128 : i32 to vector<128x128xi32>
    %select_n3A_130 = arith.select %gt3A_127, %broadcast_in_dim3A_129, %select_n3A_124 : vector<128x128xi1>, vector<128x128xi32>
    %select_n3A_131 = arith.select %gt3A_127, %slice3A_126, %select_n3A_125 : vector<128x128xi1>, vector<128x128xf32>
    %slice3A_132 = vector.extract_strided_slice %dot_general3A_12 {offsets = [0, 2688], sizes = [128, 128], strides = [1, 1]} : vector<1024x8192xf32> to vector<128x128xf32>
    %gt3A_133 = arith.cmpf ogt, %slice3A_132, %select_n3A_131 : vector<128x128xf32>
    %jit3A_134 = arith.constant 21 : i32
    %broadcast_in_dim3A_135 = vector.broadcast %jit3A_134 : i32 to vector<128x128xi32>
    %select_n3A_136 = arith.select %gt3A_133, %broadcast_in_dim3A_135, %select_n3A_130 : vector<128x128xi1>, vector<128x128xi32>
    %select_n3A_137 = arith.select %gt3A_133, %slice3A_132, %select_n3A_131 : vector<128x128xi1>, vector<128x128xf32>
    %slice3A_138 = vector.extract_strided_slice %dot_general3A_12 {offsets = [0, 2816], sizes = [128, 128], strides = [1, 1]} : vector<1024x8192xf32> to vector<128x128xf32>
    %gt3A_139 = arith.cmpf ogt, %slice3A_138, %select_n3A_137 : vector<128x128xf32>
    %jit3A_140 = arith.constant 22 : i32
    %broadcast_in_dim3A_141 = vector.broadcast %jit3A_140 : i32 to vector<128x128xi32>
    %select_n3A_142 = arith.select %gt3A_139, %broadcast_in_dim3A_141, %select_n3A_136 : vector<128x128xi1>, vector<128x128xi32>
    %select_n3A_143 = arith.select %gt3A_139, %slice3A_138, %select_n3A_137 : vector<128x128xi1>, vector<128x128xf32>
    %slice3A_144 = vector.extract_strided_slice %dot_general3A_12 {offsets = [0, 2944], sizes = [128, 128], strides = [1, 1]} : vector<1024x8192xf32> to vector<128x128xf32>
    %gt3A_145 = arith.cmpf ogt, %slice3A_144, %select_n3A_143 : vector<128x128xf32>
    %jit3A_146 = arith.constant 23 : i32
    %broadcast_in_dim3A_147 = vector.broadcast %jit3A_146 : i32 to vector<128x128xi32>
    %select_n3A_148 = arith.select %gt3A_145, %broadcast_in_dim3A_147, %select_n3A_142 : vector<128x128xi1>, vector<128x128xi32>
    %select_n3A_149 = arith.select %gt3A_145, %slice3A_144, %select_n3A_143 : vector<128x128xi1>, vector<128x128xf32>
    %slice3A_150 = vector.extract_strided_slice %dot_general3A_12 {offsets = [0, 3072], sizes = [128, 128], strides = [1, 1]} : vector<1024x8192xf32> to vector<128x128xf32>
    %gt3A_151 = arith.cmpf ogt, %slice3A_150, %select_n3A_149 : vector<128x128xf32>
    %jit3A_152 = arith.constant 24 : i32
    %broadcast_in_dim3A_153 = vector.broadcast %jit3A_152 : i32 to vector<128x128xi32>
    %select_n3A_154 = arith.select %gt3A_151, %broadcast_in_dim3A_153, %select_n3A_148 : vector<128x128xi1>, vector<128x128xi32>
    %select_n3A_155 = arith.select %gt3A_151, %slice3A_150, %select_n3A_149 : vector<128x128xi1>, vector<128x128xf32>
    %slice3A_156 = vector.extract_strided_slice %dot_general3A_12 {offsets = [0, 3200], sizes = [128, 128], strides = [1, 1]} : vector<1024x8192xf32> to vector<128x128xf32>
    %gt3A_157 = arith.cmpf ogt, %slice3A_156, %select_n3A_155 : vector<128x128xf32>
    %jit3A_158 = arith.constant 25 : i32
    %broadcast_in_dim3A_159 = vector.broadcast %jit3A_158 : i32 to vector<128x128xi32>
    %select_n3A_160 = arith.select %gt3A_157, %broadcast_in_dim3A_159, %select_n3A_154 : vector<128x128xi1>, vector<128x128xi32>
    %select_n3A_161 = arith.select %gt3A_157, %slice3A_156, %select_n3A_155 : vector<128x128xi1>, vector<128x128xf32>
    %slice3A_162 = vector.extract_strided_slice %dot_general3A_12 {offsets = [0, 3328], sizes = [128, 128], strides = [1, 1]} : vector<1024x8192xf32> to vector<128x128xf32>
    %gt3A_163 = arith.cmpf ogt, %slice3A_162, %select_n3A_161 : vector<128x128xf32>
    %jit3A_164 = arith.constant 26 : i32
    %broadcast_in_dim3A_165 = vector.broadcast %jit3A_164 : i32 to vector<128x128xi32>
    %select_n3A_166 = arith.select %gt3A_163, %broadcast_in_dim3A_165, %select_n3A_160 : vector<128x128xi1>, vector<128x128xi32>
    %select_n3A_167 = arith.select %gt3A_163, %slice3A_162, %select_n3A_161 : vector<128x128xi1>, vector<128x128xf32>
    %slice3A_168 = vector.extract_strided_slice %dot_general3A_12 {offsets = [0, 3456], sizes = [128, 128], strides = [1, 1]} : vector<1024x8192xf32> to vector<128x128xf32>
    %gt3A_169 = arith.cmpf ogt, %slice3A_168, %select_n3A_167 : vector<128x128xf32>
    %jit3A_170 = arith.constant 27 : i32
    %broadcast_in_dim3A_171 = vector.broadcast %jit3A_170 : i32 to vector<128x128xi32>
    %select_n3A_172 = arith.select %gt3A_169, %broadcast_in_dim3A_171, %select_n3A_166 : vector<128x128xi1>, vector<128x128xi32>
    %select_n3A_173 = arith.select %gt3A_169, %slice3A_168, %select_n3A_167 : vector<128x128xi1>, vector<128x128xf32>
    %slice3A_174 = vector.extract_strided_slice %dot_general3A_12 {offsets = [0, 3584], sizes = [128, 128], strides = [1, 1]} : vector<1024x8192xf32> to vector<128x128xf32>
    %gt3A_175 = arith.cmpf ogt, %slice3A_174, %select_n3A_173 : vector<128x128xf32>
    %jit3A_176 = arith.constant 28 : i32
    %broadcast_in_dim3A_177 = vector.broadcast %jit3A_176 : i32 to vector<128x128xi32>
    %select_n3A_178 = arith.select %gt3A_175, %broadcast_in_dim3A_177, %select_n3A_172 : vector<128x128xi1>, vector<128x128xi32>
    %select_n3A_179 = arith.select %gt3A_175, %slice3A_174, %select_n3A_173 : vector<128x128xi1>, vector<128x128xf32>
    %slice3A_180 = vector.extract_strided_slice %dot_general3A_12 {offsets = [0, 3712], sizes = [128, 128], strides = [1, 1]} : vector<1024x8192xf32> to vector<128x128xf32>
    %gt3A_181 = arith.cmpf ogt, %slice3A_180, %select_n3A_179 : vector<128x128xf32>
    %jit3A_182 = arith.constant 29 : i32
    %broadcast_in_dim3A_183 = vector.broadcast %jit3A_182 : i32 to vector<128x128xi32>
    %select_n3A_184 = arith.select %gt3A_181, %broadcast_in_dim3A_183, %select_n3A_178 : vector<128x128xi1>, vector<128x128xi32>
    %select_n3A_185 = arith.select %gt3A_181, %slice3A_180, %select_n3A_179 : vector<128x128xi1>, vector<128x128xf32>
    %slice3A_186 = vector.extract_strided_slice %dot_general3A_12 {offsets = [0, 3840], sizes = [128, 128], strides = [1, 1]} : vector<1024x8192xf32> to vector<128x128xf32>
    %gt3A_187 = arith.cmpf ogt, %slice3A_186, %select_n3A_185 : vector<128x128xf32>
    %jit3A_188 = arith.constant 30 : i32
    %broadcast_in_dim3A_189 = vector.broadcast %jit3A_188 : i32 to vector<128x128xi32>
    %select_n3A_190 = arith.select %gt3A_187, %broadcast_in_dim3A_189, %select_n3A_184 : vector<128x128xi1>, vector<128x128xi32>
    %select_n3A_191 = arith.select %gt3A_187, %slice3A_186, %select_n3A_185 : vector<128x128xi1>, vector<128x128xf32>
    %slice3A_192 = vector.extract_strided_slice %dot_general3A_12 {offsets = [0, 3968], sizes = [128, 128], strides = [1, 1]} : vector<1024x8192xf32> to vector<128x128xf32>
    %gt3A_193 = arith.cmpf ogt, %slice3A_192, %select_n3A_191 : vector<128x128xf32>
    %jit3A_194 = arith.constant 31 : i32
    %broadcast_in_dim3A_195 = vector.broadcast %jit3A_194 : i32 to vector<128x128xi32>
    %select_n3A_196 = arith.select %gt3A_193, %broadcast_in_dim3A_195, %select_n3A_190 : vector<128x128xi1>, vector<128x128xi32>
    %select_n3A_197 = arith.select %gt3A_193, %slice3A_192, %select_n3A_191 : vector<128x128xi1>, vector<128x128xf32>
    %slice3A_198 = vector.extract_strided_slice %dot_general3A_12 {offsets = [0, 4096], sizes = [128, 128], strides = [1, 1]} : vector<1024x8192xf32> to vector<128x128xf32>
    %gt3A_199 = arith.cmpf ogt, %slice3A_198, %select_n3A_197 : vector<128x128xf32>
    %jit3A_200 = arith.constant 32 : i32
    %broadcast_in_dim3A_201 = vector.broadcast %jit3A_200 : i32 to vector<128x128xi32>
    %select_n3A_202 = arith.select %gt3A_199, %broadcast_in_dim3A_201, %select_n3A_196 : vector<128x128xi1>, vector<128x128xi32>
    %select_n3A_203 = arith.select %gt3A_199, %slice3A_198, %select_n3A_197 : vector<128x128xi1>, vector<128x128xf32>
    %slice3A_204 = vector.extract_strided_slice %dot_general3A_12 {offsets = [0, 4224], sizes = [128, 128], strides = [1, 1]} : vector<1024x8192xf32> to vector<128x128xf32>
    %gt3A_205 = arith.cmpf ogt, %slice3A_204, %select_n3A_203 : vector<128x128xf32>
    %jit3A_206 = arith.constant 33 : i32
    %broadcast_in_dim3A_207 = vector.broadcast %jit3A_206 : i32 to vector<128x128xi32>
    %select_n3A_208 = arith.select %gt3A_205, %broadcast_in_dim3A_207, %select_n3A_202 : vector<128x128xi1>, vector<128x128xi32>
    %select_n3A_209 = arith.select %gt3A_205, %slice3A_204, %select_n3A_203 : vector<128x128xi1>, vector<128x128xf32>
    %slice3A_210 = vector.extract_strided_slice %dot_general3A_12 {offsets = [0, 4352], sizes = [128, 128], strides = [1, 1]} : vector<1024x8192xf32> to vector<128x128xf32>
    %gt3A_211 = arith.cmpf ogt, %slice3A_210, %select_n3A_209 : vector<128x128xf32>
    %jit3A_212 = arith.constant 34 : i32
    %broadcast_in_dim3A_213 = vector.broadcast %jit3A_212 : i32 to vector<128x128xi32>
    %select_n3A_214 = arith.select %gt3A_211, %broadcast_in_dim3A_213, %select_n3A_208 : vector<128x128xi1>, vector<128x128xi32>
    %select_n3A_215 = arith.select %gt3A_211, %slice3A_210, %select_n3A_209 : vector<128x128xi1>, vector<128x128xf32>
    %slice3A_216 = vector.extract_strided_slice %dot_general3A_12 {offsets = [0, 4480], sizes = [128, 128], strides = [1, 1]} : vector<1024x8192xf32> to vector<128x128xf32>
    %gt3A_217 = arith.cmpf ogt, %slice3A_216, %select_n3A_215 : vector<128x128xf32>
    %jit3A_218 = arith.constant 35 : i32
    %broadcast_in_dim3A_219 = vector.broadcast %jit3A_218 : i32 to vector<128x128xi32>
    %select_n3A_220 = arith.select %gt3A_217, %broadcast_in_dim3A_219, %select_n3A_214 : vector<128x128xi1>, vector<128x128xi32>
    %select_n3A_221 = arith.select %gt3A_217, %slice3A_216, %select_n3A_215 : vector<128x128xi1>, vector<128x128xf32>
    %slice3A_222 = vector.extract_strided_slice %dot_general3A_12 {offsets = [0, 4608], sizes = [128, 128], strides = [1, 1]} : vector<1024x8192xf32> to vector<128x128xf32>
    %gt3A_223 = arith.cmpf ogt, %slice3A_222, %select_n3A_221 : vector<128x128xf32>
    %jit3A_224 = arith.constant 36 : i32
    %broadcast_in_dim3A_225 = vector.broadcast %jit3A_224 : i32 to vector<128x128xi32>
    %select_n3A_226 = arith.select %gt3A_223, %broadcast_in_dim3A_225, %select_n3A_220 : vector<128x128xi1>, vector<128x128xi32>
    %select_n3A_227 = arith.select %gt3A_223, %slice3A_222, %select_n3A_221 : vector<128x128xi1>, vector<128x128xf32>
    %slice3A_228 = vector.extract_strided_slice %dot_general3A_12 {offsets = [0, 4736], sizes = [128, 128], strides = [1, 1]} : vector<1024x8192xf32> to vector<128x128xf32>
    %gt3A_229 = arith.cmpf ogt, %slice3A_228, %select_n3A_227 : vector<128x128xf32>
    %jit3A_230 = arith.constant 37 : i32
    %broadcast_in_dim3A_231 = vector.broadcast %jit3A_230 : i32 to vector<128x128xi32>
    %select_n3A_232 = arith.select %gt3A_229, %broadcast_in_dim3A_231, %select_n3A_226 : vector<128x128xi1>, vector<128x128xi32>
    %select_n3A_233 = arith.select %gt3A_229, %slice3A_228, %select_n3A_227 : vector<128x128xi1>, vector<128x128xf32>
    %slice3A_234 = vector.extract_strided_slice %dot_general3A_12 {offsets = [0, 4864], sizes = [128, 128], strides = [1, 1]} : vector<1024x8192xf32> to vector<128x128xf32>
    %gt3A_235 = arith.cmpf ogt, %slice3A_234, %select_n3A_233 : vector<128x128xf32>
    %jit3A_236 = arith.constant 38 : i32
    %broadcast_in_dim3A_237 = vector.broadcast %jit3A_236 : i32 to vector<128x128xi32>
    %select_n3A_238 = arith.select %gt3A_235, %broadcast_in_dim3A_237, %select_n3A_232 : vector<128x128xi1>, vector<128x128xi32>
    %select_n3A_239 = arith.select %gt3A_235, %slice3A_234, %select_n3A_233 : vector<128x128xi1>, vector<128x128xf32>
    %slice3A_240 = vector.extract_strided_slice %dot_general3A_12 {offsets = [0, 4992], sizes = [128, 128], strides = [1, 1]} : vector<1024x8192xf32> to vector<128x128xf32>
    %gt3A_241 = arith.cmpf ogt, %slice3A_240, %select_n3A_239 : vector<128x128xf32>
    %jit3A_242 = arith.constant 39 : i32
    %broadcast_in_dim3A_243 = vector.broadcast %jit3A_242 : i32 to vector<128x128xi32>
    %select_n3A_244 = arith.select %gt3A_241, %broadcast_in_dim3A_243, %select_n3A_238 : vector<128x128xi1>, vector<128x128xi32>
    %select_n3A_245 = arith.select %gt3A_241, %slice3A_240, %select_n3A_239 : vector<128x128xi1>, vector<128x128xf32>
    %slice3A_246 = vector.extract_strided_slice %dot_general3A_12 {offsets = [0, 5120], sizes = [128, 128], strides = [1, 1]} : vector<1024x8192xf32> to vector<128x128xf32>
    %gt3A_247 = arith.cmpf ogt, %slice3A_246, %select_n3A_245 : vector<128x128xf32>
    %jit3A_248 = arith.constant 40 : i32
    %broadcast_in_dim3A_249 = vector.broadcast %jit3A_248 : i32 to vector<128x128xi32>
    %select_n3A_250 = arith.select %gt3A_247, %broadcast_in_dim3A_249, %select_n3A_244 : vector<128x128xi1>, vector<128x128xi32>
    %select_n3A_251 = arith.select %gt3A_247, %slice3A_246, %select_n3A_245 : vector<128x128xi1>, vector<128x128xf32>
    %slice3A_252 = vector.extract_strided_slice %dot_general3A_12 {offsets = [0, 5248], sizes = [128, 128], strides = [1, 1]} : vector<1024x8192xf32> to vector<128x128xf32>
    %gt3A_253 = arith.cmpf ogt, %slice3A_252, %select_n3A_251 : vector<128x128xf32>
    %jit3A_254 = arith.constant 41 : i32
    %broadcast_in_dim3A_255 = vector.broadcast %jit3A_254 : i32 to vector<128x128xi32>
    %select_n3A_256 = arith.select %gt3A_253, %broadcast_in_dim3A_255, %select_n3A_250 : vector<128x128xi1>, vector<128x128xi32>
    %select_n3A_257 = arith.select %gt3A_253, %slice3A_252, %select_n3A_251 : vector<128x128xi1>, vector<128x128xf32>
    %slice3A_258 = vector.extract_strided_slice %dot_general3A_12 {offsets = [0, 5376], sizes = [128, 128], strides = [1, 1]} : vector<1024x8192xf32> to vector<128x128xf32>
    %gt3A_259 = arith.cmpf ogt, %slice3A_258, %select_n3A_257 : vector<128x128xf32>
    %jit3A_260 = arith.constant 42 : i32
    %broadcast_in_dim3A_261 = vector.broadcast %jit3A_260 : i32 to vector<128x128xi32>
    %select_n3A_262 = arith.select %gt3A_259, %broadcast_in_dim3A_261, %select_n3A_256 : vector<128x128xi1>, vector<128x128xi32>
    %select_n3A_263 = arith.select %gt3A_259, %slice3A_258, %select_n3A_257 : vector<128x128xi1>, vector<128x128xf32>
    %slice3A_264 = vector.extract_strided_slice %dot_general3A_12 {offsets = [0, 5504], sizes = [128, 128], strides = [1, 1]} : vector<1024x8192xf32> to vector<128x128xf32>
    %gt3A_265 = arith.cmpf ogt, %slice3A_264, %select_n3A_263 : vector<128x128xf32>
    %jit3A_266 = arith.constant 43 : i32
    %broadcast_in_dim3A_267 = vector.broadcast %jit3A_266 : i32 to vector<128x128xi32>
    %select_n3A_268 = arith.select %gt3A_265, %broadcast_in_dim3A_267, %select_n3A_262 : vector<128x128xi1>, vector<128x128xi32>
    %select_n3A_269 = arith.select %gt3A_265, %slice3A_264, %select_n3A_263 : vector<128x128xi1>, vector<128x128xf32>
    %slice3A_270 = vector.extract_strided_slice %dot_general3A_12 {offsets = [0, 5632], sizes = [128, 128], strides = [1, 1]} : vector<1024x8192xf32> to vector<128x128xf32>
    %gt3A_271 = arith.cmpf ogt, %slice3A_270, %select_n3A_269 : vector<128x128xf32>
    %jit3A_272 = arith.constant 44 : i32
    %broadcast_in_dim3A_273 = vector.broadcast %jit3A_272 : i32 to vector<128x128xi32>
    %select_n3A_274 = arith.select %gt3A_271, %broadcast_in_dim3A_273, %select_n3A_268 : vector<128x128xi1>, vector<128x128xi32>
    %select_n3A_275 = arith.select %gt3A_271, %slice3A_270, %select_n3A_269 : vector<128x128xi1>, vector<128x128xf32>
    %slice3A_276 = vector.extract_strided_slice %dot_general3A_12 {offsets = [0, 5760], sizes = [128, 128], strides = [1, 1]} : vector<1024x8192xf32> to vector<128x128xf32>
    %gt3A_277 = arith.cmpf ogt, %slice3A_276, %select_n3A_275 : vector<128x128xf32>
    %jit3A_278 = arith.constant 45 : i32
    %broadcast_in_dim3A_279 = vector.broadcast %jit3A_278 : i32 to vector<128x128xi32>
    %select_n3A_280 = arith.select %gt3A_277, %broadcast_in_dim3A_279, %select_n3A_274 : vector<128x128xi1>, vector<128x128xi32>
    %select_n3A_281 = arith.select %gt3A_277, %slice3A_276, %select_n3A_275 : vector<128x128xi1>, vector<128x128xf32>
    %slice3A_282 = vector.extract_strided_slice %dot_general3A_12 {offsets = [0, 5888], sizes = [128, 128], strides = [1, 1]} : vector<1024x8192xf32> to vector<128x128xf32>
    %gt3A_283 = arith.cmpf ogt, %slice3A_282, %select_n3A_281 : vector<128x128xf32>
    %jit3A_284 = arith.constant 46 : i32
    %broadcast_in_dim3A_285 = vector.broadcast %jit3A_284 : i32 to vector<128x128xi32>
    %select_n3A_286 = arith.select %gt3A_283, %broadcast_in_dim3A_285, %select_n3A_280 : vector<128x128xi1>, vector<128x128xi32>
    %select_n3A_287 = arith.select %gt3A_283, %slice3A_282, %select_n3A_281 : vector<128x128xi1>, vector<128x128xf32>
    %slice3A_288 = vector.extract_strided_slice %dot_general3A_12 {offsets = [0, 6016], sizes = [128, 128], strides = [1, 1]} : vector<1024x8192xf32> to vector<128x128xf32>
    %gt3A_289 = arith.cmpf ogt, %slice3A_288, %select_n3A_287 : vector<128x128xf32>
    %jit3A_290 = arith.constant 47 : i32
    %broadcast_in_dim3A_291 = vector.broadcast %jit3A_290 : i32 to vector<128x128xi32>
    %select_n3A_292 = arith.select %gt3A_289, %broadcast_in_dim3A_291, %select_n3A_286 : vector<128x128xi1>, vector<128x128xi32>
    %select_n3A_293 = arith.select %gt3A_289, %slice3A_288, %select_n3A_287 : vector<128x128xi1>, vector<128x128xf32>
    %slice3A_294 = vector.extract_strided_slice %dot_general3A_12 {offsets = [0, 6144], sizes = [128, 128], strides = [1, 1]} : vector<1024x8192xf32> to vector<128x128xf32>
    %gt3A_295 = arith.cmpf ogt, %slice3A_294, %select_n3A_293 : vector<128x128xf32>
    %jit3A_296 = arith.constant 48 : i32
    %broadcast_in_dim3A_297 = vector.broadcast %jit3A_296 : i32 to vector<128x128xi32>
    %select_n3A_298 = arith.select %gt3A_295, %broadcast_in_dim3A_297, %select_n3A_292 : vector<128x128xi1>, vector<128x128xi32>
    %select_n3A_299 = arith.select %gt3A_295, %slice3A_294, %select_n3A_293 : vector<128x128xi1>, vector<128x128xf32>
    %slice3A_300 = vector.extract_strided_slice %dot_general3A_12 {offsets = [0, 6272], sizes = [128, 128], strides = [1, 1]} : vector<1024x8192xf32> to vector<128x128xf32>
    %gt3A_301 = arith.cmpf ogt, %slice3A_300, %select_n3A_299 : vector<128x128xf32>
    %jit3A_302 = arith.constant 49 : i32
    %broadcast_in_dim3A_303 = vector.broadcast %jit3A_302 : i32 to vector<128x128xi32>
    %select_n3A_304 = arith.select %gt3A_301, %broadcast_in_dim3A_303, %select_n3A_298 : vector<128x128xi1>, vector<128x128xi32>
    %select_n3A_305 = arith.select %gt3A_301, %slice3A_300, %select_n3A_299 : vector<128x128xi1>, vector<128x128xf32>
    %slice3A_306 = vector.extract_strided_slice %dot_general3A_12 {offsets = [0, 6400], sizes = [128, 128], strides = [1, 1]} : vector<1024x8192xf32> to vector<128x128xf32>
    %gt3A_307 = arith.cmpf ogt, %slice3A_306, %select_n3A_305 : vector<128x128xf32>
    %jit3A_308 = arith.constant 50 : i32
    %broadcast_in_dim3A_309 = vector.broadcast %jit3A_308 : i32 to vector<128x128xi32>
    %select_n3A_310 = arith.select %gt3A_307, %broadcast_in_dim3A_309, %select_n3A_304 : vector<128x128xi1>, vector<128x128xi32>
    %select_n3A_311 = arith.select %gt3A_307, %slice3A_306, %select_n3A_305 : vector<128x128xi1>, vector<128x128xf32>
    %slice3A_312 = vector.extract_strided_slice %dot_general3A_12 {offsets = [0, 6528], sizes = [128, 128], strides = [1, 1]} : vector<1024x8192xf32> to vector<128x128xf32>
    %gt3A_313 = arith.cmpf ogt, %slice3A_312, %select_n3A_311 : vector<128x128xf32>
    %jit3A_314 = arith.constant 51 : i32
    %broadcast_in_dim3A_315 = vector.broadcast %jit3A_314 : i32 to vector<128x128xi32>
    %select_n3A_316 = arith.select %gt3A_313, %broadcast_in_dim3A_315, %select_n3A_310 : vector<128x128xi1>, vector<128x128xi32>
    %select_n3A_317 = arith.select %gt3A_313, %slice3A_312, %select_n3A_311 : vector<128x128xi1>, vector<128x128xf32>
    %slice3A_318 = vector.extract_strided_slice %dot_general3A_12 {offsets = [0, 6656], sizes = [128, 128], strides = [1, 1]} : vector<1024x8192xf32> to vector<128x128xf32>
    %gt3A_319 = arith.cmpf ogt, %slice3A_318, %select_n3A_317 : vector<128x128xf32>
    %jit3A_320 = arith.constant 52 : i32
    %broadcast_in_dim3A_321 = vector.broadcast %jit3A_320 : i32 to vector<128x128xi32>
    %select_n3A_322 = arith.select %gt3A_319, %broadcast_in_dim3A_321, %select_n3A_316 : vector<128x128xi1>, vector<128x128xi32>
    %select_n3A_323 = arith.select %gt3A_319, %slice3A_318, %select_n3A_317 : vector<128x128xi1>, vector<128x128xf32>
    %slice3A_324 = vector.extract_strided_slice %dot_general3A_12 {offsets = [0, 6784], sizes = [128, 128], strides = [1, 1]} : vector<1024x8192xf32> to vector<128x128xf32>
    %gt3A_325 = arith.cmpf ogt, %slice3A_324, %select_n3A_323 : vector<128x128xf32>
    %jit3A_326 = arith.constant 53 : i32
    %broadcast_in_dim3A_327 = vector.broadcast %jit3A_326 : i32 to vector<128x128xi32>
    %select_n3A_328 = arith.select %gt3A_325, %broadcast_in_dim3A_327, %select_n3A_322 : vector<128x128xi1>, vector<128x128xi32>
    %select_n3A_329 = arith.select %gt3A_325, %slice3A_324, %select_n3A_323 : vector<128x128xi1>, vector<128x128xf32>
    %slice3A_330 = vector.extract_strided_slice %dot_general3A_12 {offsets = [0, 6912], sizes = [128, 128], strides = [1, 1]} : vector<1024x8192xf32> to vector<128x128xf32>
    %gt3A_331 = arith.cmpf ogt, %slice3A_330, %select_n3A_329 : vector<128x128xf32>
    %jit3A_332 = arith.constant 54 : i32
    %broadcast_in_dim3A_333 = vector.broadcast %jit3A_332 : i32 to vector<128x128xi32>
    %select_n3A_334 = arith.select %gt3A_331, %broadcast_in_dim3A_333, %select_n3A_328 : vector<128x128xi1>, vector<128x128xi32>
    %select_n3A_335 = arith.select %gt3A_331, %slice3A_330, %select_n3A_329 : vector<128x128xi1>, vector<128x128xf32>
    %slice3A_336 = vector.extract_strided_slice %dot_general3A_12 {offsets = [0, 7040], sizes = [128, 128], strides = [1, 1]} : vector<1024x8192xf32> to vector<128x128xf32>
    %gt3A_337 = arith.cmpf ogt, %slice3A_336, %select_n3A_335 : vector<128x128xf32>
    %jit3A_338 = arith.constant 55 : i32
    %broadcast_in_dim3A_339 = vector.broadcast %jit3A_338 : i32 to vector<128x128xi32>
    %select_n3A_340 = arith.select %gt3A_337, %broadcast_in_dim3A_339, %select_n3A_334 : vector<128x128xi1>, vector<128x128xi32>
    %select_n3A_341 = arith.select %gt3A_337, %slice3A_336, %select_n3A_335 : vector<128x128xi1>, vector<128x128xf32>
    %slice3A_342 = vector.extract_strided_slice %dot_general3A_12 {offsets = [0, 7168], sizes = [128, 128], strides = [1, 1]} : vector<1024x8192xf32> to vector<128x128xf32>
    %gt3A_343 = arith.cmpf ogt, %slice3A_342, %select_n3A_341 : vector<128x128xf32>
    %jit3A_344 = arith.constant 56 : i32
    %broadcast_in_dim3A_345 = vector.broadcast %jit3A_344 : i32 to vector<128x128xi32>
    %select_n3A_346 = arith.select %gt3A_343, %broadcast_in_dim3A_345, %select_n3A_340 : vector<128x128xi1>, vector<128x128xi32>
    %select_n3A_347 = arith.select %gt3A_343, %slice3A_342, %select_n3A_341 : vector<128x128xi1>, vector<128x128xf32>
    %slice3A_348 = vector.extract_strided_slice %dot_general3A_12 {offsets = [0, 7296], sizes = [128, 128], strides = [1, 1]} : vector<1024x8192xf32> to vector<128x128xf32>
    %gt3A_349 = arith.cmpf ogt, %slice3A_348, %select_n3A_347 : vector<128x128xf32>
    %jit3A_350 = arith.constant 57 : i32
    %broadcast_in_dim3A_351 = vector.broadcast %jit3A_350 : i32 to vector<128x128xi32>
    %select_n3A_352 = arith.select %gt3A_349, %broadcast_in_dim3A_351, %select_n3A_346 : vector<128x128xi1>, vector<128x128xi32>
    %select_n3A_353 = arith.select %gt3A_349, %slice3A_348, %select_n3A_347 : vector<128x128xi1>, vector<128x128xf32>
    %slice3A_354 = vector.extract_strided_slice %dot_general3A_12 {offsets = [0, 7424], sizes = [128, 128], strides = [1, 1]} : vector<1024x8192xf32> to vector<128x128xf32>
    %gt3A_355 = arith.cmpf ogt, %slice3A_354, %select_n3A_353 : vector<128x128xf32>
    %jit3A_356 = arith.constant 58 : i32
    %broadcast_in_dim3A_357 = vector.broadcast %jit3A_356 : i32 to vector<128x128xi32>
    %select_n3A_358 = arith.select %gt3A_355, %broadcast_in_dim3A_357, %select_n3A_352 : vector<128x128xi1>, vector<128x128xi32>
    %select_n3A_359 = arith.select %gt3A_355, %slice3A_354, %select_n3A_353 : vector<128x128xi1>, vector<128x128xf32>
    %slice3A_360 = vector.extract_strided_slice %dot_general3A_12 {offsets = [0, 7552], sizes = [128, 128], strides = [1, 1]} : vector<1024x8192xf32> to vector<128x128xf32>
    %gt3A_361 = arith.cmpf ogt, %slice3A_360, %select_n3A_359 : vector<128x128xf32>
    %jit3A_362 = arith.constant 59 : i32
    %broadcast_in_dim3A_363 = vector.broadcast %jit3A_362 : i32 to vector<128x128xi32>
    %select_n3A_364 = arith.select %gt3A_361, %broadcast_in_dim3A_363, %select_n3A_358 : vector<128x128xi1>, vector<128x128xi32>
    %select_n3A_365 = arith.select %gt3A_361, %slice3A_360, %select_n3A_359 : vector<128x128xi1>, vector<128x128xf32>
    %slice3A_366 = vector.extract_strided_slice %dot_general3A_12 {offsets = [0, 7680], sizes = [128, 128], strides = [1, 1]} : vector<1024x8192xf32> to vector<128x128xf32>
    %gt3A_367 = arith.cmpf ogt, %slice3A_366, %select_n3A_365 : vector<128x128xf32>
    %jit3A_368 = arith.constant 60 : i32
    %broadcast_in_dim3A_369 = vector.broadcast %jit3A_368 : i32 to vector<128x128xi32>
    %select_n3A_370 = arith.select %gt3A_367, %broadcast_in_dim3A_369, %select_n3A_364 : vector<128x128xi1>, vector<128x128xi32>
    %select_n3A_371 = arith.select %gt3A_367, %slice3A_366, %select_n3A_365 : vector<128x128xi1>, vector<128x128xf32>
    %slice3A_372 = vector.extract_strided_slice %dot_general3A_12 {offsets = [0, 7808], sizes = [128, 128], strides = [1, 1]} : vector<1024x8192xf32> to vector<128x128xf32>
    %gt3A_373 = arith.cmpf ogt, %slice3A_372, %select_n3A_371 : vector<128x128xf32>
    %jit3A_374 = arith.constant 61 : i32
    %broadcast_in_dim3A_375 = vector.broadcast %jit3A_374 : i32 to vector<128x128xi32>
    %select_n3A_376 = arith.select %gt3A_373, %broadcast_in_dim3A_375, %select_n3A_370 : vector<128x128xi1>, vector<128x128xi32>
    %select_n3A_377 = arith.select %gt3A_373, %slice3A_372, %select_n3A_371 : vector<128x128xi1>, vector<128x128xf32>
    %slice3A_378 = vector.extract_strided_slice %dot_general3A_12 {offsets = [0, 7936], sizes = [128, 128], strides = [1, 1]} : vector<1024x8192xf32> to vector<128x128xf32>
    %gt3A_379 = arith.cmpf ogt, %slice3A_378, %select_n3A_377 : vector<128x128xf32>
    %jit3A_380 = arith.constant 62 : i32
    %broadcast_in_dim3A_381 = vector.broadcast %jit3A_380 : i32 to vector<128x128xi32>
    %select_n3A_382 = arith.select %gt3A_379, %broadcast_in_dim3A_381, %select_n3A_376 : vector<128x128xi1>, vector<128x128xi32>
    %select_n3A_383 = arith.select %gt3A_379, %slice3A_378, %select_n3A_377 : vector<128x128xi1>, vector<128x128xf32>
    %slice3A_384 = vector.extract_strided_slice %dot_general3A_12 {offsets = [0, 8064], sizes = [128, 128], strides = [1, 1]} : vector<1024x8192xf32> to vector<128x128xf32>
    %gt3A_385 = arith.cmpf ogt, %slice3A_384, %select_n3A_383 : vector<128x128xf32>
    %jit3A_386 = arith.constant 63 : i32
    %broadcast_in_dim3A_387 = vector.broadcast %jit3A_386 : i32 to vector<128x128xi32>
    %select_n3A_388 = arith.select %gt3A_385, %broadcast_in_dim3A_387, %select_n3A_382 : vector<128x128xi1>, vector<128x128xi32>
    %select_n3A_389 = arith.select %gt3A_385, %slice3A_384, %select_n3A_383 : vector<128x128xi1>, vector<128x128xf32>
    %reduce_max3A = arith.constant dense<0xFF800000> : vector<128xf32>
    %reduce_max3A_390 = vector.multi_reduction <maximumf>, %select_n3A_389, %reduce_max3A [1] : vector<128x128xf32> to vector<128xf32>
    %broadcast_in_dim3A_391 = vector.shape_cast %reduce_max3A_390 : vector<128xf32> to vector<128x1xf32>
    %eq3A_392 = vector.broadcast %broadcast_in_dim3A_391 : vector<128x1xf32> to vector<128x128xf32>
    %eq3A_393 = arith.cmpf oeq, %select_n3A_389, %eq3A_392 : vector<128x128xf32>
    %mul3A_394 = arith.constant 128 : i32
    %mul3A_395 = vector.broadcast %mul3A_394 : i32 to vector<128x128xi32>
    %mul3A_396 = arith.muli %select_n3A_388, %mul3A_395 : vector<128x128xi32>
    %add3A = arith.addi %mul3A_396, %iota3A : vector<128x128xi32>
    %jit3A_397 = arith.constant 8192 : i32
    %broadcast_in_dim3A_398 = vector.broadcast %jit3A_397 : i32 to vector<128x128xi32>
    %select_n3A_399 = arith.select %eq3A_393, %add3A, %broadcast_in_dim3A_398 : vector<128x128xi1>, vector<128x128xi32>
    %reduce_min3A = arith.constant dense<2147483647> : vector<128xi32>
    %reduce_min3A_400 = vector.multi_reduction <minsi>, %select_n3A_399, %reduce_min3A [1] : vector<128x128xi32> to vector<128xi32>
    %swap3A = arith.constant 0 : index
    %swap3A_401 = arith.constant 0 : index
    %swap3A_402 = arith.constant 0 : index
    %swap3A_403 = vector.load %arg3[%swap3A, %swap3A_401, %swap3A_402] : memref<1x1x1024xi32, #tpu.memory_space<vmem>>, vector<1x1x128xi32>
    %swap3A_404 = vector.shape_cast %swap3A_403 : vector<1x1x128xi32> to vector<128xi32>
    %swap3A_405 = vector.shape_cast %reduce_min3A_400 : vector<128xi32> to vector<1x1x128xi32>
    tpu.vector_store %arg3[%swap3A, %swap3A_401, %swap3A_402], %swap3A_405 {strides = array<i32>} : memref<1x1x1024xi32, #tpu.memory_space<vmem>>, vector<1x1x128xi32>,
    %get3A_406 = arith.constant 0 : index
    %get3A_407 = arith.constant 0 : index
    %get3A_408 = vector.load %arg7[%get3A_406, %get3A_407] : memref<8x128xf32, #tpu.memory_space<vmem>>, vector<1x128xf32>
    %get3A_409 = vector.shape_cast %get3A_408 : vector<1x128xf32> to vector<128xf32>
    %add3A_410 = arith.addf %get3A_409, %reduce_max3A_390 : vector<128xf32>
    %swap3A_411 = arith.constant 0 : index
    %swap3A_412 = arith.constant 0 : index
    %swap3A_413 = vector.load %arg7[%swap3A_411, %swap3A_412] : memref<8x128xf32, #tpu.memory_space<vmem>>, vector<1x128xf32>
    %swap3A_414 = vector.shape_cast %swap3A_413 : vector<1x128xf32> to vector<128xf32>
    %swap3A_415 = vector.shape_cast %add3A_410 : vector<128xf32> to vector<1x128xf32>
    tpu.vector_store %arg7[%swap3A_411, %swap3A_412], %swap3A_415 {strides = array<i32>} : memref<8x128xf32, #tpu.memory_space<vmem>>, vector<1x128xf32>,
    %slice3A_416 = vector.extract_strided_slice %dot_general3A_12 {offsets = [128, 0], sizes = [128, 128], strides = [1, 1]} : vector<1024x8192xf32> to vector<128x128xf32>
    %broadcast_in_dim3A_417 = arith.constant 0 : i32
    %broadcast_in_dim3A_418 = vector.broadcast %broadcast_in_dim3A_417 : i32 to vector<128x128xi32>
    %slice3A_419 = vector.extract_strided_slice %dot_general3A_12 {offsets = [128, 128], sizes = [128, 128], strides = [1, 1]} : vector<1024x8192xf32> to vector<128x128xf32>
    %gt3A_420 = arith.cmpf ogt, %slice3A_419, %slice3A_416 : vector<128x128xf32>
    %jit3A_421 = arith.constant 1 : i32
    %broadcast_in_dim3A_422 = vector.broadcast %jit3A_421 : i32 to vector<128x128xi32>
    %select_n3A_423 = arith.select %gt3A_420, %broadcast_in_dim3A_422, %broadcast_in_dim3A_418 : vector<128x128xi1>, vector<128x128xi32>
    %select_n3A_424 = arith.select %gt3A_420, %slice3A_419, %slice3A_416 : vector<128x128xi1>, vector<128x128xf32>
    %slice3A_425 = vector.extract_strided_slice %dot_general3A_12 {offsets = [128, 256], sizes = [128, 128], strides = [1, 1]} : vector<1024x8192xf32> to vector<128x128xf32>
    %gt3A_426 = arith.cmpf ogt, %slice3A_425, %select_n3A_424 : vector<128x128xf32>
    %jit3A_427 = arith.constant 2 : i32
    %broadcast_in_dim3A_428 = vector.broadcast %jit3A_427 : i32 to vector<128x128xi32>
    %select_n3A_429 = arith.select %gt3A_426, %broadcast_in_dim3A_428, %select_n3A_423 : vector<128x128xi1>, vector<128x128xi32>
    %select_n3A_430 = arith.select %gt3A_426, %slice3A_425, %select_n3A_424 : vector<128x128xi1>, vector<128x128xf32>
    %slice3A_431 = vector.extract_strided_slice %dot_general3A_12 {offsets = [128, 384], sizes = [128, 128], strides = [1, 1]} : vector<1024x8192xf32> to vector<128x128xf32>
    %gt3A_432 = arith.cmpf ogt, %slice3A_431, %select_n3A_430 : vector<128x128xf32>
    %jit3A_433 = arith.constant 3 : i32
    %broadcast_in_dim3A_434 = vector.broadcast %jit3A_433 : i32 to vector<128x128xi32>
    %select_n3A_435 = arith.select %gt3A_432, %broadcast_in_dim3A_434, %select_n3A_429 : vector<128x128xi1>, vector<128x128xi32>
    %select_n3A_436 = arith.select %gt3A_432, %slice3A_431, %select_n3A_430 : vector<128x128xi1>, vector<128x128xf32>
    %slice3A_437 = vector.extract_strided_slice %dot_general3A_12 {offsets = [128, 512], sizes = [128, 128], strides = [1, 1]} : vector<1024x8192xf32> to vector<128x128xf32>
    %gt3A_438 = arith.cmpf ogt, %slice3A_437, %select_n3A_436 : vector<128x128xf32>
    %jit3A_439 = arith.constant 4 : i32
    %broadcast_in_dim3A_440 = vector.broadcast %jit3A_439 : i32 to vector<128x128xi32>
    %select_n3A_441 = arith.select %gt3A_438, %broadcast_in_dim3A_440, %select_n3A_435 : vector<128x128xi1>, vector<128x128xi32>
    %select_n3A_442 = arith.select %gt3A_438, %slice3A_437, %select_n3A_436 : vector<128x128xi1>, vector<128x128xf32>
    %slice3A_443 = vector.extract_strided_slice %dot_general3A_12 {offsets = [128, 640], sizes = [128, 128], strides = [1, 1]} : vector<1024x8192xf32> to vector<128x128xf32>
    %gt3A_444 = arith.cmpf ogt, %slice3A_443, %select_n3A_442 : vector<128x128xf32>
    %jit3A_445 = arith.constant 5 : i32
    %broadcast_in_dim3A_446 = vector.broadcast %jit3A_445 : i32 to vector<128x128xi32>
    %select_n3A_447 = arith.select %gt3A_444, %broadcast_in_dim3A_446, %select_n3A_441 : vector<128x128xi1>, vector<128x128xi32>
    %select_n3A_448 = arith.select %gt3A_444, %slice3A_443, %select_n3A_442 : vector<128x128xi1>, vector<128x128xf32>
    %slice3A_449 = vector.extract_strided_slice %dot_general3A_12 {offsets = [128, 768], sizes = [128, 128], strides = [1, 1]} : vector<1024x8192xf32> to vector<128x128xf32>
    %gt3A_450 = arith.cmpf ogt, %slice3A_449, %select_n3A_448 : vector<128x128xf32>
    %jit3A_451 = arith.constant 6 : i32
    %broadcast_in_dim3A_452 = vector.broadcast %jit3A_451 : i32 to vector<128x128xi32>
    %select_n3A_453 = arith.select %gt3A_450, %broadcast_in_dim3A_452, %select_n3A_447 : vector<128x128xi1>, vector<128x128xi32>
    %select_n3A_454 = arith.select %gt3A_450, %slice3A_449, %select_n3A_448 : vector<128x128xi1>, vector<128x128xf32>
    %slice3A_455 = vector.extract_strided_slice %dot_general3A_12 {offsets = [128, 896], sizes = [128, 128], strides = [1, 1]} : vector<1024x8192xf32> to vector<128x128xf32>
    %gt3A_456 = arith.cmpf ogt, %slice3A_455, %select_n3A_454 : vector<128x128xf32>
    %jit3A_457 = arith.constant 7 : i32
    %broadcast_in_dim3A_458 = vector.broadcast %jit3A_457 : i32 to vector<128x128xi32>
    %select_n3A_459 = arith.select %gt3A_456, %broadcast_in_dim3A_458, %select_n3A_453 : vector<128x128xi1>, vector<128x128xi32>
    %select_n3A_460 = arith.select %gt3A_456, %slice3A_455, %select_n3A_454 : vector<128x128xi1>, vector<128x128xf32>
    %slice3A_461 = vector.extract_strided_slice %dot_general3A_12 {offsets = [128, 1024], sizes = [128, 128], strides = [1, 1]} : vector<1024x8192xf32> to vector<128x128xf32>
    %gt3A_462 = arith.cmpf ogt, %slice3A_461, %select_n3A_460 : vector<128x128xf32>
    %jit3A_463 = arith.constant 8 : i32
    %broadcast_in_dim3A_464 = vector.broadcast %jit3A_463 : i32 to vector<128x128xi32>
    %select_n3A_465 = arith.select %gt3A_462, %broadcast_in_dim3A_464, %select_n3A_459 : vector<128x128xi1>, vector<128x128xi32>
    %select_n3A_466 = arith.select %gt3A_462, %slice3A_461, %select_n3A_460 : vector<128x128xi1>, vector<128x128xf32>
    %slice3A_467 = vector.extract_strided_slice %dot_general3A_12 {offsets = [128, 1152], sizes = [128, 128], strides = [1, 1]} : vector<1024x8192xf32> to vector<128x128xf32>
    %gt3A_468 = arith.cmpf ogt, %slice3A_467, %select_n3A_466 : vector<128x128xf32>
    %jit3A_469 = arith.constant 9 : i32
    %broadcast_in_dim3A_470 = vector.broadcast %jit3A_469 : i32 to vector<128x128xi32>
    %select_n3A_471 = arith.select %gt3A_468, %broadcast_in_dim3A_470, %select_n3A_465 : vector<128x128xi1>, vector<128x128xi32>
    %select_n3A_472 = arith.select %gt3A_468, %slice3A_467, %select_n3A_466 : vector<128x128xi1>, vector<128x128xf32>
    %slice3A_473 = vector.extract_strided_slice %dot_general3A_12 {offsets = [128, 1280], sizes = [128, 128], strides = [1, 1]} : vector<1024x8192xf32> to vector<128x128xf32>
    %gt3A_474 = arith.cmpf ogt, %slice3A_473, %select_n3A_472 : vector<128x128xf32>
    %jit3A_475 = arith.constant 10 : i32
    %broadcast_in_dim3A_476 = vector.broadcast %jit3A_475 : i32 to vector<128x128xi32>
    %select_n3A_477 = arith.select %gt3A_474, %broadcast_in_dim3A_476, %select_n3A_471 : vector<128x128xi1>, vector<128x128xi32>
    %select_n3A_478 = arith.select %gt3A_474, %slice3A_473, %select_n3A_472 : vector<128x128xi1>, vector<128x128xf32>
    %slice3A_479 = vector.extract_strided_slice %dot_general3A_12 {offsets = [128, 1408], sizes = [128, 128], strides = [1, 1]} : vector<1024x8192xf32> to vector<128x128xf32>
    %gt3A_480 = arith.cmpf ogt, %slice3A_479, %select_n3A_478 : vector<128x128xf32>
    %jit3A_481 = arith.constant 11 : i32
    %broadcast_in_dim3A_482 = vector.broadcast %jit3A_481 : i32 to vector<128x128xi32>
    %select_n3A_483 = arith.select %gt3A_480, %broadcast_in_dim3A_482, %select_n3A_477 : vector<128x128xi1>, vector<128x128xi32>
    %select_n3A_484 = arith.select %gt3A_480, %slice3A_479, %select_n3A_478 : vector<128x128xi1>, vector<128x128xf32>
    %slice3A_485 = vector.extract_strided_slice %dot_general3A_12 {offsets = [128, 1536], sizes = [128, 128], strides = [1, 1]} : vector<1024x8192xf32> to vector<128x128xf32>
    %gt3A_486 = arith.cmpf ogt, %slice3A_485, %select_n3A_484 : vector<128x128xf32>
    %jit3A_487 = arith.constant 12 : i32
    %broadcast_in_dim3A_488 = vector.broadcast %jit3A_487 : i32 to vector<128x128xi32>
    %select_n3A_489 = arith.select %gt3A_486, %broadcast_in_dim3A_488, %select_n3A_483 : vector<128x128xi1>, vector<128x128xi32>
    %select_n3A_490 = arith.select %gt3A_486, %slice3A_485, %select_n3A_484 : vector<128x128xi1>, vector<128x128xf32>
    %slice3A_491 = vector.extract_strided_slice %dot_general3A_12 {offsets = [128, 1664], sizes = [128, 128], strides = [1, 1]} : vector<1024x8192xf32> to vector<128x128xf32>
    %gt3A_492 = arith.cmpf ogt, %slice3A_491, %select_n3A_490 : vector<128x128xf32>
    %jit3A_493 = arith.constant 13 : i32
    %broadcast_in_dim3A_494 = vector.broadcast %jit3A_493 : i32 to vector<128x128xi32>
    %select_n3A_495 = arith.select %gt3A_492, %broadcast_in_dim3A_494, %select_n3A_489 : vector<128x128xi1>, vector<128x128xi32>
    %select_n3A_496 = arith.select %gt3A_492, %slice3A_491, %select_n3A_490 : vector<128x128xi1>, vector<128x128xf32>
    %slice3A_497 = vector.extract_strided_slice %dot_general3A_12 {offsets = [128, 1792], sizes = [128, 128], strides = [1, 1]} : vector<1024x8192xf32> to vector<128x128xf32>
    %gt3A_498 = arith.cmpf ogt, %slice3A_497, %select_n3A_496 : vector<128x128xf32>
    %jit3A_499 = arith.constant 14 : i32
    %broadcast_in_dim3A_500 = vector.broadcast %jit3A_499 : i32 to vector<128x128xi32>
    %select_n3A_501 = arith.select %gt3A_498, %broadcast_in_dim3A_500, %select_n3A_495 : vector<128x128xi1>, vector<128x128xi32>
    %select_n3A_502 = arith.select %gt3A_498, %slice3A_497, %select_n3A_496 : vector<128x128xi1>, vector<128x128xf32>
    %slice3A_503 = vector.extract_strided_slice %dot_general3A_12 {offsets = [128, 1920], sizes = [128, 128], strides = [1, 1]} : vector<1024x8192xf32> to vector<128x128xf32>
    %gt3A_504 = arith.cmpf ogt, %slice3A_503, %select_n3A_502 : vector<128x128xf32>
    %jit3A_505 = arith.constant 15 : i32
    %broadcast_in_dim3A_506 = vector.broadcast %jit3A_505 : i32 to vector<128x128xi32>
    %select_n3A_507 = arith.select %gt3A_504, %broadcast_in_dim3A_506, %select_n3A_501 : vector<128x128xi1>, vector<128x128xi32>
    %select_n3A_508 = arith.select %gt3A_504, %slice3A_503, %select_n3A_502 : vector<128x128xi1>, vector<128x128xf32>
    %slice3A_509 = vector.extract_strided_slice %dot_general3A_12 {offsets = [128, 2048], sizes = [128, 128], strides = [1, 1]} : vector<1024x8192xf32> to vector<128x128xf32>
    %gt3A_510 = arith.cmpf ogt, %slice3A_509, %select_n3A_508 : vector<128x128xf32>
    %jit3A_511 = arith.constant 16 : i32
    %broadcast_in_dim3A_512 = vector.broadcast %jit3A_511 : i32 to vector<128x128xi32>
    %select_n3A_513 = arith.select %gt3A_510, %broadcast_in_dim3A_512, %select_n3A_507 : vector<128x128xi1>, vector<128x128xi32>
    %select_n3A_514 = arith.select %gt3A_510, %slice3A_509, %select_n3A_508 : vector<128x128xi1>, vector<128x128xf32>
    %slice3A_515 = vector.extract_strided_slice %dot_general3A_12 {offsets = [128, 2176], sizes = [128, 128], strides = [1, 1]} : vector<1024x8192xf32> to vector<128x128xf32>
    %gt3A_516 = arith.cmpf ogt, %slice3A_515, %select_n3A_514 : vector<128x128xf32>
    %jit3A_517 = arith.constant 17 : i32
    %broadcast_in_dim3A_518 = vector.broadcast %jit3A_517 : i32 to vector<128x128xi32>
    %select_n3A_519 = arith.select %gt3A_516, %broadcast_in_dim3A_518, %select_n3A_513 : vector<128x128xi1>, vector<128x128xi32>
    %select_n3A_520 = arith.select %gt3A_516, %slice3A_515, %select_n3A_514 : vector<128x128xi1>, vector<128x128xf32>
    %slice3A_521 = vector.extract_strided_slice %dot_general3A_12 {offsets = [128, 2304], sizes = [128, 128], strides = [1, 1]} : vector<1024x8192xf32> to vector<128x128xf32>
    %gt3A_522 = arith.cmpf ogt, %slice3A_521, %select_n3A_520 : vector<128x128xf32>
    %jit3A_523 = arith.constant 18 : i32
    %broadcast_in_dim3A_524 = vector.broadcast %jit3A_523 : i32 to vector<128x128xi32>
    %select_n3A_525 = arith.select %gt3A_522, %broadcast_in_dim3A_524, %select_n3A_519 : vector<128x128xi1>, vector<128x128xi32>
    %select_n3A_526 = arith.select %gt3A_522, %slice3A_521, %select_n3A_520 : vector<128x128xi1>, vector<128x128xf32>
    %slice3A_527 = vector.extract_strided_slice %dot_general3A_12 {offsets = [128, 2432], sizes = [128, 128], strides = [1, 1]} : vector<1024x8192xf32> to vector<128x128xf32>
    %gt3A_528 = arith.cmpf ogt, %slice3A_527, %select_n3A_526 : vector<128x128xf32>
    %jit3A_529 = arith.constant 19 : i32
    %broadcast_in_dim3A_530 = vector.broadcast %jit3A_529 : i32 to vector<128x128xi32>
    %select_n3A_531 = arith.select %gt3A_528, %broadcast_in_dim3A_530, %select_n3A_525 : vector<128x128xi1>, vector<128x128xi32>
    %select_n3A_532 = arith.select %gt3A_528, %slice3A_527, %select_n3A_526 : vector<128x128xi1>, vector<128x128xf32>
    %slice3A_533 = vector.extract_strided_slice %dot_general3A_12 {offsets = [128, 2560], sizes = [128, 128], strides = [1, 1]} : vector<1024x8192xf32> to vector<128x128xf32>
    %gt3A_534 = arith.cmpf ogt, %slice3A_533, %select_n3A_532 : vector<128x128xf32>
    %jit3A_535 = arith.constant 20 : i32
    %broadcast_in_dim3A_536 = vector.broadcast %jit3A_535 : i32 to vector<128x128xi32>
    %select_n3A_537 = arith.select %gt3A_534, %broadcast_in_dim3A_536, %select_n3A_531 : vector<128x128xi1>, vector<128x128xi32>
    %select_n3A_538 = arith.select %gt3A_534, %slice3A_533, %select_n3A_532 : vector<128x128xi1>, vector<128x128xf32>
    %slice3A_539 = vector.extract_strided_slice %dot_general3A_12 {offsets = [128, 2688], sizes = [128, 128], strides = [1, 1]} : vector<1024x8192xf32> to vector<128x128xf32>
    %gt3A_540 = arith.cmpf ogt, %slice3A_539, %select_n3A_538 : vector<128x128xf32>
    %jit3A_541 = arith.constant 21 : i32
    %broadcast_in_dim3A_542 = vector.broadcast %jit3A_541 : i32 to vector<128x128xi32>
    %select_n3A_543 = arith.select %gt3A_540, %broadcast_in_dim3A_542, %select_n3A_537 : vector<128x128xi1>, vector<128x128xi32>
    %select_n3A_544 = arith.select %gt3A_540, %slice3A_539, %select_n3A_538 : vector<128x128xi1>, vector<128x128xf32>
    %slice3A_545 = vector.extract_strided_slice %dot_general3A_12 {offsets = [128, 2816], sizes = [128, 128], strides = [1, 1]} : vector<1024x8192xf32> to vector<128x128xf32>
    %gt3A_546 = arith.cmpf ogt, %slice3A_545, %select_n3A_544 : vector<128x128xf32>
    %jit3A_547 = arith.constant 22 : i32
    %broadcast_in_dim3A_548 = vector.broadcast %jit3A_547 : i32 to vector<128x128xi32>
    %select_n3A_549 = arith.select %gt3A_546, %broadcast_in_dim3A_548, %select_n3A_543 : vector<128x128xi1>, vector<128x128xi32>
    %select_n3A_550 = arith.select %gt3A_546, %slice3A_545, %select_n3A_544 : vector<128x128xi1>, vector<128x128xf32>
    %slice3A_551 = vector.extract_strided_slice %dot_general3A_12 {offsets = [128, 2944], sizes = [128, 128], strides = [1, 1]} : vector<1024x8192xf32> to vector<128x128xf32>
    %gt3A_552 = arith.cmpf ogt, %slice3A_551, %select_n3A_550 : vector<128x128xf32>
    %jit3A_553 = arith.constant 23 : i32
    %broadcast_in_dim3A_554 = vector.broadcast %jit3A_553 : i32 to vector<128x128xi32>
    %select_n3A_555 = arith.select %gt3A_552, %broadcast_in_dim3A_554, %select_n3A_549 : vector<128x128xi1>, vector<128x128xi32>
    %select_n3A_556 = arith.select %gt3A_552, %slice3A_551, %select_n3A_550 : vector<128x128xi1>, vector<128x128xf32>
    %slice3A_557 = vector.extract_strided_slice %dot_general3A_12 {offsets = [128, 3072], sizes = [128, 128], strides = [1, 1]} : vector<1024x8192xf32> to vector<128x128xf32>
    %gt3A_558 = arith.cmpf ogt, %slice3A_557, %select_n3A_556 : vector<128x128xf32>
    %jit3A_559 = arith.constant 24 : i32
    %broadcast_in_dim3A_560 = vector.broadcast %jit3A_559 : i32 to vector<128x128xi32>
    %select_n3A_561 = arith.select %gt3A_558, %broadcast_in_dim3A_560, %select_n3A_555 : vector<128x128xi1>, vector<128x128xi32>
    %select_n3A_562 = arith.select %gt3A_558, %slice3A_557, %select_n3A_556 : vector<128x128xi1>, vector<128x128xf32>
    %slice3A_563 = vector.extract_strided_slice %dot_general3A_12 {offsets = [128, 3200], sizes = [128, 128], strides = [1, 1]} : vector<1024x8192xf32> to vector<128x128xf32>
    %gt3A_564 = arith.cmpf ogt, %slice3A_563, %select_n3A_562 : vector<128x128xf32>
    %jit3A_565 = arith.constant 25 : i32
    %broadcast_in_dim3A_566 = vector.broadcast %jit3A_565 : i32 to vector<128x128xi32>
    %select_n3A_567 = arith.select %gt3A_564, %broadcast_in_dim3A_566, %select_n3A_561 : vector<128x128xi1>, vector<128x128xi32>
    %select_n3A_568 = arith.select %gt3A_564, %slice3A_563, %select_n3A_562 : vector<128x128xi1>, vector<128x128xf32>
    %slice3A_569 = vector.extract_strided_slice %dot_general3A_12 {offsets = [128, 3328], sizes = [128, 128], strides = [1, 1]} : vector<1024x8192xf32> to vector<128x128xf32>
    %gt3A_570 = arith.cmpf ogt, %slice3A_569, %select_n3A_568 : vector<128x128xf32>
    %jit3A_571 = arith.constant 26 : i32
    %broadcast_in_dim3A_572 = vector.broadcast %jit3A_571 : i32 to vector<128x128xi32>
    %select_n3A_573 = arith.select %gt3A_570, %broadcast_in_dim3A_572, %select_n3A_567 : vector<128x128xi1>, vector<128x128xi32>
    %select_n3A_574 = arith.select %gt3A_570, %slice3A_569, %select_n3A_568 : vector<128x128xi1>, vector<128x128xf32>
    %slice3A_575 = vector.extract_strided_slice %dot_general3A_12 {offsets = [128, 3456], sizes = [128, 128], strides = [1, 1]} : vector<1024x8192xf32> to vector<128x128xf32>
    %gt3A_576 = arith.cmpf ogt, %slice3A_575, %select_n3A_574 : vector<128x128xf32>
    %jit3A_577 = arith.constant 27 : i32
    %broadcast_in_dim3A_578 = vector.broadcast %jit3A_577 : i32 to vector<128x128xi32>
    %select_n3A_579 = arith.select %gt3A_576, %broadcast_in_dim3A_578, %select_n3A_573 : vector<128x128xi1>, vector<128x128xi32>
    %select_n3A_580 = arith.select %gt3A_576, %slice3A_575, %select_n3A_574 : vector<128x128xi1>, vector<128x128xf32>
    %slice3A_581 = vector.extract_strided_slice %dot_general3A_12 {offsets = [128, 3584], sizes = [128, 128], strides = [1, 1]} : vector<1024x8192xf32> to vector<128x128xf32>
    %gt3A_582 = arith.cmpf ogt, %slice3A_581, %select_n3A_580 : vector<128x128xf32>
    %jit3A_583 = arith.constant 28 : i32
    %broadcast_in_dim3A_584 = vector.broadcast %jit3A_583 : i32 to vector<128x128xi32>
    %select_n3A_585 = arith.select %gt3A_582, %broadcast_in_dim3A_584, %select_n3A_579 : vector<128x128xi1>, vector<128x128xi32>
    %select_n3A_586 = arith.select %gt3A_582, %slice3A_581, %select_n3A_580 : vector<128x128xi1>, vector<128x128xf32>
    %slice3A_587 = vector.extract_strided_slice %dot_general3A_12 {offsets = [128, 3712], sizes = [128, 128], strides = [1, 1]} : vector<1024x8192xf32> to vector<128x128xf32>
    %gt3A_588 = arith.cmpf ogt, %slice3A_587, %select_n3A_586 : vector<128x128xf32>
    %jit3A_589 = arith.constant 29 : i32
    %broadcast_in_dim3A_590 = vector.broadcast %jit3A_589 : i32 to vector<128x128xi32>
    %select_n3A_591 = arith.select %gt3A_588, %broadcast_in_dim3A_590, %select_n3A_585 : vector<128x128xi1>, vector<128x128xi32>
    %select_n3A_592 = arith.select %gt3A_588, %slice3A_587, %select_n3A_586 : vector<128x128xi1>, vector<128x128xf32>
    %slice3A_593 = vector.extract_strided_slice %dot_general3A_12 {offsets = [128, 3840], sizes = [128, 128], strides = [1, 1]} : vector<1024x8192xf32> to vector<128x128xf32>
    %gt3A_594 = arith.cmpf ogt, %slice3A_593, %select_n3A_592 : vector<128x128xf32>
    %jit3A_595 = arith.constant 30 : i32
    %broadcast_in_dim3A_596 = vector.broadcast %jit3A_595 : i32 to vector<128x128xi32>
    %select_n3A_597 = arith.select %gt3A_594, %broadcast_in_dim3A_596, %select_n3A_591 : vector<128x128xi1>, vector<128x128xi32>
    %select_n3A_598 = arith.select %gt3A_594, %slice3A_593, %select_n3A_592 : vector<128x128xi1>, vector<128x128xf32>
    %slice3A_599 = vector.extract_strided_slice %dot_general3A_12 {offsets = [128, 3968], sizes = [128, 128], strides = [1, 1]} : vector<1024x8192xf32> to vector<128x128xf32>
    %gt3A_600 = arith.cmpf ogt, %slice3A_599, %select_n3A_598 : vector<128x128xf32>
    %jit3A_601 = arith.constant 31 : i32
    %broadcast_in_dim3A_602 = vector.broadcast %jit3A_601 : i32 to vector<128x128xi32>
    %select_n3A_603 = arith.select %gt3A_600, %broadcast_in_dim3A_602, %select_n3A_597 : vector<128x128xi1>, vector<128x128xi32>
    %select_n3A_604 = arith.select %gt3A_600, %slice3A_599, %select_n3A_598 : vector<128x128xi1>, vector<128x128xf32>
    %slice3A_605 = vector.extract_strided_slice %dot_general3A_12 {offsets = [128, 4096], sizes = [128, 128], strides = [1, 1]} : vector<1024x8192xf32> to vector<128x128xf32>
    %gt3A_606 = arith.cmpf ogt, %slice3A_605, %select_n3A_604 : vector<128x128xf32>
    %jit3A_607 = arith.constant 32 : i32
    %broadcast_in_dim3A_608 = vector.broadcast %jit3A_607 : i32 to vector<128x128xi32>
    %select_n3A_609 = arith.select %gt3A_606, %broadcast_in_dim3A_608, %select_n3A_603 : vector<128x128xi1>, vector<128x128xi32>
    %select_n3A_610 = arith.select %gt3A_606, %slice3A_605, %select_n3A_604 : vector<128x128xi1>, vector<128x128xf32>
    %slice3A_611 = vector.extract_strided_slice %dot_general3A_12 {offsets = [128, 4224], sizes = [128, 128], strides = [1, 1]} : vector<1024x8192xf32> to vector<128x128xf32>
    %gt3A_612 = arith.cmpf ogt, %slice3A_611, %select_n3A_610 : vector<128x128xf32>
    %jit3A_613 = arith.constant 33 : i32
    %broadcast_in_dim3A_614 = vector.broadcast %jit3A_613 : i32 to vector<128x128xi32>
    %select_n3A_615 = arith.select %gt3A_612, %broadcast_in_dim3A_614, %select_n3A_609 : vector<128x128xi1>, vector<128x128xi32>
    %select_n3A_616 = arith.select %gt3A_612, %slice3A_611, %select_n3A_610 : vector<128x128xi1>, vector<128x128xf32>
    %slice3A_617 = vector.extract_strided_slice %dot_general3A_12 {offsets = [128, 4352], sizes = [128, 128], strides = [1, 1]} : vector<1024x8192xf32> to vector<128x128xf32>
    %gt3A_618 = arith.cmpf ogt, %slice3A_617, %select_n3A_616 : vector<128x128xf32>
    %jit3A_619 = arith.constant 34 : i32
    %broadcast_in_dim3A_620 = vector.broadcast %jit3A_619 : i32 to vector<128x128xi32>
    %select_n3A_621 = arith.select %gt3A_618, %broadcast_in_dim3A_620, %select_n3A_615 : vector<128x128xi1>, vector<128x128xi32>
    %select_n3A_622 = arith.select %gt3A_618, %slice3A_617, %select_n3A_616 : vector<128x128xi1>, vector<128x128xf32>
    %slice3A_623 = vector.extract_strided_slice %dot_general3A_12 {offsets = [128, 4480], sizes = [128, 128], strides = [1, 1]} : vector<1024x8192xf32> to vector<128x128xf32>
    %gt3A_624 = arith.cmpf ogt, %slice3A_623, %select_n3A_622 : vector<128x128xf32>
    %jit3A_625 = arith.constant 35 : i32
    %broadcast_in_dim3A_626 = vector.broadcast %jit3A_625 : i32 to vector<128x128xi32>
    %select_n3A_627 = arith.select %gt3A_624, %broadcast_in_dim3A_626, %select_n3A_621 : vector<128x128xi1>, vector<128x128xi32>
    %select_n3A_628 = arith.select %gt3A_624, %slice3A_623, %select_n3A_622 : vector<128x128xi1>, vector<128x128xf32>
    %slice3A_629 = vector.extract_strided_slice %dot_general3A_12 {offsets = [128, 4608], sizes = [128, 128], strides = [1, 1]} : vector<1024x8192xf32> to vector<128x128xf32>
    %gt3A_630 = arith.cmpf ogt, %slice3A_629, %select_n3A_628 : vector<128x128xf32>
    %jit3A_631 = arith.constant 36 : i32
    %broadcast_in_dim3A_632 = vector.broadcast %jit3A_631 : i32 to vector<128x128xi32>
    %select_n3A_633 = arith.select %gt3A_630, %broadcast_in_dim3A_632, %select_n3A_627 : vector<128x128xi1>, vector<128x128xi32>
    %select_n3A_634 = arith.select %gt3A_630, %slice3A_629, %select_n3A_628 : vector<128x128xi1>, vector<128x128xf32>
    %slice3A_635 = vector.extract_strided_slice %dot_general3A_12 {offsets = [128, 4736], sizes = [128, 128], strides = [1, 1]} : vector<1024x8192xf32> to vector<128x128xf32>
    %gt3A_636 = arith.cmpf ogt, %slice3A_635, %select_n3A_634 : vector<128x128xf32>
    %jit3A_637 = arith.constant 37 : i32
    %broadcast_in_dim3A_638 = vector.broadcast %jit3A_637 : i32 to vector<128x128xi32>
    %select_n3A_639 = arith.select %gt3A_636, %broadcast_in_dim3A_638, %select_n3A_633 : vector<128x128xi1>, vector<128x128xi32>
    %select_n3A_640 = arith.select %gt3A_636, %slice3A_635, %select_n3A_634 : vector<128x128xi1>, vector<128x128xf32>
    %slice3A_641 = vector.extract_strided_slice %dot_general3A_12 {offsets = [128, 4864], sizes = [128, 128], strides = [1, 1]} : vector<1024x8192xf32> to vector<128x128xf32>
    %gt3A_642 = arith.cmpf ogt, %slice3A_641, %select_n3A_640 : vector<128x128xf32>
    %jit3A_643 = arith.constant 38 : i32
    %broadcast_in_dim3A_644 = vector.broadcast %jit3A_643 : i32 to vector<128x128xi32>
    %select_n3A_645 = arith.select %gt3A_642, %broadcast_in_dim3A_644, %select_n3A_639 : vector<128x128xi1>, vector<128x128xi32>
    %select_n3A_646 = arith.select %gt3A_642, %slice3A_641, %select_n3A_640 : vector<128x128xi1>, vector<128x128xf32>
    %slice3A_647 = vector.extract_strided_slice %dot_general3A_12 {offsets = [128, 4992], sizes = [128, 128], strides = [1, 1]} : vector<1024x8192xf32> to vector<128x128xf32>
    %gt3A_648 = arith.cmpf ogt, %slice3A_647, %select_n3A_646 : vector<128x128xf32>
    %jit3A_649 = arith.constant 39 : i32
    %broadcast_in_dim3A_650 = vector.broadcast %jit3A_649 : i32 to vector<128x128xi32>
    %select_n3A_651 = arith.select %gt3A_648, %broadcast_in_dim3A_650, %select_n3A_645 : vector<128x128xi1>, vector<128x128xi32>
    %select_n3A_652 = arith.select %gt3A_648, %slice3A_647, %select_n3A_646 : vector<128x128xi1>, vector<128x128xf32>
    %slice3A_653 = vector.extract_strided_slice %dot_general3A_12 {offsets = [128, 5120], sizes = [128, 128], strides = [1, 1]} : vector<1024x8192xf32> to vector<128x128xf32>
    %gt3A_654 = arith.cmpf ogt, %slice3A_653, %select_n3A_652 : vector<128x128xf32>
    %jit3A_655 = arith.constant 40 : i32
    %broadcast_in_dim3A_656 = vector.broadcast %jit3A_655 : i32 to vector<128x128xi32>
    %select_n3A_657 = arith.select %gt3A_654, %broadcast_in_dim3A_656, %select_n3A_651 : vector<128x128xi1>, vector<128x128xi32>
    %select_n3A_658 = arith.select %gt3A_654, %slice3A_653, %select_n3A_652 : vector<128x128xi1>, vector<128x128xf32>
    %slice3A_659 = vector.extract_strided_slice %dot_general3A_12 {offsets = [128, 5248], sizes = [128, 128], strides = [1, 1]} : vector<1024x8192xf32> to vector<128x128xf32>
    %gt3A_660 = arith.cmpf ogt, %slice3A_659, %select_n3A_658 : vector<128x128xf32>
    %jit3A_661 = arith.constant 41 : i32
    %broadcast_in_dim3A_662 = vector.broadcast %jit3A_661 : i32 to vector<128x128xi32>
    %select_n3A_663 = arith.select %gt3A_660, %broadcast_in_dim3A_662, %select_n3A_657 : vector<128x128xi1>, vector<128x128xi32>
    %select_n3A_664 = arith.select %gt3A_660, %slice3A_659, %select_n3A_658 : vector<128x128xi1>, vector<128x128xf32>
    %slice3A_665 = vector.extract_strided_slice %dot_general3A_12 {offsets = [128, 5376], sizes = [128, 128], strides = [1, 1]} : vector<1024x8192xf32> to vector<128x128xf32>
    %gt3A_666 = arith.cmpf ogt, %slice3A_665, %select_n3A_664 : vector<128x128xf32>
    %jit3A_667 = arith.constant 42 : i32
    %broadcast_in_dim3A_668 = vector.broadcast %jit3A_667 : i32 to vector<128x128xi32>
    %select_n3A_669 = arith.select %gt3A_666, %broadcast_in_dim3A_668, %select_n3A_663 : vector<128x128xi1>, vector<128x128xi32>
    %select_n3A_670 = arith.select %gt3A_666, %slice3A_665, %select_n3A_664 : vector<128x128xi1>, vector<128x128xf32>
    %slice3A_671 = vector.extract_strided_slice %dot_general3A_12 {offsets = [128, 5504], sizes = [128, 128], strides = [1, 1]} : vector<1024x8192xf32> to vector<128x128xf32>
    %gt3A_672 = arith.cmpf ogt, %slice3A_671, %select_n3A_670 : vector<128x128xf32>
    %jit3A_673 = arith.constant 43 : i32
    %broadcast_in_dim3A_674 = vector.broadcast %jit3A_673 : i32 to vector<128x128xi32>
    %select_n3A_675 = arith.select %gt3A_672, %broadcast_in_dim3A_674, %select_n3A_669 : vector<128x128xi1>, vector<128x128xi32>
    %select_n3A_676 = arith.select %gt3A_672, %slice3A_671, %select_n3A_670 : vector<128x128xi1>, vector<128x128xf32>
    %slice3A_677 = vector.extract_strided_slice %dot_general3A_12 {offsets = [128, 5632], sizes = [128, 128], strides = [1, 1]} : vector<1024x8192xf32> to vector<128x128xf32>
    %gt3A_678 = arith.cmpf ogt, %slice3A_677, %select_n3A_676 : vector<128x128xf32>
    %jit3A_679 = arith.constant 44 : i32
    %broadcast_in_dim3A_680 = vector.broadcast %jit3A_679 : i32 to vector<128x128xi32>
    %select_n3A_681 = arith.select %gt3A_678, %broadcast_in_dim3A_680, %select_n3A_675 : vector<128x128xi1>, vector<128x128xi32>
    %select_n3A_682 = arith.select %gt3A_678, %slice3A_677, %select_n3A_676 : vector<128x128xi1>, vector<128x128xf32>
    %slice3A_683 = vector.extract_strided_slice %dot_general3A_12 {offsets = [128, 5760], sizes = [128, 128], strides = [1, 1]} : vector<1024x8192xf32> to vector<128x128xf32>
    %gt3A_684 = arith.cmpf ogt, %slice3A_683, %select_n3A_682 : vector<128x128xf32>
    %jit3A_685 = arith.constant 45 : i32
    %broadcast_in_dim3A_686 = vector.broadcast %jit3A_685 : i32 to vector<128x128xi32>
    %select_n3A_687 = arith.select %gt3A_684, %broadcast_in_dim3A_686, %select_n3A_681 : vector<128x128xi1>, vector<128x128xi32>
    %select_n3A_688 = arith.select %gt3A_684, %slice3A_683, %select_n3A_682 : vector<128x128xi1>, vector<128x128xf32>
    %slice3A_689 = vector.extract_strided_slice %dot_general3A_12 {offsets = [128, 5888], sizes = [128, 128], strides = [1, 1]} : vector<1024x8192xf32> to vector<128x128xf32>
    %gt3A_690 = arith.cmpf ogt, %slice3A_689, %select_n3A_688 : vector<128x128xf32>
    %jit3A_691 = arith.constant 46 : i32
    %broadcast_in_dim3A_692 = vector.broadcast %jit3A_691 : i32 to vector<128x128xi32>
    %select_n3A_693 = arith.select %gt3A_690, %broadcast_in_dim3A_692, %select_n3A_687 : vector<128x128xi1>, vector<128x128xi32>
    %select_n3A_694 = arith.select %gt3A_690, %slice3A_689, %select_n3A_688 : vector<128x128xi1>, vector<128x128xf32>
    %slice3A_695 = vector.extract_strided_slice %dot_general3A_12 {offsets = [128, 6016], sizes = [128, 128], strides = [1, 1]} : vector<1024x8192xf32> to vector<128x128xf32>
    %gt3A_696 = arith.cmpf ogt, %slice3A_695, %select_n3A_694 : vector<128x128xf32>
    %jit3A_697 = arith.constant 47 : i32
    %broadcast_in_dim3A_698 = vector.broadcast %jit3A_697 : i32 to vector<128x128xi32>
    %select_n3A_699 = arith.select %gt3A_696, %broadcast_in_dim3A_698, %select_n3A_693 : vector<128x128xi1>, vector<128x128xi32>
    %select_n3A_700 = arith.select %gt3A_696, %slice3A_695, %select_n3A_694 : vector<128x128xi1>, vector<128x128xf32>
    %slice3A_701 = vector.extract_strided_slice %dot_general3A_12 {offsets = [128, 6144], sizes = [128, 128], strides = [1, 1]} : vector<1024x8192xf32> to vector<128x128xf32>
    %gt3A_702 = arith.cmpf ogt, %slice3A_701, %select_n3A_700 : vector<128x128xf32>
    %jit3A_703 = arith.constant 48 : i32
    %broadcast_in_dim3A_704 = vector.broadcast %jit3A_703 : i32 to vector<128x128xi32>
    %select_n3A_705 = arith.select %gt3A_702, %broadcast_in_dim3A_704, %select_n3A_699 : vector<128x128xi1>, vector<128x128xi32>
    %select_n3A_706 = arith.select %gt3A_702, %slice3A_701, %select_n3A_700 : vector<128x128xi1>, vector<128x128xf32>
    %slice3A_707 = vector.extract_strided_slice %dot_general3A_12 {offsets = [128, 6272], sizes = [128, 128], strides = [1, 1]} : vector<1024x8192xf32> to vector<128x128xf32>
    %gt3A_708 = arith.cmpf ogt, %slice3A_707, %select_n3A_706 : vector<128x128xf32>
    %jit3A_709 = arith.constant 49 : i32
    %broadcast_in_dim3A_710 = vector.broadcast %jit3A_709 : i32 to vector<128x128xi32>
    %select_n3A_711 = arith.select %gt3A_708, %broadcast_in_dim3A_710, %select_n3A_705 : vector<128x128xi1>, vector<128x128xi32>
    %select_n3A_712 = arith.select %gt3A_708, %slice3A_707, %select_n3A_706 : vector<128x128xi1>, vector<128x128xf32>
    %slice3A_713 = vector.extract_strided_slice %dot_general3A_12 {offsets = [128, 6400], sizes = [128, 128], strides = [1, 1]} : vector<1024x8192xf32> to vector<128x128xf32>
    %gt3A_714 = arith.cmpf ogt, %slice3A_713, %select_n3A_712 : vector<128x128xf32>
    %jit3A_715 = arith.constant 50 : i32
    %broadcast_in_dim3A_716 = vector.broadcast %jit3A_715 : i32 to vector<128x128xi32>
    %select_n3A_717 = arith.select %gt3A_714, %broadcast_in_dim3A_716, %select_n3A_711 : vector<128x128xi1>, vector<128x128xi32>
    %select_n3A_718 = arith.select %gt3A_714, %slice3A_713, %select_n3A_712 : vector<128x128xi1>, vector<128x128xf32>
    %slice3A_719 = vector.extract_strided_slice %dot_general3A_12 {offsets = [128, 6528], sizes = [128, 128], strides = [1, 1]} : vector<1024x8192xf32> to vector<128x128xf32>
    %gt3A_720 = arith.cmpf ogt, %slice3A_719, %select_n3A_718 : vector<128x128xf32>
    %jit3A_721 = arith.constant 51 : i32
    %broadcast_in_dim3A_722 = vector.broadcast %jit3A_721 : i32 to vector<128x128xi32>
    %select_n3A_723 = arith.select %gt3A_720, %broadcast_in_dim3A_722, %select_n3A_717 : vector<128x128xi1>, vector<128x128xi32>
    %select_n3A_724 = arith.select %gt3A_720, %slice3A_719, %select_n3A_718 : vector<128x128xi1>, vector<128x128xf32>
    %slice3A_725 = vector.extract_strided_slice %dot_general3A_12 {offsets = [128, 6656], sizes = [128, 128], strides = [1, 1]} : vector<1024x8192xf32> to vector<128x128xf32>
    %gt3A_726 = arith.cmpf ogt, %slice3A_725, %select_n3A_724 : vector<128x128xf32>
    %jit3A_727 = arith.constant 52 : i32
    %broadcast_in_dim3A_728 = vector.broadcast %jit3A_727 : i32 to vector<128x128xi32>
    %select_n3A_729 = arith.select %gt3A_726, %broadcast_in_dim3A_728, %select_n3A_723 : vector<128x128xi1>, vector<128x128xi32>
    %select_n3A_730 = arith.select %gt3A_726, %slice3A_725, %select_n3A_724 : vector<128x128xi1>, vector<128x128xf32>
    %slice3A_731 = vector.extract_strided_slice %dot_general3A_12 {offsets = [128, 6784], sizes = [128, 128], strides = [1, 1]} : vector<1024x8192xf32> to vector<128x128xf32>
    %gt3A_732 = arith.cmpf ogt, %slice3A_731, %select_n3A_730 : vector<128x128xf32>
    %jit3A_733 = arith.constant 53 : i32
    %broadcast_in_dim3A_734 = vector.broadcast %jit3A_733 : i32 to vector<128x128xi32>
    %select_n3A_735 = arith.select %gt3A_732, %broadcast_in_dim3A_734, %select_n3A_729 : vector<128x128xi1>, vector<128x128xi32>
    %select_n3A_736 = arith.select %gt3A_732, %slice3A_731, %select_n3A_730 : vector<128x128xi1>, vector<128x128xf32>
    %slice3A_737 = vector.extract_strided_slice %dot_general3A_12 {offsets = [128, 6912], sizes = [128, 128], strides = [1, 1]} : vector<1024x8192xf32> to vector<128x128xf32>
    %gt3A_738 = arith.cmpf ogt, %slice3A_737, %select_n3A_736 : vector<128x128xf32>
    %jit3A_739 = arith.constant 54 : i32
    %broadcast_in_dim3A_740 = vector.broadcast %jit3A_739 : i32 to vector<128x128xi32>
    %select_n3A_741 = arith.select %gt3A_738, %broadcast_in_dim3A_740, %select_n3A_735 : vector<128x128xi1>, vector<128x128xi32>
    %select_n3A_742 = arith.select %gt3A_738, %slice3A_737, %select_n3A_736 : vector<128x128xi1>, vector<128x128xf32>
    %slice3A_743 = vector.extract_strided_slice %dot_general3A_12 {offsets = [128, 7040], sizes = [128, 128], strides = [1, 1]} : vector<1024x8192xf32> to vector<128x128xf32>
    %gt3A_744 = arith.cmpf ogt, %slice3A_743, %select_n3A_742 : vector<128x128xf32>
    %jit3A_745 = arith.constant 55 : i32
    %broadcast_in_dim3A_746 = vector.broadcast %jit3A_745 : i32 to vector<128x128xi32>
    %select_n3A_747 = arith.select %gt3A_744, %broadcast_in_dim3A_746, %select_n3A_741 : vector<128x128xi1>, vector<128x128xi32>
    %select_n3A_748 = arith.select %gt3A_744, %slice3A_743, %select_n3A_742 : vector<128x128xi1>, vector<128x128xf32>
    %slice3A_749 = vector.extract_strided_slice %dot_general3A_12 {offsets = [128, 7168], sizes = [128, 128], strides = [1, 1]} : vector<1024x8192xf32> to vector<128x128xf32>
    %gt3A_750 = arith.cmpf ogt, %slice3A_749, %select_n3A_748 : vector<128x128xf32>
    %jit3A_751 = arith.constant 56 : i32
    %broadcast_in_dim3A_752 = vector.broadcast %jit3A_751 : i32 to vector<128x128xi32>
    %select_n3A_753 = arith.select %gt3A_750, %broadcast_in_dim3A_752, %select_n3A_747 : vector<128x128xi1>, vector<128x128xi32>
    %select_n3A_754 = arith.select %gt3A_750, %slice3A_749, %select_n3A_748 : vector<128x128xi1>, vector<128x128xf32>
    %slice3A_755 = vector.extract_strided_slice %dot_general3A_12 {offsets = [128, 7296], sizes = [128, 128], strides = [1, 1]} : vector<1024x8192xf32> to vector<128x128xf32>
    %gt3A_756 = arith.cmpf ogt, %slice3A_755, %select_n3A_754 : vector<128x128xf32>
    %jit3A_757 = arith.constant 57 : i32
    %broadcast_in_dim3A_758 = vector.broadcast %jit3A_757 : i32 to vector<128x128xi32>
    %select_n3A_759 = arith.select %gt3A_756, %broadcast_in_dim3A_758, %select_n3A_753 : vector<128x128xi1>, vector<128x128xi32>
    %select_n3A_760 = arith.select %gt3A_756, %slice3A_755, %select_n3A_754 : vector<128x128xi1>, vector<128x128xf32>
    %slice3A_761 = vector.extract_strided_slice %dot_general3A_12 {offsets = [128, 7424], sizes = [128, 128], strides = [1, 1]} : vector<1024x8192xf32> to vector<128x128xf32>
    %gt3A_762 = arith.cmpf ogt, %slice3A_761, %select_n3A_760 : vector<128x128xf32>
    %jit3A_763 = arith.constant 58 : i32
    %broadcast_in_dim3A_764 = vector.broadcast %jit3A_763 : i32 to vector<128x128xi32>
    %select_n3A_765 = arith.select %gt3A_762, %broadcast_in_dim3A_764, %select_n3A_759 : vector<128x128xi1>, vector<128x128xi32>
    %select_n3A_766 = arith.select %gt3A_762, %slice3A_761, %select_n3A_760 : vector<128x128xi1>, vector<128x128xf32>
    %slice3A_767 = vector.extract_strided_slice %dot_general3A_12 {offsets = [128, 7552], sizes = [128, 128], strides = [1, 1]} : vector<1024x8192xf32> to vector<128x128xf32>
    %gt3A_768 = arith.cmpf ogt, %slice3A_767, %select_n3A_766 : vector<128x128xf32>
    %jit3A_769 = arith.constant 59 : i32
    %broadcast_in_dim3A_770 = vector.broadcast %jit3A_769 : i32 to vector<128x128xi32>
    %select_n3A_771 = arith.select %gt3A_768, %broadcast_in_dim3A_770, %select_n3A_765 : vector<128x128xi1>, vector<128x128xi32>
    %select_n3A_772 = arith.select %gt3A_768, %slice3A_767, %select_n3A_766 : vector<128x128xi1>, vector<128x128xf32>
    %slice3A_773 = vector.extract_strided_slice %dot_general3A_12 {offsets = [128, 7680], sizes = [128, 128], strides = [1, 1]} : vector<1024x8192xf32> to vector<128x128xf32>
    %gt3A_774 = arith.cmpf ogt, %slice3A_773, %select_n3A_772 : vector<128x128xf32>
    %jit3A_775 = arith.constant 60 : i32
    %broadcast_in_dim3A_776 = vector.broadcast %jit3A_775 : i32 to vector<128x128xi32>
    %select_n3A_777 = arith.select %gt3A_774, %broadcast_in_dim3A_776, %select_n3A_771 : vector<128x128xi1>, vector<128x128xi32>
    %select_n3A_778 = arith.select %gt3A_774, %slice3A_773, %select_n3A_772 : vector<128x128xi1>, vector<128x128xf32>
    %slice3A_779 = vector.extract_strided_slice %dot_general3A_12 {offsets = [128, 7808], sizes = [128, 128], strides = [1, 1]} : vector<1024x8192xf32> to vector<128x128xf32>
    %gt3A_780 = arith.cmpf ogt, %slice3A_779, %select_n3A_778 : vector<128x128xf32>
    %jit3A_781 = arith.constant 61 : i32
    %broadcast_in_dim3A_782 = vector.broadcast %jit3A_781 : i32 to vector<128x128xi32>
    %select_n3A_783 = arith.select %gt3A_780, %broadcast_in_dim3A_782, %select_n3A_777 : vector<128x128xi1>, vector<128x128xi32>
    %select_n3A_784 = arith.select %gt3A_780, %slice3A_779, %select_n3A_778 : vector<128x128xi1>, vector<128x128xf32>
    %slice3A_785 = vector.extract_strided_slice %dot_general3A_12 {offsets = [128, 7936], sizes = [128, 128], strides = [1, 1]} : vector<1024x8192xf32> to vector<128x128xf32>
    %gt3A_786 = arith.cmpf ogt, %slice3A_785, %select_n3A_784 : vector<128x128xf32>
    %jit3A_787 = arith.constant 62 : i32
    %broadcast_in_dim3A_788 = vector.broadcast %jit3A_787 : i32 to vector<128x128xi32>
    %select_n3A_789 = arith.select %gt3A_786, %broadcast_in_dim3A_788, %select_n3A_783 : vector<128x128xi1>, vector<128x128xi32>
    %select_n3A_790 = arith.select %gt3A_786, %slice3A_785, %select_n3A_784 : vector<128x128xi1>, vector<128x128xf32>
    %slice3A_791 = vector.extract_strided_slice %dot_general3A_12 {offsets = [128, 8064], sizes = [128, 128], strides = [1, 1]} : vector<1024x8192xf32> to vector<128x128xf32>
    %gt3A_792 = arith.cmpf ogt, %slice3A_791, %select_n3A_790 : vector<128x128xf32>
    %jit3A_793 = arith.constant 63 : i32
    %broadcast_in_dim3A_794 = vector.broadcast %jit3A_793 : i32 to vector<128x128xi32>
    %select_n3A_795 = arith.select %gt3A_792, %broadcast_in_dim3A_794, %select_n3A_789 : vector<128x128xi1>, vector<128x128xi32>
    %select_n3A_796 = arith.select %gt3A_792, %slice3A_791, %select_n3A_790 : vector<128x128xi1>, vector<128x128xf32>
    %reduce_max3A_797 = arith.constant dense<0xFF800000> : vector<128xf32>
    %reduce_max3A_798 = vector.multi_reduction <maximumf>, %select_n3A_796, %reduce_max3A_797 [1] : vector<128x128xf32> to vector<128xf32>
    %broadcast_in_dim3A_799 = vector.shape_cast %reduce_max3A_798 : vector<128xf32> to vector<128x1xf32>
    %eq3A_800 = vector.broadcast %broadcast_in_dim3A_799 : vector<128x1xf32> to vector<128x128xf32>
    %eq3A_801 = arith.cmpf oeq, %select_n3A_796, %eq3A_800 : vector<128x128xf32>
    %mul3A_802 = arith.constant 128 : i32
    %mul3A_803 = vector.broadcast %mul3A_802 : i32 to vector<128x128xi32>
    %mul3A_804 = arith.muli %select_n3A_795, %mul3A_803 : vector<128x128xi32>
    %add3A_805 = arith.addi %mul3A_804, %iota3A : vector<128x128xi32>
    %jit3A_806 = arith.constant 8192 : i32
    %broadcast_in_dim3A_807 = vector.broadcast %jit3A_806 : i32 to vector<128x128xi32>
    %select_n3A_808 = arith.select %eq3A_801, %add3A_805, %broadcast_in_dim3A_807 : vector<128x128xi1>, vector<128x128xi32>
    %reduce_min3A_809 = arith.constant dense<2147483647> : vector<128xi32>
    %reduce_min3A_810 = vector.multi_reduction <minsi>, %select_n3A_808, %reduce_min3A_809 [1] : vector<128x128xi32> to vector<128xi32>
    %swap3A_811 = arith.constant 0 : index
    %swap3A_812 = arith.constant 0 : index
    %swap3A_813 = arith.constant 128 : index
    %swap3A_814 = vector.load %arg3[%swap3A_811, %swap3A_812, %swap3A_813] : memref<1x1x1024xi32, #tpu.memory_space<vmem>>, vector<1x1x128xi32>
    %swap3A_815 = vector.shape_cast %swap3A_814 : vector<1x1x128xi32> to vector<128xi32>
    %swap3A_816 = vector.shape_cast %reduce_min3A_810 : vector<128xi32> to vector<1x1x128xi32>
    tpu.vector_store %arg3[%swap3A_811, %swap3A_812, %swap3A_813], %swap3A_816 {strides = array<i32>} : memref<1x1x1024xi32, #tpu.memory_space<vmem>>, vector<1x1x128xi32>,
    %get3A_817 = arith.constant 1 : index
    %get3A_818 = arith.constant 0 : index
    %get3A_819 = vector.load %arg7[%get3A_817, %get3A_818] : memref<8x128xf32, #tpu.memory_space<vmem>>, vector<1x128xf32>
    %get3A_820 = vector.shape_cast %get3A_819 : vector<1x128xf32> to vector<128xf32>
    %add3A_821 = arith.addf %get3A_820, %reduce_max3A_798 : vector<128xf32>
    %swap3A_822 = arith.constant 1 : index
    %swap3A_823 = arith.constant 0 : index
    %swap3A_824 = vector.load %arg7[%swap3A_822, %swap3A_823] : memref<8x128xf32, #tpu.memory_space<vmem>>, vector<1x128xf32>
    %swap3A_825 = vector.shape_cast %swap3A_824 : vector<1x128xf32> to vector<128xf32>
    %swap3A_826 = vector.shape_cast %add3A_821 : vector<128xf32> to vector<1x128xf32>
    tpu.vector_store %arg7[%swap3A_822, %swap3A_823], %swap3A_826 {strides = array<i32>} : memref<8x128xf32, #tpu.memory_space<vmem>>, vector<1x128xf32>,
    %slice3A_827 = vector.extract_strided_slice %dot_general3A_12 {offsets = [256, 0], sizes = [128, 128], strides = [1, 1]} : vector<1024x8192xf32> to vector<128x128xf32>
    %broadcast_in_dim3A_828 = arith.constant 0 : i32
    %broadcast_in_dim3A_829 = vector.broadcast %broadcast_in_dim3A_828 : i32 to vector<128x128xi32>
    %slice3A_830 = vector.extract_strided_slice %dot_general3A_12 {offsets = [256, 128], sizes = [128, 128], strides = [1, 1]} : vector<1024x8192xf32> to vector<128x128xf32>
    %gt3A_831 = arith.cmpf ogt, %slice3A_830, %slice3A_827 : vector<128x128xf32>
    %jit3A_832 = arith.constant 1 : i32
    %broadcast_in_dim3A_833 = vector.broadcast %jit3A_832 : i32 to vector<128x128xi32>
    %select_n3A_834 = arith.select %gt3A_831, %broadcast_in_dim3A_833, %broadcast_in_dim3A_829 : vector<128x128xi1>, vector<128x128xi32>
    %select_n3A_835 = arith.select %gt3A_831, %slice3A_830, %slice3A_827 : vector<128x128xi1>, vector<128x128xf32>
    %slice3A_836 = vector.extract_strided_slice %dot_general3A_12 {offsets = [256, 256], sizes = [128, 128], strides = [1, 1]} : vector<1024x8192xf32> to vector<128x128xf32>
    %gt3A_837 = arith.cmpf ogt, %slice3A_836, %select_n3A_835 : vector<128x128xf32>
    %jit3A_838 = arith.constant 2 : i32
    %broadcast_in_dim3A_839 = vector.broadcast %jit3A_838 : i32 to vector<128x128xi32>
    %select_n3A_840 = arith.select %gt3A_837, %broadcast_in_dim3A_839, %select_n3A_834 : vector<128x128xi1>, vector<128x128xi32>
    %select_n3A_841 = arith.select %gt3A_837, %slice3A_836, %select_n3A_835 : vector<128x128xi1>, vector<128x128xf32>
    %slice3A_842 = vector.extract_strided_slice %dot_general3A_12 {offsets = [256, 384], sizes = [128, 128], strides = [1, 1]} : vector<1024x8192xf32> to vector<128x128xf32>
    %gt3A_843 = arith.cmpf ogt, %slice3A_842, %select_n3A_841 : vector<128x128xf32>
    %jit3A_844 = arith.constant 3 : i32
    %broadcast_in_dim3A_845 = vector.broadcast %jit3A_844 : i32 to vector<128x128xi32>
    %select_n3A_846 = arith.select %gt3A_843, %broadcast_in_dim3A_845, %select_n3A_840 : vector<128x128xi1>, vector<128x128xi32>
    %select_n3A_847 = arith.select %gt3A_843, %slice3A_842, %select_n3A_841 : vector<128x128xi1>, vector<128x128xf32>
    %slice3A_848 = vector.extract_strided_slice %dot_general3A_12 {offsets = [256, 512], sizes = [128, 128], strides = [1, 1]} : vector<1024x8192xf32> to vector<128x128xf32>
    %gt3A_849 = arith.cmpf ogt, %slice3A_848, %select_n3A_847 : vector<128x128xf32>
    %jit3A_850 = arith.constant 4 : i32
    %broadcast_in_dim3A_851 = vector.broadcast %jit3A_850 : i32 to vector<128x128xi32>
    %select_n3A_852 = arith.select %gt3A_849, %broadcast_in_dim3A_851, %select_n3A_846 : vector<128x128xi1>, vector<128x128xi32>
    %select_n3A_853 = arith.select %gt3A_849, %slice3A_848, %select_n3A_847 : vector<128x128xi1>, vector<128x128xf32>
    %slice3A_854 = vector.extract_strided_slice %dot_general3A_12 {offsets = [256, 640], sizes = [128, 128], strides = [1, 1]} : vector<1024x8192xf32> to vector<128x128xf32>
    %gt3A_855 = arith.cmpf ogt, %slice3A_854, %select_n3A_853 : vector<128x128xf32>
    %jit3A_856 = arith.constant 5 : i32
    %broadcast_in_dim3A_857 = vector.broadcast %jit3A_856 : i32 to vector<128x128xi32>
    %select_n3A_858 = arith.select %gt3A_855, %broadcast_in_dim3A_857, %select_n3A_852 : vector<128x128xi1>, vector<128x128xi32>
    %select_n3A_859 = arith.select %gt3A_855, %slice3A_854, %select_n3A_853 : vector<128x128xi1>, vector<128x128xf32>
    %slice3A_860 = vector.extract_strided_slice %dot_general3A_12 {offsets = [256, 768], sizes = [128, 128], strides = [1, 1]} : vector<1024x8192xf32> to vector<128x128xf32>
    %gt3A_861 = arith.cmpf ogt, %slice3A_860, %select_n3A_859 : vector<128x128xf32>
    %jit3A_862 = arith.constant 6 : i32
    %broadcast_in_dim3A_863 = vector.broadcast %jit3A_862 : i32 to vector<128x128xi32>
    %select_n3A_864 = arith.select %gt3A_861, %broadcast_in_dim3A_863, %select_n3A_858 : vector<128x128xi1>, vector<128x128xi32>
    %select_n3A_865 = arith.select %gt3A_861, %slice3A_860, %select_n3A_859 : vector<128x128xi1>, vector<128x128xf32>
    %slice3A_866 = vector.extract_strided_slice %dot_general3A_12 {offsets = [256, 896], sizes = [128, 128], strides = [1, 1]} : vector<1024x8192xf32> to vector<128x128xf32>
    %gt3A_867 = arith.cmpf ogt, %slice3A_866, %select_n3A_865 : vector<128x128xf32>
    %jit3A_868 = arith.constant 7 : i32
    %broadcast_in_dim3A_869 = vector.broadcast %jit3A_868 : i32 to vector<128x128xi32>
    %select_n3A_870 = arith.select %gt3A_867, %broadcast_in_dim3A_869, %select_n3A_864 : vector<128x128xi1>, vector<128x128xi32>
    %select_n3A_871 = arith.select %gt3A_867, %slice3A_866, %select_n3A_865 : vector<128x128xi1>, vector<128x128xf32>
    %slice3A_872 = vector.extract_strided_slice %dot_general3A_12 {offsets = [256, 1024], sizes = [128, 128], strides = [1, 1]} : vector<1024x8192xf32> to vector<128x128xf32>
    %gt3A_873 = arith.cmpf ogt, %slice3A_872, %select_n3A_871 : vector<128x128xf32>
    %jit3A_874 = arith.constant 8 : i32
    %broadcast_in_dim3A_875 = vector.broadcast %jit3A_874 : i32 to vector<128x128xi32>
    %select_n3A_876 = arith.select %gt3A_873, %broadcast_in_dim3A_875, %select_n3A_870 : vector<128x128xi1>, vector<128x128xi32>
    %select_n3A_877 = arith.select %gt3A_873, %slice3A_872, %select_n3A_871 : vector<128x128xi1>, vector<128x128xf32>
    %slice3A_878 = vector.extract_strided_slice %dot_general3A_12 {offsets = [256, 1152], sizes = [128, 128], strides = [1, 1]} : vector<1024x8192xf32> to vector<128x128xf32>
    %gt3A_879 = arith.cmpf ogt, %slice3A_878, %select_n3A_877 : vector<128x128xf32>
    %jit3A_880 = arith.constant 9 : i32
    %broadcast_in_dim3A_881 = vector.broadcast %jit3A_880 : i32 to vector<128x128xi32>
    %select_n3A_882 = arith.select %gt3A_879, %broadcast_in_dim3A_881, %select_n3A_876 : vector<128x128xi1>, vector<128x128xi32>
    %select_n3A_883 = arith.select %gt3A_879, %slice3A_878, %select_n3A_877 : vector<128x128xi1>, vector<128x128xf32>
    %slice3A_884 = vector.extract_strided_slice %dot_general3A_12 {offsets = [256, 1280], sizes = [128, 128], strides = [1, 1]} : vector<1024x8192xf32> to vector<128x128xf32>
    %gt3A_885 = arith.cmpf ogt, %slice3A_884, %select_n3A_883 : vector<128x128xf32>
    %jit3A_886 = arith.constant 10 : i32
    %broadcast_in_dim3A_887 = vector.broadcast %jit3A_886 : i32 to vector<128x128xi32>
    %select_n3A_888 = arith.select %gt3A_885, %broadcast_in_dim3A_887, %select_n3A_882 : vector<128x128xi1>, vector<128x128xi32>
    %select_n3A_889 = arith.select %gt3A_885, %slice3A_884, %select_n3A_883 : vector<128x128xi1>, vector<128x128xf32>
    %slice3A_890 = vector.extract_strided_slice %dot_general3A_12 {offsets = [256, 1408], sizes = [128, 128], strides = [1, 1]} : vector<1024x8192xf32> to vector<128x128xf32>
    %gt3A_891 = arith.cmpf ogt, %slice3A_890, %select_n3A_889 : vector<128x128xf32>
    %jit3A_892 = arith.constant 11 : i32
    %broadcast_in_dim3A_893 = vector.broadcast %jit3A_892 : i32 to vector<128x128xi32>
    %select_n3A_894 = arith.select %gt3A_891, %broadcast_in_dim3A_893, %select_n3A_888 : vector<128x128xi1>, vector<128x128xi32>
    %select_n3A_895 = arith.select %gt3A_891, %slice3A_890, %select_n3A_889 : vector<128x128xi1>, vector<128x128xf32>
    %slice3A_896 = vector.extract_strided_slice %dot_general3A_12 {offsets = [256, 1536], sizes = [128, 128], strides = [1, 1]} : vector<1024x8192xf32> to vector<128x128xf32>
    %gt3A_897 = arith.cmpf ogt, %slice3A_896, %select_n3A_895 : vector<128x128xf32>
    %jit3A_898 = arith.constant 12 : i32
    %broadcast_in_dim3A_899 = vector.broadcast %jit3A_898 : i32 to vector<128x128xi32>
    %select_n3A_900 = arith.select %gt3A_897, %broadcast_in_dim3A_899, %select_n3A_894 : vector<128x128xi1>, vector<128x128xi32>
    %select_n3A_901 = arith.select %gt3A_897, %slice3A_896, %select_n3A_895 : vector<128x128xi1>, vector<128x128xf32>
    %slice3A_902 = vector.extract_strided_slice %dot_general3A_12 {offsets = [256, 1664], sizes = [128, 128], strides = [1, 1]} : vector<1024x8192xf32> to vector<128x128xf32>
    %gt3A_903 = arith.cmpf ogt, %slice3A_902, %select_n3A_901 : vector<128x128xf32>
    %jit3A_904 = arith.constant 13 : i32
    %broadcast_in_dim3A_905 = vector.broadcast %jit3A_904 : i32 to vector<128x128xi32>
    %select_n3A_906 = arith.select %gt3A_903, %broadcast_in_dim3A_905, %select_n3A_900 : vector<128x128xi1>, vector<128x128xi32>
    %select_n3A_907 = arith.select %gt3A_903, %slice3A_902, %select_n3A_901 : vector<128x128xi1>, vector<128x128xf32>
    %slice3A_908 = vector.extract_strided_slice %dot_general3A_12 {offsets = [256, 1792], sizes = [128, 128], strides = [1, 1]} : vector<1024x8192xf32> to vector<128x128xf32>
    %gt3A_909 = arith.cmpf ogt, %slice3A_908, %select_n3A_907 : vector<128x128xf32>
    %jit3A_910 = arith.constant 14 : i32
    %broadcast_in_dim3A_911 = vector.broadcast %jit3A_910 : i32 to vector<128x128xi32>
    %select_n3A_912 = arith.select %gt3A_909, %broadcast_in_dim3A_911, %select_n3A_906 : vector<128x128xi1>, vector<128x128xi32>
    %select_n3A_913 = arith.select %gt3A_909, %slice3A_908, %select_n3A_907 : vector<128x128xi1>, vector<128x128xf32>
    %slice3A_914 = vector.extract_strided_slice %dot_general3A_12 {offsets = [256, 1920], sizes = [128, 128], strides = [1, 1]} : vector<1024x8192xf32> to vector<128x128xf32>
    %gt3A_915 = arith.cmpf ogt, %slice3A_914, %select_n3A_913 : vector<128x128xf32>
    %jit3A_916 = arith.constant 15 : i32
    %broadcast_in_dim3A_917 = vector.broadcast %jit3A_916 : i32 to vector<128x128xi32>
    %select_n3A_918 = arith.select %gt3A_915, %broadcast_in_dim3A_917, %select_n3A_912 : vector<128x128xi1>, vector<128x128xi32>
    %select_n3A_919 = arith.select %gt3A_915, %slice3A_914, %select_n3A_913 : vector<128x128xi1>, vector<128x128xf32>
    %slice3A_920 = vector.extract_strided_slice %dot_general3A_12 {offsets = [256, 2048], sizes = [128, 128], strides = [1, 1]} : vector<1024x8192xf32> to vector<128x128xf32>
    %gt3A_921 = arith.cmpf ogt, %slice3A_920, %select_n3A_919 : vector<128x128xf32>
    %jit3A_922 = arith.constant 16 : i32
    %broadcast_in_dim3A_923 = vector.broadcast %jit3A_922 : i32 to vector<128x128xi32>
    %select_n3A_924 = arith.select %gt3A_921, %broadcast_in_dim3A_923, %select_n3A_918 : vector<128x128xi1>, vector<128x128xi32>
    %select_n3A_925 = arith.select %gt3A_921, %slice3A_920, %select_n3A_919 : vector<128x128xi1>, vector<128x128xf32>
    %slice3A_926 = vector.extract_strided_slice %dot_general3A_12 {offsets = [256, 2176], sizes = [128, 128], strides = [1, 1]} : vector<1024x8192xf32> to vector<128x128xf32>
    %gt3A_927 = arith.cmpf ogt, %slice3A_926, %select_n3A_925 : vector<128x128xf32>
    %jit3A_928 = arith.constant 17 : i32
    %broadcast_in_dim3A_929 = vector.broadcast %jit3A_928 : i32 to vector<128x128xi32>
    %select_n3A_930 = arith.select %gt3A_927, %broadcast_in_dim3A_929, %select_n3A_924 : vector<128x128xi1>, vector<128x128xi32>
    %select_n3A_931 = arith.select %gt3A_927, %slice3A_926, %select_n3A_925 : vector<128x128xi1>, vector<128x128xf32>
    %slice3A_932 = vector.extract_strided_slice %dot_general3A_12 {offsets = [256, 2304], sizes = [128, 128], strides = [1, 1]} : vector<1024x8192xf32> to vector<128x128xf32>
    %gt3A_933 = arith.cmpf ogt, %slice3A_932, %select_n3A_931 : vector<128x128xf32>
    %jit3A_934 = arith.constant 18 : i32
    %broadcast_in_dim3A_935 = vector.broadcast %jit3A_934 : i32 to vector<128x128xi32>
    %select_n3A_936 = arith.select %gt3A_933, %broadcast_in_dim3A_935, %select_n3A_930 : vector<128x128xi1>, vector<128x128xi32>
    %select_n3A_937 = arith.select %gt3A_933, %slice3A_932, %select_n3A_931 : vector<128x128xi1>, vector<128x128xf32>
    %slice3A_938 = vector.extract_strided_slice %dot_general3A_12 {offsets = [256, 2432], sizes = [128, 128], strides = [1, 1]} : vector<1024x8192xf32> to vector<128x128xf32>
    %gt3A_939 = arith.cmpf ogt, %slice3A_938, %select_n3A_937 : vector<128x128xf32>
    %jit3A_940 = arith.constant 19 : i32
    %broadcast_in_dim3A_941 = vector.broadcast %jit3A_940 : i32 to vector<128x128xi32>
    %select_n3A_942 = arith.select %gt3A_939, %broadcast_in_dim3A_941, %select_n3A_936 : vector<128x128xi1>, vector<128x128xi32>
    %select_n3A_943 = arith.select %gt3A_939, %slice3A_938, %select_n3A_937 : vector<128x128xi1>, vector<128x128xf32>
    %slice3A_944 = vector.extract_strided_slice %dot_general3A_12 {offsets = [256, 2560], sizes = [128, 128], strides = [1, 1]} : vector<1024x8192xf32> to vector<128x128xf32>
    %gt3A_945 = arith.cmpf ogt, %slice3A_944, %select_n3A_943 : vector<128x128xf32>
    %jit3A_946 = arith.constant 20 : i32
    %broadcast_in_dim3A_947 = vector.broadcast %jit3A_946 : i32 to vector<128x128xi32>
    %select_n3A_948 = arith.select %gt3A_945, %broadcast_in_dim3A_947, %select_n3A_942 : vector<128x128xi1>, vector<128x128xi32>
    %select_n3A_949 = arith.select %gt3A_945, %slice3A_944, %select_n3A_943 : vector<128x128xi1>, vector<128x128xf32>
    %slice3A_950 = vector.extract_strided_slice %dot_general3A_12 {offsets = [256, 2688], sizes = [128, 128], strides = [1, 1]} : vector<1024x8192xf32> to vector<128x128xf32>
    %gt3A_951 = arith.cmpf ogt, %slice3A_950, %select_n3A_949 : vector<128x128xf32>
    %jit3A_952 = arith.constant 21 : i32
    %broadcast_in_dim3A_953 = vector.broadcast %jit3A_952 : i32 to vector<128x128xi32>
    %select_n3A_954 = arith.select %gt3A_951, %broadcast_in_dim3A_953, %select_n3A_948 : vector<128x128xi1>, vector<128x128xi32>
    %select_n3A_955 = arith.select %gt3A_951, %slice3A_950, %select_n3A_949 : vector<128x128xi1>, vector<128x128xf32>
    %slice3A_956 = vector.extract_strided_slice %dot_general3A_12 {offsets = [256, 2816], sizes = [128, 128], strides = [1, 1]} : vector<1024x8192xf32> to vector<128x128xf32>
    %gt3A_957 = arith.cmpf ogt, %slice3A_956, %select_n3A_955 : vector<128x128xf32>
    %jit3A_958 = arith.constant 22 : i32
    %broadcast_in_dim3A_959 = vector.broadcast %jit3A_958 : i32 to vector<128x128xi32>
    %select_n3A_960 = arith.select %gt3A_957, %broadcast_in_dim3A_959, %select_n3A_954 : vector<128x128xi1>, vector<128x128xi32>
    %select_n3A_961 = arith.select %gt3A_957, %slice3A_956, %select_n3A_955 : vector<128x128xi1>, vector<128x128xf32>
    %slice3A_962 = vector.extract_strided_slice %dot_general3A_12 {offsets = [256, 2944], sizes = [128, 128], strides = [1, 1]} : vector<1024x8192xf32> to vector<128x128xf32>
    %gt3A_963 = arith.cmpf ogt, %slice3A_962, %select_n3A_961 : vector<128x128xf32>
    %jit3A_964 = arith.constant 23 : i32
    %broadcast_in_dim3A_965 = vector.broadcast %jit3A_964 : i32 to vector<128x128xi32>
    %select_n3A_966 = arith.select %gt3A_963, %broadcast_in_dim3A_965, %select_n3A_960 : vector<128x128xi1>, vector<128x128xi32>
    %select_n3A_967 = arith.select %gt3A_963, %slice3A_962, %select_n3A_961 : vector<128x128xi1>, vector<128x128xf32>
    %slice3A_968 = vector.extract_strided_slice %dot_general3A_12 {offsets = [256, 3072], sizes = [128, 128], strides = [1, 1]} : vector<1024x8192xf32> to vector<128x128xf32>
    %gt3A_969 = arith.cmpf ogt, %slice3A_968, %select_n3A_967 : vector<128x128xf32>
    %jit3A_970 = arith.constant 24 : i32
    %broadcast_in_dim3A_971 = vector.broadcast %jit3A_970 : i32 to vector<128x128xi32>
    %select_n3A_972 = arith.select %gt3A_969, %broadcast_in_dim3A_971, %select_n3A_966 : vector<128x128xi1>, vector<128x128xi32>
    %select_n3A_973 = arith.select %gt3A_969, %slice3A_968, %select_n3A_967 : vector<128x128xi1>, vector<128x128xf32>
    %slice3A_974 = vector.extract_strided_slice %dot_general3A_12 {offsets = [256, 3200], sizes = [128, 128], strides = [1, 1]} : vector<1024x8192xf32> to vector<128x128xf32>
    %gt3A_975 = arith.cmpf ogt, %slice3A_974, %select_n3A_973 : vector<128x128xf32>
    %jit3A_976 = arith.constant 25 : i32
    %broadcast_in_dim3A_977 = vector.broadcast %jit3A_976 : i32 to vector<128x128xi32>
    %select_n3A_978 = arith.select %gt3A_975, %broadcast_in_dim3A_977, %select_n3A_972 : vector<128x128xi1>, vector<128x128xi32>
    %select_n3A_979 = arith.select %gt3A_975, %slice3A_974, %select_n3A_973 : vector<128x128xi1>, vector<128x128xf32>
    %slice3A_980 = vector.extract_strided_slice %dot_general3A_12 {offsets = [256, 3328], sizes = [128, 128], strides = [1, 1]} : vector<1024x8192xf32> to vector<128x128xf32>
    %gt3A_981 = arith.cmpf ogt, %slice3A_980, %select_n3A_979 : vector<128x128xf32>
    %jit3A_982 = arith.constant 26 : i32
    %broadcast_in_dim3A_983 = vector.broadcast %jit3A_982 : i32 to vector<128x128xi32>
    %select_n3A_984 = arith.select %gt3A_981, %broadcast_in_dim3A_983, %select_n3A_978 : vector<128x128xi1>, vector<128x128xi32>
    %select_n3A_985 = arith.select %gt3A_981, %slice3A_980, %select_n3A_979 : vector<128x128xi1>, vector<128x128xf32>
    %slice3A_986 = vector.extract_strided_slice %dot_general3A_12 {offsets = [256, 3456], sizes = [128, 128], strides = [1, 1]} : vector<1024x8192xf32> to vector<128x128xf32>
    %gt3A_987 = arith.cmpf ogt, %slice3A_986, %select_n3A_985 : vector<128x128xf32>
    %jit3A_988 = arith.constant 27 : i32
    %broadcast_in_dim3A_989 = vector.broadcast %jit3A_988 : i32 to vector<128x128xi32>
    %select_n3A_990 = arith.select %gt3A_987, %broadcast_in_dim3A_989, %select_n3A_984 : vector<128x128xi1>, vector<128x128xi32>
    %select_n3A_991 = arith.select %gt3A_987, %slice3A_986, %select_n3A_985 : vector<128x128xi1>, vector<128x128xf32>
    %slice3A_992 = vector.extract_strided_slice %dot_general3A_12 {offsets = [256, 3584], sizes = [128, 128], strides = [1, 1]} : vector<1024x8192xf32> to vector<128x128xf32>
    %gt3A_993 = arith.cmpf ogt, %slice3A_992, %select_n3A_991 : vector<128x128xf32>
    %jit3A_994 = arith.constant 28 : i32
    %broadcast_in_dim3A_995 = vector.broadcast %jit3A_994 : i32 to vector<128x128xi32>
    %select_n3A_996 = arith.select %gt3A_993, %broadcast_in_dim3A_995, %select_n3A_990 : vector<128x128xi1>, vector<128x128xi32>
    %select_n3A_997 = arith.select %gt3A_993, %slice3A_992, %select_n3A_991 : vector<128x128xi1>, vector<128x128xf32>
    %slice3A_998 = vector.extract_strided_slice %dot_general3A_12 {offsets = [256, 3712], sizes = [128, 128], strides = [1, 1]} : vector<1024x8192xf32> to vector<128x128xf32>
    %gt3A_999 = arith.cmpf ogt, %slice3A_998, %select_n3A_997 : vector<128x128xf32>
    %jit3A_1000 = arith.constant 29 : i32
    %broadcast_in_dim3A_1001 = vector.broadcast %jit3A_1000 : i32 to vector<128x128xi32>
    %select_n3A_1002 = arith.select %gt3A_999, %broadcast_in_dim3A_1001, %select_n3A_996 : vector<128x128xi1>, vector<128x128xi32>
    %select_n3A_1003 = arith.select %gt3A_999, %slice3A_998, %select_n3A_997 : vector<128x128xi1>, vector<128x128xf32>
    %slice3A_1004 = vector.extract_strided_slice %dot_general3A_12 {offsets = [256, 3840], sizes = [128, 128], strides = [1, 1]} : vector<1024x8192xf32> to vector<128x128xf32>
    %gt3A_1005 = arith.cmpf ogt, %slice3A_1004, %select_n3A_1003 : vector<128x128xf32>
    %jit3A_1006 = arith.constant 30 : i32
    %broadcast_in_dim3A_1007 = vector.broadcast %jit3A_1006 : i32 to vector<128x128xi32>
    %select_n3A_1008 = arith.select %gt3A_1005, %broadcast_in_dim3A_1007, %select_n3A_1002 : vector<128x128xi1>, vector<128x128xi32>
    %select_n3A_1009 = arith.select %gt3A_1005, %slice3A_1004, %select_n3A_1003 : vector<128x128xi1>, vector<128x128xf32>
    %slice3A_1010 = vector.extract_strided_slice %dot_general3A_12 {offsets = [256, 3968], sizes = [128, 128], strides = [1, 1]} : vector<1024x8192xf32> to vector<128x128xf32>
    %gt3A_1011 = arith.cmpf ogt, %slice3A_1010, %select_n3A_1009 : vector<128x128xf32>
    %jit3A_1012 = arith.constant 31 : i32
    %broadcast_in_dim3A_1013 = vector.broadcast %jit3A_1012 : i32 to vector<128x128xi32>
    %select_n3A_1014 = arith.select %gt3A_1011, %broadcast_in_dim3A_1013, %select_n3A_1008 : vector<128x128xi1>, vector<128x128xi32>
    %select_n3A_1015 = arith.select %gt3A_1011, %slice3A_1010, %select_n3A_1009 : vector<128x128xi1>, vector<128x128xf32>
    %slice3A_1016 = vector.extract_strided_slice %dot_general3A_12 {offsets = [256, 4096], sizes = [128, 128], strides = [1, 1]} : vector<1024x8192xf32> to vector<128x128xf32>
    %gt3A_1017 = arith.cmpf ogt, %slice3A_1016, %select_n3A_1015 : vector<128x128xf32>
    %jit3A_1018 = arith.constant 32 : i32
    %broadcast_in_dim3A_1019 = vector.broadcast %jit3A_1018 : i32 to vector<128x128xi32>
    %select_n3A_1020 = arith.select %gt3A_1017, %broadcast_in_dim3A_1019, %select_n3A_1014 : vector<128x128xi1>, vector<128x128xi32>
    %select_n3A_1021 = arith.select %gt3A_1017, %slice3A_1016, %select_n3A_1015 : vector<128x128xi1>, vector<128x128xf32>
    %slice3A_1022 = vector.extract_strided_slice %dot_general3A_12 {offsets = [256, 4224], sizes = [128, 128], strides = [1, 1]} : vector<1024x8192xf32> to vector<128x128xf32>
    %gt3A_1023 = arith.cmpf ogt, %slice3A_1022, %select_n3A_1021 : vector<128x128xf32>
    %jit3A_1024 = arith.constant 33 : i32
    %broadcast_in_dim3A_1025 = vector.broadcast %jit3A_1024 : i32 to vector<128x128xi32>
    %select_n3A_1026 = arith.select %gt3A_1023, %broadcast_in_dim3A_1025, %select_n3A_1020 : vector<128x128xi1>, vector<128x128xi32>
    %select_n3A_1027 = arith.select %gt3A_1023, %slice3A_1022, %select_n3A_1021 : vector<128x128xi1>, vector<128x128xf32>
    %slice3A_1028 = vector.extract_strided_slice %dot_general3A_12 {offsets = [256, 4352], sizes = [128, 128], strides = [1, 1]} : vector<1024x8192xf32> to vector<128x128xf32>
    %gt3A_1029 = arith.cmpf ogt, %slice3A_1028, %select_n3A_1027 : vector<128x128xf32>
    %jit3A_1030 = arith.constant 34 : i32
    %broadcast_in_dim3A_1031 = vector.broadcast %jit3A_1030 : i32 to vector<128x128xi32>
    %select_n3A_1032 = arith.select %gt3A_1029, %broadcast_in_dim3A_1031, %select_n3A_1026 : vector<128x128xi1>, vector<128x128xi32>
    %select_n3A_1033 = arith.select %gt3A_1029, %slice3A_1028, %select_n3A_1027 : vector<128x128xi1>, vector<128x128xf32>
    %slice3A_1034 = vector.extract_strided_slice %dot_general3A_12 {offsets = [256, 4480], sizes = [128, 128], strides = [1, 1]} : vector<1024x8192xf32> to vector<128x128xf32>
    %gt3A_1035 = arith.cmpf ogt, %slice3A_1034, %select_n3A_1033 : vector<128x128xf32>
    %jit3A_1036 = arith.constant 35 : i32
    %broadcast_in_dim3A_1037 = vector.broadcast %jit3A_1036 : i32 to vector<128x128xi32>
    %select_n3A_1038 = arith.select %gt3A_1035, %broadcast_in_dim3A_1037, %select_n3A_1032 : vector<128x128xi1>, vector<128x128xi32>
    %select_n3A_1039 = arith.select %gt3A_1035, %slice3A_1034, %select_n3A_1033 : vector<128x128xi1>, vector<128x128xf32>
    %slice3A_1040 = vector.extract_strided_slice %dot_general3A_12 {offsets = [256, 4608], sizes = [128, 128], strides = [1, 1]} : vector<1024x8192xf32> to vector<128x128xf32>
    %gt3A_1041 = arith.cmpf ogt, %slice3A_1040, %select_n3A_1039 : vector<128x128xf32>
    %jit3A_1042 = arith.constant 36 : i32
    %broadcast_in_dim3A_1043 = vector.broadcast %jit3A_1042 : i32 to vector<128x128xi32>
    %select_n3A_1044 = arith.select %gt3A_1041, %broadcast_in_dim3A_1043, %select_n3A_1038 : vector<128x128xi1>, vector<128x128xi32>
    %select_n3A_1045 = arith.select %gt3A_1041, %slice3A_1040, %select_n3A_1039 : vector<128x128xi1>, vector<128x128xf32>
    %slice3A_1046 = vector.extract_strided_slice %dot_general3A_12 {offsets = [256, 4736], sizes = [128, 128], strides = [1, 1]} : vector<1024x8192xf32> to vector<128x128xf32>
    %gt3A_1047 = arith.cmpf ogt, %slice3A_1046, %select_n3A_1045 : vector<128x128xf32>
    %jit3A_1048 = arith.constant 37 : i32
    %broadcast_in_dim3A_1049 = vector.broadcast %jit3A_1048 : i32 to vector<128x128xi32>
    %select_n3A_1050 = arith.select %gt3A_1047, %broadcast_in_dim3A_1049, %select_n3A_1044 : vector<128x128xi1>, vector<128x128xi32>
    %select_n3A_1051 = arith.select %gt3A_1047, %slice3A_1046, %select_n3A_1045 : vector<128x128xi1>, vector<128x128xf32>
    %slice3A_1052 = vector.extract_strided_slice %dot_general3A_12 {offsets = [256, 4864], sizes = [128, 128], strides = [1, 1]} : vector<1024x8192xf32> to vector<128x128xf32>
    %gt3A_1053 = arith.cmpf ogt, %slice3A_1052, %select_n3A_1051 : vector<128x128xf32>
    %jit3A_1054 = arith.constant 38 : i32
    %broadcast_in_dim3A_1055 = vector.broadcast %jit3A_1054 : i32 to vector<128x128xi32>
    %select_n3A_1056 = arith.select %gt3A_1053, %broadcast_in_dim3A_1055, %select_n3A_1050 : vector<128x128xi1>, vector<128x128xi32>
    %select_n3A_1057 = arith.select %gt3A_1053, %slice3A_1052, %select_n3A_1051 : vector<128x128xi1>, vector<128x128xf32>
    %slice3A_1058 = vector.extract_strided_slice %dot_general3A_12 {offsets = [256, 4992], sizes = [128, 128], strides = [1, 1]} : vector<1024x8192xf32> to vector<128x128xf32>
    %gt3A_1059 = arith.cmpf ogt, %slice3A_1058, %select_n3A_1057 : vector<128x128xf32>
    %jit3A_1060 = arith.constant 39 : i32
    %broadcast_in_dim3A_1061 = vector.broadcast %jit3A_1060 : i32 to vector<128x128xi32>
    %select_n3A_1062 = arith.select %gt3A_1059, %broadcast_in_dim3A_1061, %select_n3A_1056 : vector<128x128xi1>, vector<128x128xi32>
    %select_n3A_1063 = arith.select %gt3A_1059, %slice3A_1058, %select_n3A_1057 : vector<128x128xi1>, vector<128x128xf32>
    %slice3A_1064 = vector.extract_strided_slice %dot_general3A_12 {offsets = [256, 5120], sizes = [128, 128], strides = [1, 1]} : vector<1024x8192xf32> to vector<128x128xf32>
    %gt3A_1065 = arith.cmpf ogt, %slice3A_1064, %select_n3A_1063 : vector<128x128xf32>
    %jit3A_1066 = arith.constant 40 : i32
    %broadcast_in_dim3A_1067 = vector.broadcast %jit3A_1066 : i32 to vector<128x128xi32>
    %select_n3A_1068 = arith.select %gt3A_1065, %broadcast_in_dim3A_1067, %select_n3A_1062 : vector<128x128xi1>, vector<128x128xi32>
    %select_n3A_1069 = arith.select %gt3A_1065, %slice3A_1064, %select_n3A_1063 : vector<128x128xi1>, vector<128x128xf32>
    %slice3A_1070 = vector.extract_strided_slice %dot_general3A_12 {offsets = [256, 5248], sizes = [128, 128], strides = [1, 1]} : vector<1024x8192xf32> to vector<128x128xf32>
    %gt3A_1071 = arith.cmpf ogt, %slice3A_1070, %select_n3A_1069 : vector<128x128xf32>
    %jit3A_1072 = arith.constant 41 : i32
    %broadcast_in_dim3A_1073 = vector.broadcast %jit3A_1072 : i32 to vector<128x128xi32>
    %select_n3A_1074 = arith.select %gt3A_1071, %broadcast_in_dim3A_1073, %select_n3A_1068 : vector<128x128xi1>, vector<128x128xi32>
    %select_n3A_1075 = arith.select %gt3A_1071, %slice3A_1070, %select_n3A_1069 : vector<128x128xi1>, vector<128x128xf32>
    %slice3A_1076 = vector.extract_strided_slice %dot_general3A_12 {offsets = [256, 5376], sizes = [128, 128], strides = [1, 1]} : vector<1024x8192xf32> to vector<128x128xf32>
    %gt3A_1077 = arith.cmpf ogt, %slice3A_1076, %select_n3A_1075 : vector<128x128xf32>
    %jit3A_1078 = arith.constant 42 : i32
    %broadcast_in_dim3A_1079 = vector.broadcast %jit3A_1078 : i32 to vector<128x128xi32>
    %select_n3A_1080 = arith.select %gt3A_1077, %broadcast_in_dim3A_1079, %select_n3A_1074 : vector<128x128xi1>, vector<128x128xi32>
    %select_n3A_1081 = arith.select %gt3A_1077, %slice3A_1076, %select_n3A_1075 : vector<128x128xi1>, vector<128x128xf32>
    %slice3A_1082 = vector.extract_strided_slice %dot_general3A_12 {offsets = [256, 5504], sizes = [128, 128], strides = [1, 1]} : vector<1024x8192xf32> to vector<128x128xf32>
    %gt3A_1083 = arith.cmpf ogt, %slice3A_1082, %select_n3A_1081 : vector<128x128xf32>
    %jit3A_1084 = arith.constant 43 : i32
    %broadcast_in_dim3A_1085 = vector.broadcast %jit3A_1084 : i32 to vector<128x128xi32>
    %select_n3A_1086 = arith.select %gt3A_1083, %broadcast_in_dim3A_1085, %select_n3A_1080 : vector<128x128xi1>, vector<128x128xi32>
    %select_n3A_1087 = arith.select %gt3A_1083, %slice3A_1082, %select_n3A_1081 : vector<128x128xi1>, vector<128x128xf32>
    %slice3A_1088 = vector.extract_strided_slice %dot_general3A_12 {offsets = [256, 5632], sizes = [128, 128], strides = [1, 1]} : vector<1024x8192xf32> to vector<128x128xf32>
    %gt3A_1089 = arith.cmpf ogt, %slice3A_1088, %select_n3A_1087 : vector<128x128xf32>
    %jit3A_1090 = arith.constant 44 : i32
    %broadcast_in_dim3A_1091 = vector.broadcast %jit3A_1090 : i32 to vector<128x128xi32>
    %select_n3A_1092 = arith.select %gt3A_1089, %broadcast_in_dim3A_1091, %select_n3A_1086 : vector<128x128xi1>, vector<128x128xi32>
    %select_n3A_1093 = arith.select %gt3A_1089, %slice3A_1088, %select_n3A_1087 : vector<128x128xi1>, vector<128x128xf32>
    %slice3A_1094 = vector.extract_strided_slice %dot_general3A_12 {offsets = [256, 5760], sizes = [128, 128], strides = [1, 1]} : vector<1024x8192xf32> to vector<128x128xf32>
    %gt3A_1095 = arith.cmpf ogt, %slice3A_1094, %select_n3A_1093 : vector<128x128xf32>
    %jit3A_1096 = arith.constant 45 : i32
    %broadcast_in_dim3A_1097 = vector.broadcast %jit3A_1096 : i32 to vector<128x128xi32>
    %select_n3A_1098 = arith.select %gt3A_1095, %broadcast_in_dim3A_1097, %select_n3A_1092 : vector<128x128xi1>, vector<128x128xi32>
    %select_n3A_1099 = arith.select %gt3A_1095, %slice3A_1094, %select_n3A_1093 : vector<128x128xi1>, vector<128x128xf32>
    %slice3A_1100 = vector.extract_strided_slice %dot_general3A_12 {offsets = [256, 5888], sizes = [128, 128], strides = [1, 1]} : vector<1024x8192xf32> to vector<128x128xf32>
    %gt3A_1101 = arith.cmpf ogt, %slice3A_1100, %select_n3A_1099 : vector<128x128xf32>
    %jit3A_1102 = arith.constant 46 : i32
    %broadcast_in_dim3A_1103 = vector.broadcast %jit3A_1102 : i32 to vector<128x128xi32>
    %select_n3A_1104 = arith.select %gt3A_1101, %broadcast_in_dim3A_1103, %select_n3A_1098 : vector<128x128xi1>, vector<128x128xi32>
    %select_n3A_1105 = arith.select %gt3A_1101, %slice3A_1100, %select_n3A_1099 : vector<128x128xi1>, vector<128x128xf32>
    %slice3A_1106 = vector.extract_strided_slice %dot_general3A_12 {offsets = [256, 6016], sizes = [128, 128], strides = [1, 1]} : vector<1024x8192xf32> to vector<128x128xf32>
    %gt3A_1107 = arith.cmpf ogt, %slice3A_1106, %select_n3A_1105 : vector<128x128xf32>
    %jit3A_1108 = arith.constant 47 : i32
    %broadcast_in_dim3A_1109 = vector.broadcast %jit3A_1108 : i32 to vector<128x128xi32>
    %select_n3A_1110 = arith.select %gt3A_1107, %broadcast_in_dim3A_1109, %select_n3A_1104 : vector<128x128xi1>, vector<128x128xi32>
    %select_n3A_1111 = arith.select %gt3A_1107, %slice3A_1106, %select_n3A_1105 : vector<128x128xi1>, vector<128x128xf32>
    %slice3A_1112 = vector.extract_strided_slice %dot_general3A_12 {offsets = [256, 6144], sizes = [128, 128], strides = [1, 1]} : vector<1024x8192xf32> to vector<128x128xf32>
    %gt3A_1113 = arith.cmpf ogt, %slice3A_1112, %select_n3A_1111 : vector<128x128xf32>
    %jit3A_1114 = arith.constant 48 : i32
    %broadcast_in_dim3A_1115 = vector.broadcast %jit3A_1114 : i32 to vector<128x128xi32>
    %select_n3A_1116 = arith.select %gt3A_1113, %broadcast_in_dim3A_1115, %select_n3A_1110 : vector<128x128xi1>, vector<128x128xi32>
    %select_n3A_1117 = arith.select %gt3A_1113, %slice3A_1112, %select_n3A_1111 : vector<128x128xi1>, vector<128x128xf32>
    %slice3A_1118 = vector.extract_strided_slice %dot_general3A_12 {offsets = [256, 6272], sizes = [128, 128], strides = [1, 1]} : vector<1024x8192xf32> to vector<128x128xf32>
    %gt3A_1119 = arith.cmpf ogt, %slice3A_1118, %select_n3A_1117 : vector<128x128xf32>
    %jit3A_1120 = arith.constant 49 : i32
    %broadcast_in_dim3A_1121 = vector.broadcast %jit3A_1120 : i32 to vector<128x128xi32>
    %select_n3A_1122 = arith.select %gt3A_1119, %broadcast_in_dim3A_1121, %select_n3A_1116 : vector<128x128xi1>, vector<128x128xi32>
    %select_n3A_1123 = arith.select %gt3A_1119, %slice3A_1118, %select_n3A_1117 : vector<128x128xi1>, vector<128x128xf32>
    %slice3A_1124 = vector.extract_strided_slice %dot_general3A_12 {offsets = [256, 6400], sizes = [128, 128], strides = [1, 1]} : vector<1024x8192xf32> to vector<128x128xf32>
    %gt3A_1125 = arith.cmpf ogt, %slice3A_1124, %select_n3A_1123 : vector<128x128xf32>
    %jit3A_1126 = arith.constant 50 : i32
    %broadcast_in_dim3A_1127 = vector.broadcast %jit3A_1126 : i32 to vector<128x128xi32>
    %select_n3A_1128 = arith.select %gt3A_1125, %broadcast_in_dim3A_1127, %select_n3A_1122 : vector<128x128xi1>, vector<128x128xi32>
    %select_n3A_1129 = arith.select %gt3A_1125, %slice3A_1124, %select_n3A_1123 : vector<128x128xi1>, vector<128x128xf32>
    %slice3A_1130 = vector.extract_strided_slice %dot_general3A_12 {offsets = [256, 6528], sizes = [128, 128], strides = [1, 1]} : vector<1024x8192xf32> to vector<128x128xf32>
    %gt3A_1131 = arith.cmpf ogt, %slice3A_1130, %select_n3A_1129 : vector<128x128xf32>
    %jit3A_1132 = arith.constant 51 : i32
    %broadcast_in_dim3A_1133 = vector.broadcast %jit3A_1132 : i32 to vector<128x128xi32>
    %select_n3A_1134 = arith.select %gt3A_1131, %broadcast_in_dim3A_1133, %select_n3A_1128 : vector<128x128xi1>, vector<128x128xi32>
    %select_n3A_1135 = arith.select %gt3A_1131, %slice3A_1130, %select_n3A_1129 : vector<128x128xi1>, vector<128x128xf32>
    %slice3A_1136 = vector.extract_strided_slice %dot_general3A_12 {offsets = [256, 6656], sizes = [128, 128], strides = [1, 1]} : vector<1024x8192xf32> to vector<128x128xf32>
    %gt3A_1137 = arith.cmpf ogt, %slice3A_1136, %select_n3A_1135 : vector<128x128xf32>
    %jit3A_1138 = arith.constant 52 : i32
    %broadcast_in_dim3A_1139 = vector.broadcast %jit3A_1138 : i32 to vector<128x128xi32>
    %select_n3A_1140 = arith.select %gt3A_1137, %broadcast_in_dim3A_1139, %select_n3A_1134 : vector<128x128xi1>, vector<128x128xi32>
    %select_n3A_1141 = arith.select %gt3A_1137, %slice3A_1136, %select_n3A_1135 : vector<128x128xi1>, vector<128x128xf32>
    %slice3A_1142 = vector.extract_strided_slice %dot_general3A_12 {offsets = [256, 6784], sizes = [128, 128], strides = [1, 1]} : vector<1024x8192xf32> to vector<128x128xf32>
    %gt3A_1143 = arith.cmpf ogt, %slice3A_1142, %select_n3A_1141 : vector<128x128xf32>
    %jit3A_1144 = arith.constant 53 : i32
    %broadcast_in_dim3A_1145 = vector.broadcast %jit3A_1144 : i32 to vector<128x128xi32>
    %select_n3A_1146 = arith.select %gt3A_1143, %broadcast_in_dim3A_1145, %select_n3A_1140 : vector<128x128xi1>, vector<128x128xi32>
    %select_n3A_1147 = arith.select %gt3A_1143, %slice3A_1142, %select_n3A_1141 : vector<128x128xi1>, vector<128x128xf32>
    %slice3A_1148 = vector.extract_strided_slice %dot_general3A_12 {offsets = [256, 6912], sizes = [128, 128], strides = [1, 1]} : vector<1024x8192xf32> to vector<128x128xf32>
    %gt3A_1149 = arith.cmpf ogt, %slice3A_1148, %select_n3A_1147 : vector<128x128xf32>
    %jit3A_1150 = arith.constant 54 : i32
    %broadcast_in_dim3A_1151 = vector.broadcast %jit3A_1150 : i32 to vector<128x128xi32>
    %select_n3A_1152 = arith.select %gt3A_1149, %broadcast_in_dim3A_1151, %select_n3A_1146 : vector<128x128xi1>, vector<128x128xi32>
    %select_n3A_1153 = arith.select %gt3A_1149, %slice3A_1148, %select_n3A_1147 : vector<128x128xi1>, vector<128x128xf32>
    %slice3A_1154 = vector.extract_strided_slice %dot_general3A_12 {offsets = [256, 7040], sizes = [128, 128], strides = [1, 1]} : vector<1024x8192xf32> to vector<128x128xf32>
    %gt3A_1155 = arith.cmpf ogt, %slice3A_1154, %select_n3A_1153 : vector<128x128xf32>
    %jit3A_1156 = arith.constant 55 : i32
    %broadcast_in_dim3A_1157 = vector.broadcast %jit3A_1156 : i32 to vector<128x128xi32>
    %select_n3A_1158 = arith.select %gt3A_1155, %broadcast_in_dim3A_1157, %select_n3A_1152 : vector<128x128xi1>, vector<128x128xi32>
    %select_n3A_1159 = arith.select %gt3A_1155, %slice3A_1154, %select_n3A_1153 : vector<128x128xi1>, vector<128x128xf32>
    %slice3A_1160 = vector.extract_strided_slice %dot_general3A_12 {offsets = [256, 7168], sizes = [128, 128], strides = [1, 1]} : vector<1024x8192xf32> to vector<128x128xf32>
    %gt3A_1161 = arith.cmpf ogt, %slice3A_1160, %select_n3A_1159 : vector<128x128xf32>
    %jit3A_1162 = arith.constant 56 : i32
    %broadcast_in_dim3A_1163 = vector.broadcast %jit3A_1162 : i32 to vector<128x128xi32>
    %select_n3A_1164 = arith.select %gt3A_1161, %broadcast_in_dim3A_1163, %select_n3A_1158 : vector<128x128xi1>, vector<128x128xi32>
    %select_n3A_1165 = arith.select %gt3A_1161, %slice3A_1160, %select_n3A_1159 : vector<128x128xi1>, vector<128x128xf32>
    %slice3A_1166 = vector.extract_strided_slice %dot_general3A_12 {offsets = [256, 7296], sizes = [128, 128], strides = [1, 1]} : vector<1024x8192xf32> to vector<128x128xf32>
    %gt3A_1167 = arith.cmpf ogt, %slice3A_1166, %select_n3A_1165 : vector<128x128xf32>
    %jit3A_1168 = arith.constant 57 : i32
    %broadcast_in_dim3A_1169 = vector.broadcast %jit3A_1168 : i32 to vector<128x128xi32>
    %select_n3A_1170 = arith.select %gt3A_1167, %broadcast_in_dim3A_1169, %select_n3A_1164 : vector<128x128xi1>, vector<128x128xi32>
    %select_n3A_1171 = arith.select %gt3A_1167, %slice3A_1166, %select_n3A_1165 : vector<128x128xi1>, vector<128x128xf32>
    %slice3A_1172 = vector.extract_strided_slice %dot_general3A_12 {offsets = [256, 7424], sizes = [128, 128], strides = [1, 1]} : vector<1024x8192xf32> to vector<128x128xf32>
    %gt3A_1173 = arith.cmpf ogt, %slice3A_1172, %select_n3A_1171 : vector<128x128xf32>
    %jit3A_1174 = arith.constant 58 : i32
    %broadcast_in_dim3A_1175 = vector.broadcast %jit3A_1174 : i32 to vector<128x128xi32>
    %select_n3A_1176 = arith.select %gt3A_1173, %broadcast_in_dim3A_1175, %select_n3A_1170 : vector<128x128xi1>, vector<128x128xi32>
    %select_n3A_1177 = arith.select %gt3A_1173, %slice3A_1172, %select_n3A_1171 : vector<128x128xi1>, vector<128x128xf32>
    %slice3A_1178 = vector.extract_strided_slice %dot_general3A_12 {offsets = [256, 7552], sizes = [128, 128], strides = [1, 1]} : vector<1024x8192xf32> to vector<128x128xf32>
    %gt3A_1179 = arith.cmpf ogt, %slice3A_1178, %select_n3A_1177 : vector<128x128xf32>
    %jit3A_1180 = arith.constant 59 : i32
    %broadcast_in_dim3A_1181 = vector.broadcast %jit3A_1180 : i32 to vector<128x128xi32>
    %select_n3A_1182 = arith.select %gt3A_1179, %broadcast_in_dim3A_1181, %select_n3A_1176 : vector<128x128xi1>, vector<128x128xi32>
    %select_n3A_1183 = arith.select %gt3A_1179, %slice3A_1178, %select_n3A_1177 : vector<128x128xi1>, vector<128x128xf32>
    %slice3A_1184 = vector.extract_strided_slice %dot_general3A_12 {offsets = [256, 7680], sizes = [128, 128], strides = [1, 1]} : vector<1024x8192xf32> to vector<128x128xf32>
    %gt3A_1185 = arith.cmpf ogt, %slice3A_1184, %select_n3A_1183 : vector<128x128xf32>
    %jit3A_1186 = arith.constant 60 : i32
    %broadcast_in_dim3A_1187 = vector.broadcast %jit3A_1186 : i32 to vector<128x128xi32>
    %select_n3A_1188 = arith.select %gt3A_1185, %broadcast_in_dim3A_1187, %select_n3A_1182 : vector<128x128xi1>, vector<128x128xi32>
    %select_n3A_1189 = arith.select %gt3A_1185, %slice3A_1184, %select_n3A_1183 : vector<128x128xi1>, vector<128x128xf32>
    %slice3A_1190 = vector.extract_strided_slice %dot_general3A_12 {offsets = [256, 7808], sizes = [128, 128], strides = [1, 1]} : vector<1024x8192xf32> to vector<128x128xf32>
    %gt3A_1191 = arith.cmpf ogt, %slice3A_1190, %select_n3A_1189 : vector<128x128xf32>
    %jit3A_1192 = arith.constant 61 : i32
    %broadcast_in_dim3A_1193 = vector.broadcast %jit3A_1192 : i32 to vector<128x128xi32>
    %select_n3A_1194 = arith.select %gt3A_1191, %broadcast_in_dim3A_1193, %select_n3A_1188 : vector<128x128xi1>, vector<128x128xi32>
    %select_n3A_1195 = arith.select %gt3A_1191, %slice3A_1190, %select_n3A_1189 : vector<128x128xi1>, vector<128x128xf32>
    %slice3A_1196 = vector.extract_strided_slice %dot_general3A_12 {offsets = [256, 7936], sizes = [128, 128], strides = [1, 1]} : vector<1024x8192xf32> to vector<128x128xf32>
    %gt3A_1197 = arith.cmpf ogt, %slice3A_1196, %select_n3A_1195 : vector<128x128xf32>
    %jit3A_1198 = arith.constant 62 : i32
    %broadcast_in_dim3A_1199 = vector.broadcast %jit3A_1198 : i32 to vector<128x128xi32>
    %select_n3A_1200 = arith.select %gt3A_1197, %broadcast_in_dim3A_1199, %select_n3A_1194 : vector<128x128xi1>, vector<128x128xi32>
    %select_n3A_1201 = arith.select %gt3A_1197, %slice3A_1196, %select_n3A_1195 : vector<128x128xi1>, vector<128x128xf32>
    %slice3A_1202 = vector.extract_strided_slice %dot_general3A_12 {offsets = [256, 8064], sizes = [128, 128], strides = [1, 1]} : vector<1024x8192xf32> to vector<128x128xf32>
    %gt3A_1203 = arith.cmpf ogt, %slice3A_1202, %select_n3A_1201 : vector<128x128xf32>
    %jit3A_1204 = arith.constant 63 : i32
    %broadcast_in_dim3A_1205 = vector.broadcast %jit3A_1204 : i32 to vector<128x128xi32>
    %select_n3A_1206 = arith.select %gt3A_1203, %broadcast_in_dim3A_1205, %select_n3A_1200 : vector<128x128xi1>, vector<128x128xi32>
    %select_n3A_1207 = arith.select %gt3A_1203, %slice3A_1202, %select_n3A_1201 : vector<128x128xi1>, vector<128x128xf32>
    %reduce_max3A_1208 = arith.constant dense<0xFF800000> : vector<128xf32>
    %reduce_max3A_1209 = vector.multi_reduction <maximumf>, %select_n3A_1207, %reduce_max3A_1208 [1] : vector<128x128xf32> to vector<128xf32>
    %broadcast_in_dim3A_1210 = vector.shape_cast %reduce_max3A_1209 : vector<128xf32> to vector<128x1xf32>
    %eq3A_1211 = vector.broadcast %broadcast_in_dim3A_1210 : vector<128x1xf32> to vector<128x128xf32>
    %eq3A_1212 = arith.cmpf oeq, %select_n3A_1207, %eq3A_1211 : vector<128x128xf32>
    %mul3A_1213 = arith.constant 128 : i32
    %mul3A_1214 = vector.broadcast %mul3A_1213 : i32 to vector<128x128xi32>
    %mul3A_1215 = arith.muli %select_n3A_1206, %mul3A_1214 : vector<128x128xi32>
    %add3A_1216 = arith.addi %mul3A_1215, %iota3A : vector<128x128xi32>
    %jit3A_1217 = arith.constant 8192 : i32
    %broadcast_in_dim3A_1218 = vector.broadcast %jit3A_1217 : i32 to vector<128x128xi32>
    %select_n3A_1219 = arith.select %eq3A_1212, %add3A_1216, %broadcast_in_dim3A_1218 : vector<128x128xi1>, vector<128x128xi32>
    %reduce_min3A_1220 = arith.constant dense<2147483647> : vector<128xi32>
    %reduce_min3A_1221 = vector.multi_reduction <minsi>, %select_n3A_1219, %reduce_min3A_1220 [1] : vector<128x128xi32> to vector<128xi32>
    %swap3A_1222 = arith.constant 0 : index
    %swap3A_1223 = arith.constant 0 : index
    %swap3A_1224 = arith.constant 256 : index
    %swap3A_1225 = vector.load %arg3[%swap3A_1222, %swap3A_1223, %swap3A_1224] : memref<1x1x1024xi32, #tpu.memory_space<vmem>>, vector<1x1x128xi32>
    %swap3A_1226 = vector.shape_cast %swap3A_1225 : vector<1x1x128xi32> to vector<128xi32>
    %swap3A_1227 = vector.shape_cast %reduce_min3A_1221 : vector<128xi32> to vector<1x1x128xi32>
    tpu.vector_store %arg3[%swap3A_1222, %swap3A_1223, %swap3A_1224], %swap3A_1227 {strides = array<i32>} : memref<1x1x1024xi32, #tpu.memory_space<vmem>>, vector<1x1x128xi32>,
    %get3A_1228 = arith.constant 2 : index
    %get3A_1229 = arith.constant 0 : index
    %get3A_1230 = vector.load %arg7[%get3A_1228, %get3A_1229] : memref<8x128xf32, #tpu.memory_space<vmem>>, vector<1x128xf32>
    %get3A_1231 = vector.shape_cast %get3A_1230 : vector<1x128xf32> to vector<128xf32>
    %add3A_1232 = arith.addf %get3A_1231, %reduce_max3A_1209 : vector<128xf32>
    %swap3A_1233 = arith.constant 2 : index
    %swap3A_1234 = arith.constant 0 : index
    %swap3A_1235 = vector.load %arg7[%swap3A_1233, %swap3A_1234] : memref<8x128xf32, #tpu.memory_space<vmem>>, vector<1x128xf32>
    %swap3A_1236 = vector.shape_cast %swap3A_1235 : vector<1x128xf32> to vector<128xf32>
    %swap3A_1237 = vector.shape_cast %add3A_1232 : vector<128xf32> to vector<1x128xf32>
    tpu.vector_store %arg7[%swap3A_1233, %swap3A_1234], %swap3A_1237 {strides = array<i32>} : memref<8x128xf32, #tpu.memory_space<vmem>>, vector<1x128xf32>,
    %slice3A_1238 = vector.extract_strided_slice %dot_general3A_12 {offsets = [384, 0], sizes = [128, 128], strides = [1, 1]} : vector<1024x8192xf32> to vector<128x128xf32>
    %broadcast_in_dim3A_1239 = arith.constant 0 : i32
    %broadcast_in_dim3A_1240 = vector.broadcast %broadcast_in_dim3A_1239 : i32 to vector<128x128xi32>
    %slice3A_1241 = vector.extract_strided_slice %dot_general3A_12 {offsets = [384, 128], sizes = [128, 128], strides = [1, 1]} : vector<1024x8192xf32> to vector<128x128xf32>
    %gt3A_1242 = arith.cmpf ogt, %slice3A_1241, %slice3A_1238 : vector<128x128xf32>
    %jit3A_1243 = arith.constant 1 : i32
    %broadcast_in_dim3A_1244 = vector.broadcast %jit3A_1243 : i32 to vector<128x128xi32>
    %select_n3A_1245 = arith.select %gt3A_1242, %broadcast_in_dim3A_1244, %broadcast_in_dim3A_1240 : vector<128x128xi1>, vector<128x128xi32>
    %select_n3A_1246 = arith.select %gt3A_1242, %slice3A_1241, %slice3A_1238 : vector<128x128xi1>, vector<128x128xf32>
    %slice3A_1247 = vector.extract_strided_slice %dot_general3A_12 {offsets = [384, 256], sizes = [128, 128], strides = [1, 1]} : vector<1024x8192xf32> to vector<128x128xf32>
    %gt3A_1248 = arith.cmpf ogt, %slice3A_1247, %select_n3A_1246 : vector<128x128xf32>
    %jit3A_1249 = arith.constant 2 : i32
    %broadcast_in_dim3A_1250 = vector.broadcast %jit3A_1249 : i32 to vector<128x128xi32>
    %select_n3A_1251 = arith.select %gt3A_1248, %broadcast_in_dim3A_1250, %select_n3A_1245 : vector<128x128xi1>, vector<128x128xi32>
    %select_n3A_1252 = arith.select %gt3A_1248, %slice3A_1247, %select_n3A_1246 : vector<128x128xi1>, vector<128x128xf32>
    %slice3A_1253 = vector.extract_strided_slice %dot_general3A_12 {offsets = [384, 384], sizes = [128, 128], strides = [1, 1]} : vector<1024x8192xf32> to vector<128x128xf32>
    %gt3A_1254 = arith.cmpf ogt, %slice3A_1253, %select_n3A_1252 : vector<128x128xf32>
    %jit3A_1255 = arith.constant 3 : i32
    %broadcast_in_dim3A_1256 = vector.broadcast %jit3A_1255 : i32 to vector<128x128xi32>
    %select_n3A_1257 = arith.select %gt3A_1254, %broadcast_in_dim3A_1256, %select_n3A_1251 : vector<128x128xi1>, vector<128x128xi32>
    %select_n3A_1258 = arith.select %gt3A_1254, %slice3A_1253, %select_n3A_1252 : vector<128x128xi1>, vector<128x128xf32>
    %slice3A_1259 = vector.extract_strided_slice %dot_general3A_12 {offsets = [384, 512], sizes = [128, 128], strides = [1, 1]} : vector<1024x8192xf32> to vector<128x128xf32>
    %gt3A_1260 = arith.cmpf ogt, %slice3A_1259, %select_n3A_1258 : vector<128x128xf32>
    %jit3A_1261 = arith.constant 4 : i32
    %broadcast_in_dim3A_1262 = vector.broadcast %jit3A_1261 : i32 to vector<128x128xi32>
    %select_n3A_1263 = arith.select %gt3A_1260, %broadcast_in_dim3A_1262, %select_n3A_1257 : vector<128x128xi1>, vector<128x128xi32>
    %select_n3A_1264 = arith.select %gt3A_1260, %slice3A_1259, %select_n3A_1258 : vector<128x128xi1>, vector<128x128xf32>
    %slice3A_1265 = vector.extract_strided_slice %dot_general3A_12 {offsets = [384, 640], sizes = [128, 128], strides = [1, 1]} : vector<1024x8192xf32> to vector<128x128xf32>
    %gt3A_1266 = arith.cmpf ogt, %slice3A_1265, %select_n3A_1264 : vector<128x128xf32>
    %jit3A_1267 = arith.constant 5 : i32
    %broadcast_in_dim3A_1268 = vector.broadcast %jit3A_1267 : i32 to vector<128x128xi32>
    %select_n3A_1269 = arith.select %gt3A_1266, %broadcast_in_dim3A_1268, %select_n3A_1263 : vector<128x128xi1>, vector<128x128xi32>
    %select_n3A_1270 = arith.select %gt3A_1266, %slice3A_1265, %select_n3A_1264 : vector<128x128xi1>, vector<128x128xf32>
    %slice3A_1271 = vector.extract_strided_slice %dot_general3A_12 {offsets = [384, 768], sizes = [128, 128], strides = [1, 1]} : vector<1024x8192xf32> to vector<128x128xf32>
    %gt3A_1272 = arith.cmpf ogt, %slice3A_1271, %select_n3A_1270 : vector<128x128xf32>
    %jit3A_1273 = arith.constant 6 : i32
    %broadcast_in_dim3A_1274 = vector.broadcast %jit3A_1273 : i32 to vector<128x128xi32>
    %select_n3A_1275 = arith.select %gt3A_1272, %broadcast_in_dim3A_1274, %select_n3A_1269 : vector<128x128xi1>, vector<128x128xi32>
    %select_n3A_1276 = arith.select %gt3A_1272, %slice3A_1271, %select_n3A_1270 : vector<128x128xi1>, vector<128x128xf32>
    %slice3A_1277 = vector.extract_strided_slice %dot_general3A_12 {offsets = [384, 896], sizes = [128, 128], strides = [1, 1]} : vector<1024x8192xf32> to vector<128x128xf32>
    %gt3A_1278 = arith.cmpf ogt, %slice3A_1277, %select_n3A_1276 : vector<128x128xf32>
    %jit3A_1279 = arith.constant 7 : i32
    %broadcast_in_dim3A_1280 = vector.broadcast %jit3A_1279 : i32 to vector<128x128xi32>
    %select_n3A_1281 = arith.select %gt3A_1278, %broadcast_in_dim3A_1280, %select_n3A_1275 : vector<128x128xi1>, vector<128x128xi32>
    %select_n3A_1282 = arith.select %gt3A_1278, %slice3A_1277, %select_n3A_1276 : vector<128x128xi1>, vector<128x128xf32>
    %slice3A_1283 = vector.extract_strided_slice %dot_general3A_12 {offsets = [384, 1024], sizes = [128, 128], strides = [1, 1]} : vector<1024x8192xf32> to vector<128x128xf32>
    %gt3A_1284 = arith.cmpf ogt, %slice3A_1283, %select_n3A_1282 : vector<128x128xf32>
    %jit3A_1285 = arith.constant 8 : i32
    %broadcast_in_dim3A_1286 = vector.broadcast %jit3A_1285 : i32 to vector<128x128xi32>
    %select_n3A_1287 = arith.select %gt3A_1284, %broadcast_in_dim3A_1286, %select_n3A_1281 : vector<128x128xi1>, vector<128x128xi32>
    %select_n3A_1288 = arith.select %gt3A_1284, %slice3A_1283, %select_n3A_1282 : vector<128x128xi1>, vector<128x128xf32>
    %slice3A_1289 = vector.extract_strided_slice %dot_general3A_12 {offsets = [384, 1152], sizes = [128, 128], strides = [1, 1]} : vector<1024x8192xf32> to vector<128x128xf32>
    %gt3A_1290 = arith.cmpf ogt, %slice3A_1289, %select_n3A_1288 : vector<128x128xf32>
    %jit3A_1291 = arith.constant 9 : i32
    %broadcast_in_dim3A_1292 = vector.broadcast %jit3A_1291 : i32 to vector<128x128xi32>
    %select_n3A_1293 = arith.select %gt3A_1290, %broadcast_in_dim3A_1292, %select_n3A_1287 : vector<128x128xi1>, vector<128x128xi32>
    %select_n3A_1294 = arith.select %gt3A_1290, %slice3A_1289, %select_n3A_1288 : vector<128x128xi1>, vector<128x128xf32>
    %slice3A_1295 = vector.extract_strided_slice %dot_general3A_12 {offsets = [384, 1280], sizes = [128, 128], strides = [1, 1]} : vector<1024x8192xf32> to vector<128x128xf32>
    %gt3A_1296 = arith.cmpf ogt, %slice3A_1295, %select_n3A_1294 : vector<128x128xf32>
    %jit3A_1297 = arith.constant 10 : i32
    %broadcast_in_dim3A_1298 = vector.broadcast %jit3A_1297 : i32 to vector<128x128xi32>
    %select_n3A_1299 = arith.select %gt3A_1296, %broadcast_in_dim3A_1298, %select_n3A_1293 : vector<128x128xi1>, vector<128x128xi32>
    %select_n3A_1300 = arith.select %gt3A_1296, %slice3A_1295, %select_n3A_1294 : vector<128x128xi1>, vector<128x128xf32>
    %slice3A_1301 = vector.extract_strided_slice %dot_general3A_12 {offsets = [384, 1408], sizes = [128, 128], strides = [1, 1]} : vector<1024x8192xf32> to vector<128x128xf32>
    %gt3A_1302 = arith.cmpf ogt, %slice3A_1301, %select_n3A_1300 : vector<128x128xf32>
    %jit3A_1303 = arith.constant 11 : i32
    %broadcast_in_dim3A_1304 = vector.broadcast %jit3A_1303 : i32 to vector<128x128xi32>
    %select_n3A_1305 = arith.select %gt3A_1302, %broadcast_in_dim3A_1304, %select_n3A_1299 : vector<128x128xi1>, vector<128x128xi32>
    %select_n3A_1306 = arith.select %gt3A_1302, %slice3A_1301, %select_n3A_1300 : vector<128x128xi1>, vector<128x128xf32>
    %slice3A_1307 = vector.extract_strided_slice %dot_general3A_12 {offsets = [384, 1536], sizes = [128, 128], strides = [1, 1]} : vector<1024x8192xf32> to vector<128x128xf32>
    %gt3A_1308 = arith.cmpf ogt, %slice3A_1307, %select_n3A_1306 : vector<128x128xf32>
    %jit3A_1309 = arith.constant 12 : i32
    %broadcast_in_dim3A_1310 = vector.broadcast %jit3A_1309 : i32 to vector<128x128xi32>
    %select_n3A_1311 = arith.select %gt3A_1308, %broadcast_in_dim3A_1310, %select_n3A_1305 : vector<128x128xi1>, vector<128x128xi32>
    %select_n3A_1312 = arith.select %gt3A_1308, %slice3A_1307, %select_n3A_1306 : vector<128x128xi1>, vector<128x128xf32>
    %slice3A_1313 = vector.extract_strided_slice %dot_general3A_12 {offsets = [384, 1664], sizes = [128, 128], strides = [1, 1]} : vector<1024x8192xf32> to vector<128x128xf32>
    %gt3A_1314 = arith.cmpf ogt, %slice3A_1313, %select_n3A_1312 : vector<128x128xf32>
    %jit3A_1315 = arith.constant 13 : i32
    %broadcast_in_dim3A_1316 = vector.broadcast %jit3A_1315 : i32 to vector<128x128xi32>
    %select_n3A_1317 = arith.select %gt3A_1314, %broadcast_in_dim3A_1316, %select_n3A_1311 : vector<128x128xi1>, vector<128x128xi32>
    %select_n3A_1318 = arith.select %gt3A_1314, %slice3A_1313, %select_n3A_1312 : vector<128x128xi1>, vector<128x128xf32>
    %slice3A_1319 = vector.extract_strided_slice %dot_general3A_12 {offsets = [384, 1792], sizes = [128, 128], strides = [1, 1]} : vector<1024x8192xf32> to vector<128x128xf32>
    %gt3A_1320 = arith.cmpf ogt, %slice3A_1319, %select_n3A_1318 : vector<128x128xf32>
    %jit3A_1321 = arith.constant 14 : i32
    %broadcast_in_dim3A_1322 = vector.broadcast %jit3A_1321 : i32 to vector<128x128xi32>
    %select_n3A_1323 = arith.select %gt3A_1320, %broadcast_in_dim3A_1322, %select_n3A_1317 : vector<128x128xi1>, vector<128x128xi32>
    %select_n3A_1324 = arith.select %gt3A_1320, %slice3A_1319, %select_n3A_1318 : vector<128x128xi1>, vector<128x128xf32>
    %slice3A_1325 = vector.extract_strided_slice %dot_general3A_12 {offsets = [384, 1920], sizes = [128, 128], strides = [1, 1]} : vector<1024x8192xf32> to vector<128x128xf32>
    %gt3A_1326 = arith.cmpf ogt, %slice3A_1325, %select_n3A_1324 : vector<128x128xf32>
    %jit3A_1327 = arith.constant 15 : i32
    %broadcast_in_dim3A_1328 = vector.broadcast %jit3A_1327 : i32 to vector<128x128xi32>
    %select_n3A_1329 = arith.select %gt3A_1326, %broadcast_in_dim3A_1328, %select_n3A_1323 : vector<128x128xi1>, vector<128x128xi32>
    %select_n3A_1330 = arith.select %gt3A_1326, %slice3A_1325, %select_n3A_1324 : vector<128x128xi1>, vector<128x128xf32>
    %slice3A_1331 = vector.extract_strided_slice %dot_general3A_12 {offsets = [384, 2048], sizes = [128, 128], strides = [1, 1]} : vector<1024x8192xf32> to vector<128x128xf32>
    %gt3A_1332 = arith.cmpf ogt, %slice3A_1331, %select_n3A_1330 : vector<128x128xf32>
    %jit3A_1333 = arith.constant 16 : i32
    %broadcast_in_dim3A_1334 = vector.broadcast %jit3A_1333 : i32 to vector<128x128xi32>
    %select_n3A_1335 = arith.select %gt3A_1332, %broadcast_in_dim3A_1334, %select_n3A_1329 : vector<128x128xi1>, vector<128x128xi32>
    %select_n3A_1336 = arith.select %gt3A_1332, %slice3A_1331, %select_n3A_1330 : vector<128x128xi1>, vector<128x128xf32>
    %slice3A_1337 = vector.extract_strided_slice %dot_general3A_12 {offsets = [384, 2176], sizes = [128, 128], strides = [1, 1]} : vector<1024x8192xf32> to vector<128x128xf32>
    %gt3A_1338 = arith.cmpf ogt, %slice3A_1337, %select_n3A_1336 : vector<128x128xf32>
    %jit3A_1339 = arith.constant 17 : i32
    %broadcast_in_dim3A_1340 = vector.broadcast %jit3A_1339 : i32 to vector<128x128xi32>
    %select_n3A_1341 = arith.select %gt3A_1338, %broadcast_in_dim3A_1340, %select_n3A_1335 : vector<128x128xi1>, vector<128x128xi32>
    %select_n3A_1342 = arith.select %gt3A_1338, %slice3A_1337, %select_n3A_1336 : vector<128x128xi1>, vector<128x128xf32>
    %slice3A_1343 = vector.extract_strided_slice %dot_general3A_12 {offsets = [384, 2304], sizes = [128, 128], strides = [1, 1]} : vector<1024x8192xf32> to vector<128x128xf32>
    %gt3A_1344 = arith.cmpf ogt, %slice3A_1343, %select_n3A_1342 : vector<128x128xf32>
    %jit3A_1345 = arith.constant 18 : i32
    %broadcast_in_dim3A_1346 = vector.broadcast %jit3A_1345 : i32 to vector<128x128xi32>
    %select_n3A_1347 = arith.select %gt3A_1344, %broadcast_in_dim3A_1346, %select_n3A_1341 : vector<128x128xi1>, vector<128x128xi32>
    %select_n3A_1348 = arith.select %gt3A_1344, %slice3A_1343, %select_n3A_1342 : vector<128x128xi1>, vector<128x128xf32>
    %slice3A_1349 = vector.extract_strided_slice %dot_general3A_12 {offsets = [384, 2432], sizes = [128, 128], strides = [1, 1]} : vector<1024x8192xf32> to vector<128x128xf32>
    %gt3A_1350 = arith.cmpf ogt, %slice3A_1349, %select_n3A_1348 : vector<128x128xf32>
    %jit3A_1351 = arith.constant 19 : i32
    %broadcast_in_dim3A_1352 = vector.broadcast %jit3A_1351 : i32 to vector<128x128xi32>
    %select_n3A_1353 = arith.select %gt3A_1350, %broadcast_in_dim3A_1352, %select_n3A_1347 : vector<128x128xi1>, vector<128x128xi32>
    %select_n3A_1354 = arith.select %gt3A_1350, %slice3A_1349, %select_n3A_1348 : vector<128x128xi1>, vector<128x128xf32>
    %slice3A_1355 = vector.extract_strided_slice %dot_general3A_12 {offsets = [384, 2560], sizes = [128, 128], strides = [1, 1]} : vector<1024x8192xf32> to vector<128x128xf32>
    %gt3A_1356 = arith.cmpf ogt, %slice3A_1355, %select_n3A_1354 : vector<128x128xf32>
    %jit3A_1357 = arith.constant 20 : i32
    %broadcast_in_dim3A_1358 = vector.broadcast %jit3A_1357 : i32 to vector<128x128xi32>
    %select_n3A_1359 = arith.select %gt3A_1356, %broadcast_in_dim3A_1358, %select_n3A_1353 : vector<128x128xi1>, vector<128x128xi32>
    %select_n3A_1360 = arith.select %gt3A_1356, %slice3A_1355, %select_n3A_1354 : vector<128x128xi1>, vector<128x128xf32>
    %slice3A_1361 = vector.extract_strided_slice %dot_general3A_12 {offsets = [384, 2688], sizes = [128, 128], strides = [1, 1]} : vector<1024x8192xf32> to vector<128x128xf32>
    %gt3A_1362 = arith.cmpf ogt, %slice3A_1361, %select_n3A_1360 : vector<128x128xf32>
    %jit3A_1363 = arith.constant 21 : i32
    %broadcast_in_dim3A_1364 = vector.broadcast %jit3A_1363 : i32 to vector<128x128xi32>
    %select_n3A_1365 = arith.select %gt3A_1362, %broadcast_in_dim3A_1364, %select_n3A_1359 : vector<128x128xi1>, vector<128x128xi32>
    %select_n3A_1366 = arith.select %gt3A_1362, %slice3A_1361, %select_n3A_1360 : vector<128x128xi1>, vector<128x128xf32>
    %slice3A_1367 = vector.extract_strided_slice %dot_general3A_12 {offsets = [384, 2816], sizes = [128, 128], strides = [1, 1]} : vector<1024x8192xf32> to vector<128x128xf32>
    %gt3A_1368 = arith.cmpf ogt, %slice3A_1367, %select_n3A_1366 : vector<128x128xf32>
    %jit3A_1369 = arith.constant 22 : i32
    %broadcast_in_dim3A_1370 = vector.broadcast %jit3A_1369 : i32 to vector<128x128xi32>
    %select_n3A_1371 = arith.select %gt3A_1368, %broadcast_in_dim3A_1370, %select_n3A_1365 : vector<128x128xi1>, vector<128x128xi32>
    %select_n3A_1372 = arith.select %gt3A_1368, %slice3A_1367, %select_n3A_1366 : vector<128x128xi1>, vector<128x128xf32>
    %slice3A_1373 = vector.extract_strided_slice %dot_general3A_12 {offsets = [384, 2944], sizes = [128, 128], strides = [1, 1]} : vector<1024x8192xf32> to vector<128x128xf32>
    %gt3A_1374 = arith.cmpf ogt, %slice3A_1373, %select_n3A_1372 : vector<128x128xf32>
    %jit3A_1375 = arith.constant 23 : i32
    %broadcast_in_dim3A_1376 = vector.broadcast %jit3A_1375 : i32 to vector<128x128xi32>
    %select_n3A_1377 = arith.select %gt3A_1374, %broadcast_in_dim3A_1376, %select_n3A_1371 : vector<128x128xi1>, vector<128x128xi32>
    %select_n3A_1378 = arith.select %gt3A_1374, %slice3A_1373, %select_n3A_1372 : vector<128x128xi1>, vector<128x128xf32>
    %slice3A_1379 = vector.extract_strided_slice %dot_general3A_12 {offsets = [384, 3072], sizes = [128, 128], strides = [1, 1]} : vector<1024x8192xf32> to vector<128x128xf32>
    %gt3A_1380 = arith.cmpf ogt, %slice3A_1379, %select_n3A_1378 : vector<128x128xf32>
    %jit3A_1381 = arith.constant 24 : i32
    %broadcast_in_dim3A_1382 = vector.broadcast %jit3A_1381 : i32 to vector<128x128xi32>
    %select_n3A_1383 = arith.select %gt3A_1380, %broadcast_in_dim3A_1382, %select_n3A_1377 : vector<128x128xi1>, vector<128x128xi32>
    %select_n3A_1384 = arith.select %gt3A_1380, %slice3A_1379, %select_n3A_1378 : vector<128x128xi1>, vector<128x128xf32>
    %slice3A_1385 = vector.extract_strided_slice %dot_general3A_12 {offsets = [384, 3200], sizes = [128, 128], strides = [1, 1]} : vector<1024x8192xf32> to vector<128x128xf32>
    %gt3A_1386 = arith.cmpf ogt, %slice3A_1385, %select_n3A_1384 : vector<128x128xf32>
    %jit3A_1387 = arith.constant 25 : i32
    %broadcast_in_dim3A_1388 = vector.broadcast %jit3A_1387 : i32 to vector<128x128xi32>
    %select_n3A_1389 = arith.select %gt3A_1386, %broadcast_in_dim3A_1388, %select_n3A_1383 : vector<128x128xi1>, vector<128x128xi32>
    %select_n3A_1390 = arith.select %gt3A_1386, %slice3A_1385, %select_n3A_1384 : vector<128x128xi1>, vector<128x128xf32>
    %slice3A_1391 = vector.extract_strided_slice %dot_general3A_12 {offsets = [384, 3328], sizes = [128, 128], strides = [1, 1]} : vector<1024x8192xf32> to vector<128x128xf32>
    %gt3A_1392 = arith.cmpf ogt, %slice3A_1391, %select_n3A_1390 : vector<128x128xf32>
    %jit3A_1393 = arith.constant 26 : i32
    %broadcast_in_dim3A_1394 = vector.broadcast %jit3A_1393 : i32 to vector<128x128xi32>
    %select_n3A_1395 = arith.select %gt3A_1392, %broadcast_in_dim3A_1394, %select_n3A_1389 : vector<128x128xi1>, vector<128x128xi32>
    %select_n3A_1396 = arith.select %gt3A_1392, %slice3A_1391, %select_n3A_1390 : vector<128x128xi1>, vector<128x128xf32>
    %slice3A_1397 = vector.extract_strided_slice %dot_general3A_12 {offsets = [384, 3456], sizes = [128, 128], strides = [1, 1]} : vector<1024x8192xf32> to vector<128x128xf32>
    %gt3A_1398 = arith.cmpf ogt, %slice3A_1397, %select_n3A_1396 : vector<128x128xf32>
    %jit3A_1399 = arith.constant 27 : i32
    %broadcast_in_dim3A_1400 = vector.broadcast %jit3A_1399 : i32 to vector<128x128xi32>
    %select_n3A_1401 = arith.select %gt3A_1398, %broadcast_in_dim3A_1400, %select_n3A_1395 : vector<128x128xi1>, vector<128x128xi32>
    %select_n3A_1402 = arith.select %gt3A_1398, %slice3A_1397, %select_n3A_1396 : vector<128x128xi1>, vector<128x128xf32>
    %slice3A_1403 = vector.extract_strided_slice %dot_general3A_12 {offsets = [384, 3584], sizes = [128, 128], strides = [1, 1]} : vector<1024x8192xf32> to vector<128x128xf32>
    %gt3A_1404 = arith.cmpf ogt, %slice3A_1403, %select_n3A_1402 : vector<128x128xf32>
    %jit3A_1405 = arith.constant 28 : i32
    %broadcast_in_dim3A_1406 = vector.broadcast %jit3A_1405 : i32 to vector<128x128xi32>
    %select_n3A_1407 = arith.select %gt3A_1404, %broadcast_in_dim3A_1406, %select_n3A_1401 : vector<128x128xi1>, vector<128x128xi32>
    %select_n3A_1408 = arith.select %gt3A_1404, %slice3A_1403, %select_n3A_1402 : vector<128x128xi1>, vector<128x128xf32>
    %slice3A_1409 = vector.extract_strided_slice %dot_general3A_12 {offsets = [384, 3712], sizes = [128, 128], strides = [1, 1]} : vector<1024x8192xf32> to vector<128x128xf32>
    %gt3A_1410 = arith.cmpf ogt, %slice3A_1409, %select_n3A_1408 : vector<128x128xf32>
    %jit3A_1411 = arith.constant 29 : i32
    %broadcast_in_dim3A_1412 = vector.broadcast %jit3A_1411 : i32 to vector<128x128xi32>
    %select_n3A_1413 = arith.select %gt3A_1410, %broadcast_in_dim3A_1412, %select_n3A_1407 : vector<128x128xi1>, vector<128x128xi32>
    %select_n3A_1414 = arith.select %gt3A_1410, %slice3A_1409, %select_n3A_1408 : vector<128x128xi1>, vector<128x128xf32>
    %slice3A_1415 = vector.extract_strided_slice %dot_general3A_12 {offsets = [384, 3840], sizes = [128, 128], strides = [1, 1]} : vector<1024x8192xf32> to vector<128x128xf32>
    %gt3A_1416 = arith.cmpf ogt, %slice3A_1415, %select_n3A_1414 : vector<128x128xf32>
    %jit3A_1417 = arith.constant 30 : i32
    %broadcast_in_dim3A_1418 = vector.broadcast %jit3A_1417 : i32 to vector<128x128xi32>
    %select_n3A_1419 = arith.select %gt3A_1416, %broadcast_in_dim3A_1418, %select_n3A_1413 : vector<128x128xi1>, vector<128x128xi32>
    %select_n3A_1420 = arith.select %gt3A_1416, %slice3A_1415, %select_n3A_1414 : vector<128x128xi1>, vector<128x128xf32>
    %slice3A_1421 = vector.extract_strided_slice %dot_general3A_12 {offsets = [384, 3968], sizes = [128, 128], strides = [1, 1]} : vector<1024x8192xf32> to vector<128x128xf32>
    %gt3A_1422 = arith.cmpf ogt, %slice3A_1421, %select_n3A_1420 : vector<128x128xf32>
    %jit3A_1423 = arith.constant 31 : i32
    %broadcast_in_dim3A_1424 = vector.broadcast %jit3A_1423 : i32 to vector<128x128xi32>
    %select_n3A_1425 = arith.select %gt3A_1422, %broadcast_in_dim3A_1424, %select_n3A_1419 : vector<128x128xi1>, vector<128x128xi32>
    %select_n3A_1426 = arith.select %gt3A_1422, %slice3A_1421, %select_n3A_1420 : vector<128x128xi1>, vector<128x128xf32>
    %slice3A_1427 = vector.extract_strided_slice %dot_general3A_12 {offsets = [384, 4096], sizes = [128, 128], strides = [1, 1]} : vector<1024x8192xf32> to vector<128x128xf32>
    %gt3A_1428 = arith.cmpf ogt, %slice3A_1427, %select_n3A_1426 : vector<128x128xf32>
    %jit3A_1429 = arith.constant 32 : i32
    %broadcast_in_dim3A_1430 = vector.broadcast %jit3A_1429 : i32 to vector<128x128xi32>
    %select_n3A_1431 = arith.select %gt3A_1428, %broadcast_in_dim3A_1430, %select_n3A_1425 : vector<128x128xi1>, vector<128x128xi32>
    %select_n3A_1432 = arith.select %gt3A_1428, %slice3A_1427, %select_n3A_1426 : vector<128x128xi1>, vector<128x128xf32>
    %slice3A_1433 = vector.extract_strided_slice %dot_general3A_12 {offsets = [384, 4224], sizes = [128, 128], strides = [1, 1]} : vector<1024x8192xf32> to vector<128x128xf32>
    %gt3A_1434 = arith.cmpf ogt, %slice3A_1433, %select_n3A_1432 : vector<128x128xf32>
    %jit3A_1435 = arith.constant 33 : i32
    %broadcast_in_dim3A_1436 = vector.broadcast %jit3A_1435 : i32 to vector<128x128xi32>
    %select_n3A_1437 = arith.select %gt3A_1434, %broadcast_in_dim3A_1436, %select_n3A_1431 : vector<128x128xi1>, vector<128x128xi32>
    %select_n3A_1438 = arith.select %gt3A_1434, %slice3A_1433, %select_n3A_1432 : vector<128x128xi1>, vector<128x128xf32>
    %slice3A_1439 = vector.extract_strided_slice %dot_general3A_12 {offsets = [384, 4352], sizes = [128, 128], strides = [1, 1]} : vector<1024x8192xf32> to vector<128x128xf32>
    %gt3A_1440 = arith.cmpf ogt, %slice3A_1439, %select_n3A_1438 : vector<128x128xf32>
    %jit3A_1441 = arith.constant 34 : i32
    %broadcast_in_dim3A_1442 = vector.broadcast %jit3A_1441 : i32 to vector<128x128xi32>
    %select_n3A_1443 = arith.select %gt3A_1440, %broadcast_in_dim3A_1442, %select_n3A_1437 : vector<128x128xi1>, vector<128x128xi32>
    %select_n3A_1444 = arith.select %gt3A_1440, %slice3A_1439, %select_n3A_1438 : vector<128x128xi1>, vector<128x128xf32>
    %slice3A_1445 = vector.extract_strided_slice %dot_general3A_12 {offsets = [384, 4480], sizes = [128, 128], strides = [1, 1]} : vector<1024x8192xf32> to vector<128x128xf32>
    %gt3A_1446 = arith.cmpf ogt, %slice3A_1445, %select_n3A_1444 : vector<128x128xf32>
    %jit3A_1447 = arith.constant 35 : i32
    %broadcast_in_dim3A_1448 = vector.broadcast %jit3A_1447 : i32 to vector<128x128xi32>
    %select_n3A_1449 = arith.select %gt3A_1446, %broadcast_in_dim3A_1448, %select_n3A_1443 : vector<128x128xi1>, vector<128x128xi32>
    %select_n3A_1450 = arith.select %gt3A_1446, %slice3A_1445, %select_n3A_1444 : vector<128x128xi1>, vector<128x128xf32>
    %slice3A_1451 = vector.extract_strided_slice %dot_general3A_12 {offsets = [384, 4608], sizes = [128, 128], strides = [1, 1]} : vector<1024x8192xf32> to vector<128x128xf32>
    %gt3A_1452 = arith.cmpf ogt, %slice3A_1451, %select_n3A_1450 : vector<128x128xf32>
    %jit3A_1453 = arith.constant 36 : i32
    %broadcast_in_dim3A_1454 = vector.broadcast %jit3A_1453 : i32 to vector<128x128xi32>
    %select_n3A_1455 = arith.select %gt3A_1452, %broadcast_in_dim3A_1454, %select_n3A_1449 : vector<128x128xi1>, vector<128x128xi32>
    %select_n3A_1456 = arith.select %gt3A_1452, %slice3A_1451, %select_n3A_1450 : vector<128x128xi1>, vector<128x128xf32>
    %slice3A_1457 = vector.extract_strided_slice %dot_general3A_12 {offsets = [384, 4736], sizes = [128, 128], strides = [1, 1]} : vector<1024x8192xf32> to vector<128x128xf32>
    %gt3A_1458 = arith.cmpf ogt, %slice3A_1457, %select_n3A_1456 : vector<128x128xf32>
    %jit3A_1459 = arith.constant 37 : i32
    %broadcast_in_dim3A_1460 = vector.broadcast %jit3A_1459 : i32 to vector<128x128xi32>
    %select_n3A_1461 = arith.select %gt3A_1458, %broadcast_in_dim3A_1460, %select_n3A_1455 : vector<128x128xi1>, vector<128x128xi32>
    %select_n3A_1462 = arith.select %gt3A_1458, %slice3A_1457, %select_n3A_1456 : vector<128x128xi1>, vector<128x128xf32>
    %slice3A_1463 = vector.extract_strided_slice %dot_general3A_12 {offsets = [384, 4864], sizes = [128, 128], strides = [1, 1]} : vector<1024x8192xf32> to vector<128x128xf32>
    %gt3A_1464 = arith.cmpf ogt, %slice3A_1463, %select_n3A_1462 : vector<128x128xf32>
    %jit3A_1465 = arith.constant 38 : i32
    %broadcast_in_dim3A_1466 = vector.broadcast %jit3A_1465 : i32 to vector<128x128xi32>
    %select_n3A_1467 = arith.select %gt3A_1464, %broadcast_in_dim3A_1466, %select_n3A_1461 : vector<128x128xi1>, vector<128x128xi32>
    %select_n3A_1468 = arith.select %gt3A_1464, %slice3A_1463, %select_n3A_1462 : vector<128x128xi1>, vector<128x128xf32>
    %slice3A_1469 = vector.extract_strided_slice %dot_general3A_12 {offsets = [384, 4992], sizes = [128, 128], strides = [1, 1]} : vector<1024x8192xf32> to vector<128x128xf32>
    %gt3A_1470 = arith.cmpf ogt, %slice3A_1469, %select_n3A_1468 : vector<128x128xf32>
    %jit3A_1471 = arith.constant 39 : i32
    %broadcast_in_dim3A_1472 = vector.broadcast %jit3A_1471 : i32 to vector<128x128xi32>
    %select_n3A_1473 = arith.select %gt3A_1470, %broadcast_in_dim3A_1472, %select_n3A_1467 : vector<128x128xi1>, vector<128x128xi32>
    %select_n3A_1474 = arith.select %gt3A_1470, %slice3A_1469, %select_n3A_1468 : vector<128x128xi1>, vector<128x128xf32>
    %slice3A_1475 = vector.extract_strided_slice %dot_general3A_12 {offsets = [384, 5120], sizes = [128, 128], strides = [1, 1]} : vector<1024x8192xf32> to vector<128x128xf32>
    %gt3A_1476 = arith.cmpf ogt, %slice3A_1475, %select_n3A_1474 : vector<128x128xf32>
    %jit3A_1477 = arith.constant 40 : i32
    %broadcast_in_dim3A_1478 = vector.broadcast %jit3A_1477 : i32 to vector<128x128xi32>
    %select_n3A_1479 = arith.select %gt3A_1476, %broadcast_in_dim3A_1478, %select_n3A_1473 : vector<128x128xi1>, vector<128x128xi32>
    %select_n3A_1480 = arith.select %gt3A_1476, %slice3A_1475, %select_n3A_1474 : vector<128x128xi1>, vector<128x128xf32>
    %slice3A_1481 = vector.extract_strided_slice %dot_general3A_12 {offsets = [384, 5248], sizes = [128, 128], strides = [1, 1]} : vector<1024x8192xf32> to vector<128x128xf32>
    %gt3A_1482 = arith.cmpf ogt, %slice3A_1481, %select_n3A_1480 : vector<128x128xf32>
    %jit3A_1483 = arith.constant 41 : i32
    %broadcast_in_dim3A_1484 = vector.broadcast %jit3A_1483 : i32 to vector<128x128xi32>
    %select_n3A_1485 = arith.select %gt3A_1482, %broadcast_in_dim3A_1484, %select_n3A_1479 : vector<128x128xi1>, vector<128x128xi32>
    %select_n3A_1486 = arith.select %gt3A_1482, %slice3A_1481, %select_n3A_1480 : vector<128x128xi1>, vector<128x128xf32>
    %slice3A_1487 = vector.extract_strided_slice %dot_general3A_12 {offsets = [384, 5376], sizes = [128, 128], strides = [1, 1]} : vector<1024x8192xf32> to vector<128x128xf32>
    %gt3A_1488 = arith.cmpf ogt, %slice3A_1487, %select_n3A_1486 : vector<128x128xf32>
    %jit3A_1489 = arith.constant 42 : i32
    %broadcast_in_dim3A_1490 = vector.broadcast %jit3A_1489 : i32 to vector<128x128xi32>
    %select_n3A_1491 = arith.select %gt3A_1488, %broadcast_in_dim3A_1490, %select_n3A_1485 : vector<128x128xi1>, vector<128x128xi32>
    %select_n3A_1492 = arith.select %gt3A_1488, %slice3A_1487, %select_n3A_1486 : vector<128x128xi1>, vector<128x128xf32>
    %slice3A_1493 = vector.extract_strided_slice %dot_general3A_12 {offsets = [384, 5504], sizes = [128, 128], strides = [1, 1]} : vector<1024x8192xf32> to vector<128x128xf32>
    %gt3A_1494 = arith.cmpf ogt, %slice3A_1493, %select_n3A_1492 : vector<128x128xf32>
    %jit3A_1495 = arith.constant 43 : i32
    %broadcast_in_dim3A_1496 = vector.broadcast %jit3A_1495 : i32 to vector<128x128xi32>
    %select_n3A_1497 = arith.select %gt3A_1494, %broadcast_in_dim3A_1496, %select_n3A_1491 : vector<128x128xi1>, vector<128x128xi32>
    %select_n3A_1498 = arith.select %gt3A_1494, %slice3A_1493, %select_n3A_1492 : vector<128x128xi1>, vector<128x128xf32>
    %slice3A_1499 = vector.extract_strided_slice %dot_general3A_12 {offsets = [384, 5632], sizes = [128, 128], strides = [1, 1]} : vector<1024x8192xf32> to vector<128x128xf32>
    %gt3A_1500 = arith.cmpf ogt, %slice3A_1499, %select_n3A_1498 : vector<128x128xf32>
    %jit3A_1501 = arith.constant 44 : i32
    %broadcast_in_dim3A_1502 = vector.broadcast %jit3A_1501 : i32 to vector<128x128xi32>
    %select_n3A_1503 = arith.select %gt3A_1500, %broadcast_in_dim3A_1502, %select_n3A_1497 : vector<128x128xi1>, vector<128x128xi32>
    %select_n3A_1504 = arith.select %gt3A_1500, %slice3A_1499, %select_n3A_1498 : vector<128x128xi1>, vector<128x128xf32>
    %slice3A_1505 = vector.extract_strided_slice %dot_general3A_12 {offsets = [384, 5760], sizes = [128, 128], strides = [1, 1]} : vector<1024x8192xf32> to vector<128x128xf32>
    %gt3A_1506 = arith.cmpf ogt, %slice3A_1505, %select_n3A_1504 : vector<128x128xf32>
    %jit3A_1507 = arith.constant 45 : i32
    %broadcast_in_dim3A_1508 = vector.broadcast %jit3A_1507 : i32 to vector<128x128xi32>
    %select_n3A_1509 = arith.select %gt3A_1506, %broadcast_in_dim3A_1508, %select_n3A_1503 : vector<128x128xi1>, vector<128x128xi32>
    %select_n3A_1510 = arith.select %gt3A_1506, %slice3A_1505, %select_n3A_1504 : vector<128x128xi1>, vector<128x128xf32>
    %slice3A_1511 = vector.extract_strided_slice %dot_general3A_12 {offsets = [384, 5888], sizes = [128, 128], strides = [1, 1]} : vector<1024x8192xf32> to vector<128x128xf32>
    %gt3A_1512 = arith.cmpf ogt, %slice3A_1511, %select_n3A_1510 : vector<128x128xf32>
    %jit3A_1513 = arith.constant 46 : i32
    %broadcast_in_dim3A_1514 = vector.broadcast %jit3A_1513 : i32 to vector<128x128xi32>
    %select_n3A_1515 = arith.select %gt3A_1512, %broadcast_in_dim3A_1514, %select_n3A_1509 : vector<128x128xi1>, vector<128x128xi32>
    %select_n3A_1516 = arith.select %gt3A_1512, %slice3A_1511, %select_n3A_1510 : vector<128x128xi1>, vector<128x128xf32>
    %slice3A_1517 = vector.extract_strided_slice %dot_general3A_12 {offsets = [384, 6016], sizes = [128, 128], strides = [1, 1]} : vector<1024x8192xf32> to vector<128x128xf32>
    %gt3A_1518 = arith.cmpf ogt, %slice3A_1517, %select_n3A_1516 : vector<128x128xf32>
    %jit3A_1519 = arith.constant 47 : i32
    %broadcast_in_dim3A_1520 = vector.broadcast %jit3A_1519 : i32 to vector<128x128xi32>
    %select_n3A_1521 = arith.select %gt3A_1518, %broadcast_in_dim3A_1520, %select_n3A_1515 : vector<128x128xi1>, vector<128x128xi32>
    %select_n3A_1522 = arith.select %gt3A_1518, %slice3A_1517, %select_n3A_1516 : vector<128x128xi1>, vector<128x128xf32>
    %slice3A_1523 = vector.extract_strided_slice %dot_general3A_12 {offsets = [384, 6144], sizes = [128, 128], strides = [1, 1]} : vector<1024x8192xf32> to vector<128x128xf32>
    %gt3A_1524 = arith.cmpf ogt, %slice3A_1523, %select_n3A_1522 : vector<128x128xf32>
    %jit3A_1525 = arith.constant 48 : i32
    %broadcast_in_dim3A_1526 = vector.broadcast %jit3A_1525 : i32 to vector<128x128xi32>
    %select_n3A_1527 = arith.select %gt3A_1524, %broadcast_in_dim3A_1526, %select_n3A_1521 : vector<128x128xi1>, vector<128x128xi32>
    %select_n3A_1528 = arith.select %gt3A_1524, %slice3A_1523, %select_n3A_1522 : vector<128x128xi1>, vector<128x128xf32>
    %slice3A_1529 = vector.extract_strided_slice %dot_general3A_12 {offsets = [384, 6272], sizes = [128, 128], strides = [1, 1]} : vector<1024x8192xf32> to vector<128x128xf32>
    %gt3A_1530 = arith.cmpf ogt, %slice3A_1529, %select_n3A_1528 : vector<128x128xf32>
    %jit3A_1531 = arith.constant 49 : i32
    %broadcast_in_dim3A_1532 = vector.broadcast %jit3A_1531 : i32 to vector<128x128xi32>
    %select_n3A_1533 = arith.select %gt3A_1530, %broadcast_in_dim3A_1532, %select_n3A_1527 : vector<128x128xi1>, vector<128x128xi32>
    %select_n3A_1534 = arith.select %gt3A_1530, %slice3A_1529, %select_n3A_1528 : vector<128x128xi1>, vector<128x128xf32>
    %slice3A_1535 = vector.extract_strided_slice %dot_general3A_12 {offsets = [384, 6400], sizes = [128, 128], strides = [1, 1]} : vector<1024x8192xf32> to vector<128x128xf32>
    %gt3A_1536 = arith.cmpf ogt, %slice3A_1535, %select_n3A_1534 : vector<128x128xf32>
    %jit3A_1537 = arith.constant 50 : i32
    %broadcast_in_dim3A_1538 = vector.broadcast %jit3A_1537 : i32 to vector<128x128xi32>
    %select_n3A_1539 = arith.select %gt3A_1536, %broadcast_in_dim3A_1538, %select_n3A_1533 : vector<128x128xi1>, vector<128x128xi32>
    %select_n3A_1540 = arith.select %gt3A_1536, %slice3A_1535, %select_n3A_1534 : vector<128x128xi1>, vector<128x128xf32>
    %slice3A_1541 = vector.extract_strided_slice %dot_general3A_12 {offsets = [384, 6528], sizes = [128, 128], strides = [1, 1]} : vector<1024x8192xf32> to vector<128x128xf32>
    %gt3A_1542 = arith.cmpf ogt, %slice3A_1541, %select_n3A_1540 : vector<128x128xf32>
    %jit3A_1543 = arith.constant 51 : i32
    %broadcast_in_dim3A_1544 = vector.broadcast %jit3A_1543 : i32 to vector<128x128xi32>
    %select_n3A_1545 = arith.select %gt3A_1542, %broadcast_in_dim3A_1544, %select_n3A_1539 : vector<128x128xi1>, vector<128x128xi32>
    %select_n3A_1546 = arith.select %gt3A_1542, %slice3A_1541, %select_n3A_1540 : vector<128x128xi1>, vector<128x128xf32>
    %slice3A_1547 = vector.extract_strided_slice %dot_general3A_12 {offsets = [384, 6656], sizes = [128, 128], strides = [1, 1]} : vector<1024x8192xf32> to vector<128x128xf32>
    %gt3A_1548 = arith.cmpf ogt, %slice3A_1547, %select_n3A_1546 : vector<128x128xf32>
    %jit3A_1549 = arith.constant 52 : i32
    %broadcast_in_dim3A_1550 = vector.broadcast %jit3A_1549 : i32 to vector<128x128xi32>
    %select_n3A_1551 = arith.select %gt3A_1548, %broadcast_in_dim3A_1550, %select_n3A_1545 : vector<128x128xi1>, vector<128x128xi32>
    %select_n3A_1552 = arith.select %gt3A_1548, %slice3A_1547, %select_n3A_1546 : vector<128x128xi1>, vector<128x128xf32>
    %slice3A_1553 = vector.extract_strided_slice %dot_general3A_12 {offsets = [384, 6784], sizes = [128, 128], strides = [1, 1]} : vector<1024x8192xf32> to vector<128x128xf32>
    %gt3A_1554 = arith.cmpf ogt, %slice3A_1553, %select_n3A_1552 : vector<128x128xf32>
    %jit3A_1555 = arith.constant 53 : i32
    %broadcast_in_dim3A_1556 = vector.broadcast %jit3A_1555 : i32 to vector<128x128xi32>
    %select_n3A_1557 = arith.select %gt3A_1554, %broadcast_in_dim3A_1556, %select_n3A_1551 : vector<128x128xi1>, vector<128x128xi32>
    %select_n3A_1558 = arith.select %gt3A_1554, %slice3A_1553, %select_n3A_1552 : vector<128x128xi1>, vector<128x128xf32>
    %slice3A_1559 = vector.extract_strided_slice %dot_general3A_12 {offsets = [384, 6912], sizes = [128, 128], strides = [1, 1]} : vector<1024x8192xf32> to vector<128x128xf32>
    %gt3A_1560 = arith.cmpf ogt, %slice3A_1559, %select_n3A_1558 : vector<128x128xf32>
    %jit3A_1561 = arith.constant 54 : i32
    %broadcast_in_dim3A_1562 = vector.broadcast %jit3A_1561 : i32 to vector<128x128xi32>
    %select_n3A_1563 = arith.select %gt3A_1560, %broadcast_in_dim3A_1562, %select_n3A_1557 : vector<128x128xi1>, vector<128x128xi32>
    %select_n3A_1564 = arith.select %gt3A_1560, %slice3A_1559, %select_n3A_1558 : vector<128x128xi1>, vector<128x128xf32>
    %slice3A_1565 = vector.extract_strided_slice %dot_general3A_12 {offsets = [384, 7040], sizes = [128, 128], strides = [1, 1]} : vector<1024x8192xf32> to vector<128x128xf32>
    %gt3A_1566 = arith.cmpf ogt, %slice3A_1565, %select_n3A_1564 : vector<128x128xf32>
    %jit3A_1567 = arith.constant 55 : i32
    %broadcast_in_dim3A_1568 = vector.broadcast %jit3A_1567 : i32 to vector<128x128xi32>
    %select_n3A_1569 = arith.select %gt3A_1566, %broadcast_in_dim3A_1568, %select_n3A_1563 : vector<128x128xi1>, vector<128x128xi32>
    %select_n3A_1570 = arith.select %gt3A_1566, %slice3A_1565, %select_n3A_1564 : vector<128x128xi1>, vector<128x128xf32>
    %slice3A_1571 = vector.extract_strided_slice %dot_general3A_12 {offsets = [384, 7168], sizes = [128, 128], strides = [1, 1]} : vector<1024x8192xf32> to vector<128x128xf32>
    %gt3A_1572 = arith.cmpf ogt, %slice3A_1571, %select_n3A_1570 : vector<128x128xf32>
    %jit3A_1573 = arith.constant 56 : i32
    %broadcast_in_dim3A_1574 = vector.broadcast %jit3A_1573 : i32 to vector<128x128xi32>
    %select_n3A_1575 = arith.select %gt3A_1572, %broadcast_in_dim3A_1574, %select_n3A_1569 : vector<128x128xi1>, vector<128x128xi32>
    %select_n3A_1576 = arith.select %gt3A_1572, %slice3A_1571, %select_n3A_1570 : vector<128x128xi1>, vector<128x128xf32>
    %slice3A_1577 = vector.extract_strided_slice %dot_general3A_12 {offsets = [384, 7296], sizes = [128, 128], strides = [1, 1]} : vector<1024x8192xf32> to vector<128x128xf32>
    %gt3A_1578 = arith.cmpf ogt, %slice3A_1577, %select_n3A_1576 : vector<128x128xf32>
    %jit3A_1579 = arith.constant 57 : i32
    %broadcast_in_dim3A_1580 = vector.broadcast %jit3A_1579 : i32 to vector<128x128xi32>
    %select_n3A_1581 = arith.select %gt3A_1578, %broadcast_in_dim3A_1580, %select_n3A_1575 : vector<128x128xi1>, vector<128x128xi32>
    %select_n3A_1582 = arith.select %gt3A_1578, %slice3A_1577, %select_n3A_1576 : vector<128x128xi1>, vector<128x128xf32>
    %slice3A_1583 = vector.extract_strided_slice %dot_general3A_12 {offsets = [384, 7424], sizes = [128, 128], strides = [1, 1]} : vector<1024x8192xf32> to vector<128x128xf32>
    %gt3A_1584 = arith.cmpf ogt, %slice3A_1583, %select_n3A_1582 : vector<128x128xf32>
    %jit3A_1585 = arith.constant 58 : i32
    %broadcast_in_dim3A_1586 = vector.broadcast %jit3A_1585 : i32 to vector<128x128xi32>
    %select_n3A_1587 = arith.select %gt3A_1584, %broadcast_in_dim3A_1586, %select_n3A_1581 : vector<128x128xi1>, vector<128x128xi32>
    %select_n3A_1588 = arith.select %gt3A_1584, %slice3A_1583, %select_n3A_1582 : vector<128x128xi1>, vector<128x128xf32>
    %slice3A_1589 = vector.extract_strided_slice %dot_general3A_12 {offsets = [384, 7552], sizes = [128, 128], strides = [1, 1]} : vector<1024x8192xf32> to vector<128x128xf32>
    %gt3A_1590 = arith.cmpf ogt, %slice3A_1589, %select_n3A_1588 : vector<128x128xf32>
    %jit3A_1591 = arith.constant 59 : i32
    %broadcast_in_dim3A_1592 = vector.broadcast %jit3A_1591 : i32 to vector<128x128xi32>
    %select_n3A_1593 = arith.select %gt3A_1590, %broadcast_in_dim3A_1592, %select_n3A_1587 : vector<128x128xi1>, vector<128x128xi32>
    %select_n3A_1594 = arith.select %gt3A_1590, %slice3A_1589, %select_n3A_1588 : vector<128x128xi1>, vector<128x128xf32>
    %slice3A_1595 = vector.extract_strided_slice %dot_general3A_12 {offsets = [384, 7680], sizes = [128, 128], strides = [1, 1]} : vector<1024x8192xf32> to vector<128x128xf32>
    %gt3A_1596 = arith.cmpf ogt, %slice3A_1595, %select_n3A_1594 : vector<128x128xf32>
    %jit3A_1597 = arith.constant 60 : i32
    %broadcast_in_dim3A_1598 = vector.broadcast %jit3A_1597 : i32 to vector<128x128xi32>
    %select_n3A_1599 = arith.select %gt3A_1596, %broadcast_in_dim3A_1598, %select_n3A_1593 : vector<128x128xi1>, vector<128x128xi32>
    %select_n3A_1600 = arith.select %gt3A_1596, %slice3A_1595, %select_n3A_1594 : vector<128x128xi1>, vector<128x128xf32>
    %slice3A_1601 = vector.extract_strided_slice %dot_general3A_12 {offsets = [384, 7808], sizes = [128, 128], strides = [1, 1]} : vector<1024x8192xf32> to vector<128x128xf32>
    %gt3A_1602 = arith.cmpf ogt, %slice3A_1601, %select_n3A_1600 : vector<128x128xf32>
    %jit3A_1603 = arith.constant 61 : i32
    %broadcast_in_dim3A_1604 = vector.broadcast %jit3A_1603 : i32 to vector<128x128xi32>
    %select_n3A_1605 = arith.select %gt3A_1602, %broadcast_in_dim3A_1604, %select_n3A_1599 : vector<128x128xi1>, vector<128x128xi32>
    %select_n3A_1606 = arith.select %gt3A_1602, %slice3A_1601, %select_n3A_1600 : vector<128x128xi1>, vector<128x128xf32>
    %slice3A_1607 = vector.extract_strided_slice %dot_general3A_12 {offsets = [384, 7936], sizes = [128, 128], strides = [1, 1]} : vector<1024x8192xf32> to vector<128x128xf32>
    %gt3A_1608 = arith.cmpf ogt, %slice3A_1607, %select_n3A_1606 : vector<128x128xf32>
    %jit3A_1609 = arith.constant 62 : i32
    %broadcast_in_dim3A_1610 = vector.broadcast %jit3A_1609 : i32 to vector<128x128xi32>
    %select_n3A_1611 = arith.select %gt3A_1608, %broadcast_in_dim3A_1610, %select_n3A_1605 : vector<128x128xi1>, vector<128x128xi32>
    %select_n3A_1612 = arith.select %gt3A_1608, %slice3A_1607, %select_n3A_1606 : vector<128x128xi1>, vector<128x128xf32>
    %slice3A_1613 = vector.extract_strided_slice %dot_general3A_12 {offsets = [384, 8064], sizes = [128, 128], strides = [1, 1]} : vector<1024x8192xf32> to vector<128x128xf32>
    %gt3A_1614 = arith.cmpf ogt, %slice3A_1613, %select_n3A_1612 : vector<128x128xf32>
    %jit3A_1615 = arith.constant 63 : i32
    %broadcast_in_dim3A_1616 = vector.broadcast %jit3A_1615 : i32 to vector<128x128xi32>
    %select_n3A_1617 = arith.select %gt3A_1614, %broadcast_in_dim3A_1616, %select_n3A_1611 : vector<128x128xi1>, vector<128x128xi32>
    %select_n3A_1618 = arith.select %gt3A_1614, %slice3A_1613, %select_n3A_1612 : vector<128x128xi1>, vector<128x128xf32>
    %reduce_max3A_1619 = arith.constant dense<0xFF800000> : vector<128xf32>
    %reduce_max3A_1620 = vector.multi_reduction <maximumf>, %select_n3A_1618, %reduce_max3A_1619 [1] : vector<128x128xf32> to vector<128xf32>
    %broadcast_in_dim3A_1621 = vector.shape_cast %reduce_max3A_1620 : vector<128xf32> to vector<128x1xf32>
    %eq3A_1622 = vector.broadcast %broadcast_in_dim3A_1621 : vector<128x1xf32> to vector<128x128xf32>
    %eq3A_1623 = arith.cmpf oeq, %select_n3A_1618, %eq3A_1622 : vector<128x128xf32>
    %mul3A_1624 = arith.constant 128 : i32
    %mul3A_1625 = vector.broadcast %mul3A_1624 : i32 to vector<128x128xi32>
    %mul3A_1626 = arith.muli %select_n3A_1617, %mul3A_1625 : vector<128x128xi32>
    %add3A_1627 = arith.addi %mul3A_1626, %iota3A : vector<128x128xi32>
    %jit3A_1628 = arith.constant 8192 : i32
    %broadcast_in_dim3A_1629 = vector.broadcast %jit3A_1628 : i32 to vector<128x128xi32>
    %select_n3A_1630 = arith.select %eq3A_1623, %add3A_1627, %broadcast_in_dim3A_1629 : vector<128x128xi1>, vector<128x128xi32>
    %reduce_min3A_1631 = arith.constant dense<2147483647> : vector<128xi32>
    %reduce_min3A_1632 = vector.multi_reduction <minsi>, %select_n3A_1630, %reduce_min3A_1631 [1] : vector<128x128xi32> to vector<128xi32>
    %swap3A_1633 = arith.constant 0 : index
    %swap3A_1634 = arith.constant 0 : index
    %swap3A_1635 = arith.constant 384 : index
    %swap3A_1636 = vector.load %arg3[%swap3A_1633, %swap3A_1634, %swap3A_1635] : memref<1x1x1024xi32, #tpu.memory_space<vmem>>, vector<1x1x128xi32>
    %swap3A_1637 = vector.shape_cast %swap3A_1636 : vector<1x1x128xi32> to vector<128xi32>
    %swap3A_1638 = vector.shape_cast %reduce_min3A_1632 : vector<128xi32> to vector<1x1x128xi32>
    tpu.vector_store %arg3[%swap3A_1633, %swap3A_1634, %swap3A_1635], %swap3A_1638 {strides = array<i32>} : memref<1x1x1024xi32, #tpu.memory_space<vmem>>, vector<1x1x128xi32>,
    %get3A_1639 = arith.constant 3 : index
    %get3A_1640 = arith.constant 0 : index
    %get3A_1641 = vector.load %arg7[%get3A_1639, %get3A_1640] : memref<8x128xf32, #tpu.memory_space<vmem>>, vector<1x128xf32>
    %get3A_1642 = vector.shape_cast %get3A_1641 : vector<1x128xf32> to vector<128xf32>
    %add3A_1643 = arith.addf %get3A_1642, %reduce_max3A_1620 : vector<128xf32>
    %swap3A_1644 = arith.constant 3 : index
    %swap3A_1645 = arith.constant 0 : index
    %swap3A_1646 = vector.load %arg7[%swap3A_1644, %swap3A_1645] : memref<8x128xf32, #tpu.memory_space<vmem>>, vector<1x128xf32>
    %swap3A_1647 = vector.shape_cast %swap3A_1646 : vector<1x128xf32> to vector<128xf32>
    %swap3A_1648 = vector.shape_cast %add3A_1643 : vector<128xf32> to vector<1x128xf32>
    tpu.vector_store %arg7[%swap3A_1644, %swap3A_1645], %swap3A_1648 {strides = array<i32>} : memref<8x128xf32, #tpu.memory_space<vmem>>, vector<1x128xf32>,
    %slice3A_1649 = vector.extract_strided_slice %dot_general3A_12 {offsets = [512, 0], sizes = [128, 128], strides = [1, 1]} : vector<1024x8192xf32> to vector<128x128xf32>
    %broadcast_in_dim3A_1650 = arith.constant 0 : i32
    %broadcast_in_dim3A_1651 = vector.broadcast %broadcast_in_dim3A_1650 : i32 to vector<128x128xi32>
    %slice3A_1652 = vector.extract_strided_slice %dot_general3A_12 {offsets = [512, 128], sizes = [128, 128], strides = [1, 1]} : vector<1024x8192xf32> to vector<128x128xf32>
    %gt3A_1653 = arith.cmpf ogt, %slice3A_1652, %slice3A_1649 : vector<128x128xf32>
    %jit3A_1654 = arith.constant 1 : i32
    %broadcast_in_dim3A_1655 = vector.broadcast %jit3A_1654 : i32 to vector<128x128xi32>
    %select_n3A_1656 = arith.select %gt3A_1653, %broadcast_in_dim3A_1655, %broadcast_in_dim3A_1651 : vector<128x128xi1>, vector<128x128xi32>
    %select_n3A_1657 = arith.select %gt3A_1653, %slice3A_1652, %slice3A_1649 : vector<128x128xi1>, vector<128x128xf32>
    %slice3A_1658 = vector.extract_strided_slice %dot_general3A_12 {offsets = [512, 256], sizes = [128, 128], strides = [1, 1]} : vector<1024x8192xf32> to vector<128x128xf32>
    %gt3A_1659 = arith.cmpf ogt, %slice3A_1658, %select_n3A_1657 : vector<128x128xf32>
    %jit3A_1660 = arith.constant 2 : i32
    %broadcast_in_dim3A_1661 = vector.broadcast %jit3A_1660 : i32 to vector<128x128xi32>
    %select_n3A_1662 = arith.select %gt3A_1659, %broadcast_in_dim3A_1661, %select_n3A_1656 : vector<128x128xi1>, vector<128x128xi32>
    %select_n3A_1663 = arith.select %gt3A_1659, %slice3A_1658, %select_n3A_1657 : vector<128x128xi1>, vector<128x128xf32>
    %slice3A_1664 = vector.extract_strided_slice %dot_general3A_12 {offsets = [512, 384], sizes = [128, 128], strides = [1, 1]} : vector<1024x8192xf32> to vector<128x128xf32>
    %gt3A_1665 = arith.cmpf ogt, %slice3A_1664, %select_n3A_1663 : vector<128x128xf32>
    %jit3A_1666 = arith.constant 3 : i32
    %broadcast_in_dim3A_1667 = vector.broadcast %jit3A_1666 : i32 to vector<128x128xi32>
    %select_n3A_1668 = arith.select %gt3A_1665, %broadcast_in_dim3A_1667, %select_n3A_1662 : vector<128x128xi1>, vector<128x128xi32>
    %select_n3A_1669 = arith.select %gt3A_1665, %slice3A_1664, %select_n3A_1663 : vector<128x128xi1>, vector<128x128xf32>
    %slice3A_1670 = vector.extract_strided_slice %dot_general3A_12 {offsets = [512, 512], sizes = [128, 128], strides = [1, 1]} : vector<1024x8192xf32> to vector<128x128xf32>
    %gt3A_1671 = arith.cmpf ogt, %slice3A_1670, %select_n3A_1669 : vector<128x128xf32>
    %jit3A_1672 = arith.constant 4 : i32
    %broadcast_in_dim3A_1673 = vector.broadcast %jit3A_1672 : i32 to vector<128x128xi32>
    %select_n3A_1674 = arith.select %gt3A_1671, %broadcast_in_dim3A_1673, %select_n3A_1668 : vector<128x128xi1>, vector<128x128xi32>
    %select_n3A_1675 = arith.select %gt3A_1671, %slice3A_1670, %select_n3A_1669 : vector<128x128xi1>, vector<128x128xf32>
    %slice3A_1676 = vector.extract_strided_slice %dot_general3A_12 {offsets = [512, 640], sizes = [128, 128], strides = [1, 1]} : vector<1024x8192xf32> to vector<128x128xf32>
    %gt3A_1677 = arith.cmpf ogt, %slice3A_1676, %select_n3A_1675 : vector<128x128xf32>
    %jit3A_1678 = arith.constant 5 : i32
    %broadcast_in_dim3A_1679 = vector.broadcast %jit3A_1678 : i32 to vector<128x128xi32>
    %select_n3A_1680 = arith.select %gt3A_1677, %broadcast_in_dim3A_1679, %select_n3A_1674 : vector<128x128xi1>, vector<128x128xi32>
    %select_n3A_1681 = arith.select %gt3A_1677, %slice3A_1676, %select_n3A_1675 : vector<128x128xi1>, vector<128x128xf32>
    %slice3A_1682 = vector.extract_strided_slice %dot_general3A_12 {offsets = [512, 768], sizes = [128, 128], strides = [1, 1]} : vector<1024x8192xf32> to vector<128x128xf32>
    %gt3A_1683 = arith.cmpf ogt, %slice3A_1682, %select_n3A_1681 : vector<128x128xf32>
    %jit3A_1684 = arith.constant 6 : i32
    %broadcast_in_dim3A_1685 = vector.broadcast %jit3A_1684 : i32 to vector<128x128xi32>
    %select_n3A_1686 = arith.select %gt3A_1683, %broadcast_in_dim3A_1685, %select_n3A_1680 : vector<128x128xi1>, vector<128x128xi32>
    %select_n3A_1687 = arith.select %gt3A_1683, %slice3A_1682, %select_n3A_1681 : vector<128x128xi1>, vector<128x128xf32>
    %slice3A_1688 = vector.extract_strided_slice %dot_general3A_12 {offsets = [512, 896], sizes = [128, 128], strides = [1, 1]} : vector<1024x8192xf32> to vector<128x128xf32>
    %gt3A_1689 = arith.cmpf ogt, %slice3A_1688, %select_n3A_1687 : vector<128x128xf32>
    %jit3A_1690 = arith.constant 7 : i32
    %broadcast_in_dim3A_1691 = vector.broadcast %jit3A_1690 : i32 to vector<128x128xi32>
    %select_n3A_1692 = arith.select %gt3A_1689, %broadcast_in_dim3A_1691, %select_n3A_1686 : vector<128x128xi1>, vector<128x128xi32>
    %select_n3A_1693 = arith.select %gt3A_1689, %slice3A_1688, %select_n3A_1687 : vector<128x128xi1>, vector<128x128xf32>
    %slice3A_1694 = vector.extract_strided_slice %dot_general3A_12 {offsets = [512, 1024], sizes = [128, 128], strides = [1, 1]} : vector<1024x8192xf32> to vector<128x128xf32>
    %gt3A_1695 = arith.cmpf ogt, %slice3A_1694, %select_n3A_1693 : vector<128x128xf32>
    %jit3A_1696 = arith.constant 8 : i32
    %broadcast_in_dim3A_1697 = vector.broadcast %jit3A_1696 : i32 to vector<128x128xi32>
    %select_n3A_1698 = arith.select %gt3A_1695, %broadcast_in_dim3A_1697, %select_n3A_1692 : vector<128x128xi1>, vector<128x128xi32>
    %select_n3A_1699 = arith.select %gt3A_1695, %slice3A_1694, %select_n3A_1693 : vector<128x128xi1>, vector<128x128xf32>
    %slice3A_1700 = vector.extract_strided_slice %dot_general3A_12 {offsets = [512, 1152], sizes = [128, 128], strides = [1, 1]} : vector<1024x8192xf32> to vector<128x128xf32>
    %gt3A_1701 = arith.cmpf ogt, %slice3A_1700, %select_n3A_1699 : vector<128x128xf32>
    %jit3A_1702 = arith.constant 9 : i32
    %broadcast_in_dim3A_1703 = vector.broadcast %jit3A_1702 : i32 to vector<128x128xi32>
    %select_n3A_1704 = arith.select %gt3A_1701, %broadcast_in_dim3A_1703, %select_n3A_1698 : vector<128x128xi1>, vector<128x128xi32>
    %select_n3A_1705 = arith.select %gt3A_1701, %slice3A_1700, %select_n3A_1699 : vector<128x128xi1>, vector<128x128xf32>
    %slice3A_1706 = vector.extract_strided_slice %dot_general3A_12 {offsets = [512, 1280], sizes = [128, 128], strides = [1, 1]} : vector<1024x8192xf32> to vector<128x128xf32>
    %gt3A_1707 = arith.cmpf ogt, %slice3A_1706, %select_n3A_1705 : vector<128x128xf32>
    %jit3A_1708 = arith.constant 10 : i32
    %broadcast_in_dim3A_1709 = vector.broadcast %jit3A_1708 : i32 to vector<128x128xi32>
    %select_n3A_1710 = arith.select %gt3A_1707, %broadcast_in_dim3A_1709, %select_n3A_1704 : vector<128x128xi1>, vector<128x128xi32>
    %select_n3A_1711 = arith.select %gt3A_1707, %slice3A_1706, %select_n3A_1705 : vector<128x128xi1>, vector<128x128xf32>
    %slice3A_1712 = vector.extract_strided_slice %dot_general3A_12 {offsets = [512, 1408], sizes = [128, 128], strides = [1, 1]} : vector<1024x8192xf32> to vector<128x128xf32>
    %gt3A_1713 = arith.cmpf ogt, %slice3A_1712, %select_n3A_1711 : vector<128x128xf32>
    %jit3A_1714 = arith.constant 11 : i32
    %broadcast_in_dim3A_1715 = vector.broadcast %jit3A_1714 : i32 to vector<128x128xi32>
    %select_n3A_1716 = arith.select %gt3A_1713, %broadcast_in_dim3A_1715, %select_n3A_1710 : vector<128x128xi1>, vector<128x128xi32>
    %select_n3A_1717 = arith.select %gt3A_1713, %slice3A_1712, %select_n3A_1711 : vector<128x128xi1>, vector<128x128xf32>
    %slice3A_1718 = vector.extract_strided_slice %dot_general3A_12 {offsets = [512, 1536], sizes = [128, 128], strides = [1, 1]} : vector<1024x8192xf32> to vector<128x128xf32>
    %gt3A_1719 = arith.cmpf ogt, %slice3A_1718, %select_n3A_1717 : vector<128x128xf32>
    %jit3A_1720 = arith.constant 12 : i32
    %broadcast_in_dim3A_1721 = vector.broadcast %jit3A_1720 : i32 to vector<128x128xi32>
    %select_n3A_1722 = arith.select %gt3A_1719, %broadcast_in_dim3A_1721, %select_n3A_1716 : vector<128x128xi1>, vector<128x128xi32>
    %select_n3A_1723 = arith.select %gt3A_1719, %slice3A_1718, %select_n3A_1717 : vector<128x128xi1>, vector<128x128xf32>
    %slice3A_1724 = vector.extract_strided_slice %dot_general3A_12 {offsets = [512, 1664], sizes = [128, 128], strides = [1, 1]} : vector<1024x8192xf32> to vector<128x128xf32>
    %gt3A_1725 = arith.cmpf ogt, %slice3A_1724, %select_n3A_1723 : vector<128x128xf32>
    %jit3A_1726 = arith.constant 13 : i32
    %broadcast_in_dim3A_1727 = vector.broadcast %jit3A_1726 : i32 to vector<128x128xi32>
    %select_n3A_1728 = arith.select %gt3A_1725, %broadcast_in_dim3A_1727, %select_n3A_1722 : vector<128x128xi1>, vector<128x128xi32>
    %select_n3A_1729 = arith.select %gt3A_1725, %slice3A_1724, %select_n3A_1723 : vector<128x128xi1>, vector<128x128xf32>
    %slice3A_1730 = vector.extract_strided_slice %dot_general3A_12 {offsets = [512, 1792], sizes = [128, 128], strides = [1, 1]} : vector<1024x8192xf32> to vector<128x128xf32>
    %gt3A_1731 = arith.cmpf ogt, %slice3A_1730, %select_n3A_1729 : vector<128x128xf32>
    %jit3A_1732 = arith.constant 14 : i32
    %broadcast_in_dim3A_1733 = vector.broadcast %jit3A_1732 : i32 to vector<128x128xi32>
    %select_n3A_1734 = arith.select %gt3A_1731, %broadcast_in_dim3A_1733, %select_n3A_1728 : vector<128x128xi1>, vector<128x128xi32>
    %select_n3A_1735 = arith.select %gt3A_1731, %slice3A_1730, %select_n3A_1729 : vector<128x128xi1>, vector<128x128xf32>
    %slice3A_1736 = vector.extract_strided_slice %dot_general3A_12 {offsets = [512, 1920], sizes = [128, 128], strides = [1, 1]} : vector<1024x8192xf32> to vector<128x128xf32>
    %gt3A_1737 = arith.cmpf ogt, %slice3A_1736, %select_n3A_1735 : vector<128x128xf32>
    %jit3A_1738 = arith.constant 15 : i32
    %broadcast_in_dim3A_1739 = vector.broadcast %jit3A_1738 : i32 to vector<128x128xi32>
    %select_n3A_1740 = arith.select %gt3A_1737, %broadcast_in_dim3A_1739, %select_n3A_1734 : vector<128x128xi1>, vector<128x128xi32>
    %select_n3A_1741 = arith.select %gt3A_1737, %slice3A_1736, %select_n3A_1735 : vector<128x128xi1>, vector<128x128xf32>
    %slice3A_1742 = vector.extract_strided_slice %dot_general3A_12 {offsets = [512, 2048], sizes = [128, 128], strides = [1, 1]} : vector<1024x8192xf32> to vector<128x128xf32>
    %gt3A_1743 = arith.cmpf ogt, %slice3A_1742, %select_n3A_1741 : vector<128x128xf32>
    %jit3A_1744 = arith.constant 16 : i32
    %broadcast_in_dim3A_1745 = vector.broadcast %jit3A_1744 : i32 to vector<128x128xi32>
    %select_n3A_1746 = arith.select %gt3A_1743, %broadcast_in_dim3A_1745, %select_n3A_1740 : vector<128x128xi1>, vector<128x128xi32>
    %select_n3A_1747 = arith.select %gt3A_1743, %slice3A_1742, %select_n3A_1741 : vector<128x128xi1>, vector<128x128xf32>
    %slice3A_1748 = vector.extract_strided_slice %dot_general3A_12 {offsets = [512, 2176], sizes = [128, 128], strides = [1, 1]} : vector<1024x8192xf32> to vector<128x128xf32>
    %gt3A_1749 = arith.cmpf ogt, %slice3A_1748, %select_n3A_1747 : vector<128x128xf32>
    %jit3A_1750 = arith.constant 17 : i32
    %broadcast_in_dim3A_1751 = vector.broadcast %jit3A_1750 : i32 to vector<128x128xi32>
    %select_n3A_1752 = arith.select %gt3A_1749, %broadcast_in_dim3A_1751, %select_n3A_1746 : vector<128x128xi1>, vector<128x128xi32>
    %select_n3A_1753 = arith.select %gt3A_1749, %slice3A_1748, %select_n3A_1747 : vector<128x128xi1>, vector<128x128xf32>
    %slice3A_1754 = vector.extract_strided_slice %dot_general3A_12 {offsets = [512, 2304], sizes = [128, 128], strides = [1, 1]} : vector<1024x8192xf32> to vector<128x128xf32>
    %gt3A_1755 = arith.cmpf ogt, %slice3A_1754, %select_n3A_1753 : vector<128x128xf32>
    %jit3A_1756 = arith.constant 18 : i32
    %broadcast_in_dim3A_1757 = vector.broadcast %jit3A_1756 : i32 to vector<128x128xi32>
    %select_n3A_1758 = arith.select %gt3A_1755, %broadcast_in_dim3A_1757, %select_n3A_1752 : vector<128x128xi1>, vector<128x128xi32>
    %select_n3A_1759 = arith.select %gt3A_1755, %slice3A_1754, %select_n3A_1753 : vector<128x128xi1>, vector<128x128xf32>
    %slice3A_1760 = vector.extract_strided_slice %dot_general3A_12 {offsets = [512, 2432], sizes = [128, 128], strides = [1, 1]} : vector<1024x8192xf32> to vector<128x128xf32>
    %gt3A_1761 = arith.cmpf ogt, %slice3A_1760, %select_n3A_1759 : vector<128x128xf32>
    %jit3A_1762 = arith.constant 19 : i32
    %broadcast_in_dim3A_1763 = vector.broadcast %jit3A_1762 : i32 to vector<128x128xi32>
    %select_n3A_1764 = arith.select %gt3A_1761, %broadcast_in_dim3A_1763, %select_n3A_1758 : vector<128x128xi1>, vector<128x128xi32>
    %select_n3A_1765 = arith.select %gt3A_1761, %slice3A_1760, %select_n3A_1759 : vector<128x128xi1>, vector<128x128xf32>
    %slice3A_1766 = vector.extract_strided_slice %dot_general3A_12 {offsets = [512, 2560], sizes = [128, 128], strides = [1, 1]} : vector<1024x8192xf32> to vector<128x128xf32>
    %gt3A_1767 = arith.cmpf ogt, %slice3A_1766, %select_n3A_1765 : vector<128x128xf32>
    %jit3A_1768 = arith.constant 20 : i32
    %broadcast_in_dim3A_1769 = vector.broadcast %jit3A_1768 : i32 to vector<128x128xi32>
    %select_n3A_1770 = arith.select %gt3A_1767, %broadcast_in_dim3A_1769, %select_n3A_1764 : vector<128x128xi1>, vector<128x128xi32>
    %select_n3A_1771 = arith.select %gt3A_1767, %slice3A_1766, %select_n3A_1765 : vector<128x128xi1>, vector<128x128xf32>
    %slice3A_1772 = vector.extract_strided_slice %dot_general3A_12 {offsets = [512, 2688], sizes = [128, 128], strides = [1, 1]} : vector<1024x8192xf32> to vector<128x128xf32>
    %gt3A_1773 = arith.cmpf ogt, %slice3A_1772, %select_n3A_1771 : vector<128x128xf32>
    %jit3A_1774 = arith.constant 21 : i32
    %broadcast_in_dim3A_1775 = vector.broadcast %jit3A_1774 : i32 to vector<128x128xi32>
    %select_n3A_1776 = arith.select %gt3A_1773, %broadcast_in_dim3A_1775, %select_n3A_1770 : vector<128x128xi1>, vector<128x128xi32>
    %select_n3A_1777 = arith.select %gt3A_1773, %slice3A_1772, %select_n3A_1771 : vector<128x128xi1>, vector<128x128xf32>
    %slice3A_1778 = vector.extract_strided_slice %dot_general3A_12 {offsets = [512, 2816], sizes = [128, 128], strides = [1, 1]} : vector<1024x8192xf32> to vector<128x128xf32>
    %gt3A_1779 = arith.cmpf ogt, %slice3A_1778, %select_n3A_1777 : vector<128x128xf32>
    %jit3A_1780 = arith.constant 22 : i32
    %broadcast_in_dim3A_1781 = vector.broadcast %jit3A_1780 : i32 to vector<128x128xi32>
    %select_n3A_1782 = arith.select %gt3A_1779, %broadcast_in_dim3A_1781, %select_n3A_1776 : vector<128x128xi1>, vector<128x128xi32>
    %select_n3A_1783 = arith.select %gt3A_1779, %slice3A_1778, %select_n3A_1777 : vector<128x128xi1>, vector<128x128xf32>
    %slice3A_1784 = vector.extract_strided_slice %dot_general3A_12 {offsets = [512, 2944], sizes = [128, 128], strides = [1, 1]} : vector<1024x8192xf32> to vector<128x128xf32>
    %gt3A_1785 = arith.cmpf ogt, %slice3A_1784, %select_n3A_1783 : vector<128x128xf32>
    %jit3A_1786 = arith.constant 23 : i32
    %broadcast_in_dim3A_1787 = vector.broadcast %jit3A_1786 : i32 to vector<128x128xi32>
    %select_n3A_1788 = arith.select %gt3A_1785, %broadcast_in_dim3A_1787, %select_n3A_1782 : vector<128x128xi1>, vector<128x128xi32>
    %select_n3A_1789 = arith.select %gt3A_1785, %slice3A_1784, %select_n3A_1783 : vector<128x128xi1>, vector<128x128xf32>
    %slice3A_1790 = vector.extract_strided_slice %dot_general3A_12 {offsets = [512, 3072], sizes = [128, 128], strides = [1, 1]} : vector<1024x8192xf32> to vector<128x128xf32>
    %gt3A_1791 = arith.cmpf ogt, %slice3A_1790, %select_n3A_1789 : vector<128x128xf32>
    %jit3A_1792 = arith.constant 24 : i32
    %broadcast_in_dim3A_1793 = vector.broadcast %jit3A_1792 : i32 to vector<128x128xi32>
    %select_n3A_1794 = arith.select %gt3A_1791, %broadcast_in_dim3A_1793, %select_n3A_1788 : vector<128x128xi1>, vector<128x128xi32>
    %select_n3A_1795 = arith.select %gt3A_1791, %slice3A_1790, %select_n3A_1789 : vector<128x128xi1>, vector<128x128xf32>
    %slice3A_1796 = vector.extract_strided_slice %dot_general3A_12 {offsets = [512, 3200], sizes = [128, 128], strides = [1, 1]} : vector<1024x8192xf32> to vector<128x128xf32>
    %gt3A_1797 = arith.cmpf ogt, %slice3A_1796, %select_n3A_1795 : vector<128x128xf32>
    %jit3A_1798 = arith.constant 25 : i32
    %broadcast_in_dim3A_1799 = vector.broadcast %jit3A_1798 : i32 to vector<128x128xi32>
    %select_n3A_1800 = arith.select %gt3A_1797, %broadcast_in_dim3A_1799, %select_n3A_1794 : vector<128x128xi1>, vector<128x128xi32>
    %select_n3A_1801 = arith.select %gt3A_1797, %slice3A_1796, %select_n3A_1795 : vector<128x128xi1>, vector<128x128xf32>
    %slice3A_1802 = vector.extract_strided_slice %dot_general3A_12 {offsets = [512, 3328], sizes = [128, 128], strides = [1, 1]} : vector<1024x8192xf32> to vector<128x128xf32>
    %gt3A_1803 = arith.cmpf ogt, %slice3A_1802, %select_n3A_1801 : vector<128x128xf32>
    %jit3A_1804 = arith.constant 26 : i32
    %broadcast_in_dim3A_1805 = vector.broadcast %jit3A_1804 : i32 to vector<128x128xi32>
    %select_n3A_1806 = arith.select %gt3A_1803, %broadcast_in_dim3A_1805, %select_n3A_1800 : vector<128x128xi1>, vector<128x128xi32>
    %select_n3A_1807 = arith.select %gt3A_1803, %slice3A_1802, %select_n3A_1801 : vector<128x128xi1>, vector<128x128xf32>
    %slice3A_1808 = vector.extract_strided_slice %dot_general3A_12 {offsets = [512, 3456], sizes = [128, 128], strides = [1, 1]} : vector<1024x8192xf32> to vector<128x128xf32>
    %gt3A_1809 = arith.cmpf ogt, %slice3A_1808, %select_n3A_1807 : vector<128x128xf32>
    %jit3A_1810 = arith.constant 27 : i32
    %broadcast_in_dim3A_1811 = vector.broadcast %jit3A_1810 : i32 to vector<128x128xi32>
    %select_n3A_1812 = arith.select %gt3A_1809, %broadcast_in_dim3A_1811, %select_n3A_1806 : vector<128x128xi1>, vector<128x128xi32>
    %select_n3A_1813 = arith.select %gt3A_1809, %slice3A_1808, %select_n3A_1807 : vector<128x128xi1>, vector<128x128xf32>
    %slice3A_1814 = vector.extract_strided_slice %dot_general3A_12 {offsets = [512, 3584], sizes = [128, 128], strides = [1, 1]} : vector<1024x8192xf32> to vector<128x128xf32>
    %gt3A_1815 = arith.cmpf ogt, %slice3A_1814, %select_n3A_1813 : vector<128x128xf32>
    %jit3A_1816 = arith.constant 28 : i32
    %broadcast_in_dim3A_1817 = vector.broadcast %jit3A_1816 : i32 to vector<128x128xi32>
    %select_n3A_1818 = arith.select %gt3A_1815, %broadcast_in_dim3A_1817, %select_n3A_1812 : vector<128x128xi1>, vector<128x128xi32>
    %select_n3A_1819 = arith.select %gt3A_1815, %slice3A_1814, %select_n3A_1813 : vector<128x128xi1>, vector<128x128xf32>
    %slice3A_1820 = vector.extract_strided_slice %dot_general3A_12 {offsets = [512, 3712], sizes = [128, 128], strides = [1, 1]} : vector<1024x8192xf32> to vector<128x128xf32>
    %gt3A_1821 = arith.cmpf ogt, %slice3A_1820, %select_n3A_1819 : vector<128x128xf32>
    %jit3A_1822 = arith.constant 29 : i32
    %broadcast_in_dim3A_1823 = vector.broadcast %jit3A_1822 : i32 to vector<128x128xi32>
    %select_n3A_1824 = arith.select %gt3A_1821, %broadcast_in_dim3A_1823, %select_n3A_1818 : vector<128x128xi1>, vector<128x128xi32>
    %select_n3A_1825 = arith.select %gt3A_1821, %slice3A_1820, %select_n3A_1819 : vector<128x128xi1>, vector<128x128xf32>
    %slice3A_1826 = vector.extract_strided_slice %dot_general3A_12 {offsets = [512, 3840], sizes = [128, 128], strides = [1, 1]} : vector<1024x8192xf32> to vector<128x128xf32>
    %gt3A_1827 = arith.cmpf ogt, %slice3A_1826, %select_n3A_1825 : vector<128x128xf32>
    %jit3A_1828 = arith.constant 30 : i32
    %broadcast_in_dim3A_1829 = vector.broadcast %jit3A_1828 : i32 to vector<128x128xi32>
    %select_n3A_1830 = arith.select %gt3A_1827, %broadcast_in_dim3A_1829, %select_n3A_1824 : vector<128x128xi1>, vector<128x128xi32>
    %select_n3A_1831 = arith.select %gt3A_1827, %slice3A_1826, %select_n3A_1825 : vector<128x128xi1>, vector<128x128xf32>
    %slice3A_1832 = vector.extract_strided_slice %dot_general3A_12 {offsets = [512, 3968], sizes = [128, 128], strides = [1, 1]} : vector<1024x8192xf32> to vector<128x128xf32>
    %gt3A_1833 = arith.cmpf ogt, %slice3A_1832, %select_n3A_1831 : vector<128x128xf32>
    %jit3A_1834 = arith.constant 31 : i32
    %broadcast_in_dim3A_1835 = vector.broadcast %jit3A_1834 : i32 to vector<128x128xi32>
    %select_n3A_1836 = arith.select %gt3A_1833, %broadcast_in_dim3A_1835, %select_n3A_1830 : vector<128x128xi1>, vector<128x128xi32>
    %select_n3A_1837 = arith.select %gt3A_1833, %slice3A_1832, %select_n3A_1831 : vector<128x128xi1>, vector<128x128xf32>
    %slice3A_1838 = vector.extract_strided_slice %dot_general3A_12 {offsets = [512, 4096], sizes = [128, 128], strides = [1, 1]} : vector<1024x8192xf32> to vector<128x128xf32>
    %gt3A_1839 = arith.cmpf ogt, %slice3A_1838, %select_n3A_1837 : vector<128x128xf32>
    %jit3A_1840 = arith.constant 32 : i32
    %broadcast_in_dim3A_1841 = vector.broadcast %jit3A_1840 : i32 to vector<128x128xi32>
    %select_n3A_1842 = arith.select %gt3A_1839, %broadcast_in_dim3A_1841, %select_n3A_1836 : vector<128x128xi1>, vector<128x128xi32>
    %select_n3A_1843 = arith.select %gt3A_1839, %slice3A_1838, %select_n3A_1837 : vector<128x128xi1>, vector<128x128xf32>
    %slice3A_1844 = vector.extract_strided_slice %dot_general3A_12 {offsets = [512, 4224], sizes = [128, 128], strides = [1, 1]} : vector<1024x8192xf32> to vector<128x128xf32>
    %gt3A_1845 = arith.cmpf ogt, %slice3A_1844, %select_n3A_1843 : vector<128x128xf32>
    %jit3A_1846 = arith.constant 33 : i32
    %broadcast_in_dim3A_1847 = vector.broadcast %jit3A_1846 : i32 to vector<128x128xi32>
    %select_n3A_1848 = arith.select %gt3A_1845, %broadcast_in_dim3A_1847, %select_n3A_1842 : vector<128x128xi1>, vector<128x128xi32>
    %select_n3A_1849 = arith.select %gt3A_1845, %slice3A_1844, %select_n3A_1843 : vector<128x128xi1>, vector<128x128xf32>
    %slice3A_1850 = vector.extract_strided_slice %dot_general3A_12 {offsets = [512, 4352], sizes = [128, 128], strides = [1, 1]} : vector<1024x8192xf32> to vector<128x128xf32>
    %gt3A_1851 = arith.cmpf ogt, %slice3A_1850, %select_n3A_1849 : vector<128x128xf32>
    %jit3A_1852 = arith.constant 34 : i32
    %broadcast_in_dim3A_1853 = vector.broadcast %jit3A_1852 : i32 to vector<128x128xi32>
    %select_n3A_1854 = arith.select %gt3A_1851, %broadcast_in_dim3A_1853, %select_n3A_1848 : vector<128x128xi1>, vector<128x128xi32>
    %select_n3A_1855 = arith.select %gt3A_1851, %slice3A_1850, %select_n3A_1849 : vector<128x128xi1>, vector<128x128xf32>
    %slice3A_1856 = vector.extract_strided_slice %dot_general3A_12 {offsets = [512, 4480], sizes = [128, 128], strides = [1, 1]} : vector<1024x8192xf32> to vector<128x128xf32>
    %gt3A_1857 = arith.cmpf ogt, %slice3A_1856, %select_n3A_1855 : vector<128x128xf32>
    %jit3A_1858 = arith.constant 35 : i32
    %broadcast_in_dim3A_1859 = vector.broadcast %jit3A_1858 : i32 to vector<128x128xi32>
    %select_n3A_1860 = arith.select %gt3A_1857, %broadcast_in_dim3A_1859, %select_n3A_1854 : vector<128x128xi1>, vector<128x128xi32>
    %select_n3A_1861 = arith.select %gt3A_1857, %slice3A_1856, %select_n3A_1855 : vector<128x128xi1>, vector<128x128xf32>
    %slice3A_1862 = vector.extract_strided_slice %dot_general3A_12 {offsets = [512, 4608], sizes = [128, 128], strides = [1, 1]} : vector<1024x8192xf32> to vector<128x128xf32>
    %gt3A_1863 = arith.cmpf ogt, %slice3A_1862, %select_n3A_1861 : vector<128x128xf32>
    %jit3A_1864 = arith.constant 36 : i32
    %broadcast_in_dim3A_1865 = vector.broadcast %jit3A_1864 : i32 to vector<128x128xi32>
    %select_n3A_1866 = arith.select %gt3A_1863, %broadcast_in_dim3A_1865, %select_n3A_1860 : vector<128x128xi1>, vector<128x128xi32>
    %select_n3A_1867 = arith.select %gt3A_1863, %slice3A_1862, %select_n3A_1861 : vector<128x128xi1>, vector<128x128xf32>
    %slice3A_1868 = vector.extract_strided_slice %dot_general3A_12 {offsets = [512, 4736], sizes = [128, 128], strides = [1, 1]} : vector<1024x8192xf32> to vector<128x128xf32>
    %gt3A_1869 = arith.cmpf ogt, %slice3A_1868, %select_n3A_1867 : vector<128x128xf32>
    %jit3A_1870 = arith.constant 37 : i32
    %broadcast_in_dim3A_1871 = vector.broadcast %jit3A_1870 : i32 to vector<128x128xi32>
    %select_n3A_1872 = arith.select %gt3A_1869, %broadcast_in_dim3A_1871, %select_n3A_1866 : vector<128x128xi1>, vector<128x128xi32>
    %select_n3A_1873 = arith.select %gt3A_1869, %slice3A_1868, %select_n3A_1867 : vector<128x128xi1>, vector<128x128xf32>
    %slice3A_1874 = vector.extract_strided_slice %dot_general3A_12 {offsets = [512, 4864], sizes = [128, 128], strides = [1, 1]} : vector<1024x8192xf32> to vector<128x128xf32>
    %gt3A_1875 = arith.cmpf ogt, %slice3A_1874, %select_n3A_1873 : vector<128x128xf32>
    %jit3A_1876 = arith.constant 38 : i32
    %broadcast_in_dim3A_1877 = vector.broadcast %jit3A_1876 : i32 to vector<128x128xi32>
    %select_n3A_1878 = arith.select %gt3A_1875, %broadcast_in_dim3A_1877, %select_n3A_1872 : vector<128x128xi1>, vector<128x128xi32>
    %select_n3A_1879 = arith.select %gt3A_1875, %slice3A_1874, %select_n3A_1873 : vector<128x128xi1>, vector<128x128xf32>
    %slice3A_1880 = vector.extract_strided_slice %dot_general3A_12 {offsets = [512, 4992], sizes = [128, 128], strides = [1, 1]} : vector<1024x8192xf32> to vector<128x128xf32>
    %gt3A_1881 = arith.cmpf ogt, %slice3A_1880, %select_n3A_1879 : vector<128x128xf32>
    %jit3A_1882 = arith.constant 39 : i32
    %broadcast_in_dim3A_1883 = vector.broadcast %jit3A_1882 : i32 to vector<128x128xi32>
    %select_n3A_1884 = arith.select %gt3A_1881, %broadcast_in_dim3A_1883, %select_n3A_1878 : vector<128x128xi1>, vector<128x128xi32>
    %select_n3A_1885 = arith.select %gt3A_1881, %slice3A_1880, %select_n3A_1879 : vector<128x128xi1>, vector<128x128xf32>
    %slice3A_1886 = vector.extract_strided_slice %dot_general3A_12 {offsets = [512, 5120], sizes = [128, 128], strides = [1, 1]} : vector<1024x8192xf32> to vector<128x128xf32>
    %gt3A_1887 = arith.cmpf ogt, %slice3A_1886, %select_n3A_1885 : vector<128x128xf32>
    %jit3A_1888 = arith.constant 40 : i32
    %broadcast_in_dim3A_1889 = vector.broadcast %jit3A_1888 : i32 to vector<128x128xi32>
    %select_n3A_1890 = arith.select %gt3A_1887, %broadcast_in_dim3A_1889, %select_n3A_1884 : vector<128x128xi1>, vector<128x128xi32>
    %select_n3A_1891 = arith.select %gt3A_1887, %slice3A_1886, %select_n3A_1885 : vector<128x128xi1>, vector<128x128xf32>
    %slice3A_1892 = vector.extract_strided_slice %dot_general3A_12 {offsets = [512, 5248], sizes = [128, 128], strides = [1, 1]} : vector<1024x8192xf32> to vector<128x128xf32>
    %gt3A_1893 = arith.cmpf ogt, %slice3A_1892, %select_n3A_1891 : vector<128x128xf32>
    %jit3A_1894 = arith.constant 41 : i32
    %broadcast_in_dim3A_1895 = vector.broadcast %jit3A_1894 : i32 to vector<128x128xi32>
    %select_n3A_1896 = arith.select %gt3A_1893, %broadcast_in_dim3A_1895, %select_n3A_1890 : vector<128x128xi1>, vector<128x128xi32>
    %select_n3A_1897 = arith.select %gt3A_1893, %slice3A_1892, %select_n3A_1891 : vector<128x128xi1>, vector<128x128xf32>
    %slice3A_1898 = vector.extract_strided_slice %dot_general3A_12 {offsets = [512, 5376], sizes = [128, 128], strides = [1, 1]} : vector<1024x8192xf32> to vector<128x128xf32>
    %gt3A_1899 = arith.cmpf ogt, %slice3A_1898, %select_n3A_1897 : vector<128x128xf32>
    %jit3A_1900 = arith.constant 42 : i32
    %broadcast_in_dim3A_1901 = vector.broadcast %jit3A_1900 : i32 to vector<128x128xi32>
    %select_n3A_1902 = arith.select %gt3A_1899, %broadcast_in_dim3A_1901, %select_n3A_1896 : vector<128x128xi1>, vector<128x128xi32>
    %select_n3A_1903 = arith.select %gt3A_1899, %slice3A_1898, %select_n3A_1897 : vector<128x128xi1>, vector<128x128xf32>
    %slice3A_1904 = vector.extract_strided_slice %dot_general3A_12 {offsets = [512, 5504], sizes = [128, 128], strides = [1, 1]} : vector<1024x8192xf32> to vector<128x128xf32>
    %gt3A_1905 = arith.cmpf ogt, %slice3A_1904, %select_n3A_1903 : vector<128x128xf32>
    %jit3A_1906 = arith.constant 43 : i32
    %broadcast_in_dim3A_1907 = vector.broadcast %jit3A_1906 : i32 to vector<128x128xi32>
    %select_n3A_1908 = arith.select %gt3A_1905, %broadcast_in_dim3A_1907, %select_n3A_1902 : vector<128x128xi1>, vector<128x128xi32>
    %select_n3A_1909 = arith.select %gt3A_1905, %slice3A_1904, %select_n3A_1903 : vector<128x128xi1>, vector<128x128xf32>
    %slice3A_1910 = vector.extract_strided_slice %dot_general3A_12 {offsets = [512, 5632], sizes = [128, 128], strides = [1, 1]} : vector<1024x8192xf32> to vector<128x128xf32>
    %gt3A_1911 = arith.cmpf ogt, %slice3A_1910, %select_n3A_1909 : vector<128x128xf32>
    %jit3A_1912 = arith.constant 44 : i32
    %broadcast_in_dim3A_1913 = vector.broadcast %jit3A_1912 : i32 to vector<128x128xi32>
    %select_n3A_1914 = arith.select %gt3A_1911, %broadcast_in_dim3A_1913, %select_n3A_1908 : vector<128x128xi1>, vector<128x128xi32>
    %select_n3A_1915 = arith.select %gt3A_1911, %slice3A_1910, %select_n3A_1909 : vector<128x128xi1>, vector<128x128xf32>
    %slice3A_1916 = vector.extract_strided_slice %dot_general3A_12 {offsets = [512, 5760], sizes = [128, 128], strides = [1, 1]} : vector<1024x8192xf32> to vector<128x128xf32>
    %gt3A_1917 = arith.cmpf ogt, %slice3A_1916, %select_n3A_1915 : vector<128x128xf32>
    %jit3A_1918 = arith.constant 45 : i32
    %broadcast_in_dim3A_1919 = vector.broadcast %jit3A_1918 : i32 to vector<128x128xi32>
    %select_n3A_1920 = arith.select %gt3A_1917, %broadcast_in_dim3A_1919, %select_n3A_1914 : vector<128x128xi1>, vector<128x128xi32>
    %select_n3A_1921 = arith.select %gt3A_1917, %slice3A_1916, %select_n3A_1915 : vector<128x128xi1>, vector<128x128xf32>
    %slice3A_1922 = vector.extract_strided_slice %dot_general3A_12 {offsets = [512, 5888], sizes = [128, 128], strides = [1, 1]} : vector<1024x8192xf32> to vector<128x128xf32>
    %gt3A_1923 = arith.cmpf ogt, %slice3A_1922, %select_n3A_1921 : vector<128x128xf32>
    %jit3A_1924 = arith.constant 46 : i32
    %broadcast_in_dim3A_1925 = vector.broadcast %jit3A_1924 : i32 to vector<128x128xi32>
    %select_n3A_1926 = arith.select %gt3A_1923, %broadcast_in_dim3A_1925, %select_n3A_1920 : vector<128x128xi1>, vector<128x128xi32>
    %select_n3A_1927 = arith.select %gt3A_1923, %slice3A_1922, %select_n3A_1921 : vector<128x128xi1>, vector<128x128xf32>
    %slice3A_1928 = vector.extract_strided_slice %dot_general3A_12 {offsets = [512, 6016], sizes = [128, 128], strides = [1, 1]} : vector<1024x8192xf32> to vector<128x128xf32>
    %gt3A_1929 = arith.cmpf ogt, %slice3A_1928, %select_n3A_1927 : vector<128x128xf32>
    %jit3A_1930 = arith.constant 47 : i32
    %broadcast_in_dim3A_1931 = vector.broadcast %jit3A_1930 : i32 to vector<128x128xi32>
    %select_n3A_1932 = arith.select %gt3A_1929, %broadcast_in_dim3A_1931, %select_n3A_1926 : vector<128x128xi1>, vector<128x128xi32>
    %select_n3A_1933 = arith.select %gt3A_1929, %slice3A_1928, %select_n3A_1927 : vector<128x128xi1>, vector<128x128xf32>
    %slice3A_1934 = vector.extract_strided_slice %dot_general3A_12 {offsets = [512, 6144], sizes = [128, 128], strides = [1, 1]} : vector<1024x8192xf32> to vector<128x128xf32>
    %gt3A_1935 = arith.cmpf ogt, %slice3A_1934, %select_n3A_1933 : vector<128x128xf32>
    %jit3A_1936 = arith.constant 48 : i32
    %broadcast_in_dim3A_1937 = vector.broadcast %jit3A_1936 : i32 to vector<128x128xi32>
    %select_n3A_1938 = arith.select %gt3A_1935, %broadcast_in_dim3A_1937, %select_n3A_1932 : vector<128x128xi1>, vector<128x128xi32>
    %select_n3A_1939 = arith.select %gt3A_1935, %slice3A_1934, %select_n3A_1933 : vector<128x128xi1>, vector<128x128xf32>
    %slice3A_1940 = vector.extract_strided_slice %dot_general3A_12 {offsets = [512, 6272], sizes = [128, 128], strides = [1, 1]} : vector<1024x8192xf32> to vector<128x128xf32>
    %gt3A_1941 = arith.cmpf ogt, %slice3A_1940, %select_n3A_1939 : vector<128x128xf32>
    %jit3A_1942 = arith.constant 49 : i32
    %broadcast_in_dim3A_1943 = vector.broadcast %jit3A_1942 : i32 to vector<128x128xi32>
    %select_n3A_1944 = arith.select %gt3A_1941, %broadcast_in_dim3A_1943, %select_n3A_1938 : vector<128x128xi1>, vector<128x128xi32>
    %select_n3A_1945 = arith.select %gt3A_1941, %slice3A_1940, %select_n3A_1939 : vector<128x128xi1>, vector<128x128xf32>
    %slice3A_1946 = vector.extract_strided_slice %dot_general3A_12 {offsets = [512, 6400], sizes = [128, 128], strides = [1, 1]} : vector<1024x8192xf32> to vector<128x128xf32>
    %gt3A_1947 = arith.cmpf ogt, %slice3A_1946, %select_n3A_1945 : vector<128x128xf32>
    %jit3A_1948 = arith.constant 50 : i32
    %broadcast_in_dim3A_1949 = vector.broadcast %jit3A_1948 : i32 to vector<128x128xi32>
    %select_n3A_1950 = arith.select %gt3A_1947, %broadcast_in_dim3A_1949, %select_n3A_1944 : vector<128x128xi1>, vector<128x128xi32>
    %select_n3A_1951 = arith.select %gt3A_1947, %slice3A_1946, %select_n3A_1945 : vector<128x128xi1>, vector<128x128xf32>
    %slice3A_1952 = vector.extract_strided_slice %dot_general3A_12 {offsets = [512, 6528], sizes = [128, 128], strides = [1, 1]} : vector<1024x8192xf32> to vector<128x128xf32>
    %gt3A_1953 = arith.cmpf ogt, %slice3A_1952, %select_n3A_1951 : vector<128x128xf32>
    %jit3A_1954 = arith.constant 51 : i32
    %broadcast_in_dim3A_1955 = vector.broadcast %jit3A_1954 : i32 to vector<128x128xi32>
    %select_n3A_1956 = arith.select %gt3A_1953, %broadcast_in_dim3A_1955, %select_n3A_1950 : vector<128x128xi1>, vector<128x128xi32>
    %select_n3A_1957 = arith.select %gt3A_1953, %slice3A_1952, %select_n3A_1951 : vector<128x128xi1>, vector<128x128xf32>
    %slice3A_1958 = vector.extract_strided_slice %dot_general3A_12 {offsets = [512, 6656], sizes = [128, 128], strides = [1, 1]} : vector<1024x8192xf32> to vector<128x128xf32>
    %gt3A_1959 = arith.cmpf ogt, %slice3A_1958, %select_n3A_1957 : vector<128x128xf32>
    %jit3A_1960 = arith.constant 52 : i32
    %broadcast_in_dim3A_1961 = vector.broadcast %jit3A_1960 : i32 to vector<128x128xi32>
    %select_n3A_1962 = arith.select %gt3A_1959, %broadcast_in_dim3A_1961, %select_n3A_1956 : vector<128x128xi1>, vector<128x128xi32>
    %select_n3A_1963 = arith.select %gt3A_1959, %slice3A_1958, %select_n3A_1957 : vector<128x128xi1>, vector<128x128xf32>
    %slice3A_1964 = vector.extract_strided_slice %dot_general3A_12 {offsets = [512, 6784], sizes = [128, 128], strides = [1, 1]} : vector<1024x8192xf32> to vector<128x128xf32>
    %gt3A_1965 = arith.cmpf ogt, %slice3A_1964, %select_n3A_1963 : vector<128x128xf32>
    %jit3A_1966 = arith.constant 53 : i32
    %broadcast_in_dim3A_1967 = vector.broadcast %jit3A_1966 : i32 to vector<128x128xi32>
    %select_n3A_1968 = arith.select %gt3A_1965, %broadcast_in_dim3A_1967, %select_n3A_1962 : vector<128x128xi1>, vector<128x128xi32>
    %select_n3A_1969 = arith.select %gt3A_1965, %slice3A_1964, %select_n3A_1963 : vector<128x128xi1>, vector<128x128xf32>
    %slice3A_1970 = vector.extract_strided_slice %dot_general3A_12 {offsets = [512, 6912], sizes = [128, 128], strides = [1, 1]} : vector<1024x8192xf32> to vector<128x128xf32>
    %gt3A_1971 = arith.cmpf ogt, %slice3A_1970, %select_n3A_1969 : vector<128x128xf32>
    %jit3A_1972 = arith.constant 54 : i32
    %broadcast_in_dim3A_1973 = vector.broadcast %jit3A_1972 : i32 to vector<128x128xi32>
    %select_n3A_1974 = arith.select %gt3A_1971, %broadcast_in_dim3A_1973, %select_n3A_1968 : vector<128x128xi1>, vector<128x128xi32>
    %select_n3A_1975 = arith.select %gt3A_1971, %slice3A_1970, %select_n3A_1969 : vector<128x128xi1>, vector<128x128xf32>
    %slice3A_1976 = vector.extract_strided_slice %dot_general3A_12 {offsets = [512, 7040], sizes = [128, 128], strides = [1, 1]} : vector<1024x8192xf32> to vector<128x128xf32>
    %gt3A_1977 = arith.cmpf ogt, %slice3A_1976, %select_n3A_1975 : vector<128x128xf32>
    %jit3A_1978 = arith.constant 55 : i32
    %broadcast_in_dim3A_1979 = vector.broadcast %jit3A_1978 : i32 to vector<128x128xi32>
    %select_n3A_1980 = arith.select %gt3A_1977, %broadcast_in_dim3A_1979, %select_n3A_1974 : vector<128x128xi1>, vector<128x128xi32>
    %select_n3A_1981 = arith.select %gt3A_1977, %slice3A_1976, %select_n3A_1975 : vector<128x128xi1>, vector<128x128xf32>
    %slice3A_1982 = vector.extract_strided_slice %dot_general3A_12 {offsets = [512, 7168], sizes = [128, 128], strides = [1, 1]} : vector<1024x8192xf32> to vector<128x128xf32>
    %gt3A_1983 = arith.cmpf ogt, %slice3A_1982, %select_n3A_1981 : vector<128x128xf32>
    %jit3A_1984 = arith.constant 56 : i32
    %broadcast_in_dim3A_1985 = vector.broadcast %jit3A_1984 : i32 to vector<128x128xi32>
    %select_n3A_1986 = arith.select %gt3A_1983, %broadcast_in_dim3A_1985, %select_n3A_1980 : vector<128x128xi1>, vector<128x128xi32>
    %select_n3A_1987 = arith.select %gt3A_1983, %slice3A_1982, %select_n3A_1981 : vector<128x128xi1>, vector<128x128xf32>
    %slice3A_1988 = vector.extract_strided_slice %dot_general3A_12 {offsets = [512, 7296], sizes = [128, 128], strides = [1, 1]} : vector<1024x8192xf32> to vector<128x128xf32>
    %gt3A_1989 = arith.cmpf ogt, %slice3A_1988, %select_n3A_1987 : vector<128x128xf32>
    %jit3A_1990 = arith.constant 57 : i32
    %broadcast_in_dim3A_1991 = vector.broadcast %jit3A_1990 : i32 to vector<128x128xi32>
    %select_n3A_1992 = arith.select %gt3A_1989, %broadcast_in_dim3A_1991, %select_n3A_1986 : vector<128x128xi1>, vector<128x128xi32>
    %select_n3A_1993 = arith.select %gt3A_1989, %slice3A_1988, %select_n3A_1987 : vector<128x128xi1>, vector<128x128xf32>
    %slice3A_1994 = vector.extract_strided_slice %dot_general3A_12 {offsets = [512, 7424], sizes = [128, 128], strides = [1, 1]} : vector<1024x8192xf32> to vector<128x128xf32>
    %gt3A_1995 = arith.cmpf ogt, %slice3A_1994, %select_n3A_1993 : vector<128x128xf32>
    %jit3A_1996 = arith.constant 58 : i32
    %broadcast_in_dim3A_1997 = vector.broadcast %jit3A_1996 : i32 to vector<128x128xi32>
    %select_n3A_1998 = arith.select %gt3A_1995, %broadcast_in_dim3A_1997, %select_n3A_1992 : vector<128x128xi1>, vector<128x128xi32>
    %select_n3A_1999 = arith.select %gt3A_1995, %slice3A_1994, %select_n3A_1993 : vector<128x128xi1>, vector<128x128xf32>
    %slice3A_2000 = vector.extract_strided_slice %dot_general3A_12 {offsets = [512, 7552], sizes = [128, 128], strides = [1, 1]} : vector<1024x8192xf32> to vector<128x128xf32>
    %gt3A_2001 = arith.cmpf ogt, %slice3A_2000, %select_n3A_1999 : vector<128x128xf32>
    %jit3A_2002 = arith.constant 59 : i32
    %broadcast_in_dim3A_2003 = vector.broadcast %jit3A_2002 : i32 to vector<128x128xi32>
    %select_n3A_2004 = arith.select %gt3A_2001, %broadcast_in_dim3A_2003, %select_n3A_1998 : vector<128x128xi1>, vector<128x128xi32>
    %select_n3A_2005 = arith.select %gt3A_2001, %slice3A_2000, %select_n3A_1999 : vector<128x128xi1>, vector<128x128xf32>
    %slice3A_2006 = vector.extract_strided_slice %dot_general3A_12 {offsets = [512, 7680], sizes = [128, 128], strides = [1, 1]} : vector<1024x8192xf32> to vector<128x128xf32>
    %gt3A_2007 = arith.cmpf ogt, %slice3A_2006, %select_n3A_2005 : vector<128x128xf32>
    %jit3A_2008 = arith.constant 60 : i32
    %broadcast_in_dim3A_2009 = vector.broadcast %jit3A_2008 : i32 to vector<128x128xi32>
    %select_n3A_2010 = arith.select %gt3A_2007, %broadcast_in_dim3A_2009, %select_n3A_2004 : vector<128x128xi1>, vector<128x128xi32>
    %select_n3A_2011 = arith.select %gt3A_2007, %slice3A_2006, %select_n3A_2005 : vector<128x128xi1>, vector<128x128xf32>
    %slice3A_2012 = vector.extract_strided_slice %dot_general3A_12 {offsets = [512, 7808], sizes = [128, 128], strides = [1, 1]} : vector<1024x8192xf32> to vector<128x128xf32>
    %gt3A_2013 = arith.cmpf ogt, %slice3A_2012, %select_n3A_2011 : vector<128x128xf32>
    %jit3A_2014 = arith.constant 61 : i32
    %broadcast_in_dim3A_2015 = vector.broadcast %jit3A_2014 : i32 to vector<128x128xi32>
    %select_n3A_2016 = arith.select %gt3A_2013, %broadcast_in_dim3A_2015, %select_n3A_2010 : vector<128x128xi1>, vector<128x128xi32>
    %select_n3A_2017 = arith.select %gt3A_2013, %slice3A_2012, %select_n3A_2011 : vector<128x128xi1>, vector<128x128xf32>
    %slice3A_2018 = vector.extract_strided_slice %dot_general3A_12 {offsets = [512, 7936], sizes = [128, 128], strides = [1, 1]} : vector<1024x8192xf32> to vector<128x128xf32>
    %gt3A_2019 = arith.cmpf ogt, %slice3A_2018, %select_n3A_2017 : vector<128x128xf32>
    %jit3A_2020 = arith.constant 62 : i32
    %broadcast_in_dim3A_2021 = vector.broadcast %jit3A_2020 : i32 to vector<128x128xi32>
    %select_n3A_2022 = arith.select %gt3A_2019, %broadcast_in_dim3A_2021, %select_n3A_2016 : vector<128x128xi1>, vector<128x128xi32>
    %select_n3A_2023 = arith.select %gt3A_2019, %slice3A_2018, %select_n3A_2017 : vector<128x128xi1>, vector<128x128xf32>
    %slice3A_2024 = vector.extract_strided_slice %dot_general3A_12 {offsets = [512, 8064], sizes = [128, 128], strides = [1, 1]} : vector<1024x8192xf32> to vector<128x128xf32>
    %gt3A_2025 = arith.cmpf ogt, %slice3A_2024, %select_n3A_2023 : vector<128x128xf32>
    %jit3A_2026 = arith.constant 63 : i32
    %broadcast_in_dim3A_2027 = vector.broadcast %jit3A_2026 : i32 to vector<128x128xi32>
    %select_n3A_2028 = arith.select %gt3A_2025, %broadcast_in_dim3A_2027, %select_n3A_2022 : vector<128x128xi1>, vector<128x128xi32>
    %select_n3A_2029 = arith.select %gt3A_2025, %slice3A_2024, %select_n3A_2023 : vector<128x128xi1>, vector<128x128xf32>
    %reduce_max3A_2030 = arith.constant dense<0xFF800000> : vector<128xf32>
    %reduce_max3A_2031 = vector.multi_reduction <maximumf>, %select_n3A_2029, %reduce_max3A_2030 [1] : vector<128x128xf32> to vector<128xf32>
    %broadcast_in_dim3A_2032 = vector.shape_cast %reduce_max3A_2031 : vector<128xf32> to vector<128x1xf32>
    %eq3A_2033 = vector.broadcast %broadcast_in_dim3A_2032 : vector<128x1xf32> to vector<128x128xf32>
    %eq3A_2034 = arith.cmpf oeq, %select_n3A_2029, %eq3A_2033 : vector<128x128xf32>
    %mul3A_2035 = arith.constant 128 : i32
    %mul3A_2036 = vector.broadcast %mul3A_2035 : i32 to vector<128x128xi32>
    %mul3A_2037 = arith.muli %select_n3A_2028, %mul3A_2036 : vector<128x128xi32>
    %add3A_2038 = arith.addi %mul3A_2037, %iota3A : vector<128x128xi32>
    %jit3A_2039 = arith.constant 8192 : i32
    %broadcast_in_dim3A_2040 = vector.broadcast %jit3A_2039 : i32 to vector<128x128xi32>
    %select_n3A_2041 = arith.select %eq3A_2034, %add3A_2038, %broadcast_in_dim3A_2040 : vector<128x128xi1>, vector<128x128xi32>
    %reduce_min3A_2042 = arith.constant dense<2147483647> : vector<128xi32>
    %reduce_min3A_2043 = vector.multi_reduction <minsi>, %select_n3A_2041, %reduce_min3A_2042 [1] : vector<128x128xi32> to vector<128xi32>
    %swap3A_2044 = arith.constant 0 : index
    %swap3A_2045 = arith.constant 0 : index
    %swap3A_2046 = arith.constant 512 : index
    %swap3A_2047 = vector.load %arg3[%swap3A_2044, %swap3A_2045, %swap3A_2046] : memref<1x1x1024xi32, #tpu.memory_space<vmem>>, vector<1x1x128xi32>
    %swap3A_2048 = vector.shape_cast %swap3A_2047 : vector<1x1x128xi32> to vector<128xi32>
    %swap3A_2049 = vector.shape_cast %reduce_min3A_2043 : vector<128xi32> to vector<1x1x128xi32>
    tpu.vector_store %arg3[%swap3A_2044, %swap3A_2045, %swap3A_2046], %swap3A_2049 {strides = array<i32>} : memref<1x1x1024xi32, #tpu.memory_space<vmem>>, vector<1x1x128xi32>,
    %get3A_2050 = arith.constant 4 : index
    %get3A_2051 = arith.constant 0 : index
    %get3A_2052 = vector.load %arg7[%get3A_2050, %get3A_2051] : memref<8x128xf32, #tpu.memory_space<vmem>>, vector<1x128xf32>
    %get3A_2053 = vector.shape_cast %get3A_2052 : vector<1x128xf32> to vector<128xf32>
    %add3A_2054 = arith.addf %get3A_2053, %reduce_max3A_2031 : vector<128xf32>
    %swap3A_2055 = arith.constant 4 : index
    %swap3A_2056 = arith.constant 0 : index
    %swap3A_2057 = vector.load %arg7[%swap3A_2055, %swap3A_2056] : memref<8x128xf32, #tpu.memory_space<vmem>>, vector<1x128xf32>
    %swap3A_2058 = vector.shape_cast %swap3A_2057 : vector<1x128xf32> to vector<128xf32>
    %swap3A_2059 = vector.shape_cast %add3A_2054 : vector<128xf32> to vector<1x128xf32>
    tpu.vector_store %arg7[%swap3A_2055, %swap3A_2056], %swap3A_2059 {strides = array<i32>} : memref<8x128xf32, #tpu.memory_space<vmem>>, vector<1x128xf32>,
    %slice3A_2060 = vector.extract_strided_slice %dot_general3A_12 {offsets = [640, 0], sizes = [128, 128], strides = [1, 1]} : vector<1024x8192xf32> to vector<128x128xf32>
    %broadcast_in_dim3A_2061 = arith.constant 0 : i32
    %broadcast_in_dim3A_2062 = vector.broadcast %broadcast_in_dim3A_2061 : i32 to vector<128x128xi32>
    %slice3A_2063 = vector.extract_strided_slice %dot_general3A_12 {offsets = [640, 128], sizes = [128, 128], strides = [1, 1]} : vector<1024x8192xf32> to vector<128x128xf32>
    %gt3A_2064 = arith.cmpf ogt, %slice3A_2063, %slice3A_2060 : vector<128x128xf32>
    %jit3A_2065 = arith.constant 1 : i32
    %broadcast_in_dim3A_2066 = vector.broadcast %jit3A_2065 : i32 to vector<128x128xi32>
    %select_n3A_2067 = arith.select %gt3A_2064, %broadcast_in_dim3A_2066, %broadcast_in_dim3A_2062 : vector<128x128xi1>, vector<128x128xi32>
    %select_n3A_2068 = arith.select %gt3A_2064, %slice3A_2063, %slice3A_2060 : vector<128x128xi1>, vector<128x128xf32>
    %slice3A_2069 = vector.extract_strided_slice %dot_general3A_12 {offsets = [640, 256], sizes = [128, 128], strides = [1, 1]} : vector<1024x8192xf32> to vector<128x128xf32>
    %gt3A_2070 = arith.cmpf ogt, %slice3A_2069, %select_n3A_2068 : vector<128x128xf32>
    %jit3A_2071 = arith.constant 2 : i32
    %broadcast_in_dim3A_2072 = vector.broadcast %jit3A_2071 : i32 to vector<128x128xi32>
    %select_n3A_2073 = arith.select %gt3A_2070, %broadcast_in_dim3A_2072, %select_n3A_2067 : vector<128x128xi1>, vector<128x128xi32>
    %select_n3A_2074 = arith.select %gt3A_2070, %slice3A_2069, %select_n3A_2068 : vector<128x128xi1>, vector<128x128xf32>
    %slice3A_2075 = vector.extract_strided_slice %dot_general3A_12 {offsets = [640, 384], sizes = [128, 128], strides = [1, 1]} : vector<1024x8192xf32> to vector<128x128xf32>
    %gt3A_2076 = arith.cmpf ogt, %slice3A_2075, %select_n3A_2074 : vector<128x128xf32>
    %jit3A_2077 = arith.constant 3 : i32
    %broadcast_in_dim3A_2078 = vector.broadcast %jit3A_2077 : i32 to vector<128x128xi32>
    %select_n3A_2079 = arith.select %gt3A_2076, %broadcast_in_dim3A_2078, %select_n3A_2073 : vector<128x128xi1>, vector<128x128xi32>
    %select_n3A_2080 = arith.select %gt3A_2076, %slice3A_2075, %select_n3A_2074 : vector<128x128xi1>, vector<128x128xf32>
    %slice3A_2081 = vector.extract_strided_slice %dot_general3A_12 {offsets = [640, 512], sizes = [128, 128], strides = [1, 1]} : vector<1024x8192xf32> to vector<128x128xf32>
    %gt3A_2082 = arith.cmpf ogt, %slice3A_2081, %select_n3A_2080 : vector<128x128xf32>
    %jit3A_2083 = arith.constant 4 : i32
    %broadcast_in_dim3A_2084 = vector.broadcast %jit3A_2083 : i32 to vector<128x128xi32>
    %select_n3A_2085 = arith.select %gt3A_2082, %broadcast_in_dim3A_2084, %select_n3A_2079 : vector<128x128xi1>, vector<128x128xi32>
    %select_n3A_2086 = arith.select %gt3A_2082, %slice3A_2081, %select_n3A_2080 : vector<128x128xi1>, vector<128x128xf32>
    %slice3A_2087 = vector.extract_strided_slice %dot_general3A_12 {offsets = [640, 640], sizes = [128, 128], strides = [1, 1]} : vector<1024x8192xf32> to vector<128x128xf32>
    %gt3A_2088 = arith.cmpf ogt, %slice3A_2087, %select_n3A_2086 : vector<128x128xf32>
    %jit3A_2089 = arith.constant 5 : i32
    %broadcast_in_dim3A_2090 = vector.broadcast %jit3A_2089 : i32 to vector<128x128xi32>
    %select_n3A_2091 = arith.select %gt3A_2088, %broadcast_in_dim3A_2090, %select_n3A_2085 : vector<128x128xi1>, vector<128x128xi32>
    %select_n3A_2092 = arith.select %gt3A_2088, %slice3A_2087, %select_n3A_2086 : vector<128x128xi1>, vector<128x128xf32>
    %slice3A_2093 = vector.extract_strided_slice %dot_general3A_12 {offsets = [640, 768], sizes = [128, 128], strides = [1, 1]} : vector<1024x8192xf32> to vector<128x128xf32>
    %gt3A_2094 = arith.cmpf ogt, %slice3A_2093, %select_n3A_2092 : vector<128x128xf32>
    %jit3A_2095 = arith.constant 6 : i32
    %broadcast_in_dim3A_2096 = vector.broadcast %jit3A_2095 : i32 to vector<128x128xi32>
    %select_n3A_2097 = arith.select %gt3A_2094, %broadcast_in_dim3A_2096, %select_n3A_2091 : vector<128x128xi1>, vector<128x128xi32>
    %select_n3A_2098 = arith.select %gt3A_2094, %slice3A_2093, %select_n3A_2092 : vector<128x128xi1>, vector<128x128xf32>
    %slice3A_2099 = vector.extract_strided_slice %dot_general3A_12 {offsets = [640, 896], sizes = [128, 128], strides = [1, 1]} : vector<1024x8192xf32> to vector<128x128xf32>
    %gt3A_2100 = arith.cmpf ogt, %slice3A_2099, %select_n3A_2098 : vector<128x128xf32>
    %jit3A_2101 = arith.constant 7 : i32
    %broadcast_in_dim3A_2102 = vector.broadcast %jit3A_2101 : i32 to vector<128x128xi32>
    %select_n3A_2103 = arith.select %gt3A_2100, %broadcast_in_dim3A_2102, %select_n3A_2097 : vector<128x128xi1>, vector<128x128xi32>
    %select_n3A_2104 = arith.select %gt3A_2100, %slice3A_2099, %select_n3A_2098 : vector<128x128xi1>, vector<128x128xf32>
    %slice3A_2105 = vector.extract_strided_slice %dot_general3A_12 {offsets = [640, 1024], sizes = [128, 128], strides = [1, 1]} : vector<1024x8192xf32> to vector<128x128xf32>
    %gt3A_2106 = arith.cmpf ogt, %slice3A_2105, %select_n3A_2104 : vector<128x128xf32>
    %jit3A_2107 = arith.constant 8 : i32
    %broadcast_in_dim3A_2108 = vector.broadcast %jit3A_2107 : i32 to vector<128x128xi32>
    %select_n3A_2109 = arith.select %gt3A_2106, %broadcast_in_dim3A_2108, %select_n3A_2103 : vector<128x128xi1>, vector<128x128xi32>
    %select_n3A_2110 = arith.select %gt3A_2106, %slice3A_2105, %select_n3A_2104 : vector<128x128xi1>, vector<128x128xf32>
    %slice3A_2111 = vector.extract_strided_slice %dot_general3A_12 {offsets = [640, 1152], sizes = [128, 128], strides = [1, 1]} : vector<1024x8192xf32> to vector<128x128xf32>
    %gt3A_2112 = arith.cmpf ogt, %slice3A_2111, %select_n3A_2110 : vector<128x128xf32>
    %jit3A_2113 = arith.constant 9 : i32
    %broadcast_in_dim3A_2114 = vector.broadcast %jit3A_2113 : i32 to vector<128x128xi32>
    %select_n3A_2115 = arith.select %gt3A_2112, %broadcast_in_dim3A_2114, %select_n3A_2109 : vector<128x128xi1>, vector<128x128xi32>
    %select_n3A_2116 = arith.select %gt3A_2112, %slice3A_2111, %select_n3A_2110 : vector<128x128xi1>, vector<128x128xf32>
    %slice3A_2117 = vector.extract_strided_slice %dot_general3A_12 {offsets = [640, 1280], sizes = [128, 128], strides = [1, 1]} : vector<1024x8192xf32> to vector<128x128xf32>
    %gt3A_2118 = arith.cmpf ogt, %slice3A_2117, %select_n3A_2116 : vector<128x128xf32>
    %jit3A_2119 = arith.constant 10 : i32
    %broadcast_in_dim3A_2120 = vector.broadcast %jit3A_2119 : i32 to vector<128x128xi32>
    %select_n3A_2121 = arith.select %gt3A_2118, %broadcast_in_dim3A_2120, %select_n3A_2115 : vector<128x128xi1>, vector<128x128xi32>
    %select_n3A_2122 = arith.select %gt3A_2118, %slice3A_2117, %select_n3A_2116 : vector<128x128xi1>, vector<128x128xf32>
    %slice3A_2123 = vector.extract_strided_slice %dot_general3A_12 {offsets = [640, 1408], sizes = [128, 128], strides = [1, 1]} : vector<1024x8192xf32> to vector<128x128xf32>
    %gt3A_2124 = arith.cmpf ogt, %slice3A_2123, %select_n3A_2122 : vector<128x128xf32>
    %jit3A_2125 = arith.constant 11 : i32
    %broadcast_in_dim3A_2126 = vector.broadcast %jit3A_2125 : i32 to vector<128x128xi32>
    %select_n3A_2127 = arith.select %gt3A_2124, %broadcast_in_dim3A_2126, %select_n3A_2121 : vector<128x128xi1>, vector<128x128xi32>
    %select_n3A_2128 = arith.select %gt3A_2124, %slice3A_2123, %select_n3A_2122 : vector<128x128xi1>, vector<128x128xf32>
    %slice3A_2129 = vector.extract_strided_slice %dot_general3A_12 {offsets = [640, 1536], sizes = [128, 128], strides = [1, 1]} : vector<1024x8192xf32> to vector<128x128xf32>
    %gt3A_2130 = arith.cmpf ogt, %slice3A_2129, %select_n3A_2128 : vector<128x128xf32>
    %jit3A_2131 = arith.constant 12 : i32
    %broadcast_in_dim3A_2132 = vector.broadcast %jit3A_2131 : i32 to vector<128x128xi32>
    %select_n3A_2133 = arith.select %gt3A_2130, %broadcast_in_dim3A_2132, %select_n3A_2127 : vector<128x128xi1>, vector<128x128xi32>
    %select_n3A_2134 = arith.select %gt3A_2130, %slice3A_2129, %select_n3A_2128 : vector<128x128xi1>, vector<128x128xf32>
    %slice3A_2135 = vector.extract_strided_slice %dot_general3A_12 {offsets = [640, 1664], sizes = [128, 128], strides = [1, 1]} : vector<1024x8192xf32> to vector<128x128xf32>
    %gt3A_2136 = arith.cmpf ogt, %slice3A_2135, %select_n3A_2134 : vector<128x128xf32>
    %jit3A_2137 = arith.constant 13 : i32
    %broadcast_in_dim3A_2138 = vector.broadcast %jit3A_2137 : i32 to vector<128x128xi32>
    %select_n3A_2139 = arith.select %gt3A_2136, %broadcast_in_dim3A_2138, %select_n3A_2133 : vector<128x128xi1>, vector<128x128xi32>
    %select_n3A_2140 = arith.select %gt3A_2136, %slice3A_2135, %select_n3A_2134 : vector<128x128xi1>, vector<128x128xf32>
    %slice3A_2141 = vector.extract_strided_slice %dot_general3A_12 {offsets = [640, 1792], sizes = [128, 128], strides = [1, 1]} : vector<1024x8192xf32> to vector<128x128xf32>
    %gt3A_2142 = arith.cmpf ogt, %slice3A_2141, %select_n3A_2140 : vector<128x128xf32>
    %jit3A_2143 = arith.constant 14 : i32
    %broadcast_in_dim3A_2144 = vector.broadcast %jit3A_2143 : i32 to vector<128x128xi32>
    %select_n3A_2145 = arith.select %gt3A_2142, %broadcast_in_dim3A_2144, %select_n3A_2139 : vector<128x128xi1>, vector<128x128xi32>
    %select_n3A_2146 = arith.select %gt3A_2142, %slice3A_2141, %select_n3A_2140 : vector<128x128xi1>, vector<128x128xf32>
    %slice3A_2147 = vector.extract_strided_slice %dot_general3A_12 {offsets = [640, 1920], sizes = [128, 128], strides = [1, 1]} : vector<1024x8192xf32> to vector<128x128xf32>
    %gt3A_2148 = arith.cmpf ogt, %slice3A_2147, %select_n3A_2146 : vector<128x128xf32>
    %jit3A_2149 = arith.constant 15 : i32
    %broadcast_in_dim3A_2150 = vector.broadcast %jit3A_2149 : i32 to vector<128x128xi32>
    %select_n3A_2151 = arith.select %gt3A_2148, %broadcast_in_dim3A_2150, %select_n3A_2145 : vector<128x128xi1>, vector<128x128xi32>
    %select_n3A_2152 = arith.select %gt3A_2148, %slice3A_2147, %select_n3A_2146 : vector<128x128xi1>, vector<128x128xf32>
    %slice3A_2153 = vector.extract_strided_slice %dot_general3A_12 {offsets = [640, 2048], sizes = [128, 128], strides = [1, 1]} : vector<1024x8192xf32> to vector<128x128xf32>
    %gt3A_2154 = arith.cmpf ogt, %slice3A_2153, %select_n3A_2152 : vector<128x128xf32>
    %jit3A_2155 = arith.constant 16 : i32
    %broadcast_in_dim3A_2156 = vector.broadcast %jit3A_2155 : i32 to vector<128x128xi32>
    %select_n3A_2157 = arith.select %gt3A_2154, %broadcast_in_dim3A_2156, %select_n3A_2151 : vector<128x128xi1>, vector<128x128xi32>
    %select_n3A_2158 = arith.select %gt3A_2154, %slice3A_2153, %select_n3A_2152 : vector<128x128xi1>, vector<128x128xf32>
    %slice3A_2159 = vector.extract_strided_slice %dot_general3A_12 {offsets = [640, 2176], sizes = [128, 128], strides = [1, 1]} : vector<1024x8192xf32> to vector<128x128xf32>
    %gt3A_2160 = arith.cmpf ogt, %slice3A_2159, %select_n3A_2158 : vector<128x128xf32>
    %jit3A_2161 = arith.constant 17 : i32
    %broadcast_in_dim3A_2162 = vector.broadcast %jit3A_2161 : i32 to vector<128x128xi32>
    %select_n3A_2163 = arith.select %gt3A_2160, %broadcast_in_dim3A_2162, %select_n3A_2157 : vector<128x128xi1>, vector<128x128xi32>
    %select_n3A_2164 = arith.select %gt3A_2160, %slice3A_2159, %select_n3A_2158 : vector<128x128xi1>, vector<128x128xf32>
    %slice3A_2165 = vector.extract_strided_slice %dot_general3A_12 {offsets = [640, 2304], sizes = [128, 128], strides = [1, 1]} : vector<1024x8192xf32> to vector<128x128xf32>
    %gt3A_2166 = arith.cmpf ogt, %slice3A_2165, %select_n3A_2164 : vector<128x128xf32>
    %jit3A_2167 = arith.constant 18 : i32
    %broadcast_in_dim3A_2168 = vector.broadcast %jit3A_2167 : i32 to vector<128x128xi32>
    %select_n3A_2169 = arith.select %gt3A_2166, %broadcast_in_dim3A_2168, %select_n3A_2163 : vector<128x128xi1>, vector<128x128xi32>
    %select_n3A_2170 = arith.select %gt3A_2166, %slice3A_2165, %select_n3A_2164 : vector<128x128xi1>, vector<128x128xf32>
    %slice3A_2171 = vector.extract_strided_slice %dot_general3A_12 {offsets = [640, 2432], sizes = [128, 128], strides = [1, 1]} : vector<1024x8192xf32> to vector<128x128xf32>
    %gt3A_2172 = arith.cmpf ogt, %slice3A_2171, %select_n3A_2170 : vector<128x128xf32>
    %jit3A_2173 = arith.constant 19 : i32
    %broadcast_in_dim3A_2174 = vector.broadcast %jit3A_2173 : i32 to vector<128x128xi32>
    %select_n3A_2175 = arith.select %gt3A_2172, %broadcast_in_dim3A_2174, %select_n3A_2169 : vector<128x128xi1>, vector<128x128xi32>
    %select_n3A_2176 = arith.select %gt3A_2172, %slice3A_2171, %select_n3A_2170 : vector<128x128xi1>, vector<128x128xf32>
    %slice3A_2177 = vector.extract_strided_slice %dot_general3A_12 {offsets = [640, 2560], sizes = [128, 128], strides = [1, 1]} : vector<1024x8192xf32> to vector<128x128xf32>
    %gt3A_2178 = arith.cmpf ogt, %slice3A_2177, %select_n3A_2176 : vector<128x128xf32>
    %jit3A_2179 = arith.constant 20 : i32
    %broadcast_in_dim3A_2180 = vector.broadcast %jit3A_2179 : i32 to vector<128x128xi32>
    %select_n3A_2181 = arith.select %gt3A_2178, %broadcast_in_dim3A_2180, %select_n3A_2175 : vector<128x128xi1>, vector<128x128xi32>
    %select_n3A_2182 = arith.select %gt3A_2178, %slice3A_2177, %select_n3A_2176 : vector<128x128xi1>, vector<128x128xf32>
    %slice3A_2183 = vector.extract_strided_slice %dot_general3A_12 {offsets = [640, 2688], sizes = [128, 128], strides = [1, 1]} : vector<1024x8192xf32> to vector<128x128xf32>
    %gt3A_2184 = arith.cmpf ogt, %slice3A_2183, %select_n3A_2182 : vector<128x128xf32>
    %jit3A_2185 = arith.constant 21 : i32
    %broadcast_in_dim3A_2186 = vector.broadcast %jit3A_2185 : i32 to vector<128x128xi32>
    %select_n3A_2187 = arith.select %gt3A_2184, %broadcast_in_dim3A_2186, %select_n3A_2181 : vector<128x128xi1>, vector<128x128xi32>
    %select_n3A_2188 = arith.select %gt3A_2184, %slice3A_2183, %select_n3A_2182 : vector<128x128xi1>, vector<128x128xf32>
    %slice3A_2189 = vector.extract_strided_slice %dot_general3A_12 {offsets = [640, 2816], sizes = [128, 128], strides = [1, 1]} : vector<1024x8192xf32> to vector<128x128xf32>
    %gt3A_2190 = arith.cmpf ogt, %slice3A_2189, %select_n3A_2188 : vector<128x128xf32>
    %jit3A_2191 = arith.constant 22 : i32
    %broadcast_in_dim3A_2192 = vector.broadcast %jit3A_2191 : i32 to vector<128x128xi32>
    %select_n3A_2193 = arith.select %gt3A_2190, %broadcast_in_dim3A_2192, %select_n3A_2187 : vector<128x128xi1>, vector<128x128xi32>
    %select_n3A_2194 = arith.select %gt3A_2190, %slice3A_2189, %select_n3A_2188 : vector<128x128xi1>, vector<128x128xf32>
    %slice3A_2195 = vector.extract_strided_slice %dot_general3A_12 {offsets = [640, 2944], sizes = [128, 128], strides = [1, 1]} : vector<1024x8192xf32> to vector<128x128xf32>
    %gt3A_2196 = arith.cmpf ogt, %slice3A_2195, %select_n3A_2194 : vector<128x128xf32>
    %jit3A_2197 = arith.constant 23 : i32
    %broadcast_in_dim3A_2198 = vector.broadcast %jit3A_2197 : i32 to vector<128x128xi32>
    %select_n3A_2199 = arith.select %gt3A_2196, %broadcast_in_dim3A_2198, %select_n3A_2193 : vector<128x128xi1>, vector<128x128xi32>
    %select_n3A_2200 = arith.select %gt3A_2196, %slice3A_2195, %select_n3A_2194 : vector<128x128xi1>, vector<128x128xf32>
    %slice3A_2201 = vector.extract_strided_slice %dot_general3A_12 {offsets = [640, 3072], sizes = [128, 128], strides = [1, 1]} : vector<1024x8192xf32> to vector<128x128xf32>
    %gt3A_2202 = arith.cmpf ogt, %slice3A_2201, %select_n3A_2200 : vector<128x128xf32>
    %jit3A_2203 = arith.constant 24 : i32
    %broadcast_in_dim3A_2204 = vector.broadcast %jit3A_2203 : i32 to vector<128x128xi32>
    %select_n3A_2205 = arith.select %gt3A_2202, %broadcast_in_dim3A_2204, %select_n3A_2199 : vector<128x128xi1>, vector<128x128xi32>
    %select_n3A_2206 = arith.select %gt3A_2202, %slice3A_2201, %select_n3A_2200 : vector<128x128xi1>, vector<128x128xf32>
    %slice3A_2207 = vector.extract_strided_slice %dot_general3A_12 {offsets = [640, 3200], sizes = [128, 128], strides = [1, 1]} : vector<1024x8192xf32> to vector<128x128xf32>
    %gt3A_2208 = arith.cmpf ogt, %slice3A_2207, %select_n3A_2206 : vector<128x128xf32>
    %jit3A_2209 = arith.constant 25 : i32
    %broadcast_in_dim3A_2210 = vector.broadcast %jit3A_2209 : i32 to vector<128x128xi32>
    %select_n3A_2211 = arith.select %gt3A_2208, %broadcast_in_dim3A_2210, %select_n3A_2205 : vector<128x128xi1>, vector<128x128xi32>
    %select_n3A_2212 = arith.select %gt3A_2208, %slice3A_2207, %select_n3A_2206 : vector<128x128xi1>, vector<128x128xf32>
    %slice3A_2213 = vector.extract_strided_slice %dot_general3A_12 {offsets = [640, 3328], sizes = [128, 128], strides = [1, 1]} : vector<1024x8192xf32> to vector<128x128xf32>
    %gt3A_2214 = arith.cmpf ogt, %slice3A_2213, %select_n3A_2212 : vector<128x128xf32>
    %jit3A_2215 = arith.constant 26 : i32
    %broadcast_in_dim3A_2216 = vector.broadcast %jit3A_2215 : i32 to vector<128x128xi32>
    %select_n3A_2217 = arith.select %gt3A_2214, %broadcast_in_dim3A_2216, %select_n3A_2211 : vector<128x128xi1>, vector<128x128xi32>
    %select_n3A_2218 = arith.select %gt3A_2214, %slice3A_2213, %select_n3A_2212 : vector<128x128xi1>, vector<128x128xf32>
    %slice3A_2219 = vector.extract_strided_slice %dot_general3A_12 {offsets = [640, 3456], sizes = [128, 128], strides = [1, 1]} : vector<1024x8192xf32> to vector<128x128xf32>
    %gt3A_2220 = arith.cmpf ogt, %slice3A_2219, %select_n3A_2218 : vector<128x128xf32>
    %jit3A_2221 = arith.constant 27 : i32
    %broadcast_in_dim3A_2222 = vector.broadcast %jit3A_2221 : i32 to vector<128x128xi32>
    %select_n3A_2223 = arith.select %gt3A_2220, %broadcast_in_dim3A_2222, %select_n3A_2217 : vector<128x128xi1>, vector<128x128xi32>
    %select_n3A_2224 = arith.select %gt3A_2220, %slice3A_2219, %select_n3A_2218 : vector<128x128xi1>, vector<128x128xf32>
    %slice3A_2225 = vector.extract_strided_slice %dot_general3A_12 {offsets = [640, 3584], sizes = [128, 128], strides = [1, 1]} : vector<1024x8192xf32> to vector<128x128xf32>
    %gt3A_2226 = arith.cmpf ogt, %slice3A_2225, %select_n3A_2224 : vector<128x128xf32>
    %jit3A_2227 = arith.constant 28 : i32
    %broadcast_in_dim3A_2228 = vector.broadcast %jit3A_2227 : i32 to vector<128x128xi32>
    %select_n3A_2229 = arith.select %gt3A_2226, %broadcast_in_dim3A_2228, %select_n3A_2223 : vector<128x128xi1>, vector<128x128xi32>
    %select_n3A_2230 = arith.select %gt3A_2226, %slice3A_2225, %select_n3A_2224 : vector<128x128xi1>, vector<128x128xf32>
    %slice3A_2231 = vector.extract_strided_slice %dot_general3A_12 {offsets = [640, 3712], sizes = [128, 128], strides = [1, 1]} : vector<1024x8192xf32> to vector<128x128xf32>
    %gt3A_2232 = arith.cmpf ogt, %slice3A_2231, %select_n3A_2230 : vector<128x128xf32>
    %jit3A_2233 = arith.constant 29 : i32
    %broadcast_in_dim3A_2234 = vector.broadcast %jit3A_2233 : i32 to vector<128x128xi32>
    %select_n3A_2235 = arith.select %gt3A_2232, %broadcast_in_dim3A_2234, %select_n3A_2229 : vector<128x128xi1>, vector<128x128xi32>
    %select_n3A_2236 = arith.select %gt3A_2232, %slice3A_2231, %select_n3A_2230 : vector<128x128xi1>, vector<128x128xf32>
    %slice3A_2237 = vector.extract_strided_slice %dot_general3A_12 {offsets = [640, 3840], sizes = [128, 128], strides = [1, 1]} : vector<1024x8192xf32> to vector<128x128xf32>
    %gt3A_2238 = arith.cmpf ogt, %slice3A_2237, %select_n3A_2236 : vector<128x128xf32>
    %jit3A_2239 = arith.constant 30 : i32
    %broadcast_in_dim3A_2240 = vector.broadcast %jit3A_2239 : i32 to vector<128x128xi32>
    %select_n3A_2241 = arith.select %gt3A_2238, %broadcast_in_dim3A_2240, %select_n3A_2235 : vector<128x128xi1>, vector<128x128xi32>
    %select_n3A_2242 = arith.select %gt3A_2238, %slice3A_2237, %select_n3A_2236 : vector<128x128xi1>, vector<128x128xf32>
    %slice3A_2243 = vector.extract_strided_slice %dot_general3A_12 {offsets = [640, 3968], sizes = [128, 128], strides = [1, 1]} : vector<1024x8192xf32> to vector<128x128xf32>
    %gt3A_2244 = arith.cmpf ogt, %slice3A_2243, %select_n3A_2242 : vector<128x128xf32>
    %jit3A_2245 = arith.constant 31 : i32
    %broadcast_in_dim3A_2246 = vector.broadcast %jit3A_2245 : i32 to vector<128x128xi32>
    %select_n3A_2247 = arith.select %gt3A_2244, %broadcast_in_dim3A_2246, %select_n3A_2241 : vector<128x128xi1>, vector<128x128xi32>
    %select_n3A_2248 = arith.select %gt3A_2244, %slice3A_2243, %select_n3A_2242 : vector<128x128xi1>, vector<128x128xf32>
    %slice3A_2249 = vector.extract_strided_slice %dot_general3A_12 {offsets = [640, 4096], sizes = [128, 128], strides = [1, 1]} : vector<1024x8192xf32> to vector<128x128xf32>
    %gt3A_2250 = arith.cmpf ogt, %slice3A_2249, %select_n3A_2248 : vector<128x128xf32>
    %jit3A_2251 = arith.constant 32 : i32
    %broadcast_in_dim3A_2252 = vector.broadcast %jit3A_2251 : i32 to vector<128x128xi32>
    %select_n3A_2253 = arith.select %gt3A_2250, %broadcast_in_dim3A_2252, %select_n3A_2247 : vector<128x128xi1>, vector<128x128xi32>
    %select_n3A_2254 = arith.select %gt3A_2250, %slice3A_2249, %select_n3A_2248 : vector<128x128xi1>, vector<128x128xf32>
    %slice3A_2255 = vector.extract_strided_slice %dot_general3A_12 {offsets = [640, 4224], sizes = [128, 128], strides = [1, 1]} : vector<1024x8192xf32> to vector<128x128xf32>
    %gt3A_2256 = arith.cmpf ogt, %slice3A_2255, %select_n3A_2254 : vector<128x128xf32>
    %jit3A_2257 = arith.constant 33 : i32
    %broadcast_in_dim3A_2258 = vector.broadcast %jit3A_2257 : i32 to vector<128x128xi32>
    %select_n3A_2259 = arith.select %gt3A_2256, %broadcast_in_dim3A_2258, %select_n3A_2253 : vector<128x128xi1>, vector<128x128xi32>
    %select_n3A_2260 = arith.select %gt3A_2256, %slice3A_2255, %select_n3A_2254 : vector<128x128xi1>, vector<128x128xf32>
    %slice3A_2261 = vector.extract_strided_slice %dot_general3A_12 {offsets = [640, 4352], sizes = [128, 128], strides = [1, 1]} : vector<1024x8192xf32> to vector<128x128xf32>
    %gt3A_2262 = arith.cmpf ogt, %slice3A_2261, %select_n3A_2260 : vector<128x128xf32>
    %jit3A_2263 = arith.constant 34 : i32
    %broadcast_in_dim3A_2264 = vector.broadcast %jit3A_2263 : i32 to vector<128x128xi32>
    %select_n3A_2265 = arith.select %gt3A_2262, %broadcast_in_dim3A_2264, %select_n3A_2259 : vector<128x128xi1>, vector<128x128xi32>
    %select_n3A_2266 = arith.select %gt3A_2262, %slice3A_2261, %select_n3A_2260 : vector<128x128xi1>, vector<128x128xf32>
    %slice3A_2267 = vector.extract_strided_slice %dot_general3A_12 {offsets = [640, 4480], sizes = [128, 128], strides = [1, 1]} : vector<1024x8192xf32> to vector<128x128xf32>
    %gt3A_2268 = arith.cmpf ogt, %slice3A_2267, %select_n3A_2266 : vector<128x128xf32>
    %jit3A_2269 = arith.constant 35 : i32
    %broadcast_in_dim3A_2270 = vector.broadcast %jit3A_2269 : i32 to vector<128x128xi32>
    %select_n3A_2271 = arith.select %gt3A_2268, %broadcast_in_dim3A_2270, %select_n3A_2265 : vector<128x128xi1>, vector<128x128xi32>
    %select_n3A_2272 = arith.select %gt3A_2268, %slice3A_2267, %select_n3A_2266 : vector<128x128xi1>, vector<128x128xf32>
    %slice3A_2273 = vector.extract_strided_slice %dot_general3A_12 {offsets = [640, 4608], sizes = [128, 128], strides = [1, 1]} : vector<1024x8192xf32> to vector<128x128xf32>
    %gt3A_2274 = arith.cmpf ogt, %slice3A_2273, %select_n3A_2272 : vector<128x128xf32>
    %jit3A_2275 = arith.constant 36 : i32
    %broadcast_in_dim3A_2276 = vector.broadcast %jit3A_2275 : i32 to vector<128x128xi32>
    %select_n3A_2277 = arith.select %gt3A_2274, %broadcast_in_dim3A_2276, %select_n3A_2271 : vector<128x128xi1>, vector<128x128xi32>
    %select_n3A_2278 = arith.select %gt3A_2274, %slice3A_2273, %select_n3A_2272 : vector<128x128xi1>, vector<128x128xf32>
    %slice3A_2279 = vector.extract_strided_slice %dot_general3A_12 {offsets = [640, 4736], sizes = [128, 128], strides = [1, 1]} : vector<1024x8192xf32> to vector<128x128xf32>
    %gt3A_2280 = arith.cmpf ogt, %slice3A_2279, %select_n3A_2278 : vector<128x128xf32>
    %jit3A_2281 = arith.constant 37 : i32
    %broadcast_in_dim3A_2282 = vector.broadcast %jit3A_2281 : i32 to vector<128x128xi32>
    %select_n3A_2283 = arith.select %gt3A_2280, %broadcast_in_dim3A_2282, %select_n3A_2277 : vector<128x128xi1>, vector<128x128xi32>
    %select_n3A_2284 = arith.select %gt3A_2280, %slice3A_2279, %select_n3A_2278 : vector<128x128xi1>, vector<128x128xf32>
    %slice3A_2285 = vector.extract_strided_slice %dot_general3A_12 {offsets = [640, 4864], sizes = [128, 128], strides = [1, 1]} : vector<1024x8192xf32> to vector<128x128xf32>
    %gt3A_2286 = arith.cmpf ogt, %slice3A_2285, %select_n3A_2284 : vector<128x128xf32>
    %jit3A_2287 = arith.constant 38 : i32
    %broadcast_in_dim3A_2288 = vector.broadcast %jit3A_2287 : i32 to vector<128x128xi32>
    %select_n3A_2289 = arith.select %gt3A_2286, %broadcast_in_dim3A_2288, %select_n3A_2283 : vector<128x128xi1>, vector<128x128xi32>
    %select_n3A_2290 = arith.select %gt3A_2286, %slice3A_2285, %select_n3A_2284 : vector<128x128xi1>, vector<128x128xf32>
    %slice3A_2291 = vector.extract_strided_slice %dot_general3A_12 {offsets = [640, 4992], sizes = [128, 128], strides = [1, 1]} : vector<1024x8192xf32> to vector<128x128xf32>
    %gt3A_2292 = arith.cmpf ogt, %slice3A_2291, %select_n3A_2290 : vector<128x128xf32>
    %jit3A_2293 = arith.constant 39 : i32
    %broadcast_in_dim3A_2294 = vector.broadcast %jit3A_2293 : i32 to vector<128x128xi32>
    %select_n3A_2295 = arith.select %gt3A_2292, %broadcast_in_dim3A_2294, %select_n3A_2289 : vector<128x128xi1>, vector<128x128xi32>
    %select_n3A_2296 = arith.select %gt3A_2292, %slice3A_2291, %select_n3A_2290 : vector<128x128xi1>, vector<128x128xf32>
    %slice3A_2297 = vector.extract_strided_slice %dot_general3A_12 {offsets = [640, 5120], sizes = [128, 128], strides = [1, 1]} : vector<1024x8192xf32> to vector<128x128xf32>
    %gt3A_2298 = arith.cmpf ogt, %slice3A_2297, %select_n3A_2296 : vector<128x128xf32>
    %jit3A_2299 = arith.constant 40 : i32
    %broadcast_in_dim3A_2300 = vector.broadcast %jit3A_2299 : i32 to vector<128x128xi32>
    %select_n3A_2301 = arith.select %gt3A_2298, %broadcast_in_dim3A_2300, %select_n3A_2295 : vector<128x128xi1>, vector<128x128xi32>
    %select_n3A_2302 = arith.select %gt3A_2298, %slice3A_2297, %select_n3A_2296 : vector<128x128xi1>, vector<128x128xf32>
    %slice3A_2303 = vector.extract_strided_slice %dot_general3A_12 {offsets = [640, 5248], sizes = [128, 128], strides = [1, 1]} : vector<1024x8192xf32> to vector<128x128xf32>
    %gt3A_2304 = arith.cmpf ogt, %slice3A_2303, %select_n3A_2302 : vector<128x128xf32>
    %jit3A_2305 = arith.constant 41 : i32
    %broadcast_in_dim3A_2306 = vector.broadcast %jit3A_2305 : i32 to vector<128x128xi32>
    %select_n3A_2307 = arith.select %gt3A_2304, %broadcast_in_dim3A_2306, %select_n3A_2301 : vector<128x128xi1>, vector<128x128xi32>
    %select_n3A_2308 = arith.select %gt3A_2304, %slice3A_2303, %select_n3A_2302 : vector<128x128xi1>, vector<128x128xf32>
    %slice3A_2309 = vector.extract_strided_slice %dot_general3A_12 {offsets = [640, 5376], sizes = [128, 128], strides = [1, 1]} : vector<1024x8192xf32> to vector<128x128xf32>
    %gt3A_2310 = arith.cmpf ogt, %slice3A_2309, %select_n3A_2308 : vector<128x128xf32>
    %jit3A_2311 = arith.constant 42 : i32
    %broadcast_in_dim3A_2312 = vector.broadcast %jit3A_2311 : i32 to vector<128x128xi32>
    %select_n3A_2313 = arith.select %gt3A_2310, %broadcast_in_dim3A_2312, %select_n3A_2307 : vector<128x128xi1>, vector<128x128xi32>
    %select_n3A_2314 = arith.select %gt3A_2310, %slice3A_2309, %select_n3A_2308 : vector<128x128xi1>, vector<128x128xf32>
    %slice3A_2315 = vector.extract_strided_slice %dot_general3A_12 {offsets = [640, 5504], sizes = [128, 128], strides = [1, 1]} : vector<1024x8192xf32> to vector<128x128xf32>
    %gt3A_2316 = arith.cmpf ogt, %slice3A_2315, %select_n3A_2314 : vector<128x128xf32>
    %jit3A_2317 = arith.constant 43 : i32
    %broadcast_in_dim3A_2318 = vector.broadcast %jit3A_2317 : i32 to vector<128x128xi32>
    %select_n3A_2319 = arith.select %gt3A_2316, %broadcast_in_dim3A_2318, %select_n3A_2313 : vector<128x128xi1>, vector<128x128xi32>
    %select_n3A_2320 = arith.select %gt3A_2316, %slice3A_2315, %select_n3A_2314 : vector<128x128xi1>, vector<128x128xf32>
    %slice3A_2321 = vector.extract_strided_slice %dot_general3A_12 {offsets = [640, 5632], sizes = [128, 128], strides = [1, 1]} : vector<1024x8192xf32> to vector<128x128xf32>
    %gt3A_2322 = arith.cmpf ogt, %slice3A_2321, %select_n3A_2320 : vector<128x128xf32>
    %jit3A_2323 = arith.constant 44 : i32
    %broadcast_in_dim3A_2324 = vector.broadcast %jit3A_2323 : i32 to vector<128x128xi32>
    %select_n3A_2325 = arith.select %gt3A_2322, %broadcast_in_dim3A_2324, %select_n3A_2319 : vector<128x128xi1>, vector<128x128xi32>
    %select_n3A_2326 = arith.select %gt3A_2322, %slice3A_2321, %select_n3A_2320 : vector<128x128xi1>, vector<128x128xf32>
    %slice3A_2327 = vector.extract_strided_slice %dot_general3A_12 {offsets = [640, 5760], sizes = [128, 128], strides = [1, 1]} : vector<1024x8192xf32> to vector<128x128xf32>
    %gt3A_2328 = arith.cmpf ogt, %slice3A_2327, %select_n3A_2326 : vector<128x128xf32>
    %jit3A_2329 = arith.constant 45 : i32
    %broadcast_in_dim3A_2330 = vector.broadcast %jit3A_2329 : i32 to vector<128x128xi32>
    %select_n3A_2331 = arith.select %gt3A_2328, %broadcast_in_dim3A_2330, %select_n3A_2325 : vector<128x128xi1>, vector<128x128xi32>
    %select_n3A_2332 = arith.select %gt3A_2328, %slice3A_2327, %select_n3A_2326 : vector<128x128xi1>, vector<128x128xf32>
    %slice3A_2333 = vector.extract_strided_slice %dot_general3A_12 {offsets = [640, 5888], sizes = [128, 128], strides = [1, 1]} : vector<1024x8192xf32> to vector<128x128xf32>
    %gt3A_2334 = arith.cmpf ogt, %slice3A_2333, %select_n3A_2332 : vector<128x128xf32>
    %jit3A_2335 = arith.constant 46 : i32
    %broadcast_in_dim3A_2336 = vector.broadcast %jit3A_2335 : i32 to vector<128x128xi32>
    %select_n3A_2337 = arith.select %gt3A_2334, %broadcast_in_dim3A_2336, %select_n3A_2331 : vector<128x128xi1>, vector<128x128xi32>
    %select_n3A_2338 = arith.select %gt3A_2334, %slice3A_2333, %select_n3A_2332 : vector<128x128xi1>, vector<128x128xf32>
    %slice3A_2339 = vector.extract_strided_slice %dot_general3A_12 {offsets = [640, 6016], sizes = [128, 128], strides = [1, 1]} : vector<1024x8192xf32> to vector<128x128xf32>
    %gt3A_2340 = arith.cmpf ogt, %slice3A_2339, %select_n3A_2338 : vector<128x128xf32>
    %jit3A_2341 = arith.constant 47 : i32
    %broadcast_in_dim3A_2342 = vector.broadcast %jit3A_2341 : i32 to vector<128x128xi32>
    %select_n3A_2343 = arith.select %gt3A_2340, %broadcast_in_dim3A_2342, %select_n3A_2337 : vector<128x128xi1>, vector<128x128xi32>
    %select_n3A_2344 = arith.select %gt3A_2340, %slice3A_2339, %select_n3A_2338 : vector<128x128xi1>, vector<128x128xf32>
    %slice3A_2345 = vector.extract_strided_slice %dot_general3A_12 {offsets = [640, 6144], sizes = [128, 128], strides = [1, 1]} : vector<1024x8192xf32> to vector<128x128xf32>
    %gt3A_2346 = arith.cmpf ogt, %slice3A_2345, %select_n3A_2344 : vector<128x128xf32>
    %jit3A_2347 = arith.constant 48 : i32
    %broadcast_in_dim3A_2348 = vector.broadcast %jit3A_2347 : i32 to vector<128x128xi32>
    %select_n3A_2349 = arith.select %gt3A_2346, %broadcast_in_dim3A_2348, %select_n3A_2343 : vector<128x128xi1>, vector<128x128xi32>
    %select_n3A_2350 = arith.select %gt3A_2346, %slice3A_2345, %select_n3A_2344 : vector<128x128xi1>, vector<128x128xf32>
    %slice3A_2351 = vector.extract_strided_slice %dot_general3A_12 {offsets = [640, 6272], sizes = [128, 128], strides = [1, 1]} : vector<1024x8192xf32> to vector<128x128xf32>
    %gt3A_2352 = arith.cmpf ogt, %slice3A_2351, %select_n3A_2350 : vector<128x128xf32>
    %jit3A_2353 = arith.constant 49 : i32
    %broadcast_in_dim3A_2354 = vector.broadcast %jit3A_2353 : i32 to vector<128x128xi32>
    %select_n3A_2355 = arith.select %gt3A_2352, %broadcast_in_dim3A_2354, %select_n3A_2349 : vector<128x128xi1>, vector<128x128xi32>
    %select_n3A_2356 = arith.select %gt3A_2352, %slice3A_2351, %select_n3A_2350 : vector<128x128xi1>, vector<128x128xf32>
    %slice3A_2357 = vector.extract_strided_slice %dot_general3A_12 {offsets = [640, 6400], sizes = [128, 128], strides = [1, 1]} : vector<1024x8192xf32> to vector<128x128xf32>
    %gt3A_2358 = arith.cmpf ogt, %slice3A_2357, %select_n3A_2356 : vector<128x128xf32>
    %jit3A_2359 = arith.constant 50 : i32
    %broadcast_in_dim3A_2360 = vector.broadcast %jit3A_2359 : i32 to vector<128x128xi32>
    %select_n3A_2361 = arith.select %gt3A_2358, %broadcast_in_dim3A_2360, %select_n3A_2355 : vector<128x128xi1>, vector<128x128xi32>
    %select_n3A_2362 = arith.select %gt3A_2358, %slice3A_2357, %select_n3A_2356 : vector<128x128xi1>, vector<128x128xf32>
    %slice3A_2363 = vector.extract_strided_slice %dot_general3A_12 {offsets = [640, 6528], sizes = [128, 128], strides = [1, 1]} : vector<1024x8192xf32> to vector<128x128xf32>
    %gt3A_2364 = arith.cmpf ogt, %slice3A_2363, %select_n3A_2362 : vector<128x128xf32>
    %jit3A_2365 = arith.constant 51 : i32
    %broadcast_in_dim3A_2366 = vector.broadcast %jit3A_2365 : i32 to vector<128x128xi32>
    %select_n3A_2367 = arith.select %gt3A_2364, %broadcast_in_dim3A_2366, %select_n3A_2361 : vector<128x128xi1>, vector<128x128xi32>
    %select_n3A_2368 = arith.select %gt3A_2364, %slice3A_2363, %select_n3A_2362 : vector<128x128xi1>, vector<128x128xf32>
    %slice3A_2369 = vector.extract_strided_slice %dot_general3A_12 {offsets = [640, 6656], sizes = [128, 128], strides = [1, 1]} : vector<1024x8192xf32> to vector<128x128xf32>
    %gt3A_2370 = arith.cmpf ogt, %slice3A_2369, %select_n3A_2368 : vector<128x128xf32>
    %jit3A_2371 = arith.constant 52 : i32
    %broadcast_in_dim3A_2372 = vector.broadcast %jit3A_2371 : i32 to vector<128x128xi32>
    %select_n3A_2373 = arith.select %gt3A_2370, %broadcast_in_dim3A_2372, %select_n3A_2367 : vector<128x128xi1>, vector<128x128xi32>
    %select_n3A_2374 = arith.select %gt3A_2370, %slice3A_2369, %select_n3A_2368 : vector<128x128xi1>, vector<128x128xf32>
    %slice3A_2375 = vector.extract_strided_slice %dot_general3A_12 {offsets = [640, 6784], sizes = [128, 128], strides = [1, 1]} : vector<1024x8192xf32> to vector<128x128xf32>
    %gt3A_2376 = arith.cmpf ogt, %slice3A_2375, %select_n3A_2374 : vector<128x128xf32>
    %jit3A_2377 = arith.constant 53 : i32
    %broadcast_in_dim3A_2378 = vector.broadcast %jit3A_2377 : i32 to vector<128x128xi32>
    %select_n3A_2379 = arith.select %gt3A_2376, %broadcast_in_dim3A_2378, %select_n3A_2373 : vector<128x128xi1>, vector<128x128xi32>
    %select_n3A_2380 = arith.select %gt3A_2376, %slice3A_2375, %select_n3A_2374 : vector<128x128xi1>, vector<128x128xf32>
    %slice3A_2381 = vector.extract_strided_slice %dot_general3A_12 {offsets = [640, 6912], sizes = [128, 128], strides = [1, 1]} : vector<1024x8192xf32> to vector<128x128xf32>
    %gt3A_2382 = arith.cmpf ogt, %slice3A_2381, %select_n3A_2380 : vector<128x128xf32>
    %jit3A_2383 = arith.constant 54 : i32
    %broadcast_in_dim3A_2384 = vector.broadcast %jit3A_2383 : i32 to vector<128x128xi32>
    %select_n3A_2385 = arith.select %gt3A_2382, %broadcast_in_dim3A_2384, %select_n3A_2379 : vector<128x128xi1>, vector<128x128xi32>
    %select_n3A_2386 = arith.select %gt3A_2382, %slice3A_2381, %select_n3A_2380 : vector<128x128xi1>, vector<128x128xf32>
    %slice3A_2387 = vector.extract_strided_slice %dot_general3A_12 {offsets = [640, 7040], sizes = [128, 128], strides = [1, 1]} : vector<1024x8192xf32> to vector<128x128xf32>
    %gt3A_2388 = arith.cmpf ogt, %slice3A_2387, %select_n3A_2386 : vector<128x128xf32>
    %jit3A_2389 = arith.constant 55 : i32
    %broadcast_in_dim3A_2390 = vector.broadcast %jit3A_2389 : i32 to vector<128x128xi32>
    %select_n3A_2391 = arith.select %gt3A_2388, %broadcast_in_dim3A_2390, %select_n3A_2385 : vector<128x128xi1>, vector<128x128xi32>
    %select_n3A_2392 = arith.select %gt3A_2388, %slice3A_2387, %select_n3A_2386 : vector<128x128xi1>, vector<128x128xf32>
    %slice3A_2393 = vector.extract_strided_slice %dot_general3A_12 {offsets = [640, 7168], sizes = [128, 128], strides = [1, 1]} : vector<1024x8192xf32> to vector<128x128xf32>
    %gt3A_2394 = arith.cmpf ogt, %slice3A_2393, %select_n3A_2392 : vector<128x128xf32>
    %jit3A_2395 = arith.constant 56 : i32
    %broadcast_in_dim3A_2396 = vector.broadcast %jit3A_2395 : i32 to vector<128x128xi32>
    %select_n3A_2397 = arith.select %gt3A_2394, %broadcast_in_dim3A_2396, %select_n3A_2391 : vector<128x128xi1>, vector<128x128xi32>
    %select_n3A_2398 = arith.select %gt3A_2394, %slice3A_2393, %select_n3A_2392 : vector<128x128xi1>, vector<128x128xf32>
    %slice3A_2399 = vector.extract_strided_slice %dot_general3A_12 {offsets = [640, 7296], sizes = [128, 128], strides = [1, 1]} : vector<1024x8192xf32> to vector<128x128xf32>
    %gt3A_2400 = arith.cmpf ogt, %slice3A_2399, %select_n3A_2398 : vector<128x128xf32>
    %jit3A_2401 = arith.constant 57 : i32
    %broadcast_in_dim3A_2402 = vector.broadcast %jit3A_2401 : i32 to vector<128x128xi32>
    %select_n3A_2403 = arith.select %gt3A_2400, %broadcast_in_dim3A_2402, %select_n3A_2397 : vector<128x128xi1>, vector<128x128xi32>
    %select_n3A_2404 = arith.select %gt3A_2400, %slice3A_2399, %select_n3A_2398 : vector<128x128xi1>, vector<128x128xf32>
    %slice3A_2405 = vector.extract_strided_slice %dot_general3A_12 {offsets = [640, 7424], sizes = [128, 128], strides = [1, 1]} : vector<1024x8192xf32> to vector<128x128xf32>
    %gt3A_2406 = arith.cmpf ogt, %slice3A_2405, %select_n3A_2404 : vector<128x128xf32>
    %jit3A_2407 = arith.constant 58 : i32
    %broadcast_in_dim3A_2408 = vector.broadcast %jit3A_2407 : i32 to vector<128x128xi32>
    %select_n3A_2409 = arith.select %gt3A_2406, %broadcast_in_dim3A_2408, %select_n3A_2403 : vector<128x128xi1>, vector<128x128xi32>
    %select_n3A_2410 = arith.select %gt3A_2406, %slice3A_2405, %select_n3A_2404 : vector<128x128xi1>, vector<128x128xf32>
    %slice3A_2411 = vector.extract_strided_slice %dot_general3A_12 {offsets = [640, 7552], sizes = [128, 128], strides = [1, 1]} : vector<1024x8192xf32> to vector<128x128xf32>
    %gt3A_2412 = arith.cmpf ogt, %slice3A_2411, %select_n3A_2410 : vector<128x128xf32>
    %jit3A_2413 = arith.constant 59 : i32
    %broadcast_in_dim3A_2414 = vector.broadcast %jit3A_2413 : i32 to vector<128x128xi32>
    %select_n3A_2415 = arith.select %gt3A_2412, %broadcast_in_dim3A_2414, %select_n3A_2409 : vector<128x128xi1>, vector<128x128xi32>
    %select_n3A_2416 = arith.select %gt3A_2412, %slice3A_2411, %select_n3A_2410 : vector<128x128xi1>, vector<128x128xf32>
    %slice3A_2417 = vector.extract_strided_slice %dot_general3A_12 {offsets = [640, 7680], sizes = [128, 128], strides = [1, 1]} : vector<1024x8192xf32> to vector<128x128xf32>
    %gt3A_2418 = arith.cmpf ogt, %slice3A_2417, %select_n3A_2416 : vector<128x128xf32>
    %jit3A_2419 = arith.constant 60 : i32
    %broadcast_in_dim3A_2420 = vector.broadcast %jit3A_2419 : i32 to vector<128x128xi32>
    %select_n3A_2421 = arith.select %gt3A_2418, %broadcast_in_dim3A_2420, %select_n3A_2415 : vector<128x128xi1>, vector<128x128xi32>
    %select_n3A_2422 = arith.select %gt3A_2418, %slice3A_2417, %select_n3A_2416 : vector<128x128xi1>, vector<128x128xf32>
    %slice3A_2423 = vector.extract_strided_slice %dot_general3A_12 {offsets = [640, 7808], sizes = [128, 128], strides = [1, 1]} : vector<1024x8192xf32> to vector<128x128xf32>
    %gt3A_2424 = arith.cmpf ogt, %slice3A_2423, %select_n3A_2422 : vector<128x128xf32>
    %jit3A_2425 = arith.constant 61 : i32
    %broadcast_in_dim3A_2426 = vector.broadcast %jit3A_2425 : i32 to vector<128x128xi32>
    %select_n3A_2427 = arith.select %gt3A_2424, %broadcast_in_dim3A_2426, %select_n3A_2421 : vector<128x128xi1>, vector<128x128xi32>
    %select_n3A_2428 = arith.select %gt3A_2424, %slice3A_2423, %select_n3A_2422 : vector<128x128xi1>, vector<128x128xf32>
    %slice3A_2429 = vector.extract_strided_slice %dot_general3A_12 {offsets = [640, 7936], sizes = [128, 128], strides = [1, 1]} : vector<1024x8192xf32> to vector<128x128xf32>
    %gt3A_2430 = arith.cmpf ogt, %slice3A_2429, %select_n3A_2428 : vector<128x128xf32>
    %jit3A_2431 = arith.constant 62 : i32
    %broadcast_in_dim3A_2432 = vector.broadcast %jit3A_2431 : i32 to vector<128x128xi32>
    %select_n3A_2433 = arith.select %gt3A_2430, %broadcast_in_dim3A_2432, %select_n3A_2427 : vector<128x128xi1>, vector<128x128xi32>
    %select_n3A_2434 = arith.select %gt3A_2430, %slice3A_2429, %select_n3A_2428 : vector<128x128xi1>, vector<128x128xf32>
    %slice3A_2435 = vector.extract_strided_slice %dot_general3A_12 {offsets = [640, 8064], sizes = [128, 128], strides = [1, 1]} : vector<1024x8192xf32> to vector<128x128xf32>
    %gt3A_2436 = arith.cmpf ogt, %slice3A_2435, %select_n3A_2434 : vector<128x128xf32>
    %jit3A_2437 = arith.constant 63 : i32
    %broadcast_in_dim3A_2438 = vector.broadcast %jit3A_2437 : i32 to vector<128x128xi32>
    %select_n3A_2439 = arith.select %gt3A_2436, %broadcast_in_dim3A_2438, %select_n3A_2433 : vector<128x128xi1>, vector<128x128xi32>
    %select_n3A_2440 = arith.select %gt3A_2436, %slice3A_2435, %select_n3A_2434 : vector<128x128xi1>, vector<128x128xf32>
    %reduce_max3A_2441 = arith.constant dense<0xFF800000> : vector<128xf32>
    %reduce_max3A_2442 = vector.multi_reduction <maximumf>, %select_n3A_2440, %reduce_max3A_2441 [1] : vector<128x128xf32> to vector<128xf32>
    %broadcast_in_dim3A_2443 = vector.shape_cast %reduce_max3A_2442 : vector<128xf32> to vector<128x1xf32>
    %eq3A_2444 = vector.broadcast %broadcast_in_dim3A_2443 : vector<128x1xf32> to vector<128x128xf32>
    %eq3A_2445 = arith.cmpf oeq, %select_n3A_2440, %eq3A_2444 : vector<128x128xf32>
    %mul3A_2446 = arith.constant 128 : i32
    %mul3A_2447 = vector.broadcast %mul3A_2446 : i32 to vector<128x128xi32>
    %mul3A_2448 = arith.muli %select_n3A_2439, %mul3A_2447 : vector<128x128xi32>
    %add3A_2449 = arith.addi %mul3A_2448, %iota3A : vector<128x128xi32>
    %jit3A_2450 = arith.constant 8192 : i32
    %broadcast_in_dim3A_2451 = vector.broadcast %jit3A_2450 : i32 to vector<128x128xi32>
    %select_n3A_2452 = arith.select %eq3A_2445, %add3A_2449, %broadcast_in_dim3A_2451 : vector<128x128xi1>, vector<128x128xi32>
    %reduce_min3A_2453 = arith.constant dense<2147483647> : vector<128xi32>
    %reduce_min3A_2454 = vector.multi_reduction <minsi>, %select_n3A_2452, %reduce_min3A_2453 [1] : vector<128x128xi32> to vector<128xi32>
    %swap3A_2455 = arith.constant 0 : index
    %swap3A_2456 = arith.constant 0 : index
    %swap3A_2457 = arith.constant 640 : index
    %swap3A_2458 = vector.load %arg3[%swap3A_2455, %swap3A_2456, %swap3A_2457] : memref<1x1x1024xi32, #tpu.memory_space<vmem>>, vector<1x1x128xi32>
    %swap3A_2459 = vector.shape_cast %swap3A_2458 : vector<1x1x128xi32> to vector<128xi32>
    %swap3A_2460 = vector.shape_cast %reduce_min3A_2454 : vector<128xi32> to vector<1x1x128xi32>
    tpu.vector_store %arg3[%swap3A_2455, %swap3A_2456, %swap3A_2457], %swap3A_2460 {strides = array<i32>} : memref<1x1x1024xi32, #tpu.memory_space<vmem>>, vector<1x1x128xi32>,
    %get3A_2461 = arith.constant 5 : index
    %get3A_2462 = arith.constant 0 : index
    %get3A_2463 = vector.load %arg7[%get3A_2461, %get3A_2462] : memref<8x128xf32, #tpu.memory_space<vmem>>, vector<1x128xf32>
    %get3A_2464 = vector.shape_cast %get3A_2463 : vector<1x128xf32> to vector<128xf32>
    %add3A_2465 = arith.addf %get3A_2464, %reduce_max3A_2442 : vector<128xf32>
    %swap3A_2466 = arith.constant 5 : index
    %swap3A_2467 = arith.constant 0 : index
    %swap3A_2468 = vector.load %arg7[%swap3A_2466, %swap3A_2467] : memref<8x128xf32, #tpu.memory_space<vmem>>, vector<1x128xf32>
    %swap3A_2469 = vector.shape_cast %swap3A_2468 : vector<1x128xf32> to vector<128xf32>
    %swap3A_2470 = vector.shape_cast %add3A_2465 : vector<128xf32> to vector<1x128xf32>
    tpu.vector_store %arg7[%swap3A_2466, %swap3A_2467], %swap3A_2470 {strides = array<i32>} : memref<8x128xf32, #tpu.memory_space<vmem>>, vector<1x128xf32>,
    %slice3A_2471 = vector.extract_strided_slice %dot_general3A_12 {offsets = [768, 0], sizes = [128, 128], strides = [1, 1]} : vector<1024x8192xf32> to vector<128x128xf32>
    %broadcast_in_dim3A_2472 = arith.constant 0 : i32
    %broadcast_in_dim3A_2473 = vector.broadcast %broadcast_in_dim3A_2472 : i32 to vector<128x128xi32>
    %slice3A_2474 = vector.extract_strided_slice %dot_general3A_12 {offsets = [768, 128], sizes = [128, 128], strides = [1, 1]} : vector<1024x8192xf32> to vector<128x128xf32>
    %gt3A_2475 = arith.cmpf ogt, %slice3A_2474, %slice3A_2471 : vector<128x128xf32>
    %jit3A_2476 = arith.constant 1 : i32
    %broadcast_in_dim3A_2477 = vector.broadcast %jit3A_2476 : i32 to vector<128x128xi32>
    %select_n3A_2478 = arith.select %gt3A_2475, %broadcast_in_dim3A_2477, %broadcast_in_dim3A_2473 : vector<128x128xi1>, vector<128x128xi32>
    %select_n3A_2479 = arith.select %gt3A_2475, %slice3A_2474, %slice3A_2471 : vector<128x128xi1>, vector<128x128xf32>
    %slice3A_2480 = vector.extract_strided_slice %dot_general3A_12 {offsets = [768, 256], sizes = [128, 128], strides = [1, 1]} : vector<1024x8192xf32> to vector<128x128xf32>
    %gt3A_2481 = arith.cmpf ogt, %slice3A_2480, %select_n3A_2479 : vector<128x128xf32>
    %jit3A_2482 = arith.constant 2 : i32
    %broadcast_in_dim3A_2483 = vector.broadcast %jit3A_2482 : i32 to vector<128x128xi32>
    %select_n3A_2484 = arith.select %gt3A_2481, %broadcast_in_dim3A_2483, %select_n3A_2478 : vector<128x128xi1>, vector<128x128xi32>
    %select_n3A_2485 = arith.select %gt3A_2481, %slice3A_2480, %select_n3A_2479 : vector<128x128xi1>, vector<128x128xf32>
    %slice3A_2486 = vector.extract_strided_slice %dot_general3A_12 {offsets = [768, 384], sizes = [128, 128], strides = [1, 1]} : vector<1024x8192xf32> to vector<128x128xf32>
    %gt3A_2487 = arith.cmpf ogt, %slice3A_2486, %select_n3A_2485 : vector<128x128xf32>
    %jit3A_2488 = arith.constant 3 : i32
    %broadcast_in_dim3A_2489 = vector.broadcast %jit3A_2488 : i32 to vector<128x128xi32>
    %select_n3A_2490 = arith.select %gt3A_2487, %broadcast_in_dim3A_2489, %select_n3A_2484 : vector<128x128xi1>, vector<128x128xi32>
    %select_n3A_2491 = arith.select %gt3A_2487, %slice3A_2486, %select_n3A_2485 : vector<128x128xi1>, vector<128x128xf32>
    %slice3A_2492 = vector.extract_strided_slice %dot_general3A_12 {offsets = [768, 512], sizes = [128, 128], strides = [1, 1]} : vector<1024x8192xf32> to vector<128x128xf32>
    %gt3A_2493 = arith.cmpf ogt, %slice3A_2492, %select_n3A_2491 : vector<128x128xf32>
    %jit3A_2494 = arith.constant 4 : i32
    %broadcast_in_dim3A_2495 = vector.broadcast %jit3A_2494 : i32 to vector<128x128xi32>
    %select_n3A_2496 = arith.select %gt3A_2493, %broadcast_in_dim3A_2495, %select_n3A_2490 : vector<128x128xi1>, vector<128x128xi32>
    %select_n3A_2497 = arith.select %gt3A_2493, %slice3A_2492, %select_n3A_2491 : vector<128x128xi1>, vector<128x128xf32>
    %slice3A_2498 = vector.extract_strided_slice %dot_general3A_12 {offsets = [768, 640], sizes = [128, 128], strides = [1, 1]} : vector<1024x8192xf32> to vector<128x128xf32>
    %gt3A_2499 = arith.cmpf ogt, %slice3A_2498, %select_n3A_2497 : vector<128x128xf32>
    %jit3A_2500 = arith.constant 5 : i32
    %broadcast_in_dim3A_2501 = vector.broadcast %jit3A_2500 : i32 to vector<128x128xi32>
    %select_n3A_2502 = arith.select %gt3A_2499, %broadcast_in_dim3A_2501, %select_n3A_2496 : vector<128x128xi1>, vector<128x128xi32>
    %select_n3A_2503 = arith.select %gt3A_2499, %slice3A_2498, %select_n3A_2497 : vector<128x128xi1>, vector<128x128xf32>
    %slice3A_2504 = vector.extract_strided_slice %dot_general3A_12 {offsets = [768, 768], sizes = [128, 128], strides = [1, 1]} : vector<1024x8192xf32> to vector<128x128xf32>
    %gt3A_2505 = arith.cmpf ogt, %slice3A_2504, %select_n3A_2503 : vector<128x128xf32>
    %jit3A_2506 = arith.constant 6 : i32
    %broadcast_in_dim3A_2507 = vector.broadcast %jit3A_2506 : i32 to vector<128x128xi32>
    %select_n3A_2508 = arith.select %gt3A_2505, %broadcast_in_dim3A_2507, %select_n3A_2502 : vector<128x128xi1>, vector<128x128xi32>
    %select_n3A_2509 = arith.select %gt3A_2505, %slice3A_2504, %select_n3A_2503 : vector<128x128xi1>, vector<128x128xf32>
    %slice3A_2510 = vector.extract_strided_slice %dot_general3A_12 {offsets = [768, 896], sizes = [128, 128], strides = [1, 1]} : vector<1024x8192xf32> to vector<128x128xf32>
    %gt3A_2511 = arith.cmpf ogt, %slice3A_2510, %select_n3A_2509 : vector<128x128xf32>
    %jit3A_2512 = arith.constant 7 : i32
    %broadcast_in_dim3A_2513 = vector.broadcast %jit3A_2512 : i32 to vector<128x128xi32>
    %select_n3A_2514 = arith.select %gt3A_2511, %broadcast_in_dim3A_2513, %select_n3A_2508 : vector<128x128xi1>, vector<128x128xi32>
    %select_n3A_2515 = arith.select %gt3A_2511, %slice3A_2510, %select_n3A_2509 : vector<128x128xi1>, vector<128x128xf32>
    %slice3A_2516 = vector.extract_strided_slice %dot_general3A_12 {offsets = [768, 1024], sizes = [128, 128], strides = [1, 1]} : vector<1024x8192xf32> to vector<128x128xf32>
    %gt3A_2517 = arith.cmpf ogt, %slice3A_2516, %select_n3A_2515 : vector<128x128xf32>
    %jit3A_2518 = arith.constant 8 : i32
    %broadcast_in_dim3A_2519 = vector.broadcast %jit3A_2518 : i32 to vector<128x128xi32>
    %select_n3A_2520 = arith.select %gt3A_2517, %broadcast_in_dim3A_2519, %select_n3A_2514 : vector<128x128xi1>, vector<128x128xi32>
    %select_n3A_2521 = arith.select %gt3A_2517, %slice3A_2516, %select_n3A_2515 : vector<128x128xi1>, vector<128x128xf32>
    %slice3A_2522 = vector.extract_strided_slice %dot_general3A_12 {offsets = [768, 1152], sizes = [128, 128], strides = [1, 1]} : vector<1024x8192xf32> to vector<128x128xf32>
    %gt3A_2523 = arith.cmpf ogt, %slice3A_2522, %select_n3A_2521 : vector<128x128xf32>
    %jit3A_2524 = arith.constant 9 : i32
    %broadcast_in_dim3A_2525 = vector.broadcast %jit3A_2524 : i32 to vector<128x128xi32>
    %select_n3A_2526 = arith.select %gt3A_2523, %broadcast_in_dim3A_2525, %select_n3A_2520 : vector<128x128xi1>, vector<128x128xi32>
    %select_n3A_2527 = arith.select %gt3A_2523, %slice3A_2522, %select_n3A_2521 : vector<128x128xi1>, vector<128x128xf32>
    %slice3A_2528 = vector.extract_strided_slice %dot_general3A_12 {offsets = [768, 1280], sizes = [128, 128], strides = [1, 1]} : vector<1024x8192xf32> to vector<128x128xf32>
    %gt3A_2529 = arith.cmpf ogt, %slice3A_2528, %select_n3A_2527 : vector<128x128xf32>
    %jit3A_2530 = arith.constant 10 : i32
    %broadcast_in_dim3A_2531 = vector.broadcast %jit3A_2530 : i32 to vector<128x128xi32>
    %select_n3A_2532 = arith.select %gt3A_2529, %broadcast_in_dim3A_2531, %select_n3A_2526 : vector<128x128xi1>, vector<128x128xi32>
    %select_n3A_2533 = arith.select %gt3A_2529, %slice3A_2528, %select_n3A_2527 : vector<128x128xi1>, vector<128x128xf32>
    %slice3A_2534 = vector.extract_strided_slice %dot_general3A_12 {offsets = [768, 1408], sizes = [128, 128], strides = [1, 1]} : vector<1024x8192xf32> to vector<128x128xf32>
    %gt3A_2535 = arith.cmpf ogt, %slice3A_2534, %select_n3A_2533 : vector<128x128xf32>
    %jit3A_2536 = arith.constant 11 : i32
    %broadcast_in_dim3A_2537 = vector.broadcast %jit3A_2536 : i32 to vector<128x128xi32>
    %select_n3A_2538 = arith.select %gt3A_2535, %broadcast_in_dim3A_2537, %select_n3A_2532 : vector<128x128xi1>, vector<128x128xi32>
    %select_n3A_2539 = arith.select %gt3A_2535, %slice3A_2534, %select_n3A_2533 : vector<128x128xi1>, vector<128x128xf32>
    %slice3A_2540 = vector.extract_strided_slice %dot_general3A_12 {offsets = [768, 1536], sizes = [128, 128], strides = [1, 1]} : vector<1024x8192xf32> to vector<128x128xf32>
    %gt3A_2541 = arith.cmpf ogt, %slice3A_2540, %select_n3A_2539 : vector<128x128xf32>
    %jit3A_2542 = arith.constant 12 : i32
    %broadcast_in_dim3A_2543 = vector.broadcast %jit3A_2542 : i32 to vector<128x128xi32>
    %select_n3A_2544 = arith.select %gt3A_2541, %broadcast_in_dim3A_2543, %select_n3A_2538 : vector<128x128xi1>, vector<128x128xi32>
    %select_n3A_2545 = arith.select %gt3A_2541, %slice3A_2540, %select_n3A_2539 : vector<128x128xi1>, vector<128x128xf32>
    %slice3A_2546 = vector.extract_strided_slice %dot_general3A_12 {offsets = [768, 1664], sizes = [128, 128], strides = [1, 1]} : vector<1024x8192xf32> to vector<128x128xf32>
    %gt3A_2547 = arith.cmpf ogt, %slice3A_2546, %select_n3A_2545 : vector<128x128xf32>
    %jit3A_2548 = arith.constant 13 : i32
    %broadcast_in_dim3A_2549 = vector.broadcast %jit3A_2548 : i32 to vector<128x128xi32>
    %select_n3A_2550 = arith.select %gt3A_2547, %broadcast_in_dim3A_2549, %select_n3A_2544 : vector<128x128xi1>, vector<128x128xi32>
    %select_n3A_2551 = arith.select %gt3A_2547, %slice3A_2546, %select_n3A_2545 : vector<128x128xi1>, vector<128x128xf32>
    %slice3A_2552 = vector.extract_strided_slice %dot_general3A_12 {offsets = [768, 1792], sizes = [128, 128], strides = [1, 1]} : vector<1024x8192xf32> to vector<128x128xf32>
    %gt3A_2553 = arith.cmpf ogt, %slice3A_2552, %select_n3A_2551 : vector<128x128xf32>
    %jit3A_2554 = arith.constant 14 : i32
    %broadcast_in_dim3A_2555 = vector.broadcast %jit3A_2554 : i32 to vector<128x128xi32>
    %select_n3A_2556 = arith.select %gt3A_2553, %broadcast_in_dim3A_2555, %select_n3A_2550 : vector<128x128xi1>, vector<128x128xi32>
    %select_n3A_2557 = arith.select %gt3A_2553, %slice3A_2552, %select_n3A_2551 : vector<128x128xi1>, vector<128x128xf32>
    %slice3A_2558 = vector.extract_strided_slice %dot_general3A_12 {offsets = [768, 1920], sizes = [128, 128], strides = [1, 1]} : vector<1024x8192xf32> to vector<128x128xf32>
    %gt3A_2559 = arith.cmpf ogt, %slice3A_2558, %select_n3A_2557 : vector<128x128xf32>
    %jit3A_2560 = arith.constant 15 : i32
    %broadcast_in_dim3A_2561 = vector.broadcast %jit3A_2560 : i32 to vector<128x128xi32>
    %select_n3A_2562 = arith.select %gt3A_2559, %broadcast_in_dim3A_2561, %select_n3A_2556 : vector<128x128xi1>, vector<128x128xi32>
    %select_n3A_2563 = arith.select %gt3A_2559, %slice3A_2558, %select_n3A_2557 : vector<128x128xi1>, vector<128x128xf32>
    %slice3A_2564 = vector.extract_strided_slice %dot_general3A_12 {offsets = [768, 2048], sizes = [128, 128], strides = [1, 1]} : vector<1024x8192xf32> to vector<128x128xf32>
    %gt3A_2565 = arith.cmpf ogt, %slice3A_2564, %select_n3A_2563 : vector<128x128xf32>
    %jit3A_2566 = arith.constant 16 : i32
    %broadcast_in_dim3A_2567 = vector.broadcast %jit3A_2566 : i32 to vector<128x128xi32>
    %select_n3A_2568 = arith.select %gt3A_2565, %broadcast_in_dim3A_2567, %select_n3A_2562 : vector<128x128xi1>, vector<128x128xi32>
    %select_n3A_2569 = arith.select %gt3A_2565, %slice3A_2564, %select_n3A_2563 : vector<128x128xi1>, vector<128x128xf32>
    %slice3A_2570 = vector.extract_strided_slice %dot_general3A_12 {offsets = [768, 2176], sizes = [128, 128], strides = [1, 1]} : vector<1024x8192xf32> to vector<128x128xf32>
    %gt3A_2571 = arith.cmpf ogt, %slice3A_2570, %select_n3A_2569 : vector<128x128xf32>
    %jit3A_2572 = arith.constant 17 : i32
    %broadcast_in_dim3A_2573 = vector.broadcast %jit3A_2572 : i32 to vector<128x128xi32>
    %select_n3A_2574 = arith.select %gt3A_2571, %broadcast_in_dim3A_2573, %select_n3A_2568 : vector<128x128xi1>, vector<128x128xi32>
    %select_n3A_2575 = arith.select %gt3A_2571, %slice3A_2570, %select_n3A_2569 : vector<128x128xi1>, vector<128x128xf32>
    %slice3A_2576 = vector.extract_strided_slice %dot_general3A_12 {offsets = [768, 2304], sizes = [128, 128], strides = [1, 1]} : vector<1024x8192xf32> to vector<128x128xf32>
    %gt3A_2577 = arith.cmpf ogt, %slice3A_2576, %select_n3A_2575 : vector<128x128xf32>
    %jit3A_2578 = arith.constant 18 : i32
    %broadcast_in_dim3A_2579 = vector.broadcast %jit3A_2578 : i32 to vector<128x128xi32>
    %select_n3A_2580 = arith.select %gt3A_2577, %broadcast_in_dim3A_2579, %select_n3A_2574 : vector<128x128xi1>, vector<128x128xi32>
    %select_n3A_2581 = arith.select %gt3A_2577, %slice3A_2576, %select_n3A_2575 : vector<128x128xi1>, vector<128x128xf32>
    %slice3A_2582 = vector.extract_strided_slice %dot_general3A_12 {offsets = [768, 2432], sizes = [128, 128], strides = [1, 1]} : vector<1024x8192xf32> to vector<128x128xf32>
    %gt3A_2583 = arith.cmpf ogt, %slice3A_2582, %select_n3A_2581 : vector<128x128xf32>
    %jit3A_2584 = arith.constant 19 : i32
    %broadcast_in_dim3A_2585 = vector.broadcast %jit3A_2584 : i32 to vector<128x128xi32>
    %select_n3A_2586 = arith.select %gt3A_2583, %broadcast_in_dim3A_2585, %select_n3A_2580 : vector<128x128xi1>, vector<128x128xi32>
    %select_n3A_2587 = arith.select %gt3A_2583, %slice3A_2582, %select_n3A_2581 : vector<128x128xi1>, vector<128x128xf32>
    %slice3A_2588 = vector.extract_strided_slice %dot_general3A_12 {offsets = [768, 2560], sizes = [128, 128], strides = [1, 1]} : vector<1024x8192xf32> to vector<128x128xf32>
    %gt3A_2589 = arith.cmpf ogt, %slice3A_2588, %select_n3A_2587 : vector<128x128xf32>
    %jit3A_2590 = arith.constant 20 : i32
    %broadcast_in_dim3A_2591 = vector.broadcast %jit3A_2590 : i32 to vector<128x128xi32>
    %select_n3A_2592 = arith.select %gt3A_2589, %broadcast_in_dim3A_2591, %select_n3A_2586 : vector<128x128xi1>, vector<128x128xi32>
    %select_n3A_2593 = arith.select %gt3A_2589, %slice3A_2588, %select_n3A_2587 : vector<128x128xi1>, vector<128x128xf32>
    %slice3A_2594 = vector.extract_strided_slice %dot_general3A_12 {offsets = [768, 2688], sizes = [128, 128], strides = [1, 1]} : vector<1024x8192xf32> to vector<128x128xf32>
    %gt3A_2595 = arith.cmpf ogt, %slice3A_2594, %select_n3A_2593 : vector<128x128xf32>
    %jit3A_2596 = arith.constant 21 : i32
    %broadcast_in_dim3A_2597 = vector.broadcast %jit3A_2596 : i32 to vector<128x128xi32>
    %select_n3A_2598 = arith.select %gt3A_2595, %broadcast_in_dim3A_2597, %select_n3A_2592 : vector<128x128xi1>, vector<128x128xi32>
    %select_n3A_2599 = arith.select %gt3A_2595, %slice3A_2594, %select_n3A_2593 : vector<128x128xi1>, vector<128x128xf32>
    %slice3A_2600 = vector.extract_strided_slice %dot_general3A_12 {offsets = [768, 2816], sizes = [128, 128], strides = [1, 1]} : vector<1024x8192xf32> to vector<128x128xf32>
    %gt3A_2601 = arith.cmpf ogt, %slice3A_2600, %select_n3A_2599 : vector<128x128xf32>
    %jit3A_2602 = arith.constant 22 : i32
    %broadcast_in_dim3A_2603 = vector.broadcast %jit3A_2602 : i32 to vector<128x128xi32>
    %select_n3A_2604 = arith.select %gt3A_2601, %broadcast_in_dim3A_2603, %select_n3A_2598 : vector<128x128xi1>, vector<128x128xi32>
    %select_n3A_2605 = arith.select %gt3A_2601, %slice3A_2600, %select_n3A_2599 : vector<128x128xi1>, vector<128x128xf32>
    %slice3A_2606 = vector.extract_strided_slice %dot_general3A_12 {offsets = [768, 2944], sizes = [128, 128], strides = [1, 1]} : vector<1024x8192xf32> to vector<128x128xf32>
    %gt3A_2607 = arith.cmpf ogt, %slice3A_2606, %select_n3A_2605 : vector<128x128xf32>
    %jit3A_2608 = arith.constant 23 : i32
    %broadcast_in_dim3A_2609 = vector.broadcast %jit3A_2608 : i32 to vector<128x128xi32>
    %select_n3A_2610 = arith.select %gt3A_2607, %broadcast_in_dim3A_2609, %select_n3A_2604 : vector<128x128xi1>, vector<128x128xi32>
    %select_n3A_2611 = arith.select %gt3A_2607, %slice3A_2606, %select_n3A_2605 : vector<128x128xi1>, vector<128x128xf32>
    %slice3A_2612 = vector.extract_strided_slice %dot_general3A_12 {offsets = [768, 3072], sizes = [128, 128], strides = [1, 1]} : vector<1024x8192xf32> to vector<128x128xf32>
    %gt3A_2613 = arith.cmpf ogt, %slice3A_2612, %select_n3A_2611 : vector<128x128xf32>
    %jit3A_2614 = arith.constant 24 : i32
    %broadcast_in_dim3A_2615 = vector.broadcast %jit3A_2614 : i32 to vector<128x128xi32>
    %select_n3A_2616 = arith.select %gt3A_2613, %broadcast_in_dim3A_2615, %select_n3A_2610 : vector<128x128xi1>, vector<128x128xi32>
    %select_n3A_2617 = arith.select %gt3A_2613, %slice3A_2612, %select_n3A_2611 : vector<128x128xi1>, vector<128x128xf32>
    %slice3A_2618 = vector.extract_strided_slice %dot_general3A_12 {offsets = [768, 3200], sizes = [128, 128], strides = [1, 1]} : vector<1024x8192xf32> to vector<128x128xf32>
    %gt3A_2619 = arith.cmpf ogt, %slice3A_2618, %select_n3A_2617 : vector<128x128xf32>
    %jit3A_2620 = arith.constant 25 : i32
    %broadcast_in_dim3A_2621 = vector.broadcast %jit3A_2620 : i32 to vector<128x128xi32>
    %select_n3A_2622 = arith.select %gt3A_2619, %broadcast_in_dim3A_2621, %select_n3A_2616 : vector<128x128xi1>, vector<128x128xi32>
    %select_n3A_2623 = arith.select %gt3A_2619, %slice3A_2618, %select_n3A_2617 : vector<128x128xi1>, vector<128x128xf32>
    %slice3A_2624 = vector.extract_strided_slice %dot_general3A_12 {offsets = [768, 3328], sizes = [128, 128], strides = [1, 1]} : vector<1024x8192xf32> to vector<128x128xf32>
    %gt3A_2625 = arith.cmpf ogt, %slice3A_2624, %select_n3A_2623 : vector<128x128xf32>
    %jit3A_2626 = arith.constant 26 : i32
    %broadcast_in_dim3A_2627 = vector.broadcast %jit3A_2626 : i32 to vector<128x128xi32>
    %select_n3A_2628 = arith.select %gt3A_2625, %broadcast_in_dim3A_2627, %select_n3A_2622 : vector<128x128xi1>, vector<128x128xi32>
    %select_n3A_2629 = arith.select %gt3A_2625, %slice3A_2624, %select_n3A_2623 : vector<128x128xi1>, vector<128x128xf32>
    %slice3A_2630 = vector.extract_strided_slice %dot_general3A_12 {offsets = [768, 3456], sizes = [128, 128], strides = [1, 1]} : vector<1024x8192xf32> to vector<128x128xf32>
    %gt3A_2631 = arith.cmpf ogt, %slice3A_2630, %select_n3A_2629 : vector<128x128xf32>
    %jit3A_2632 = arith.constant 27 : i32
    %broadcast_in_dim3A_2633 = vector.broadcast %jit3A_2632 : i32 to vector<128x128xi32>
    %select_n3A_2634 = arith.select %gt3A_2631, %broadcast_in_dim3A_2633, %select_n3A_2628 : vector<128x128xi1>, vector<128x128xi32>
    %select_n3A_2635 = arith.select %gt3A_2631, %slice3A_2630, %select_n3A_2629 : vector<128x128xi1>, vector<128x128xf32>
    %slice3A_2636 = vector.extract_strided_slice %dot_general3A_12 {offsets = [768, 3584], sizes = [128, 128], strides = [1, 1]} : vector<1024x8192xf32> to vector<128x128xf32>
    %gt3A_2637 = arith.cmpf ogt, %slice3A_2636, %select_n3A_2635 : vector<128x128xf32>
    %jit3A_2638 = arith.constant 28 : i32
    %broadcast_in_dim3A_2639 = vector.broadcast %jit3A_2638 : i32 to vector<128x128xi32>
    %select_n3A_2640 = arith.select %gt3A_2637, %broadcast_in_dim3A_2639, %select_n3A_2634 : vector<128x128xi1>, vector<128x128xi32>
    %select_n3A_2641 = arith.select %gt3A_2637, %slice3A_2636, %select_n3A_2635 : vector<128x128xi1>, vector<128x128xf32>
    %slice3A_2642 = vector.extract_strided_slice %dot_general3A_12 {offsets = [768, 3712], sizes = [128, 128], strides = [1, 1]} : vector<1024x8192xf32> to vector<128x128xf32>
    %gt3A_2643 = arith.cmpf ogt, %slice3A_2642, %select_n3A_2641 : vector<128x128xf32>
    %jit3A_2644 = arith.constant 29 : i32
    %broadcast_in_dim3A_2645 = vector.broadcast %jit3A_2644 : i32 to vector<128x128xi32>
    %select_n3A_2646 = arith.select %gt3A_2643, %broadcast_in_dim3A_2645, %select_n3A_2640 : vector<128x128xi1>, vector<128x128xi32>
    %select_n3A_2647 = arith.select %gt3A_2643, %slice3A_2642, %select_n3A_2641 : vector<128x128xi1>, vector<128x128xf32>
    %slice3A_2648 = vector.extract_strided_slice %dot_general3A_12 {offsets = [768, 3840], sizes = [128, 128], strides = [1, 1]} : vector<1024x8192xf32> to vector<128x128xf32>
    %gt3A_2649 = arith.cmpf ogt, %slice3A_2648, %select_n3A_2647 : vector<128x128xf32>
    %jit3A_2650 = arith.constant 30 : i32
    %broadcast_in_dim3A_2651 = vector.broadcast %jit3A_2650 : i32 to vector<128x128xi32>
    %select_n3A_2652 = arith.select %gt3A_2649, %broadcast_in_dim3A_2651, %select_n3A_2646 : vector<128x128xi1>, vector<128x128xi32>
    %select_n3A_2653 = arith.select %gt3A_2649, %slice3A_2648, %select_n3A_2647 : vector<128x128xi1>, vector<128x128xf32>
    %slice3A_2654 = vector.extract_strided_slice %dot_general3A_12 {offsets = [768, 3968], sizes = [128, 128], strides = [1, 1]} : vector<1024x8192xf32> to vector<128x128xf32>
    %gt3A_2655 = arith.cmpf ogt, %slice3A_2654, %select_n3A_2653 : vector<128x128xf32>
    %jit3A_2656 = arith.constant 31 : i32
    %broadcast_in_dim3A_2657 = vector.broadcast %jit3A_2656 : i32 to vector<128x128xi32>
    %select_n3A_2658 = arith.select %gt3A_2655, %broadcast_in_dim3A_2657, %select_n3A_2652 : vector<128x128xi1>, vector<128x128xi32>
    %select_n3A_2659 = arith.select %gt3A_2655, %slice3A_2654, %select_n3A_2653 : vector<128x128xi1>, vector<128x128xf32>
    %slice3A_2660 = vector.extract_strided_slice %dot_general3A_12 {offsets = [768, 4096], sizes = [128, 128], strides = [1, 1]} : vector<1024x8192xf32> to vector<128x128xf32>
    %gt3A_2661 = arith.cmpf ogt, %slice3A_2660, %select_n3A_2659 : vector<128x128xf32>
    %jit3A_2662 = arith.constant 32 : i32
    %broadcast_in_dim3A_2663 = vector.broadcast %jit3A_2662 : i32 to vector<128x128xi32>
    %select_n3A_2664 = arith.select %gt3A_2661, %broadcast_in_dim3A_2663, %select_n3A_2658 : vector<128x128xi1>, vector<128x128xi32>
    %select_n3A_2665 = arith.select %gt3A_2661, %slice3A_2660, %select_n3A_2659 : vector<128x128xi1>, vector<128x128xf32>
    %slice3A_2666 = vector.extract_strided_slice %dot_general3A_12 {offsets = [768, 4224], sizes = [128, 128], strides = [1, 1]} : vector<1024x8192xf32> to vector<128x128xf32>
    %gt3A_2667 = arith.cmpf ogt, %slice3A_2666, %select_n3A_2665 : vector<128x128xf32>
    %jit3A_2668 = arith.constant 33 : i32
    %broadcast_in_dim3A_2669 = vector.broadcast %jit3A_2668 : i32 to vector<128x128xi32>
    %select_n3A_2670 = arith.select %gt3A_2667, %broadcast_in_dim3A_2669, %select_n3A_2664 : vector<128x128xi1>, vector<128x128xi32>
    %select_n3A_2671 = arith.select %gt3A_2667, %slice3A_2666, %select_n3A_2665 : vector<128x128xi1>, vector<128x128xf32>
    %slice3A_2672 = vector.extract_strided_slice %dot_general3A_12 {offsets = [768, 4352], sizes = [128, 128], strides = [1, 1]} : vector<1024x8192xf32> to vector<128x128xf32>
    %gt3A_2673 = arith.cmpf ogt, %slice3A_2672, %select_n3A_2671 : vector<128x128xf32>
    %jit3A_2674 = arith.constant 34 : i32
    %broadcast_in_dim3A_2675 = vector.broadcast %jit3A_2674 : i32 to vector<128x128xi32>
    %select_n3A_2676 = arith.select %gt3A_2673, %broadcast_in_dim3A_2675, %select_n3A_2670 : vector<128x128xi1>, vector<128x128xi32>
    %select_n3A_2677 = arith.select %gt3A_2673, %slice3A_2672, %select_n3A_2671 : vector<128x128xi1>, vector<128x128xf32>
    %slice3A_2678 = vector.extract_strided_slice %dot_general3A_12 {offsets = [768, 4480], sizes = [128, 128], strides = [1, 1]} : vector<1024x8192xf32> to vector<128x128xf32>
    %gt3A_2679 = arith.cmpf ogt, %slice3A_2678, %select_n3A_2677 : vector<128x128xf32>
    %jit3A_2680 = arith.constant 35 : i32
    %broadcast_in_dim3A_2681 = vector.broadcast %jit3A_2680 : i32 to vector<128x128xi32>
    %select_n3A_2682 = arith.select %gt3A_2679, %broadcast_in_dim3A_2681, %select_n3A_2676 : vector<128x128xi1>, vector<128x128xi32>
    %select_n3A_2683 = arith.select %gt3A_2679, %slice3A_2678, %select_n3A_2677 : vector<128x128xi1>, vector<128x128xf32>
    %slice3A_2684 = vector.extract_strided_slice %dot_general3A_12 {offsets = [768, 4608], sizes = [128, 128], strides = [1, 1]} : vector<1024x8192xf32> to vector<128x128xf32>
    %gt3A_2685 = arith.cmpf ogt, %slice3A_2684, %select_n3A_2683 : vector<128x128xf32>
    %jit3A_2686 = arith.constant 36 : i32
    %broadcast_in_dim3A_2687 = vector.broadcast %jit3A_2686 : i32 to vector<128x128xi32>
    %select_n3A_2688 = arith.select %gt3A_2685, %broadcast_in_dim3A_2687, %select_n3A_2682 : vector<128x128xi1>, vector<128x128xi32>
    %select_n3A_2689 = arith.select %gt3A_2685, %slice3A_2684, %select_n3A_2683 : vector<128x128xi1>, vector<128x128xf32>
    %slice3A_2690 = vector.extract_strided_slice %dot_general3A_12 {offsets = [768, 4736], sizes = [128, 128], strides = [1, 1]} : vector<1024x8192xf32> to vector<128x128xf32>
    %gt3A_2691 = arith.cmpf ogt, %slice3A_2690, %select_n3A_2689 : vector<128x128xf32>
    %jit3A_2692 = arith.constant 37 : i32
    %broadcast_in_dim3A_2693 = vector.broadcast %jit3A_2692 : i32 to vector<128x128xi32>
    %select_n3A_2694 = arith.select %gt3A_2691, %broadcast_in_dim3A_2693, %select_n3A_2688 : vector<128x128xi1>, vector<128x128xi32>
    %select_n3A_2695 = arith.select %gt3A_2691, %slice3A_2690, %select_n3A_2689 : vector<128x128xi1>, vector<128x128xf32>
    %slice3A_2696 = vector.extract_strided_slice %dot_general3A_12 {offsets = [768, 4864], sizes = [128, 128], strides = [1, 1]} : vector<1024x8192xf32> to vector<128x128xf32>
    %gt3A_2697 = arith.cmpf ogt, %slice3A_2696, %select_n3A_2695 : vector<128x128xf32>
    %jit3A_2698 = arith.constant 38 : i32
    %broadcast_in_dim3A_2699 = vector.broadcast %jit3A_2698 : i32 to vector<128x128xi32>
    %select_n3A_2700 = arith.select %gt3A_2697, %broadcast_in_dim3A_2699, %select_n3A_2694 : vector<128x128xi1>, vector<128x128xi32>
    %select_n3A_2701 = arith.select %gt3A_2697, %slice3A_2696, %select_n3A_2695 : vector<128x128xi1>, vector<128x128xf32>
    %slice3A_2702 = vector.extract_strided_slice %dot_general3A_12 {offsets = [768, 4992], sizes = [128, 128], strides = [1, 1]} : vector<1024x8192xf32> to vector<128x128xf32>
    %gt3A_2703 = arith.cmpf ogt, %slice3A_2702, %select_n3A_2701 : vector<128x128xf32>
    %jit3A_2704 = arith.constant 39 : i32
    %broadcast_in_dim3A_2705 = vector.broadcast %jit3A_2704 : i32 to vector<128x128xi32>
    %select_n3A_2706 = arith.select %gt3A_2703, %broadcast_in_dim3A_2705, %select_n3A_2700 : vector<128x128xi1>, vector<128x128xi32>
    %select_n3A_2707 = arith.select %gt3A_2703, %slice3A_2702, %select_n3A_2701 : vector<128x128xi1>, vector<128x128xf32>
    %slice3A_2708 = vector.extract_strided_slice %dot_general3A_12 {offsets = [768, 5120], sizes = [128, 128], strides = [1, 1]} : vector<1024x8192xf32> to vector<128x128xf32>
    %gt3A_2709 = arith.cmpf ogt, %slice3A_2708, %select_n3A_2707 : vector<128x128xf32>
    %jit3A_2710 = arith.constant 40 : i32
    %broadcast_in_dim3A_2711 = vector.broadcast %jit3A_2710 : i32 to vector<128x128xi32>
    %select_n3A_2712 = arith.select %gt3A_2709, %broadcast_in_dim3A_2711, %select_n3A_2706 : vector<128x128xi1>, vector<128x128xi32>
    %select_n3A_2713 = arith.select %gt3A_2709, %slice3A_2708, %select_n3A_2707 : vector<128x128xi1>, vector<128x128xf32>
    %slice3A_2714 = vector.extract_strided_slice %dot_general3A_12 {offsets = [768, 5248], sizes = [128, 128], strides = [1, 1]} : vector<1024x8192xf32> to vector<128x128xf32>
    %gt3A_2715 = arith.cmpf ogt, %slice3A_2714, %select_n3A_2713 : vector<128x128xf32>
    %jit3A_2716 = arith.constant 41 : i32
    %broadcast_in_dim3A_2717 = vector.broadcast %jit3A_2716 : i32 to vector<128x128xi32>
    %select_n3A_2718 = arith.select %gt3A_2715, %broadcast_in_dim3A_2717, %select_n3A_2712 : vector<128x128xi1>, vector<128x128xi32>
    %select_n3A_2719 = arith.select %gt3A_2715, %slice3A_2714, %select_n3A_2713 : vector<128x128xi1>, vector<128x128xf32>
    %slice3A_2720 = vector.extract_strided_slice %dot_general3A_12 {offsets = [768, 5376], sizes = [128, 128], strides = [1, 1]} : vector<1024x8192xf32> to vector<128x128xf32>
    %gt3A_2721 = arith.cmpf ogt, %slice3A_2720, %select_n3A_2719 : vector<128x128xf32>
    %jit3A_2722 = arith.constant 42 : i32
    %broadcast_in_dim3A_2723 = vector.broadcast %jit3A_2722 : i32 to vector<128x128xi32>
    %select_n3A_2724 = arith.select %gt3A_2721, %broadcast_in_dim3A_2723, %select_n3A_2718 : vector<128x128xi1>, vector<128x128xi32>
    %select_n3A_2725 = arith.select %gt3A_2721, %slice3A_2720, %select_n3A_2719 : vector<128x128xi1>, vector<128x128xf32>
    %slice3A_2726 = vector.extract_strided_slice %dot_general3A_12 {offsets = [768, 5504], sizes = [128, 128], strides = [1, 1]} : vector<1024x8192xf32> to vector<128x128xf32>
    %gt3A_2727 = arith.cmpf ogt, %slice3A_2726, %select_n3A_2725 : vector<128x128xf32>
    %jit3A_2728 = arith.constant 43 : i32
    %broadcast_in_dim3A_2729 = vector.broadcast %jit3A_2728 : i32 to vector<128x128xi32>
    %select_n3A_2730 = arith.select %gt3A_2727, %broadcast_in_dim3A_2729, %select_n3A_2724 : vector<128x128xi1>, vector<128x128xi32>
    %select_n3A_2731 = arith.select %gt3A_2727, %slice3A_2726, %select_n3A_2725 : vector<128x128xi1>, vector<128x128xf32>
    %slice3A_2732 = vector.extract_strided_slice %dot_general3A_12 {offsets = [768, 5632], sizes = [128, 128], strides = [1, 1]} : vector<1024x8192xf32> to vector<128x128xf32>
    %gt3A_2733 = arith.cmpf ogt, %slice3A_2732, %select_n3A_2731 : vector<128x128xf32>
    %jit3A_2734 = arith.constant 44 : i32
    %broadcast_in_dim3A_2735 = vector.broadcast %jit3A_2734 : i32 to vector<128x128xi32>
    %select_n3A_2736 = arith.select %gt3A_2733, %broadcast_in_dim3A_2735, %select_n3A_2730 : vector<128x128xi1>, vector<128x128xi32>
    %select_n3A_2737 = arith.select %gt3A_2733, %slice3A_2732, %select_n3A_2731 : vector<128x128xi1>, vector<128x128xf32>
    %slice3A_2738 = vector.extract_strided_slice %dot_general3A_12 {offsets = [768, 5760], sizes = [128, 128], strides = [1, 1]} : vector<1024x8192xf32> to vector<128x128xf32>
    %gt3A_2739 = arith.cmpf ogt, %slice3A_2738, %select_n3A_2737 : vector<128x128xf32>
    %jit3A_2740 = arith.constant 45 : i32
    %broadcast_in_dim3A_2741 = vector.broadcast %jit3A_2740 : i32 to vector<128x128xi32>
    %select_n3A_2742 = arith.select %gt3A_2739, %broadcast_in_dim3A_2741, %select_n3A_2736 : vector<128x128xi1>, vector<128x128xi32>
    %select_n3A_2743 = arith.select %gt3A_2739, %slice3A_2738, %select_n3A_2737 : vector<128x128xi1>, vector<128x128xf32>
    %slice3A_2744 = vector.extract_strided_slice %dot_general3A_12 {offsets = [768, 5888], sizes = [128, 128], strides = [1, 1]} : vector<1024x8192xf32> to vector<128x128xf32>
    %gt3A_2745 = arith.cmpf ogt, %slice3A_2744, %select_n3A_2743 : vector<128x128xf32>
    %jit3A_2746 = arith.constant 46 : i32
    %broadcast_in_dim3A_2747 = vector.broadcast %jit3A_2746 : i32 to vector<128x128xi32>
    %select_n3A_2748 = arith.select %gt3A_2745, %broadcast_in_dim3A_2747, %select_n3A_2742 : vector<128x128xi1>, vector<128x128xi32>
    %select_n3A_2749 = arith.select %gt3A_2745, %slice3A_2744, %select_n3A_2743 : vector<128x128xi1>, vector<128x128xf32>
    %slice3A_2750 = vector.extract_strided_slice %dot_general3A_12 {offsets = [768, 6016], sizes = [128, 128], strides = [1, 1]} : vector<1024x8192xf32> to vector<128x128xf32>
    %gt3A_2751 = arith.cmpf ogt, %slice3A_2750, %select_n3A_2749 : vector<128x128xf32>
    %jit3A_2752 = arith.constant 47 : i32
    %broadcast_in_dim3A_2753 = vector.broadcast %jit3A_2752 : i32 to vector<128x128xi32>
    %select_n3A_2754 = arith.select %gt3A_2751, %broadcast_in_dim3A_2753, %select_n3A_2748 : vector<128x128xi1>, vector<128x128xi32>
    %select_n3A_2755 = arith.select %gt3A_2751, %slice3A_2750, %select_n3A_2749 : vector<128x128xi1>, vector<128x128xf32>
    %slice3A_2756 = vector.extract_strided_slice %dot_general3A_12 {offsets = [768, 6144], sizes = [128, 128], strides = [1, 1]} : vector<1024x8192xf32> to vector<128x128xf32>
    %gt3A_2757 = arith.cmpf ogt, %slice3A_2756, %select_n3A_2755 : vector<128x128xf32>
    %jit3A_2758 = arith.constant 48 : i32
    %broadcast_in_dim3A_2759 = vector.broadcast %jit3A_2758 : i32 to vector<128x128xi32>
    %select_n3A_2760 = arith.select %gt3A_2757, %broadcast_in_dim3A_2759, %select_n3A_2754 : vector<128x128xi1>, vector<128x128xi32>
    %select_n3A_2761 = arith.select %gt3A_2757, %slice3A_2756, %select_n3A_2755 : vector<128x128xi1>, vector<128x128xf32>
    %slice3A_2762 = vector.extract_strided_slice %dot_general3A_12 {offsets = [768, 6272], sizes = [128, 128], strides = [1, 1]} : vector<1024x8192xf32> to vector<128x128xf32>
    %gt3A_2763 = arith.cmpf ogt, %slice3A_2762, %select_n3A_2761 : vector<128x128xf32>
    %jit3A_2764 = arith.constant 49 : i32
    %broadcast_in_dim3A_2765 = vector.broadcast %jit3A_2764 : i32 to vector<128x128xi32>
    %select_n3A_2766 = arith.select %gt3A_2763, %broadcast_in_dim3A_2765, %select_n3A_2760 : vector<128x128xi1>, vector<128x128xi32>
    %select_n3A_2767 = arith.select %gt3A_2763, %slice3A_2762, %select_n3A_2761 : vector<128x128xi1>, vector<128x128xf32>
    %slice3A_2768 = vector.extract_strided_slice %dot_general3A_12 {offsets = [768, 6400], sizes = [128, 128], strides = [1, 1]} : vector<1024x8192xf32> to vector<128x128xf32>
    %gt3A_2769 = arith.cmpf ogt, %slice3A_2768, %select_n3A_2767 : vector<128x128xf32>
    %jit3A_2770 = arith.constant 50 : i32
    %broadcast_in_dim3A_2771 = vector.broadcast %jit3A_2770 : i32 to vector<128x128xi32>
    %select_n3A_2772 = arith.select %gt3A_2769, %broadcast_in_dim3A_2771, %select_n3A_2766 : vector<128x128xi1>, vector<128x128xi32>
    %select_n3A_2773 = arith.select %gt3A_2769, %slice3A_2768, %select_n3A_2767 : vector<128x128xi1>, vector<128x128xf32>
    %slice3A_2774 = vector.extract_strided_slice %dot_general3A_12 {offsets = [768, 6528], sizes = [128, 128], strides = [1, 1]} : vector<1024x8192xf32> to vector<128x128xf32>
    %gt3A_2775 = arith.cmpf ogt, %slice3A_2774, %select_n3A_2773 : vector<128x128xf32>
    %jit3A_2776 = arith.constant 51 : i32
    %broadcast_in_dim3A_2777 = vector.broadcast %jit3A_2776 : i32 to vector<128x128xi32>
    %select_n3A_2778 = arith.select %gt3A_2775, %broadcast_in_dim3A_2777, %select_n3A_2772 : vector<128x128xi1>, vector<128x128xi32>
    %select_n3A_2779 = arith.select %gt3A_2775, %slice3A_2774, %select_n3A_2773 : vector<128x128xi1>, vector<128x128xf32>
    %slice3A_2780 = vector.extract_strided_slice %dot_general3A_12 {offsets = [768, 6656], sizes = [128, 128], strides = [1, 1]} : vector<1024x8192xf32> to vector<128x128xf32>
    %gt3A_2781 = arith.cmpf ogt, %slice3A_2780, %select_n3A_2779 : vector<128x128xf32>
    %jit3A_2782 = arith.constant 52 : i32
    %broadcast_in_dim3A_2783 = vector.broadcast %jit3A_2782 : i32 to vector<128x128xi32>
    %select_n3A_2784 = arith.select %gt3A_2781, %broadcast_in_dim3A_2783, %select_n3A_2778 : vector<128x128xi1>, vector<128x128xi32>
    %select_n3A_2785 = arith.select %gt3A_2781, %slice3A_2780, %select_n3A_2779 : vector<128x128xi1>, vector<128x128xf32>
    %slice3A_2786 = vector.extract_strided_slice %dot_general3A_12 {offsets = [768, 6784], sizes = [128, 128], strides = [1, 1]} : vector<1024x8192xf32> to vector<128x128xf32>
    %gt3A_2787 = arith.cmpf ogt, %slice3A_2786, %select_n3A_2785 : vector<128x128xf32>
    %jit3A_2788 = arith.constant 53 : i32
    %broadcast_in_dim3A_2789 = vector.broadcast %jit3A_2788 : i32 to vector<128x128xi32>
    %select_n3A_2790 = arith.select %gt3A_2787, %broadcast_in_dim3A_2789, %select_n3A_2784 : vector<128x128xi1>, vector<128x128xi32>
    %select_n3A_2791 = arith.select %gt3A_2787, %slice3A_2786, %select_n3A_2785 : vector<128x128xi1>, vector<128x128xf32>
    %slice3A_2792 = vector.extract_strided_slice %dot_general3A_12 {offsets = [768, 6912], sizes = [128, 128], strides = [1, 1]} : vector<1024x8192xf32> to vector<128x128xf32>
    %gt3A_2793 = arith.cmpf ogt, %slice3A_2792, %select_n3A_2791 : vector<128x128xf32>
    %jit3A_2794 = arith.constant 54 : i32
    %broadcast_in_dim3A_2795 = vector.broadcast %jit3A_2794 : i32 to vector<128x128xi32>
    %select_n3A_2796 = arith.select %gt3A_2793, %broadcast_in_dim3A_2795, %select_n3A_2790 : vector<128x128xi1>, vector<128x128xi32>
    %select_n3A_2797 = arith.select %gt3A_2793, %slice3A_2792, %select_n3A_2791 : vector<128x128xi1>, vector<128x128xf32>
    %slice3A_2798 = vector.extract_strided_slice %dot_general3A_12 {offsets = [768, 7040], sizes = [128, 128], strides = [1, 1]} : vector<1024x8192xf32> to vector<128x128xf32>
    %gt3A_2799 = arith.cmpf ogt, %slice3A_2798, %select_n3A_2797 : vector<128x128xf32>
    %jit3A_2800 = arith.constant 55 : i32
    %broadcast_in_dim3A_2801 = vector.broadcast %jit3A_2800 : i32 to vector<128x128xi32>
    %select_n3A_2802 = arith.select %gt3A_2799, %broadcast_in_dim3A_2801, %select_n3A_2796 : vector<128x128xi1>, vector<128x128xi32>
    %select_n3A_2803 = arith.select %gt3A_2799, %slice3A_2798, %select_n3A_2797 : vector<128x128xi1>, vector<128x128xf32>
    %slice3A_2804 = vector.extract_strided_slice %dot_general3A_12 {offsets = [768, 7168], sizes = [128, 128], strides = [1, 1]} : vector<1024x8192xf32> to vector<128x128xf32>
    %gt3A_2805 = arith.cmpf ogt, %slice3A_2804, %select_n3A_2803 : vector<128x128xf32>
    %jit3A_2806 = arith.constant 56 : i32
    %broadcast_in_dim3A_2807 = vector.broadcast %jit3A_2806 : i32 to vector<128x128xi32>
    %select_n3A_2808 = arith.select %gt3A_2805, %broadcast_in_dim3A_2807, %select_n3A_2802 : vector<128x128xi1>, vector<128x128xi32>
    %select_n3A_2809 = arith.select %gt3A_2805, %slice3A_2804, %select_n3A_2803 : vector<128x128xi1>, vector<128x128xf32>
    %slice3A_2810 = vector.extract_strided_slice %dot_general3A_12 {offsets = [768, 7296], sizes = [128, 128], strides = [1, 1]} : vector<1024x8192xf32> to vector<128x128xf32>
    %gt3A_2811 = arith.cmpf ogt, %slice3A_2810, %select_n3A_2809 : vector<128x128xf32>
    %jit3A_2812 = arith.constant 57 : i32
    %broadcast_in_dim3A_2813 = vector.broadcast %jit3A_2812 : i32 to vector<128x128xi32>
    %select_n3A_2814 = arith.select %gt3A_2811, %broadcast_in_dim3A_2813, %select_n3A_2808 : vector<128x128xi1>, vector<128x128xi32>
    %select_n3A_2815 = arith.select %gt3A_2811, %slice3A_2810, %select_n3A_2809 : vector<128x128xi1>, vector<128x128xf32>
    %slice3A_2816 = vector.extract_strided_slice %dot_general3A_12 {offsets = [768, 7424], sizes = [128, 128], strides = [1, 1]} : vector<1024x8192xf32> to vector<128x128xf32>
    %gt3A_2817 = arith.cmpf ogt, %slice3A_2816, %select_n3A_2815 : vector<128x128xf32>
    %jit3A_2818 = arith.constant 58 : i32
    %broadcast_in_dim3A_2819 = vector.broadcast %jit3A_2818 : i32 to vector<128x128xi32>
    %select_n3A_2820 = arith.select %gt3A_2817, %broadcast_in_dim3A_2819, %select_n3A_2814 : vector<128x128xi1>, vector<128x128xi32>
    %select_n3A_2821 = arith.select %gt3A_2817, %slice3A_2816, %select_n3A_2815 : vector<128x128xi1>, vector<128x128xf32>
    %slice3A_2822 = vector.extract_strided_slice %dot_general3A_12 {offsets = [768, 7552], sizes = [128, 128], strides = [1, 1]} : vector<1024x8192xf32> to vector<128x128xf32>
    %gt3A_2823 = arith.cmpf ogt, %slice3A_2822, %select_n3A_2821 : vector<128x128xf32>
    %jit3A_2824 = arith.constant 59 : i32
    %broadcast_in_dim3A_2825 = vector.broadcast %jit3A_2824 : i32 to vector<128x128xi32>
    %select_n3A_2826 = arith.select %gt3A_2823, %broadcast_in_dim3A_2825, %select_n3A_2820 : vector<128x128xi1>, vector<128x128xi32>
    %select_n3A_2827 = arith.select %gt3A_2823, %slice3A_2822, %select_n3A_2821 : vector<128x128xi1>, vector<128x128xf32>
    %slice3A_2828 = vector.extract_strided_slice %dot_general3A_12 {offsets = [768, 7680], sizes = [128, 128], strides = [1, 1]} : vector<1024x8192xf32> to vector<128x128xf32>
    %gt3A_2829 = arith.cmpf ogt, %slice3A_2828, %select_n3A_2827 : vector<128x128xf32>
    %jit3A_2830 = arith.constant 60 : i32
    %broadcast_in_dim3A_2831 = vector.broadcast %jit3A_2830 : i32 to vector<128x128xi32>
    %select_n3A_2832 = arith.select %gt3A_2829, %broadcast_in_dim3A_2831, %select_n3A_2826 : vector<128x128xi1>, vector<128x128xi32>
    %select_n3A_2833 = arith.select %gt3A_2829, %slice3A_2828, %select_n3A_2827 : vector<128x128xi1>, vector<128x128xf32>
    %slice3A_2834 = vector.extract_strided_slice %dot_general3A_12 {offsets = [768, 7808], sizes = [128, 128], strides = [1, 1]} : vector<1024x8192xf32> to vector<128x128xf32>
    %gt3A_2835 = arith.cmpf ogt, %slice3A_2834, %select_n3A_2833 : vector<128x128xf32>
    %jit3A_2836 = arith.constant 61 : i32
    %broadcast_in_dim3A_2837 = vector.broadcast %jit3A_2836 : i32 to vector<128x128xi32>
    %select_n3A_2838 = arith.select %gt3A_2835, %broadcast_in_dim3A_2837, %select_n3A_2832 : vector<128x128xi1>, vector<128x128xi32>
    %select_n3A_2839 = arith.select %gt3A_2835, %slice3A_2834, %select_n3A_2833 : vector<128x128xi1>, vector<128x128xf32>
    %slice3A_2840 = vector.extract_strided_slice %dot_general3A_12 {offsets = [768, 7936], sizes = [128, 128], strides = [1, 1]} : vector<1024x8192xf32> to vector<128x128xf32>
    %gt3A_2841 = arith.cmpf ogt, %slice3A_2840, %select_n3A_2839 : vector<128x128xf32>
    %jit3A_2842 = arith.constant 62 : i32
    %broadcast_in_dim3A_2843 = vector.broadcast %jit3A_2842 : i32 to vector<128x128xi32>
    %select_n3A_2844 = arith.select %gt3A_2841, %broadcast_in_dim3A_2843, %select_n3A_2838 : vector<128x128xi1>, vector<128x128xi32>
    %select_n3A_2845 = arith.select %gt3A_2841, %slice3A_2840, %select_n3A_2839 : vector<128x128xi1>, vector<128x128xf32>
    %slice3A_2846 = vector.extract_strided_slice %dot_general3A_12 {offsets = [768, 8064], sizes = [128, 128], strides = [1, 1]} : vector<1024x8192xf32> to vector<128x128xf32>
    %gt3A_2847 = arith.cmpf ogt, %slice3A_2846, %select_n3A_2845 : vector<128x128xf32>
    %jit3A_2848 = arith.constant 63 : i32
    %broadcast_in_dim3A_2849 = vector.broadcast %jit3A_2848 : i32 to vector<128x128xi32>
    %select_n3A_2850 = arith.select %gt3A_2847, %broadcast_in_dim3A_2849, %select_n3A_2844 : vector<128x128xi1>, vector<128x128xi32>
    %select_n3A_2851 = arith.select %gt3A_2847, %slice3A_2846, %select_n3A_2845 : vector<128x128xi1>, vector<128x128xf32>
    %reduce_max3A_2852 = arith.constant dense<0xFF800000> : vector<128xf32>
    %reduce_max3A_2853 = vector.multi_reduction <maximumf>, %select_n3A_2851, %reduce_max3A_2852 [1] : vector<128x128xf32> to vector<128xf32>
    %broadcast_in_dim3A_2854 = vector.shape_cast %reduce_max3A_2853 : vector<128xf32> to vector<128x1xf32>
    %eq3A_2855 = vector.broadcast %broadcast_in_dim3A_2854 : vector<128x1xf32> to vector<128x128xf32>
    %eq3A_2856 = arith.cmpf oeq, %select_n3A_2851, %eq3A_2855 : vector<128x128xf32>
    %mul3A_2857 = arith.constant 128 : i32
    %mul3A_2858 = vector.broadcast %mul3A_2857 : i32 to vector<128x128xi32>
    %mul3A_2859 = arith.muli %select_n3A_2850, %mul3A_2858 : vector<128x128xi32>
    %add3A_2860 = arith.addi %mul3A_2859, %iota3A : vector<128x128xi32>
    %jit3A_2861 = arith.constant 8192 : i32
    %broadcast_in_dim3A_2862 = vector.broadcast %jit3A_2861 : i32 to vector<128x128xi32>
    %select_n3A_2863 = arith.select %eq3A_2856, %add3A_2860, %broadcast_in_dim3A_2862 : vector<128x128xi1>, vector<128x128xi32>
    %reduce_min3A_2864 = arith.constant dense<2147483647> : vector<128xi32>
    %reduce_min3A_2865 = vector.multi_reduction <minsi>, %select_n3A_2863, %reduce_min3A_2864 [1] : vector<128x128xi32> to vector<128xi32>
    %swap3A_2866 = arith.constant 0 : index
    %swap3A_2867 = arith.constant 0 : index
    %swap3A_2868 = arith.constant 768 : index
    %swap3A_2869 = vector.load %arg3[%swap3A_2866, %swap3A_2867, %swap3A_2868] : memref<1x1x1024xi32, #tpu.memory_space<vmem>>, vector<1x1x128xi32>
    %swap3A_2870 = vector.shape_cast %swap3A_2869 : vector<1x1x128xi32> to vector<128xi32>
    %swap3A_2871 = vector.shape_cast %reduce_min3A_2865 : vector<128xi32> to vector<1x1x128xi32>
    tpu.vector_store %arg3[%swap3A_2866, %swap3A_2867, %swap3A_2868], %swap3A_2871 {strides = array<i32>} : memref<1x1x1024xi32, #tpu.memory_space<vmem>>, vector<1x1x128xi32>,
    %get3A_2872 = arith.constant 6 : index
    %get3A_2873 = arith.constant 0 : index
    %get3A_2874 = vector.load %arg7[%get3A_2872, %get3A_2873] : memref<8x128xf32, #tpu.memory_space<vmem>>, vector<1x128xf32>
    %get3A_2875 = vector.shape_cast %get3A_2874 : vector<1x128xf32> to vector<128xf32>
    %add3A_2876 = arith.addf %get3A_2875, %reduce_max3A_2853 : vector<128xf32>
    %swap3A_2877 = arith.constant 6 : index
    %swap3A_2878 = arith.constant 0 : index
    %swap3A_2879 = vector.load %arg7[%swap3A_2877, %swap3A_2878] : memref<8x128xf32, #tpu.memory_space<vmem>>, vector<1x128xf32>
    %swap3A_2880 = vector.shape_cast %swap3A_2879 : vector<1x128xf32> to vector<128xf32>
    %swap3A_2881 = vector.shape_cast %add3A_2876 : vector<128xf32> to vector<1x128xf32>
    tpu.vector_store %arg7[%swap3A_2877, %swap3A_2878], %swap3A_2881 {strides = array<i32>} : memref<8x128xf32, #tpu.memory_space<vmem>>, vector<1x128xf32>,
    %slice3A_2882 = vector.extract_strided_slice %dot_general3A_12 {offsets = [896, 0], sizes = [128, 128], strides = [1, 1]} : vector<1024x8192xf32> to vector<128x128xf32>
    %broadcast_in_dim3A_2883 = arith.constant 0 : i32
    %broadcast_in_dim3A_2884 = vector.broadcast %broadcast_in_dim3A_2883 : i32 to vector<128x128xi32>
    %slice3A_2885 = vector.extract_strided_slice %dot_general3A_12 {offsets = [896, 128], sizes = [128, 128], strides = [1, 1]} : vector<1024x8192xf32> to vector<128x128xf32>
    %gt3A_2886 = arith.cmpf ogt, %slice3A_2885, %slice3A_2882 : vector<128x128xf32>
    %jit3A_2887 = arith.constant 1 : i32
    %broadcast_in_dim3A_2888 = vector.broadcast %jit3A_2887 : i32 to vector<128x128xi32>
    %select_n3A_2889 = arith.select %gt3A_2886, %broadcast_in_dim3A_2888, %broadcast_in_dim3A_2884 : vector<128x128xi1>, vector<128x128xi32>
    %select_n3A_2890 = arith.select %gt3A_2886, %slice3A_2885, %slice3A_2882 : vector<128x128xi1>, vector<128x128xf32>
    %slice3A_2891 = vector.extract_strided_slice %dot_general3A_12 {offsets = [896, 256], sizes = [128, 128], strides = [1, 1]} : vector<1024x8192xf32> to vector<128x128xf32>
    %gt3A_2892 = arith.cmpf ogt, %slice3A_2891, %select_n3A_2890 : vector<128x128xf32>
    %jit3A_2893 = arith.constant 2 : i32
    %broadcast_in_dim3A_2894 = vector.broadcast %jit3A_2893 : i32 to vector<128x128xi32>
    %select_n3A_2895 = arith.select %gt3A_2892, %broadcast_in_dim3A_2894, %select_n3A_2889 : vector<128x128xi1>, vector<128x128xi32>
    %select_n3A_2896 = arith.select %gt3A_2892, %slice3A_2891, %select_n3A_2890 : vector<128x128xi1>, vector<128x128xf32>
    %slice3A_2897 = vector.extract_strided_slice %dot_general3A_12 {offsets = [896, 384], sizes = [128, 128], strides = [1, 1]} : vector<1024x8192xf32> to vector<128x128xf32>
    %gt3A_2898 = arith.cmpf ogt, %slice3A_2897, %select_n3A_2896 : vector<128x128xf32>
    %jit3A_2899 = arith.constant 3 : i32
    %broadcast_in_dim3A_2900 = vector.broadcast %jit3A_2899 : i32 to vector<128x128xi32>
    %select_n3A_2901 = arith.select %gt3A_2898, %broadcast_in_dim3A_2900, %select_n3A_2895 : vector<128x128xi1>, vector<128x128xi32>
    %select_n3A_2902 = arith.select %gt3A_2898, %slice3A_2897, %select_n3A_2896 : vector<128x128xi1>, vector<128x128xf32>
    %slice3A_2903 = vector.extract_strided_slice %dot_general3A_12 {offsets = [896, 512], sizes = [128, 128], strides = [1, 1]} : vector<1024x8192xf32> to vector<128x128xf32>
    %gt3A_2904 = arith.cmpf ogt, %slice3A_2903, %select_n3A_2902 : vector<128x128xf32>
    %jit3A_2905 = arith.constant 4 : i32
    %broadcast_in_dim3A_2906 = vector.broadcast %jit3A_2905 : i32 to vector<128x128xi32>
    %select_n3A_2907 = arith.select %gt3A_2904, %broadcast_in_dim3A_2906, %select_n3A_2901 : vector<128x128xi1>, vector<128x128xi32>
    %select_n3A_2908 = arith.select %gt3A_2904, %slice3A_2903, %select_n3A_2902 : vector<128x128xi1>, vector<128x128xf32>
    %slice3A_2909 = vector.extract_strided_slice %dot_general3A_12 {offsets = [896, 640], sizes = [128, 128], strides = [1, 1]} : vector<1024x8192xf32> to vector<128x128xf32>
    %gt3A_2910 = arith.cmpf ogt, %slice3A_2909, %select_n3A_2908 : vector<128x128xf32>
    %jit3A_2911 = arith.constant 5 : i32
    %broadcast_in_dim3A_2912 = vector.broadcast %jit3A_2911 : i32 to vector<128x128xi32>
    %select_n3A_2913 = arith.select %gt3A_2910, %broadcast_in_dim3A_2912, %select_n3A_2907 : vector<128x128xi1>, vector<128x128xi32>
    %select_n3A_2914 = arith.select %gt3A_2910, %slice3A_2909, %select_n3A_2908 : vector<128x128xi1>, vector<128x128xf32>
    %slice3A_2915 = vector.extract_strided_slice %dot_general3A_12 {offsets = [896, 768], sizes = [128, 128], strides = [1, 1]} : vector<1024x8192xf32> to vector<128x128xf32>
    %gt3A_2916 = arith.cmpf ogt, %slice3A_2915, %select_n3A_2914 : vector<128x128xf32>
    %jit3A_2917 = arith.constant 6 : i32
    %broadcast_in_dim3A_2918 = vector.broadcast %jit3A_2917 : i32 to vector<128x128xi32>
    %select_n3A_2919 = arith.select %gt3A_2916, %broadcast_in_dim3A_2918, %select_n3A_2913 : vector<128x128xi1>, vector<128x128xi32>
    %select_n3A_2920 = arith.select %gt3A_2916, %slice3A_2915, %select_n3A_2914 : vector<128x128xi1>, vector<128x128xf32>
    %slice3A_2921 = vector.extract_strided_slice %dot_general3A_12 {offsets = [896, 896], sizes = [128, 128], strides = [1, 1]} : vector<1024x8192xf32> to vector<128x128xf32>
    %gt3A_2922 = arith.cmpf ogt, %slice3A_2921, %select_n3A_2920 : vector<128x128xf32>
    %jit3A_2923 = arith.constant 7 : i32
    %broadcast_in_dim3A_2924 = vector.broadcast %jit3A_2923 : i32 to vector<128x128xi32>
    %select_n3A_2925 = arith.select %gt3A_2922, %broadcast_in_dim3A_2924, %select_n3A_2919 : vector<128x128xi1>, vector<128x128xi32>
    %select_n3A_2926 = arith.select %gt3A_2922, %slice3A_2921, %select_n3A_2920 : vector<128x128xi1>, vector<128x128xf32>
    %slice3A_2927 = vector.extract_strided_slice %dot_general3A_12 {offsets = [896, 1024], sizes = [128, 128], strides = [1, 1]} : vector<1024x8192xf32> to vector<128x128xf32>
    %gt3A_2928 = arith.cmpf ogt, %slice3A_2927, %select_n3A_2926 : vector<128x128xf32>
    %jit3A_2929 = arith.constant 8 : i32
    %broadcast_in_dim3A_2930 = vector.broadcast %jit3A_2929 : i32 to vector<128x128xi32>
    %select_n3A_2931 = arith.select %gt3A_2928, %broadcast_in_dim3A_2930, %select_n3A_2925 : vector<128x128xi1>, vector<128x128xi32>
    %select_n3A_2932 = arith.select %gt3A_2928, %slice3A_2927, %select_n3A_2926 : vector<128x128xi1>, vector<128x128xf32>
    %slice3A_2933 = vector.extract_strided_slice %dot_general3A_12 {offsets = [896, 1152], sizes = [128, 128], strides = [1, 1]} : vector<1024x8192xf32> to vector<128x128xf32>
    %gt3A_2934 = arith.cmpf ogt, %slice3A_2933, %select_n3A_2932 : vector<128x128xf32>
    %jit3A_2935 = arith.constant 9 : i32
    %broadcast_in_dim3A_2936 = vector.broadcast %jit3A_2935 : i32 to vector<128x128xi32>
    %select_n3A_2937 = arith.select %gt3A_2934, %broadcast_in_dim3A_2936, %select_n3A_2931 : vector<128x128xi1>, vector<128x128xi32>
    %select_n3A_2938 = arith.select %gt3A_2934, %slice3A_2933, %select_n3A_2932 : vector<128x128xi1>, vector<128x128xf32>
    %slice3A_2939 = vector.extract_strided_slice %dot_general3A_12 {offsets = [896, 1280], sizes = [128, 128], strides = [1, 1]} : vector<1024x8192xf32> to vector<128x128xf32>
    %gt3A_2940 = arith.cmpf ogt, %slice3A_2939, %select_n3A_2938 : vector<128x128xf32>
    %jit3A_2941 = arith.constant 10 : i32
    %broadcast_in_dim3A_2942 = vector.broadcast %jit3A_2941 : i32 to vector<128x128xi32>
    %select_n3A_2943 = arith.select %gt3A_2940, %broadcast_in_dim3A_2942, %select_n3A_2937 : vector<128x128xi1>, vector<128x128xi32>
    %select_n3A_2944 = arith.select %gt3A_2940, %slice3A_2939, %select_n3A_2938 : vector<128x128xi1>, vector<128x128xf32>
    %slice3A_2945 = vector.extract_strided_slice %dot_general3A_12 {offsets = [896, 1408], sizes = [128, 128], strides = [1, 1]} : vector<1024x8192xf32> to vector<128x128xf32>
    %gt3A_2946 = arith.cmpf ogt, %slice3A_2945, %select_n3A_2944 : vector<128x128xf32>
    %jit3A_2947 = arith.constant 11 : i32
    %broadcast_in_dim3A_2948 = vector.broadcast %jit3A_2947 : i32 to vector<128x128xi32>
    %select_n3A_2949 = arith.select %gt3A_2946, %broadcast_in_dim3A_2948, %select_n3A_2943 : vector<128x128xi1>, vector<128x128xi32>
    %select_n3A_2950 = arith.select %gt3A_2946, %slice3A_2945, %select_n3A_2944 : vector<128x128xi1>, vector<128x128xf32>
    %slice3A_2951 = vector.extract_strided_slice %dot_general3A_12 {offsets = [896, 1536], sizes = [128, 128], strides = [1, 1]} : vector<1024x8192xf32> to vector<128x128xf32>
    %gt3A_2952 = arith.cmpf ogt, %slice3A_2951, %select_n3A_2950 : vector<128x128xf32>
    %jit3A_2953 = arith.constant 12 : i32
    %broadcast_in_dim3A_2954 = vector.broadcast %jit3A_2953 : i32 to vector<128x128xi32>
    %select_n3A_2955 = arith.select %gt3A_2952, %broadcast_in_dim3A_2954, %select_n3A_2949 : vector<128x128xi1>, vector<128x128xi32>
    %select_n3A_2956 = arith.select %gt3A_2952, %slice3A_2951, %select_n3A_2950 : vector<128x128xi1>, vector<128x128xf32>
    %slice3A_2957 = vector.extract_strided_slice %dot_general3A_12 {offsets = [896, 1664], sizes = [128, 128], strides = [1, 1]} : vector<1024x8192xf32> to vector<128x128xf32>
    %gt3A_2958 = arith.cmpf ogt, %slice3A_2957, %select_n3A_2956 : vector<128x128xf32>
    %jit3A_2959 = arith.constant 13 : i32
    %broadcast_in_dim3A_2960 = vector.broadcast %jit3A_2959 : i32 to vector<128x128xi32>
    %select_n3A_2961 = arith.select %gt3A_2958, %broadcast_in_dim3A_2960, %select_n3A_2955 : vector<128x128xi1>, vector<128x128xi32>
    %select_n3A_2962 = arith.select %gt3A_2958, %slice3A_2957, %select_n3A_2956 : vector<128x128xi1>, vector<128x128xf32>
    %slice3A_2963 = vector.extract_strided_slice %dot_general3A_12 {offsets = [896, 1792], sizes = [128, 128], strides = [1, 1]} : vector<1024x8192xf32> to vector<128x128xf32>
    %gt3A_2964 = arith.cmpf ogt, %slice3A_2963, %select_n3A_2962 : vector<128x128xf32>
    %jit3A_2965 = arith.constant 14 : i32
    %broadcast_in_dim3A_2966 = vector.broadcast %jit3A_2965 : i32 to vector<128x128xi32>
    %select_n3A_2967 = arith.select %gt3A_2964, %broadcast_in_dim3A_2966, %select_n3A_2961 : vector<128x128xi1>, vector<128x128xi32>
    %select_n3A_2968 = arith.select %gt3A_2964, %slice3A_2963, %select_n3A_2962 : vector<128x128xi1>, vector<128x128xf32>
    %slice3A_2969 = vector.extract_strided_slice %dot_general3A_12 {offsets = [896, 1920], sizes = [128, 128], strides = [1, 1]} : vector<1024x8192xf32> to vector<128x128xf32>
    %gt3A_2970 = arith.cmpf ogt, %slice3A_2969, %select_n3A_2968 : vector<128x128xf32>
    %jit3A_2971 = arith.constant 15 : i32
    %broadcast_in_dim3A_2972 = vector.broadcast %jit3A_2971 : i32 to vector<128x128xi32>
    %select_n3A_2973 = arith.select %gt3A_2970, %broadcast_in_dim3A_2972, %select_n3A_2967 : vector<128x128xi1>, vector<128x128xi32>
    %select_n3A_2974 = arith.select %gt3A_2970, %slice3A_2969, %select_n3A_2968 : vector<128x128xi1>, vector<128x128xf32>
    %slice3A_2975 = vector.extract_strided_slice %dot_general3A_12 {offsets = [896, 2048], sizes = [128, 128], strides = [1, 1]} : vector<1024x8192xf32> to vector<128x128xf32>
    %gt3A_2976 = arith.cmpf ogt, %slice3A_2975, %select_n3A_2974 : vector<128x128xf32>
    %jit3A_2977 = arith.constant 16 : i32
    %broadcast_in_dim3A_2978 = vector.broadcast %jit3A_2977 : i32 to vector<128x128xi32>
    %select_n3A_2979 = arith.select %gt3A_2976, %broadcast_in_dim3A_2978, %select_n3A_2973 : vector<128x128xi1>, vector<128x128xi32>
    %select_n3A_2980 = arith.select %gt3A_2976, %slice3A_2975, %select_n3A_2974 : vector<128x128xi1>, vector<128x128xf32>
    %slice3A_2981 = vector.extract_strided_slice %dot_general3A_12 {offsets = [896, 2176], sizes = [128, 128], strides = [1, 1]} : vector<1024x8192xf32> to vector<128x128xf32>
    %gt3A_2982 = arith.cmpf ogt, %slice3A_2981, %select_n3A_2980 : vector<128x128xf32>
    %jit3A_2983 = arith.constant 17 : i32
    %broadcast_in_dim3A_2984 = vector.broadcast %jit3A_2983 : i32 to vector<128x128xi32>
    %select_n3A_2985 = arith.select %gt3A_2982, %broadcast_in_dim3A_2984, %select_n3A_2979 : vector<128x128xi1>, vector<128x128xi32>
    %select_n3A_2986 = arith.select %gt3A_2982, %slice3A_2981, %select_n3A_2980 : vector<128x128xi1>, vector<128x128xf32>
    %slice3A_2987 = vector.extract_strided_slice %dot_general3A_12 {offsets = [896, 2304], sizes = [128, 128], strides = [1, 1]} : vector<1024x8192xf32> to vector<128x128xf32>
    %gt3A_2988 = arith.cmpf ogt, %slice3A_2987, %select_n3A_2986 : vector<128x128xf32>
    %jit3A_2989 = arith.constant 18 : i32
    %broadcast_in_dim3A_2990 = vector.broadcast %jit3A_2989 : i32 to vector<128x128xi32>
    %select_n3A_2991 = arith.select %gt3A_2988, %broadcast_in_dim3A_2990, %select_n3A_2985 : vector<128x128xi1>, vector<128x128xi32>
    %select_n3A_2992 = arith.select %gt3A_2988, %slice3A_2987, %select_n3A_2986 : vector<128x128xi1>, vector<128x128xf32>
    %slice3A_2993 = vector.extract_strided_slice %dot_general3A_12 {offsets = [896, 2432], sizes = [128, 128], strides = [1, 1]} : vector<1024x8192xf32> to vector<128x128xf32>
    %gt3A_2994 = arith.cmpf ogt, %slice3A_2993, %select_n3A_2992 : vector<128x128xf32>
    %jit3A_2995 = arith.constant 19 : i32
    %broadcast_in_dim3A_2996 = vector.broadcast %jit3A_2995 : i32 to vector<128x128xi32>
    %select_n3A_2997 = arith.select %gt3A_2994, %broadcast_in_dim3A_2996, %select_n3A_2991 : vector<128x128xi1>, vector<128x128xi32>
    %select_n3A_2998 = arith.select %gt3A_2994, %slice3A_2993, %select_n3A_2992 : vector<128x128xi1>, vector<128x128xf32>
    %slice3A_2999 = vector.extract_strided_slice %dot_general3A_12 {offsets = [896, 2560], sizes = [128, 128], strides = [1, 1]} : vector<1024x8192xf32> to vector<128x128xf32>
    %gt3A_3000 = arith.cmpf ogt, %slice3A_2999, %select_n3A_2998 : vector<128x128xf32>
    %jit3A_3001 = arith.constant 20 : i32
    %broadcast_in_dim3A_3002 = vector.broadcast %jit3A_3001 : i32 to vector<128x128xi32>
    %select_n3A_3003 = arith.select %gt3A_3000, %broadcast_in_dim3A_3002, %select_n3A_2997 : vector<128x128xi1>, vector<128x128xi32>
    %select_n3A_3004 = arith.select %gt3A_3000, %slice3A_2999, %select_n3A_2998 : vector<128x128xi1>, vector<128x128xf32>
    %slice3A_3005 = vector.extract_strided_slice %dot_general3A_12 {offsets = [896, 2688], sizes = [128, 128], strides = [1, 1]} : vector<1024x8192xf32> to vector<128x128xf32>
    %gt3A_3006 = arith.cmpf ogt, %slice3A_3005, %select_n3A_3004 : vector<128x128xf32>
    %jit3A_3007 = arith.constant 21 : i32
    %broadcast_in_dim3A_3008 = vector.broadcast %jit3A_3007 : i32 to vector<128x128xi32>
    %select_n3A_3009 = arith.select %gt3A_3006, %broadcast_in_dim3A_3008, %select_n3A_3003 : vector<128x128xi1>, vector<128x128xi32>
    %select_n3A_3010 = arith.select %gt3A_3006, %slice3A_3005, %select_n3A_3004 : vector<128x128xi1>, vector<128x128xf32>
    %slice3A_3011 = vector.extract_strided_slice %dot_general3A_12 {offsets = [896, 2816], sizes = [128, 128], strides = [1, 1]} : vector<1024x8192xf32> to vector<128x128xf32>
    %gt3A_3012 = arith.cmpf ogt, %slice3A_3011, %select_n3A_3010 : vector<128x128xf32>
    %jit3A_3013 = arith.constant 22 : i32
    %broadcast_in_dim3A_3014 = vector.broadcast %jit3A_3013 : i32 to vector<128x128xi32>
    %select_n3A_3015 = arith.select %gt3A_3012, %broadcast_in_dim3A_3014, %select_n3A_3009 : vector<128x128xi1>, vector<128x128xi32>
    %select_n3A_3016 = arith.select %gt3A_3012, %slice3A_3011, %select_n3A_3010 : vector<128x128xi1>, vector<128x128xf32>
    %slice3A_3017 = vector.extract_strided_slice %dot_general3A_12 {offsets = [896, 2944], sizes = [128, 128], strides = [1, 1]} : vector<1024x8192xf32> to vector<128x128xf32>
    %gt3A_3018 = arith.cmpf ogt, %slice3A_3017, %select_n3A_3016 : vector<128x128xf32>
    %jit3A_3019 = arith.constant 23 : i32
    %broadcast_in_dim3A_3020 = vector.broadcast %jit3A_3019 : i32 to vector<128x128xi32>
    %select_n3A_3021 = arith.select %gt3A_3018, %broadcast_in_dim3A_3020, %select_n3A_3015 : vector<128x128xi1>, vector<128x128xi32>
    %select_n3A_3022 = arith.select %gt3A_3018, %slice3A_3017, %select_n3A_3016 : vector<128x128xi1>, vector<128x128xf32>
    %slice3A_3023 = vector.extract_strided_slice %dot_general3A_12 {offsets = [896, 3072], sizes = [128, 128], strides = [1, 1]} : vector<1024x8192xf32> to vector<128x128xf32>
    %gt3A_3024 = arith.cmpf ogt, %slice3A_3023, %select_n3A_3022 : vector<128x128xf32>
    %jit3A_3025 = arith.constant 24 : i32
    %broadcast_in_dim3A_3026 = vector.broadcast %jit3A_3025 : i32 to vector<128x128xi32>
    %select_n3A_3027 = arith.select %gt3A_3024, %broadcast_in_dim3A_3026, %select_n3A_3021 : vector<128x128xi1>, vector<128x128xi32>
    %select_n3A_3028 = arith.select %gt3A_3024, %slice3A_3023, %select_n3A_3022 : vector<128x128xi1>, vector<128x128xf32>
    %slice3A_3029 = vector.extract_strided_slice %dot_general3A_12 {offsets = [896, 3200], sizes = [128, 128], strides = [1, 1]} : vector<1024x8192xf32> to vector<128x128xf32>
    %gt3A_3030 = arith.cmpf ogt, %slice3A_3029, %select_n3A_3028 : vector<128x128xf32>
    %jit3A_3031 = arith.constant 25 : i32
    %broadcast_in_dim3A_3032 = vector.broadcast %jit3A_3031 : i32 to vector<128x128xi32>
    %select_n3A_3033 = arith.select %gt3A_3030, %broadcast_in_dim3A_3032, %select_n3A_3027 : vector<128x128xi1>, vector<128x128xi32>
    %select_n3A_3034 = arith.select %gt3A_3030, %slice3A_3029, %select_n3A_3028 : vector<128x128xi1>, vector<128x128xf32>
    %slice3A_3035 = vector.extract_strided_slice %dot_general3A_12 {offsets = [896, 3328], sizes = [128, 128], strides = [1, 1]} : vector<1024x8192xf32> to vector<128x128xf32>
    %gt3A_3036 = arith.cmpf ogt, %slice3A_3035, %select_n3A_3034 : vector<128x128xf32>
    %jit3A_3037 = arith.constant 26 : i32
    %broadcast_in_dim3A_3038 = vector.broadcast %jit3A_3037 : i32 to vector<128x128xi32>
    %select_n3A_3039 = arith.select %gt3A_3036, %broadcast_in_dim3A_3038, %select_n3A_3033 : vector<128x128xi1>, vector<128x128xi32>
    %select_n3A_3040 = arith.select %gt3A_3036, %slice3A_3035, %select_n3A_3034 : vector<128x128xi1>, vector<128x128xf32>
    %slice3A_3041 = vector.extract_strided_slice %dot_general3A_12 {offsets = [896, 3456], sizes = [128, 128], strides = [1, 1]} : vector<1024x8192xf32> to vector<128x128xf32>
    %gt3A_3042 = arith.cmpf ogt, %slice3A_3041, %select_n3A_3040 : vector<128x128xf32>
    %jit3A_3043 = arith.constant 27 : i32
    %broadcast_in_dim3A_3044 = vector.broadcast %jit3A_3043 : i32 to vector<128x128xi32>
    %select_n3A_3045 = arith.select %gt3A_3042, %broadcast_in_dim3A_3044, %select_n3A_3039 : vector<128x128xi1>, vector<128x128xi32>
    %select_n3A_3046 = arith.select %gt3A_3042, %slice3A_3041, %select_n3A_3040 : vector<128x128xi1>, vector<128x128xf32>
    %slice3A_3047 = vector.extract_strided_slice %dot_general3A_12 {offsets = [896, 3584], sizes = [128, 128], strides = [1, 1]} : vector<1024x8192xf32> to vector<128x128xf32>
    %gt3A_3048 = arith.cmpf ogt, %slice3A_3047, %select_n3A_3046 : vector<128x128xf32>
    %jit3A_3049 = arith.constant 28 : i32
    %broadcast_in_dim3A_3050 = vector.broadcast %jit3A_3049 : i32 to vector<128x128xi32>
    %select_n3A_3051 = arith.select %gt3A_3048, %broadcast_in_dim3A_3050, %select_n3A_3045 : vector<128x128xi1>, vector<128x128xi32>
    %select_n3A_3052 = arith.select %gt3A_3048, %slice3A_3047, %select_n3A_3046 : vector<128x128xi1>, vector<128x128xf32>
    %slice3A_3053 = vector.extract_strided_slice %dot_general3A_12 {offsets = [896, 3712], sizes = [128, 128], strides = [1, 1]} : vector<1024x8192xf32> to vector<128x128xf32>
    %gt3A_3054 = arith.cmpf ogt, %slice3A_3053, %select_n3A_3052 : vector<128x128xf32>
    %jit3A_3055 = arith.constant 29 : i32
    %broadcast_in_dim3A_3056 = vector.broadcast %jit3A_3055 : i32 to vector<128x128xi32>
    %select_n3A_3057 = arith.select %gt3A_3054, %broadcast_in_dim3A_3056, %select_n3A_3051 : vector<128x128xi1>, vector<128x128xi32>
    %select_n3A_3058 = arith.select %gt3A_3054, %slice3A_3053, %select_n3A_3052 : vector<128x128xi1>, vector<128x128xf32>
    %slice3A_3059 = vector.extract_strided_slice %dot_general3A_12 {offsets = [896, 3840], sizes = [128, 128], strides = [1, 1]} : vector<1024x8192xf32> to vector<128x128xf32>
    %gt3A_3060 = arith.cmpf ogt, %slice3A_3059, %select_n3A_3058 : vector<128x128xf32>
    %jit3A_3061 = arith.constant 30 : i32
    %broadcast_in_dim3A_3062 = vector.broadcast %jit3A_3061 : i32 to vector<128x128xi32>
    %select_n3A_3063 = arith.select %gt3A_3060, %broadcast_in_dim3A_3062, %select_n3A_3057 : vector<128x128xi1>, vector<128x128xi32>
    %select_n3A_3064 = arith.select %gt3A_3060, %slice3A_3059, %select_n3A_3058 : vector<128x128xi1>, vector<128x128xf32>
    %slice3A_3065 = vector.extract_strided_slice %dot_general3A_12 {offsets = [896, 3968], sizes = [128, 128], strides = [1, 1]} : vector<1024x8192xf32> to vector<128x128xf32>
    %gt3A_3066 = arith.cmpf ogt, %slice3A_3065, %select_n3A_3064 : vector<128x128xf32>
    %jit3A_3067 = arith.constant 31 : i32
    %broadcast_in_dim3A_3068 = vector.broadcast %jit3A_3067 : i32 to vector<128x128xi32>
    %select_n3A_3069 = arith.select %gt3A_3066, %broadcast_in_dim3A_3068, %select_n3A_3063 : vector<128x128xi1>, vector<128x128xi32>
    %select_n3A_3070 = arith.select %gt3A_3066, %slice3A_3065, %select_n3A_3064 : vector<128x128xi1>, vector<128x128xf32>
    %slice3A_3071 = vector.extract_strided_slice %dot_general3A_12 {offsets = [896, 4096], sizes = [128, 128], strides = [1, 1]} : vector<1024x8192xf32> to vector<128x128xf32>
    %gt3A_3072 = arith.cmpf ogt, %slice3A_3071, %select_n3A_3070 : vector<128x128xf32>
    %jit3A_3073 = arith.constant 32 : i32
    %broadcast_in_dim3A_3074 = vector.broadcast %jit3A_3073 : i32 to vector<128x128xi32>
    %select_n3A_3075 = arith.select %gt3A_3072, %broadcast_in_dim3A_3074, %select_n3A_3069 : vector<128x128xi1>, vector<128x128xi32>
    %select_n3A_3076 = arith.select %gt3A_3072, %slice3A_3071, %select_n3A_3070 : vector<128x128xi1>, vector<128x128xf32>
    %slice3A_3077 = vector.extract_strided_slice %dot_general3A_12 {offsets = [896, 4224], sizes = [128, 128], strides = [1, 1]} : vector<1024x8192xf32> to vector<128x128xf32>
    %gt3A_3078 = arith.cmpf ogt, %slice3A_3077, %select_n3A_3076 : vector<128x128xf32>
    %jit3A_3079 = arith.constant 33 : i32
    %broadcast_in_dim3A_3080 = vector.broadcast %jit3A_3079 : i32 to vector<128x128xi32>
    %select_n3A_3081 = arith.select %gt3A_3078, %broadcast_in_dim3A_3080, %select_n3A_3075 : vector<128x128xi1>, vector<128x128xi32>
    %select_n3A_3082 = arith.select %gt3A_3078, %slice3A_3077, %select_n3A_3076 : vector<128x128xi1>, vector<128x128xf32>
    %slice3A_3083 = vector.extract_strided_slice %dot_general3A_12 {offsets = [896, 4352], sizes = [128, 128], strides = [1, 1]} : vector<1024x8192xf32> to vector<128x128xf32>
    %gt3A_3084 = arith.cmpf ogt, %slice3A_3083, %select_n3A_3082 : vector<128x128xf32>
    %jit3A_3085 = arith.constant 34 : i32
    %broadcast_in_dim3A_3086 = vector.broadcast %jit3A_3085 : i32 to vector<128x128xi32>
    %select_n3A_3087 = arith.select %gt3A_3084, %broadcast_in_dim3A_3086, %select_n3A_3081 : vector<128x128xi1>, vector<128x128xi32>
    %select_n3A_3088 = arith.select %gt3A_3084, %slice3A_3083, %select_n3A_3082 : vector<128x128xi1>, vector<128x128xf32>
    %slice3A_3089 = vector.extract_strided_slice %dot_general3A_12 {offsets = [896, 4480], sizes = [128, 128], strides = [1, 1]} : vector<1024x8192xf32> to vector<128x128xf32>
    %gt3A_3090 = arith.cmpf ogt, %slice3A_3089, %select_n3A_3088 : vector<128x128xf32>
    %jit3A_3091 = arith.constant 35 : i32
    %broadcast_in_dim3A_3092 = vector.broadcast %jit3A_3091 : i32 to vector<128x128xi32>
    %select_n3A_3093 = arith.select %gt3A_3090, %broadcast_in_dim3A_3092, %select_n3A_3087 : vector<128x128xi1>, vector<128x128xi32>
    %select_n3A_3094 = arith.select %gt3A_3090, %slice3A_3089, %select_n3A_3088 : vector<128x128xi1>, vector<128x128xf32>
    %slice3A_3095 = vector.extract_strided_slice %dot_general3A_12 {offsets = [896, 4608], sizes = [128, 128], strides = [1, 1]} : vector<1024x8192xf32> to vector<128x128xf32>
    %gt3A_3096 = arith.cmpf ogt, %slice3A_3095, %select_n3A_3094 : vector<128x128xf32>
    %jit3A_3097 = arith.constant 36 : i32
    %broadcast_in_dim3A_3098 = vector.broadcast %jit3A_3097 : i32 to vector<128x128xi32>
    %select_n3A_3099 = arith.select %gt3A_3096, %broadcast_in_dim3A_3098, %select_n3A_3093 : vector<128x128xi1>, vector<128x128xi32>
    %select_n3A_3100 = arith.select %gt3A_3096, %slice3A_3095, %select_n3A_3094 : vector<128x128xi1>, vector<128x128xf32>
    %slice3A_3101 = vector.extract_strided_slice %dot_general3A_12 {offsets = [896, 4736], sizes = [128, 128], strides = [1, 1]} : vector<1024x8192xf32> to vector<128x128xf32>
    %gt3A_3102 = arith.cmpf ogt, %slice3A_3101, %select_n3A_3100 : vector<128x128xf32>
    %jit3A_3103 = arith.constant 37 : i32
    %broadcast_in_dim3A_3104 = vector.broadcast %jit3A_3103 : i32 to vector<128x128xi32>
    %select_n3A_3105 = arith.select %gt3A_3102, %broadcast_in_dim3A_3104, %select_n3A_3099 : vector<128x128xi1>, vector<128x128xi32>
    %select_n3A_3106 = arith.select %gt3A_3102, %slice3A_3101, %select_n3A_3100 : vector<128x128xi1>, vector<128x128xf32>
    %slice3A_3107 = vector.extract_strided_slice %dot_general3A_12 {offsets = [896, 4864], sizes = [128, 128], strides = [1, 1]} : vector<1024x8192xf32> to vector<128x128xf32>
    %gt3A_3108 = arith.cmpf ogt, %slice3A_3107, %select_n3A_3106 : vector<128x128xf32>
    %jit3A_3109 = arith.constant 38 : i32
    %broadcast_in_dim3A_3110 = vector.broadcast %jit3A_3109 : i32 to vector<128x128xi32>
    %select_n3A_3111 = arith.select %gt3A_3108, %broadcast_in_dim3A_3110, %select_n3A_3105 : vector<128x128xi1>, vector<128x128xi32>
    %select_n3A_3112 = arith.select %gt3A_3108, %slice3A_3107, %select_n3A_3106 : vector<128x128xi1>, vector<128x128xf32>
    %slice3A_3113 = vector.extract_strided_slice %dot_general3A_12 {offsets = [896, 4992], sizes = [128, 128], strides = [1, 1]} : vector<1024x8192xf32> to vector<128x128xf32>
    %gt3A_3114 = arith.cmpf ogt, %slice3A_3113, %select_n3A_3112 : vector<128x128xf32>
    %jit3A_3115 = arith.constant 39 : i32
    %broadcast_in_dim3A_3116 = vector.broadcast %jit3A_3115 : i32 to vector<128x128xi32>
    %select_n3A_3117 = arith.select %gt3A_3114, %broadcast_in_dim3A_3116, %select_n3A_3111 : vector<128x128xi1>, vector<128x128xi32>
    %select_n3A_3118 = arith.select %gt3A_3114, %slice3A_3113, %select_n3A_3112 : vector<128x128xi1>, vector<128x128xf32>
    %slice3A_3119 = vector.extract_strided_slice %dot_general3A_12 {offsets = [896, 5120], sizes = [128, 128], strides = [1, 1]} : vector<1024x8192xf32> to vector<128x128xf32>
    %gt3A_3120 = arith.cmpf ogt, %slice3A_3119, %select_n3A_3118 : vector<128x128xf32>
    %jit3A_3121 = arith.constant 40 : i32
    %broadcast_in_dim3A_3122 = vector.broadcast %jit3A_3121 : i32 to vector<128x128xi32>
    %select_n3A_3123 = arith.select %gt3A_3120, %broadcast_in_dim3A_3122, %select_n3A_3117 : vector<128x128xi1>, vector<128x128xi32>
    %select_n3A_3124 = arith.select %gt3A_3120, %slice3A_3119, %select_n3A_3118 : vector<128x128xi1>, vector<128x128xf32>
    %slice3A_3125 = vector.extract_strided_slice %dot_general3A_12 {offsets = [896, 5248], sizes = [128, 128], strides = [1, 1]} : vector<1024x8192xf32> to vector<128x128xf32>
    %gt3A_3126 = arith.cmpf ogt, %slice3A_3125, %select_n3A_3124 : vector<128x128xf32>
    %jit3A_3127 = arith.constant 41 : i32
    %broadcast_in_dim3A_3128 = vector.broadcast %jit3A_3127 : i32 to vector<128x128xi32>
    %select_n3A_3129 = arith.select %gt3A_3126, %broadcast_in_dim3A_3128, %select_n3A_3123 : vector<128x128xi1>, vector<128x128xi32>
    %select_n3A_3130 = arith.select %gt3A_3126, %slice3A_3125, %select_n3A_3124 : vector<128x128xi1>, vector<128x128xf32>
    %slice3A_3131 = vector.extract_strided_slice %dot_general3A_12 {offsets = [896, 5376], sizes = [128, 128], strides = [1, 1]} : vector<1024x8192xf32> to vector<128x128xf32>
    %gt3A_3132 = arith.cmpf ogt, %slice3A_3131, %select_n3A_3130 : vector<128x128xf32>
    %jit3A_3133 = arith.constant 42 : i32
    %broadcast_in_dim3A_3134 = vector.broadcast %jit3A_3133 : i32 to vector<128x128xi32>
    %select_n3A_3135 = arith.select %gt3A_3132, %broadcast_in_dim3A_3134, %select_n3A_3129 : vector<128x128xi1>, vector<128x128xi32>
    %select_n3A_3136 = arith.select %gt3A_3132, %slice3A_3131, %select_n3A_3130 : vector<128x128xi1>, vector<128x128xf32>
    %slice3A_3137 = vector.extract_strided_slice %dot_general3A_12 {offsets = [896, 5504], sizes = [128, 128], strides = [1, 1]} : vector<1024x8192xf32> to vector<128x128xf32>
    %gt3A_3138 = arith.cmpf ogt, %slice3A_3137, %select_n3A_3136 : vector<128x128xf32>
    %jit3A_3139 = arith.constant 43 : i32
    %broadcast_in_dim3A_3140 = vector.broadcast %jit3A_3139 : i32 to vector<128x128xi32>
    %select_n3A_3141 = arith.select %gt3A_3138, %broadcast_in_dim3A_3140, %select_n3A_3135 : vector<128x128xi1>, vector<128x128xi32>
    %select_n3A_3142 = arith.select %gt3A_3138, %slice3A_3137, %select_n3A_3136 : vector<128x128xi1>, vector<128x128xf32>
    %slice3A_3143 = vector.extract_strided_slice %dot_general3A_12 {offsets = [896, 5632], sizes = [128, 128], strides = [1, 1]} : vector<1024x8192xf32> to vector<128x128xf32>
    %gt3A_3144 = arith.cmpf ogt, %slice3A_3143, %select_n3A_3142 : vector<128x128xf32>
    %jit3A_3145 = arith.constant 44 : i32
    %broadcast_in_dim3A_3146 = vector.broadcast %jit3A_3145 : i32 to vector<128x128xi32>
    %select_n3A_3147 = arith.select %gt3A_3144, %broadcast_in_dim3A_3146, %select_n3A_3141 : vector<128x128xi1>, vector<128x128xi32>
    %select_n3A_3148 = arith.select %gt3A_3144, %slice3A_3143, %select_n3A_3142 : vector<128x128xi1>, vector<128x128xf32>
    %slice3A_3149 = vector.extract_strided_slice %dot_general3A_12 {offsets = [896, 5760], sizes = [128, 128], strides = [1, 1]} : vector<1024x8192xf32> to vector<128x128xf32>
    %gt3A_3150 = arith.cmpf ogt, %slice3A_3149, %select_n3A_3148 : vector<128x128xf32>
    %jit3A_3151 = arith.constant 45 : i32
    %broadcast_in_dim3A_3152 = vector.broadcast %jit3A_3151 : i32 to vector<128x128xi32>
    %select_n3A_3153 = arith.select %gt3A_3150, %broadcast_in_dim3A_3152, %select_n3A_3147 : vector<128x128xi1>, vector<128x128xi32>
    %select_n3A_3154 = arith.select %gt3A_3150, %slice3A_3149, %select_n3A_3148 : vector<128x128xi1>, vector<128x128xf32>
    %slice3A_3155 = vector.extract_strided_slice %dot_general3A_12 {offsets = [896, 5888], sizes = [128, 128], strides = [1, 1]} : vector<1024x8192xf32> to vector<128x128xf32>
    %gt3A_3156 = arith.cmpf ogt, %slice3A_3155, %select_n3A_3154 : vector<128x128xf32>
    %jit3A_3157 = arith.constant 46 : i32
    %broadcast_in_dim3A_3158 = vector.broadcast %jit3A_3157 : i32 to vector<128x128xi32>
    %select_n3A_3159 = arith.select %gt3A_3156, %broadcast_in_dim3A_3158, %select_n3A_3153 : vector<128x128xi1>, vector<128x128xi32>
    %select_n3A_3160 = arith.select %gt3A_3156, %slice3A_3155, %select_n3A_3154 : vector<128x128xi1>, vector<128x128xf32>
    %slice3A_3161 = vector.extract_strided_slice %dot_general3A_12 {offsets = [896, 6016], sizes = [128, 128], strides = [1, 1]} : vector<1024x8192xf32> to vector<128x128xf32>
    %gt3A_3162 = arith.cmpf ogt, %slice3A_3161, %select_n3A_3160 : vector<128x128xf32>
    %jit3A_3163 = arith.constant 47 : i32
    %broadcast_in_dim3A_3164 = vector.broadcast %jit3A_3163 : i32 to vector<128x128xi32>
    %select_n3A_3165 = arith.select %gt3A_3162, %broadcast_in_dim3A_3164, %select_n3A_3159 : vector<128x128xi1>, vector<128x128xi32>
    %select_n3A_3166 = arith.select %gt3A_3162, %slice3A_3161, %select_n3A_3160 : vector<128x128xi1>, vector<128x128xf32>
    %slice3A_3167 = vector.extract_strided_slice %dot_general3A_12 {offsets = [896, 6144], sizes = [128, 128], strides = [1, 1]} : vector<1024x8192xf32> to vector<128x128xf32>
    %gt3A_3168 = arith.cmpf ogt, %slice3A_3167, %select_n3A_3166 : vector<128x128xf32>
    %jit3A_3169 = arith.constant 48 : i32
    %broadcast_in_dim3A_3170 = vector.broadcast %jit3A_3169 : i32 to vector<128x128xi32>
    %select_n3A_3171 = arith.select %gt3A_3168, %broadcast_in_dim3A_3170, %select_n3A_3165 : vector<128x128xi1>, vector<128x128xi32>
    %select_n3A_3172 = arith.select %gt3A_3168, %slice3A_3167, %select_n3A_3166 : vector<128x128xi1>, vector<128x128xf32>
    %slice3A_3173 = vector.extract_strided_slice %dot_general3A_12 {offsets = [896, 6272], sizes = [128, 128], strides = [1, 1]} : vector<1024x8192xf32> to vector<128x128xf32>
    %gt3A_3174 = arith.cmpf ogt, %slice3A_3173, %select_n3A_3172 : vector<128x128xf32>
    %jit3A_3175 = arith.constant 49 : i32
    %broadcast_in_dim3A_3176 = vector.broadcast %jit3A_3175 : i32 to vector<128x128xi32>
    %select_n3A_3177 = arith.select %gt3A_3174, %broadcast_in_dim3A_3176, %select_n3A_3171 : vector<128x128xi1>, vector<128x128xi32>
    %select_n3A_3178 = arith.select %gt3A_3174, %slice3A_3173, %select_n3A_3172 : vector<128x128xi1>, vector<128x128xf32>
    %slice3A_3179 = vector.extract_strided_slice %dot_general3A_12 {offsets = [896, 6400], sizes = [128, 128], strides = [1, 1]} : vector<1024x8192xf32> to vector<128x128xf32>
    %gt3A_3180 = arith.cmpf ogt, %slice3A_3179, %select_n3A_3178 : vector<128x128xf32>
    %jit3A_3181 = arith.constant 50 : i32
    %broadcast_in_dim3A_3182 = vector.broadcast %jit3A_3181 : i32 to vector<128x128xi32>
    %select_n3A_3183 = arith.select %gt3A_3180, %broadcast_in_dim3A_3182, %select_n3A_3177 : vector<128x128xi1>, vector<128x128xi32>
    %select_n3A_3184 = arith.select %gt3A_3180, %slice3A_3179, %select_n3A_3178 : vector<128x128xi1>, vector<128x128xf32>
    %slice3A_3185 = vector.extract_strided_slice %dot_general3A_12 {offsets = [896, 6528], sizes = [128, 128], strides = [1, 1]} : vector<1024x8192xf32> to vector<128x128xf32>
    %gt3A_3186 = arith.cmpf ogt, %slice3A_3185, %select_n3A_3184 : vector<128x128xf32>
    %jit3A_3187 = arith.constant 51 : i32
    %broadcast_in_dim3A_3188 = vector.broadcast %jit3A_3187 : i32 to vector<128x128xi32>
    %select_n3A_3189 = arith.select %gt3A_3186, %broadcast_in_dim3A_3188, %select_n3A_3183 : vector<128x128xi1>, vector<128x128xi32>
    %select_n3A_3190 = arith.select %gt3A_3186, %slice3A_3185, %select_n3A_3184 : vector<128x128xi1>, vector<128x128xf32>
    %slice3A_3191 = vector.extract_strided_slice %dot_general3A_12 {offsets = [896, 6656], sizes = [128, 128], strides = [1, 1]} : vector<1024x8192xf32> to vector<128x128xf32>
    %gt3A_3192 = arith.cmpf ogt, %slice3A_3191, %select_n3A_3190 : vector<128x128xf32>
    %jit3A_3193 = arith.constant 52 : i32
    %broadcast_in_dim3A_3194 = vector.broadcast %jit3A_3193 : i32 to vector<128x128xi32>
    %select_n3A_3195 = arith.select %gt3A_3192, %broadcast_in_dim3A_3194, %select_n3A_3189 : vector<128x128xi1>, vector<128x128xi32>
    %select_n3A_3196 = arith.select %gt3A_3192, %slice3A_3191, %select_n3A_3190 : vector<128x128xi1>, vector<128x128xf32>
    %slice3A_3197 = vector.extract_strided_slice %dot_general3A_12 {offsets = [896, 6784], sizes = [128, 128], strides = [1, 1]} : vector<1024x8192xf32> to vector<128x128xf32>
    %gt3A_3198 = arith.cmpf ogt, %slice3A_3197, %select_n3A_3196 : vector<128x128xf32>
    %jit3A_3199 = arith.constant 53 : i32
    %broadcast_in_dim3A_3200 = vector.broadcast %jit3A_3199 : i32 to vector<128x128xi32>
    %select_n3A_3201 = arith.select %gt3A_3198, %broadcast_in_dim3A_3200, %select_n3A_3195 : vector<128x128xi1>, vector<128x128xi32>
    %select_n3A_3202 = arith.select %gt3A_3198, %slice3A_3197, %select_n3A_3196 : vector<128x128xi1>, vector<128x128xf32>
    %slice3A_3203 = vector.extract_strided_slice %dot_general3A_12 {offsets = [896, 6912], sizes = [128, 128], strides = [1, 1]} : vector<1024x8192xf32> to vector<128x128xf32>
    %gt3A_3204 = arith.cmpf ogt, %slice3A_3203, %select_n3A_3202 : vector<128x128xf32>
    %jit3A_3205 = arith.constant 54 : i32
    %broadcast_in_dim3A_3206 = vector.broadcast %jit3A_3205 : i32 to vector<128x128xi32>
    %select_n3A_3207 = arith.select %gt3A_3204, %broadcast_in_dim3A_3206, %select_n3A_3201 : vector<128x128xi1>, vector<128x128xi32>
    %select_n3A_3208 = arith.select %gt3A_3204, %slice3A_3203, %select_n3A_3202 : vector<128x128xi1>, vector<128x128xf32>
    %slice3A_3209 = vector.extract_strided_slice %dot_general3A_12 {offsets = [896, 7040], sizes = [128, 128], strides = [1, 1]} : vector<1024x8192xf32> to vector<128x128xf32>
    %gt3A_3210 = arith.cmpf ogt, %slice3A_3209, %select_n3A_3208 : vector<128x128xf32>
    %jit3A_3211 = arith.constant 55 : i32
    %broadcast_in_dim3A_3212 = vector.broadcast %jit3A_3211 : i32 to vector<128x128xi32>
    %select_n3A_3213 = arith.select %gt3A_3210, %broadcast_in_dim3A_3212, %select_n3A_3207 : vector<128x128xi1>, vector<128x128xi32>
    %select_n3A_3214 = arith.select %gt3A_3210, %slice3A_3209, %select_n3A_3208 : vector<128x128xi1>, vector<128x128xf32>
    %slice3A_3215 = vector.extract_strided_slice %dot_general3A_12 {offsets = [896, 7168], sizes = [128, 128], strides = [1, 1]} : vector<1024x8192xf32> to vector<128x128xf32>
    %gt3A_3216 = arith.cmpf ogt, %slice3A_3215, %select_n3A_3214 : vector<128x128xf32>
    %jit3A_3217 = arith.constant 56 : i32
    %broadcast_in_dim3A_3218 = vector.broadcast %jit3A_3217 : i32 to vector<128x128xi32>
    %select_n3A_3219 = arith.select %gt3A_3216, %broadcast_in_dim3A_3218, %select_n3A_3213 : vector<128x128xi1>, vector<128x128xi32>
    %select_n3A_3220 = arith.select %gt3A_3216, %slice3A_3215, %select_n3A_3214 : vector<128x128xi1>, vector<128x128xf32>
    %slice3A_3221 = vector.extract_strided_slice %dot_general3A_12 {offsets = [896, 7296], sizes = [128, 128], strides = [1, 1]} : vector<1024x8192xf32> to vector<128x128xf32>
    %gt3A_3222 = arith.cmpf ogt, %slice3A_3221, %select_n3A_3220 : vector<128x128xf32>
    %jit3A_3223 = arith.constant 57 : i32
    %broadcast_in_dim3A_3224 = vector.broadcast %jit3A_3223 : i32 to vector<128x128xi32>
    %select_n3A_3225 = arith.select %gt3A_3222, %broadcast_in_dim3A_3224, %select_n3A_3219 : vector<128x128xi1>, vector<128x128xi32>
    %select_n3A_3226 = arith.select %gt3A_3222, %slice3A_3221, %select_n3A_3220 : vector<128x128xi1>, vector<128x128xf32>
    %slice3A_3227 = vector.extract_strided_slice %dot_general3A_12 {offsets = [896, 7424], sizes = [128, 128], strides = [1, 1]} : vector<1024x8192xf32> to vector<128x128xf32>
    %gt3A_3228 = arith.cmpf ogt, %slice3A_3227, %select_n3A_3226 : vector<128x128xf32>
    %jit3A_3229 = arith.constant 58 : i32
    %broadcast_in_dim3A_3230 = vector.broadcast %jit3A_3229 : i32 to vector<128x128xi32>
    %select_n3A_3231 = arith.select %gt3A_3228, %broadcast_in_dim3A_3230, %select_n3A_3225 : vector<128x128xi1>, vector<128x128xi32>
    %select_n3A_3232 = arith.select %gt3A_3228, %slice3A_3227, %select_n3A_3226 : vector<128x128xi1>, vector<128x128xf32>
    %slice3A_3233 = vector.extract_strided_slice %dot_general3A_12 {offsets = [896, 7552], sizes = [128, 128], strides = [1, 1]} : vector<1024x8192xf32> to vector<128x128xf32>
    %gt3A_3234 = arith.cmpf ogt, %slice3A_3233, %select_n3A_3232 : vector<128x128xf32>
    %jit3A_3235 = arith.constant 59 : i32
    %broadcast_in_dim3A_3236 = vector.broadcast %jit3A_3235 : i32 to vector<128x128xi32>
    %select_n3A_3237 = arith.select %gt3A_3234, %broadcast_in_dim3A_3236, %select_n3A_3231 : vector<128x128xi1>, vector<128x128xi32>
    %select_n3A_3238 = arith.select %gt3A_3234, %slice3A_3233, %select_n3A_3232 : vector<128x128xi1>, vector<128x128xf32>
    %slice3A_3239 = vector.extract_strided_slice %dot_general3A_12 {offsets = [896, 7680], sizes = [128, 128], strides = [1, 1]} : vector<1024x8192xf32> to vector<128x128xf32>
    %gt3A_3240 = arith.cmpf ogt, %slice3A_3239, %select_n3A_3238 : vector<128x128xf32>
    %jit3A_3241 = arith.constant 60 : i32
    %broadcast_in_dim3A_3242 = vector.broadcast %jit3A_3241 : i32 to vector<128x128xi32>
    %select_n3A_3243 = arith.select %gt3A_3240, %broadcast_in_dim3A_3242, %select_n3A_3237 : vector<128x128xi1>, vector<128x128xi32>
    %select_n3A_3244 = arith.select %gt3A_3240, %slice3A_3239, %select_n3A_3238 : vector<128x128xi1>, vector<128x128xf32>
    %slice3A_3245 = vector.extract_strided_slice %dot_general3A_12 {offsets = [896, 7808], sizes = [128, 128], strides = [1, 1]} : vector<1024x8192xf32> to vector<128x128xf32>
    %gt3A_3246 = arith.cmpf ogt, %slice3A_3245, %select_n3A_3244 : vector<128x128xf32>
    %jit3A_3247 = arith.constant 61 : i32
    %broadcast_in_dim3A_3248 = vector.broadcast %jit3A_3247 : i32 to vector<128x128xi32>
    %select_n3A_3249 = arith.select %gt3A_3246, %broadcast_in_dim3A_3248, %select_n3A_3243 : vector<128x128xi1>, vector<128x128xi32>
    %select_n3A_3250 = arith.select %gt3A_3246, %slice3A_3245, %select_n3A_3244 : vector<128x128xi1>, vector<128x128xf32>
    %slice3A_3251 = vector.extract_strided_slice %dot_general3A_12 {offsets = [896, 7936], sizes = [128, 128], strides = [1, 1]} : vector<1024x8192xf32> to vector<128x128xf32>
    %gt3A_3252 = arith.cmpf ogt, %slice3A_3251, %select_n3A_3250 : vector<128x128xf32>
    %jit3A_3253 = arith.constant 62 : i32
    %broadcast_in_dim3A_3254 = vector.broadcast %jit3A_3253 : i32 to vector<128x128xi32>
    %select_n3A_3255 = arith.select %gt3A_3252, %broadcast_in_dim3A_3254, %select_n3A_3249 : vector<128x128xi1>, vector<128x128xi32>
    %select_n3A_3256 = arith.select %gt3A_3252, %slice3A_3251, %select_n3A_3250 : vector<128x128xi1>, vector<128x128xf32>
    %slice3A_3257 = vector.extract_strided_slice %dot_general3A_12 {offsets = [896, 8064], sizes = [128, 128], strides = [1, 1]} : vector<1024x8192xf32> to vector<128x128xf32>
    %gt3A_3258 = arith.cmpf ogt, %slice3A_3257, %select_n3A_3256 : vector<128x128xf32>
    %jit3A_3259 = arith.constant 63 : i32
    %broadcast_in_dim3A_3260 = vector.broadcast %jit3A_3259 : i32 to vector<128x128xi32>
    %select_n3A_3261 = arith.select %gt3A_3258, %broadcast_in_dim3A_3260, %select_n3A_3255 : vector<128x128xi1>, vector<128x128xi32>
    %select_n3A_3262 = arith.select %gt3A_3258, %slice3A_3257, %select_n3A_3256 : vector<128x128xi1>, vector<128x128xf32>
    %reduce_max3A_3263 = arith.constant dense<0xFF800000> : vector<128xf32>
    %reduce_max3A_3264 = vector.multi_reduction <maximumf>, %select_n3A_3262, %reduce_max3A_3263 [1] : vector<128x128xf32> to vector<128xf32>
    %broadcast_in_dim3A_3265 = vector.shape_cast %reduce_max3A_3264 : vector<128xf32> to vector<128x1xf32>
    %eq3A_3266 = vector.broadcast %broadcast_in_dim3A_3265 : vector<128x1xf32> to vector<128x128xf32>
    %eq3A_3267 = arith.cmpf oeq, %select_n3A_3262, %eq3A_3266 : vector<128x128xf32>
    %mul3A_3268 = arith.constant 128 : i32
    %mul3A_3269 = vector.broadcast %mul3A_3268 : i32 to vector<128x128xi32>
    %mul3A_3270 = arith.muli %select_n3A_3261, %mul3A_3269 : vector<128x128xi32>
    %add3A_3271 = arith.addi %mul3A_3270, %iota3A : vector<128x128xi32>
    %jit3A_3272 = arith.constant 8192 : i32
    %broadcast_in_dim3A_3273 = vector.broadcast %jit3A_3272 : i32 to vector<128x128xi32>
    %select_n3A_3274 = arith.select %eq3A_3267, %add3A_3271, %broadcast_in_dim3A_3273 : vector<128x128xi1>, vector<128x128xi32>
    %reduce_min3A_3275 = arith.constant dense<2147483647> : vector<128xi32>
    %reduce_min3A_3276 = vector.multi_reduction <minsi>, %select_n3A_3274, %reduce_min3A_3275 [1] : vector<128x128xi32> to vector<128xi32>
    %swap3A_3277 = arith.constant 0 : index
    %swap3A_3278 = arith.constant 0 : index
    %swap3A_3279 = arith.constant 896 : index
    %swap3A_3280 = vector.load %arg3[%swap3A_3277, %swap3A_3278, %swap3A_3279] : memref<1x1x1024xi32, #tpu.memory_space<vmem>>, vector<1x1x128xi32>
    %swap3A_3281 = vector.shape_cast %swap3A_3280 : vector<1x1x128xi32> to vector<128xi32>
    %swap3A_3282 = vector.shape_cast %reduce_min3A_3276 : vector<128xi32> to vector<1x1x128xi32>
    tpu.vector_store %arg3[%swap3A_3277, %swap3A_3278, %swap3A_3279], %swap3A_3282 {strides = array<i32>} : memref<1x1x1024xi32, #tpu.memory_space<vmem>>, vector<1x1x128xi32>,
    %get3A_3283 = arith.constant 7 : index
    %get3A_3284 = arith.constant 0 : index
    %get3A_3285 = vector.load %arg7[%get3A_3283, %get3A_3284] : memref<8x128xf32, #tpu.memory_space<vmem>>, vector<1x128xf32>
    %get3A_3286 = vector.shape_cast %get3A_3285 : vector<1x128xf32> to vector<128xf32>
    %add3A_3287 = arith.addf %get3A_3286, %reduce_max3A_3264 : vector<128xf32>
    %swap3A_3288 = arith.constant 7 : index
    %swap3A_3289 = arith.constant 0 : index
    %swap3A_3290 = vector.load %arg7[%swap3A_3288, %swap3A_3289] : memref<8x128xf32, #tpu.memory_space<vmem>>, vector<1x128xf32>
    %swap3A_3291 = vector.shape_cast %swap3A_3290 : vector<1x128xf32> to vector<128xf32>
    %swap3A_3292 = vector.shape_cast %add3A_3287 : vector<128xf32> to vector<1x128xf32>
    tpu.vector_store %arg7[%swap3A_3288, %swap3A_3289], %swap3A_3292 {strides = array<i32>} : memref<8x128xf32, #tpu.memory_space<vmem>>, vector<1x128xf32>,
    %eq3A_3293 = arith.constant 7 : i32
    %eq3A_3294 = arith.cmpi eq, %arg0, %eq3A_3293 : i32
    %convert_element_type3A_3295 = arith.extui %eq3A_3294 : i1 to i32
    %cond3A_3296 = arith.constant 0 : i32
    %cond3A_3297 = arith.cmpi ne, %convert_element_type3A_3295, %cond3A_3296 : i32
    scf.if %cond3A_3297 {
      %get3A_3298 = arith.constant 0 : index
      %get3A_3299 = arith.constant 0 : index
      %get3A_3300 = vector.load %arg7[%get3A_3298, %get3A_3299] : memref<8x128xf32, #tpu.memory_space<vmem>>, vector<8x128xf32>
      %reduce_sum3A_3301 = vector.shape_cast %get3A_3300 : vector<8x128xf32> to vector<1x8x128xf32>
      %reduce_sum3A_3302 = arith.constant dense<0.000000e+00> : vector<1xf32>
      %reduce_sum3A_3303 = vector.multi_reduction <add>, %reduce_sum3A_3301, %reduce_sum3A_3302 [1, 2] : vector<1x8x128xf32> to vector<1xf32>
      %reduce_sum3A_3304 = vector.shape_cast %reduce_sum3A_3303 : vector<1xf32> to vector<1x1x1xf32>
      %reduce_sum3A_3305 = vector.extract %reduce_sum3A_3304[0, 0, 0] : f32 from vector<1x1x1xf32>
      %div3A_3306 = arith.constant 8.192000e+03 : f32
      %div3A_3307 = arith.divf %reduce_sum3A_3305, %div3A_3306 : f32
      %sub3A = arith.constant 1.000000e+00 : f32
      %sub3A_3308 = arith.subf %sub3A, %div3A_3307 : f32
      %mul3A_3309 = arith.constant 2.500000e+00 : f32
      %mul3A_3310 = arith.mulf %mul3A_3309, %sub3A_3308 : f32
      %swap3A_3311 = arith.constant 0 : index
      %swap3A_3312 = memref.load %arg5[%swap3A_3311] : memref<1xf32, #tpu.memory_space<smem>>
      memref.store %mul3A_3310, %arg5[%swap3A_3311] : memref<1xf32, #tpu.memory_space<smem>>
    } else {
    }
    return
  }
  func.func @transform_0(%arg0: i32) -> (i32, i32, i32) {
    %c0_i32 = arith.constant 0 : i32
    %c0_i32_0 = arith.constant 0 : i32
    %c0_i32_1 = arith.constant 0 : i32
    return %arg0, %c0_i32, %c0_i32_0 : i32, i32, i32
  }
  func.func @transform_1(%arg0: i32) -> (i32, i32) {
    %c0_i32 = arith.constant 0 : i32
    %c0_i32_0 = arith.constant 0 : i32
    %c0_i32_1 = arith.constant 0 : i32
    return %c0_i32, %c0_i32_0 : i32, i32
  }
  func.func @transform_2(%arg0: i32) -> (i32, i32, i32) {
    %c0_i32 = arith.constant 0 : i32
    %c0_i32_0 = arith.constant 0 : i32
    %c0_i32_1 = arith.constant 0 : i32
    return %arg0, %c0_i32, %c0_i32_0 : i32, i32, i32
  }
  func.func @transform_3(%arg0: i32) -> (i32, i32) {
    %c0_i32 = arith.constant 0 : i32
    %c0_i32_0 = arith.constant 0 : i32
    %c0_i32_1 = arith.constant 0 : i32
    return %c0_i32, %c0_i32_0 : i32, i32
  }
  func.func @transform_4(%arg0: i32) -> i32 {
    %c0_i32 = arith.constant 0 : i32
    %c0_i32_0 = arith.constant 0 : i32
    return %c0_i32 : i32
  }
}

</mosaic_0001>

<sc_bundles>
// kernel: kernel.4.cloned.1.call-start
scs
__scs_entry_jumppad:
0x0: {  	(pc) =	sbr.rel $0x88, $3  }
0x1: {  	(tag) =	ssettag $0x0;
	lr =	simm.s32 $0x1  }
0x2: {  	[smem:$0x3F9F] =	sst lr;
	_ =	strace $0xD0000000  }
0x3: {  	_ = 	snop  }
0x4: {  	_ = 	snop  }
0x5: {  	_ = 	snop  }
0x6: {  	_ = 	snop  }
0x7: {  	_ = 	snop  }
__scs_overlays_trampoline_lowered:
0x8: {  	[smem:$0x3FAE] =	sst s0  }
0x9: {  	[smem:$0x3FAF] =	sst s1  }
0xa: {  	[smem:$0x3FB0] =	sst s2  }
0xb: {  	[smem:$0x3FB1] =	sst s3  }
0xc: {  	[smem:$0x3FB2] =	sst s4  }
0xd: {  	[smem:$0x3FB3] =	sst s5  }
0xe: {  	[smem:$0x3FB4] =	sst s6  }
0xf: {  	[smem:$0x3FB5] =	sst s7  }
0x10: {  	[smem:$0x3FB6] =	sst s8  }
0x11: {  	[smem:$0x3FB7] =	sst s9;
	s0 =	simm.s32 @!p0 $0x0  }
0x12: {  	s1 =	sld [smem:$0x3F9D];
	s0 =	simm.s32 @p0 $0x1  }
0x13: {  	[smem:$0x3FB8] =	sst s0;
	s0 =	simm.s32 @!p1 $0x0  }
0x14: {  	s2 =	sld [smem:$0x3F9C];
	s0 =	simm.s32 @p1 $0x1  }
0x15: {  	[smem:$0x3FB9] =	sst s0;
	s0 =	simm.s32 @!p2 $0x0  }
0x16: {  	s3 =	sld [smem:$0x3FDB];
	s0 =	simm.s32 @p2 $0x1  }
0x17: {  	s4 =	simm.s32 $0x1BF5;
	[smem:$0x3FBB] =	sst s0  }
0x18: {  	s0 =	sld [smem:$0x3F9E];
	_ =	swait.ge [sflag:s4], $0x0  }
0x19: {  	s7 =	sld [smem:$0x3F9F]  }
0x1a: {  	s8 =	sadd.s32 $0xFFFFE003, lr  }
0x1b: {  	s9 =	sadd.s32 $0xFFFFFEF7, lr;
	s5 =	simm.s32 $0xFFFFFFFF;
	p2 =	slt.u32 s8, $0xFFFFF086  }
0x1c: {  	p1 =	slt.u32 s9, $0xF7A;
	s5 =	simm.s32 @!p2 $0x0  }
0x1d: {  	s5 =	simm.s32 @p1 $0x1;
	p0 =	seq.s32 s7, s2  }
0x1e: {  	s7 =	smul.u32 @!p0 $0xF7A, s2;
	p2 =	seq.s32 @!p0 s5, $0x0  }
0x1f: {  	s9 =	smul.u32 $0xF7A, s1;
	s8 =	simm.s32 @!p0 $0x1BF5;
	p2 =	por !p2, p0  }
0x20: {  	[sflag:s8] =	ssyncset.s32 @!p0 $0xFFFFF086;
	s6 =	sadd.s32 @!p0 s3, s7;
	s7 =	simm.s32 @!p0 $0x108  }
0x21: {  	s3 =	sadd.s32 s3, s9;
	s6 =	sadd.s32 @!p0 $0x88, s6;
	s7 =	simm.s32 @p2 $0x1082  }
0x22: {  	[simem:s7], [sflag:s8] =	dma.local @!p0 [hbm:s6], $0xF7A  }
0x23: {  	s9 =	sor.u32 $0xD0000000, s2;
	s6 =	simm.s32 $0x108;
	_ =	swait.ge @!p0 [sflag:s8], $0x0  }
0x24: {  	s3 =	sadd.s32 $0x88, s3;
	s6 =	simm.s32 @!p1 $0x1082;
	[sflag:s4] =	ssyncset.s32 $0xFFFFF086  }
0x25: {  	[simem:s6], [sflag:s4] =	dma.local [hbm:s3], $0xF7A  }
0x26: {  	[smem:$0x3F9F] =	sst s1;
	(tag) =	ssettag s2;
	_ =	strace s9  }
0x27: {  	s1 =	sld [smem:$0x3FAF]  }
0x28: {  	s2 =	sld [smem:$0x3FB0]  }
0x29: {  	s4 =	sld [smem:$0x3FB2]  }
0x2a: {  	p0 =	seq.s32 s5, $0x0;
	s5 =	sld [smem:$0x3FB3]  }
0x2b: {  	s6 =	sld [smem:$0x3FB4]  }
0x2c: {  	s7 =	sld [smem:$0x3FB5]  }
0x2d: {  	s3 =	simm.s32 $0x108;
	s8 =	sld [smem:$0x3FB6]  }
0x2e: {  	s3 =	simm.s32 @!p0 $0x1082;
	s9 =	sld [smem:$0x3FB7]  }
0x2f: {  	lr =	sadd.s32 s0, s3;
	s0 =	sld [smem:$0x3FAE]  }
0x30: {  	s3 =	sld [smem:$0x3FB1]  }
0x31: {  	[smem:$0x3FBA] =	sst s10  }
0x32: {  	s10 =	sld [smem:$0x3FB8];
	_ =	sdelay $0x3  }
0x33: {  	p0 =	seq.s32 s10, $0x1;
	s10 =	sld [smem:$0x3FBA];
	_ =	sdelay $0x3  }
0x34: {  	[smem:$0x3FBA] =	sst s10  }
0x35: {  	s10 =	sld [smem:$0x3FB9];
	_ =	sdelay $0x3  }
0x36: {  	p1 =	seq.s32 s10, $0x1;
	s10 =	sld [smem:$0x3FBA];
	_ =	sdelay $0x3  }
0x37: {  	[smem:$0x3FBA] =	sst s10  }
0x38: {  	s10 =	sld [smem:$0x3FBB]  }
0x39: {  	_ = 	snop;
	(pc) =	sbr.ind lr, $3  }
0x3a: {  	_ = 	snop  }
0x3b: {  	_ = 	snop  }
0x3c: {  	p2 =	seq.s32 s10, $0x1;
	s10 =	sld [smem:$0x3FBA]  }
0x3d: {  	_ =	shalt  }
0x3e: {  	_ =	shalt  }
0x3f: {  	_ =	shalt  }
0x40: {  	_ =	shalt  }
0x41: {  	_ =	shalt  }
0x42: {  	_ =	shalt  }
0x43: {  	_ =	shalt  }
0x44: {  	_ =	shalt  }
0x45: {  	_ =	shalt  }
0x46: {  	_ =	shalt  }
0x47: {  	_ =	shalt  }
0x48: {  	_ =	shalt  }
0x49: {  	_ =	shalt  }
0x4a: {  	_ =	shalt  }
0x4b: {  	_ =	shalt  }
0x4c: {  	_ =	shalt  }
0x4d: {  	_ =	shalt  }
0x4e: {  	_ =	shalt  }
0x4f: {  	_ =	shalt  }
0x50: {  	_ =	shalt  }
0x51: {  	_ =	shalt  }
0x52: {  	_ =	shalt  }
0x53: {  	_ =	shalt  }
0x54: {  	_ =	shalt  }
0x55: {  	_ =	shalt  }
0x56: {  	_ =	shalt  }
0x57: {  	_ =	shalt  }
0x58: {  	_ =	shalt  }
0x59: {  	_ =	shalt  }
0x5a: {  	_ =	shalt  }
0x5b: {  	_ =	shalt  }
0x5c: {  	_ =	shalt  }
0x5d: {  	_ =	shalt  }
0x5e: {  	_ =	shalt  }
0x5f: {  	_ =	shalt  }
0x60: {  	_ =	shalt  }
0x61: {  	_ =	shalt  }
0x62: {  	_ =	shalt  }
0x63: {  	_ =	shalt  }
0x64: {  	_ =	shalt  }
0x65: {  	_ =	shalt  }
0x66: {  	_ =	shalt  }
0x67: {  	_ =	shalt  }
0x68: {  	_ =	shalt  }
0x69: {  	_ =	shalt  }
0x6a: {  	_ =	shalt  }
0x6b: {  	_ =	shalt  }
0x6c: {  	_ =	shalt  }
0x6d: {  	_ =	shalt  }
0x6e: {  	_ =	shalt  }
0x6f: {  	_ =	shalt  }
0x70: {  	_ =	shalt  }
0x71: {  	_ =	shalt  }
0x72: {  	_ =	shalt  }
0x73: {  	_ =	shalt  }
0x74: {  	_ =	shalt  }
0x75: {  	_ =	shalt  }
0x76: {  	_ =	shalt  }
0x77: {  	_ =	shalt  }
0x78: {  	_ =	shalt  }
0x79: {  	_ =	shalt  }
0x7a: {  	_ =	shalt  }
0x7b: {  	_ =	shalt  }
0x7c: {  	_ =	shalt  }
0x7d: {  	_ =	shalt  }
0x7e: {  	_ =	shalt  }
0x7f: {  	_ =	shalt  }
0x80: {  	_ =	shalt  }
0x81: {  	_ =	shalt  }
0x82: {  	_ =	shalt  }
0x83: {  	_ =	shalt  }
0x84: {  	_ =	shalt  }
0x85: {  	_ =	shalt  }
0x86: {  	_ =	shalt  }
0x87: {  	_ =	shalt  }
.Lfunc_end0:
.L_simem_size_0:
called_computation_lowered:
.L_overlay_start_0:
0x88: {  	s2 =	sld [smem:$0x3FD9]  }
0x89: {  	s3 =	sld [smem:$0x3FFE];
	_ =	sdelay $0x1  }
0x8a: {  	s1 =	srdreg.scid  }
0x8b: {  	s0 =	sand.u32 $0x1, s1  }
0x8c: {  	s14 =	sshll.u32 s0, $0xA;
	s2 =	sadd.s32 s3, s2  }
0x8d: {  	s2 =	sadd.s32 s2, s14  }
0x8e: {  	[smem:$0x3FC6] =	sst s2  }
0x8f: {  	_ = 	snop  }
0x90: {  	s2 =	sld [smem:$0x3FD0];
	_ =	sdelay $0x2  }
0x91: {  	s15 =	simm.s32 $0xA;
	s4 =	simm.s32 $0x10  }
0x92: {  	[smem:s4], [sflag:s15] =	dma.local [hbm:s2], $0x1  }
0x93: {  	_ =	swait.eq [sflag:s15], $0x1  }
0x94: {  	[sflag:s15] =	ssyncset.done $0x0  }
0x95: {  	[sflag:s15] =	ssyncadd.s32 $0xFFFFFFFF  }
0x96: {  	s16 =	sld [smem:$0x10];
	(tm) =	ssettm $0x1  }
0x97: {  	s17 =	sld [smem:$0x3FFB];
	_ =	sdelay $0x3  }
0x98: {  	_ =	strace s17  }
0x99: {  	s3 =	sld [smem:$0x3FFC];
	_ =	sdelay $0x3  }
0x9a: {  	_ =	strace s3  }
0x9b: {  	s3 =	sld [smem:$0x3FFD];
	_ =	sdelay $0x3  }
0x9c: {  	_ =	strace s3  }
0x9d: {  	_ =	strace $0x8FFFFFFF  }
0x9e: {  	s18 =	sld [smem:$0x3FDB];
	_ =	sdelay $0x1  }
0x9f: {  	s19 =	simm.s32 $_scs_section_size  }
0xa0: {  	s5 =	simm.s32 $_size__tile_overlayer_lowered;
	s6 =	simm.s32 $_tile_overlayer_lowered  }
0xa1: {  	s22 =	simm.s32 $0x1BFF;
	s21 =	sshll.u32 s6, $0x1;
	s3 =	sadd.s32 s19, s18  }
0xa2: {  	s7 =	simm.s32 $0x0;
	s20 =	sshll.u32 s5, $0x1;
	s5 =	sadd.s32 s21, s3  }
0xa3: {  	[timem:s7], [sflag:s22] =	dma.local [hbm:s5], s20  }
0xa4: {  	_ =	swait.ge [sflag:s22], s20  }
0xa5: {  	s4 =	ssub.s32 $0x0, s20;
	[sflag:s22] =	ssyncset.done $0x0  }
0xa6: {  	[sflag:s22] =	ssyncadd.s32 s4;
	_ =	sdelay $0x1  }
0xa7: {  	s23 =	simm.s32 $0x1B8B  }
0xa8: {  	_ =	swait.ge [sflag:s23], $0x1  }
0xa9: {  	[sflag:s23] =	ssyncset.done $0x0  }
0xaa: {  	s25 =	simm.s32 $0x1B8E;
	s24 =	sld [smem:$0x3FFE];
	[sflag:s23] =	ssyncadd.s32 $0xFFFFFFFF  }
0xab: {  	s26 =	simm.s32 $execute0_lowered;
	[smem:$0x3FD2] =	sst s25  }
0xac: {  	s5 =	sshll.u32 s26, $0x1;
	_ =	strace $0x80000046;
	[dreg:$0x1] =	wrdreg $0xFFFFFFFF  }
0xad: {  	s28 =	simm.s32 $_size_execute0_lowered;
	s3 =	sadd.s32 s3, s5;
	[dreg:$0x0] =	wrdreg $0x0  }
0xae: {  	s5 =	sshll.u32 s28, $0x1;
	[dreg:$0x2] =	wrdreg s3  }
0xaf: {  	[dreg:$0x3] =	wrdreg s5  }
0xb0: {  	[dreg:$0x4] =	wrdreg $0xC0  }
0xb1: {  	_ =	task [dreg:s7], $0x5FFFF  }
0xb2: {  	[dreg:$0x1] =	wrdreg $0xFFFFFFFF  }
0xb3: {  	[dreg:$0x0] =	wrdreg $0x60  }
0xb4: {  	[dreg:$0x2] =	wrdreg s24  }
0xb5: {  	[dreg:$0x3] =	wrdreg s16  }
0xb6: {  	[dreg:$0x4] =	wrdreg $0x9  }
0xb7: {  	_ =	task.clear_ibuf [dreg:s7], $0x5FFFF;
	_ =	strace $0x90000046  }
0xb8: {  	s29 =	simm.s32 $0x9;
	_ =	strace $0x80000048  }
0xb9: {  	_ =	swait.ge [sflag:s29], $0x1  }
0xba: {  	[sflag:s29] =	ssyncadd.s32 $0xFFFFFFFF  }
0xbb: {  	_ =	strace $0x90000048  }
0xbc: {  	_ =	sfence  }
0xbd: {  	s30 =	sld [smem:$0x0];
	_ =	sdelay $0x2  }
0xbe: {  	s31 =	sshll.u32 s1, $0xD;
	s1 =	sshrl.u32 s1, $0x2  }
0xbf: {  	s3 =	sand.u32 $0x4000, s31;
	s1 =	sadd.s32 s1, s30  }
0xc0: {  	s0 =	sor.u32 s3, s0;
	s1 =	sshll.u32 s1, $0x11  }
0xc1: {  	s0 =	sor.u32 s1, s0  }
0xc2: {  	s0 =	sadd.s32 $0x8F2B, s0  }
0xc3: {  	[sflag:s0] =	ssyncadd.remote.s32 $0x1  }
0xc4: {  	_ =	sfence.sel $0xFFFF  }
0xc5: {  	[dreg:$0x0] =	wrdreg $0xFFFFFFFF;
	(pc) =	sbr.abs _section_cstart, $3  }
0xc6: {  	[dreg:$0x1] =	wrdreg $0xFFFFFFFF  }
0xc7: {  	_ =	task.clear_ibuf [dreg:s7], $0x2FFFF;
	_ =	strace $0x9FFFFFFF  }
0xc8: {  	(tm) =	ssettm $0x7FFFFFFF  }
0xc9: {  	_ =	shalt  }
tec
execute0_lowered:
.L_overlay_start_1:
0x0: {  	(tag) =	ssettag $0x1  }
0x1: {  	s0 =	stileid.u32  }
0x2: {  	s1 =	srdreg.scid;
	s8 =	rddreg [dreg:$0x0];
	s2 =	sshll.u32 s0, $0x1  }
0x3: {  	s3 =	rddreg [dreg:$0x1];
	s6 =	sand.u32 $0x1, s1;
	s29 =	sand.u32 $0x2, s2  }
0x4: {  	s7 =	simm.s32 $0x1;
	s30 =	sshll.u32 s0, $0x9;
	s1 =	sor.u32 s6, s29  }
0x5: {  	s4 =	sand.u32 $0x1C00, s30;
	s2 =	simm.s32 $0x0;
	s5 =	sshll.u32 s1, $0x8  }
0x6: {  	s10 =	ssub.s32 $0x2, s6;
	[smem:$0x7FF] =	sst s2;
	s9 =	sor.u32 s4, s5  }
0x7: {  	s11 =	sshrl.u32 s10, $0x1;
	s1 =	rddreg [dreg:$0x2];
	s4 =	sshrl.u32 s9, $0x3  }
0x8: {  	_ =	strace $0x80000047;
	s4 =	sadd.s32 s3, s4;
	s3 =	simm.s32 $0x2  }
0x9: {  	[tilespmem:s2], [sflag:$0x2] =	stream.linear.gather [hbm4b:s4+s2], $0x100, $0x38;
	[tilespmem:$0x8100] =	vst v63  }
0xa: {  	s6 =	simm.s32 $0x100;
	s31 =	ssub.s32 s10, s11;
	_ =	swait.ge [sflag:s3], $0x100  }
0xb: {  	s5 =	sadd.s32 $0xE00, s8;
	s9 =	sshll.u32 s9, $0x4;
	[sflag:s3] =	ssyncset.done $0x0  }
0xc: {  	s8 =	sadd.s32 s9, s8;
	s9 =	smax.u32 s31, $0x1;
	[sflag:s3] =	ssyncadd.s32 $0xFFFFFF00  }
0xd: {  	[tilespmem:s6], [sflag:$0x1] =	stream.indirect.gather [hbm4b:s5+s6], $0x80, s2, s6, $0xb8;
	[tilespmem:$0x8100] =	vst v63  }
0xe: {  	p0 =	sne.s32 s9, $0x1;
	_ =	swait.ge [sflag:s7], $0x8000  }
.Ltmp0:
0xf: {  	[sflag:s7] =	ssyncset.done $0x0;
	(pc) =	sbr.rel @!p0 .LBB2_2-.Ltmp0, $4  }
0x10: {  	s8 =	sadd.s32 $0x20E00, s8;
	[sflag:s7] =	ssyncadd.s32 $0xFFFF8000  }
0x11: {  	[hbm4b:s8+s2] =	stream.linear.scatter [tilespmem:s6], [sflag:$0x2], $0x8000, $0x38;
	[tilespmem:$0x8100] =	vst v63  }
0x12: {  	_ =	swait.ge [sflag:s3], $0x8000  }
0x13: {  	s9 =	sadd.s32 $0xFFFFFFFF, s9;
	[sflag:s3] =	ssyncset.done $0x0  }
.LBB2_1:
0x14: {  	p0 =	sne.s32 s9, $0x1;
	s9 =	sadd.s32 $0xFFFFFFFF, s9;
	[sflag:s3] =	ssyncadd.s32 $0xFFFF8000  }
0x15: {  	[tilespmem:s2], [sflag:$0x2] =	stream.linear.gather [hbm4b:s4+s2], $0x100, $0x38;
	[tilespmem:$0x8100] =	vst v63  }
0x16: {  	_ =	swait.ge [sflag:s3], $0x100  }
0x17: {  	[sflag:s3] =	ssyncset.done $0x0  }
0x18: {  	[sflag:s3] =	ssyncadd.s32 $0xFFFFFF00  }
0x19: {  	[tilespmem:s6], [sflag:$0x1] =	stream.indirect.gather [hbm4b:s5+s6], $0x80, s2, s6, $0xb8;
	[tilespmem:$0x8100] =	vst v63  }
0x1a: {  	_ =	swait.ge [sflag:s7], $0x8000  }
.Ltmp1:
0x1b: {  	[sflag:s7] =	ssyncset.done $0x0;
	(pc) =	sbr.rel @p0 .LBB2_1-.Ltmp1, $4  }
0x1c: {  	[sflag:s7] =	ssyncadd.s32 $0xFFFF8000  }
0x1d: {  	[hbm4b:s8+s2] =	stream.linear.scatter [tilespmem:s6], [sflag:$0x2], $0x8000, $0x38;
	[tilespmem:$0x8100] =	vst v63  }
0x1e: {  	_ =	swait.ge [sflag:s3], $0x8000  }
0x1f: {  	[sflag:s3] =	ssyncset.done $0x0  }
.LBB2_2:
0x20: {  	[sflag:s3] =	ssyncadd.s32 $0xFFFF8000  }
0x21: {  	_ =	sfence.sel $0x180000  }
0x22: {  	[bflag:$0x0] =	sbarrier.arrive $0xFFFF  }
0x23: {  	p0 =	sne.s32 s0, $0x0;
	_ =	strace $0x90000047  }
0x24: {  	s0 =	sadd.s32 @!p0 $0x100000, s1;
	[bflag:$0x2] =	sbarrier.arrive $0xFFFF  }
0x25: {  	[sflag:s0] =	ssyncadd.tile.s32 @!p0 $0x1;
	_ =	shalt  }
.Lfunc_end2:
_tile_overlayer_lowered:
.L_overlay_start_2:
0x26: {  	(tag) =	ssettag $0x2  }
0x27: {  	s0 =	rddreg [dreg:$0x0];
	s2 =	stileid.u32  }
0x28: {  	s1 =	rddreg [dreg:$0x1];
	p0 =	sne.s32 s2, $0x0  }
0x29: {  	s3 =	rddreg [dreg:$0x2];
	[bflag:$0x3] =	sbarrier.arrive $0xFFFF;
	s2 =	simm.s32 @!p0 $0x1C02  }
0x2a: {  	[timem:s3], [sflag:s2] =	dma.local @!p0 [hbm:s0], s1  }
0x2b: {  	s0 =	simm.s32 @!p0 $0x2  }
0x2c: {  	_ =	swait.ge @!p0 [sflag:s0], s1  }
0x2d: {  	s1 =	ssub.s32 @!p0 $0x0, s1;
	[sflag:s0] =	ssyncset.done @!p0 $0x0  }
0x2e: {  	[sflag:s0] =	ssyncadd.s32 @!p0 s1  }
0x2f: {  	[bflag:$0x3] =	sbarrier.arrive $0xFFFF  }
0x30: {  	_ =	shalt  }

</sc_bundles>
